<compile_context>
chip_gen: v7x
topology: tpu7x:2x2x1
jax: 0.10.2.dev20260603
libtpu: 0.0.44.dev20260713+nightly
codegen_flags: <defaults>
</compile_context>

<pallas_src>
import functools

import jax
import jax.numpy as jnp
from jax import lax
from jax.experimental import pallas as pl
from jax.experimental.pallas import tpu as pltpu
from jax.experimental.pallas import tpu_sc as plsc

B, C = 4096, 1000
NC, NS, L = 2, 16, 16
NW = NC * NS
ROWS_PER_W = B // NW
CH = 16
NCHUNK = ROWS_PER_W // CH
MARGIN = 1.0
NEG_INF = float("-inf")

_mesh = plsc.VectorSubcoreMesh(core_axis_name="c", subcore_axis_name="s")


@functools.partial(
    pl.kernel,
    out_type=jax.ShapeDtypeStruct((NW, L), jnp.float32),
    mesh=_mesh,
    compiler_params=pltpu.CompilerParams(needs_layout_passes=False),
    scratch_types=(
        [pltpu.VMEM((CH, C), jnp.float32)] * 4
        + [
            pltpu.VMEM((ROWS_PER_W,), jnp.int32),
            pltpu.VMEM((L,), jnp.float32),
        ]
        + [pltpu.SemaphoreType.DMA] * 4
    ),
)
def _hinge_sc(x_hbm, tgt_hbm, out_hbm, *refs):
    NBUF = 4
    bufs = refs[:NBUF]
    tgtv = refs[NBUF]
    stage = refs[NBUF + 1]
    sems = refs[NBUF + 2:]
    cid = lax.axis_index("c")
    sid = lax.axis_index("s")
    wid = sid * NC + cid
    base_row = wid * ROWS_PER_W

    pltpu.sync_copy(tgt_hbm.at[pl.ds(wid * ROWS_PER_W, ROWS_PER_W)], tgtv)

    lane = lax.iota(jnp.int32, L)
    neg_inf_v = lax.broadcast(jnp.float32(NEG_INF), (L,))

    copies = [None] * NBUF
    for p in range(NBUF - 1):
        copies[p] = pltpu.async_copy(
            x_hbm.at[pl.ds(base_row + p * CH, CH), :], bufs[p], sems[p])

    acc = lax.broadcast(jnp.float32(0.0), (L,))
    for ch in range(NCHUNK):
        par = ch % NBUF
        copies[par].wait()
        if ch + NBUF - 1 < NCHUNK:
            npar = (ch + NBUF - 1) % NBUF
            copies[npar] = pltpu.async_copy(
                x_hbm.at[pl.ds(base_row + (ch + NBUF - 1) * CH, CH), :],
                bufs[npar], sems[npar])
        buf = bufs[par]
        tcol = tgtv[pl.ds(ch * CH, L)]
        pos = plsc.load_gather(buf, [lane, tcol])
        plsc.store_scatter(buf, [lane, tcol], neg_inf_v)

        def row_body(r, rmax, buf=buf):
            m = buf[r, pl.ds(0, L)]
            for cc in range(1, C // L):
                m = jnp.maximum(m, buf[r, pl.ds(cc * L, L)])
            m = jnp.maximum(m, buf[r, pl.ds(C - L, L)])
            s = jnp.max(m)
            return jnp.where(lane == r, s, rmax)

        rmax = lax.fori_loop(0, CH, row_body, neg_inf_v)
        acc = acc + jnp.maximum(jnp.float32(0.0),
                                jnp.float32(MARGIN) - pos + rmax)

    stage[...] = acc
    pltpu.sync_copy(stage, out_hbm.at[wid])


def _reduce_tc_body(p_ref, o_ref):
    o_ref[...] = (jnp.sum(p_ref[...]) * jnp.float32(1.0 / B)).reshape(1, 1)


_reduce_tc = pl.pallas_call(
    _reduce_tc_body,
    out_shape=jax.ShapeDtypeStruct((1, 1), jnp.float32),
    in_specs=[pl.BlockSpec(memory_space=pltpu.VMEM)],
    out_specs=pl.BlockSpec(memory_space=pltpu.VMEM),
)


def kernel(input, target):
    partials = _hinge_sc(input, target)
    return _reduce_tc(partials)[0, 0]

# --- scband reference (transcript-rebuilt; emitter-appended) ---
"""Pipeline reference for scband-hinge-loss-79370995630206 (READ-ONLY COPY).

The authoritative reference and input builder live on the scoring server;
editing this copy changes nothing except your own understanding.
"""

import jax, jax.numpy as jnp
import numpy as np

MARGIN = 1.0


def setup_inputs(seed: int = 0) -> dict:
    key = jax.random.key(seed)
    k1, k2 = jax.random.split(key)
    B, C = 4096, 1000
    inp = jax.random.normal(k1, (B, C), dtype=jnp.float32)
    target = jax.random.randint(k2, (B,), 0, C, dtype=jnp.int32)
    return {"input": inp, "target": target}


def reference(input, target):
    B, C = input.shape
    # positive scores: score at the target class for each row (gather)
    pos_scores = jnp.take_along_axis(input, target[:, None], axis=1)[:, 0]
    # mask out the target class, take max over remaining (negative) classes
    is_target = jnp.arange(C, dtype=target.dtype)[None, :] == target[:, None]
    neg = jnp.where(is_target, -jnp.inf, input)
    max_neg_scores = jnp.max(neg, axis=1)
    _losses = MARGIN - pos_scores + max_neg_scores
    losses = jnp.maximum(0.0, _losses)
    return jnp.mean(losses)

if __name__ == "__main__":
    import jax
    _d = setup_inputs()
    print(jax.jit(kernel)(*tuple(_d.values())))

</pallas_src>

<mosaic_0001>
#map = affine_map<(d0, d1) -> (0, 0)>
#map1 = affine_map<(d0, d1) -> (0)>
module attributes {stable_mosaic.version = 14 : i64} {
  func.func @_hinge_sc(%arg0: i32, %arg1: i32, %arg2: memref<4096x1000xf32, #tpu.memory_space<hbm>>, %arg3: memref<4096xi32, #tpu.memory_space<hbm>>, %arg4: memref<32x16xf32, #tpu.memory_space<hbm>>, %arg5: memref<16x1000xf32, #tpu.memory_space<vmem>>, %arg6: memref<16x1000xf32, #tpu.memory_space<vmem>>, %arg7: memref<16x1000xf32, #tpu.memory_space<vmem>>, %arg8: memref<16x1000xf32, #tpu.memory_space<vmem>>, %arg9: memref<128xi32, #tpu.memory_space<vmem>>, %arg10: memref<16xf32, #tpu.memory_space<vmem>>, %arg11: memref<!tpu.dma_semaphore, #tpu.memory_space<semaphore_mem>>, %arg12: memref<!tpu.dma_semaphore, #tpu.memory_space<semaphore_mem>>, %arg13: memref<!tpu.dma_semaphore, #tpu.memory_space<semaphore_mem>>, %arg14: memref<!tpu.dma_semaphore, #tpu.memory_space<semaphore_mem>>) attributes {dimension_semantics = [#tpu.dimension_semantics<core_parallel>, #tpu.dimension_semantics<subcore_parallel>], iteration_bounds = array<i64: 2, 16>, scalar_prefetch = 0 : i64, scratch_operands = 10 : i64, tpu.core_type = #tpu.core_type<sc_vector_subcore>, window_params = [{transform_indices = #map}, {transform_indices = #map1}, {transform_indices = #map}]} {
    %mul3A = arith.constant 2 : i32
    %mul3A_0 = arith.muli %arg1, %mul3A : i32
    %add3A = arith.addi %mul3A_0, %arg0 : i32
    %mul3A_1 = arith.constant 128 : i32
    %mul3A_2 = arith.muli %add3A, %mul3A_1 : i32
    %mul3A_3 = arith.constant 128 : i32
    %mul3A_4 = arith.muli %add3A, %mul3A_3 : i32
    "tpu.region"() ({
      %run_scoped3A = tpu.sem_alloc : memref<!tpu.dma_semaphore, #tpu.memory_space<semaphore_mem>>
      %dma_start3A_218 = tpu.memref_slice %arg3[%mul3A_4] : memref<4096xi32, #tpu.memory_space<hbm>> -> memref<128xi32, #tpu.memory_space<hbm>>
      %dma_start3A_219 = tpu.memref_slice %arg3[%mul3A_4] : memref<4096xi32, #tpu.memory_space<hbm>> -> memref<128xi32, #tpu.memory_space<hbm>>
      tpu.enqueue_dma source(%dma_start3A_219 : memref<128xi32, #tpu.memory_space<hbm>>) target(%arg9 : memref<128xi32, #tpu.memory_space<vmem>>) target_semaphore(%run_scoped3A : memref<!tpu.dma_semaphore, #tpu.memory_space<semaphore_mem>>)
      %dma_wait3A_220 = tpu.memref_slice %arg3[%mul3A_4] : memref<4096xi32, #tpu.memory_space<hbm>> -> memref<128xi32, #tpu.memory_space<hbm>>
      %dma_wait3A_221 = tpu.memref_slice %arg3[%mul3A_4] : memref<4096xi32, #tpu.memory_space<hbm>> -> memref<128xi32, #tpu.memory_space<hbm>>
      tpu.wait_dma2 semaphore(%run_scoped3A : memref<!tpu.dma_semaphore, #tpu.memory_space<semaphore_mem>>) src(%dma_wait3A_221 : memref<128xi32, #tpu.memory_space<hbm>>) dst(%arg9 : memref<128xi32, #tpu.memory_space<vmem>>)
      tpu.yield
    }) : () -> ()
    %iota3A = tpu.iota {dimensions = array<i32: 0>} : vector<16xi32>
    %broadcast_in_dim3A = arith.constant 0xFF800000 : f32
    %broadcast_in_dim3A_5 = vector.broadcast %broadcast_in_dim3A : f32 to vector<16xf32>
    %add3A_6 = arith.constant 0 : i32
    %add3A_7 = arith.addi %mul3A_2, %add3A_6 : i32
    %dma_start3A = arith.constant 0 : i32
    %dma_start3A_8 = tpu.memref_slice %arg2[%add3A_7, %dma_start3A] : memref<4096x1000xf32, #tpu.memory_space<hbm>> -> memref<16x1000xf32, #tpu.memory_space<hbm>>
    %dma_start3A_9 = arith.constant 0 : i32
    %dma_start3A_10 = tpu.memref_slice %arg2[%add3A_7, %dma_start3A_9] : memref<4096x1000xf32, #tpu.memory_space<hbm>> -> memref<16x1000xf32, #tpu.memory_space<hbm>>
    tpu.enqueue_dma source(%dma_start3A_10 : memref<16x1000xf32, #tpu.memory_space<hbm>>) target(%arg5 : memref<16x1000xf32, #tpu.memory_space<vmem>>) target_semaphore(%arg11 : memref<!tpu.dma_semaphore, #tpu.memory_space<semaphore_mem>>)
    %add3A_11 = arith.constant 16 : i32
    %add3A_12 = arith.addi %mul3A_2, %add3A_11 : i32
    %dma_start3A_13 = arith.constant 0 : i32
    %dma_start3A_14 = tpu.memref_slice %arg2[%add3A_12, %dma_start3A_13] : memref<4096x1000xf32, #tpu.memory_space<hbm>> -> memref<16x1000xf32, #tpu.memory_space<hbm>>
    %dma_start3A_15 = arith.constant 0 : i32
    %dma_start3A_16 = tpu.memref_slice %arg2[%add3A_12, %dma_start3A_15] : memref<4096x1000xf32, #tpu.memory_space<hbm>> -> memref<16x1000xf32, #tpu.memory_space<hbm>>
    tpu.enqueue_dma source(%dma_start3A_16 : memref<16x1000xf32, #tpu.memory_space<hbm>>) target(%arg6 : memref<16x1000xf32, #tpu.memory_space<vmem>>) target_semaphore(%arg12 : memref<!tpu.dma_semaphore, #tpu.memory_space<semaphore_mem>>)
    %add3A_17 = arith.constant 32 : i32
    %add3A_18 = arith.addi %mul3A_2, %add3A_17 : i32
    %dma_start3A_19 = arith.constant 0 : i32
    %dma_start3A_20 = tpu.memref_slice %arg2[%add3A_18, %dma_start3A_19] : memref<4096x1000xf32, #tpu.memory_space<hbm>> -> memref<16x1000xf32, #tpu.memory_space<hbm>>
    %dma_start3A_21 = arith.constant 0 : i32
    %dma_start3A_22 = tpu.memref_slice %arg2[%add3A_18, %dma_start3A_21] : memref<4096x1000xf32, #tpu.memory_space<hbm>> -> memref<16x1000xf32, #tpu.memory_space<hbm>>
    tpu.enqueue_dma source(%dma_start3A_22 : memref<16x1000xf32, #tpu.memory_space<hbm>>) target(%arg7 : memref<16x1000xf32, #tpu.memory_space<vmem>>) target_semaphore(%arg13 : memref<!tpu.dma_semaphore, #tpu.memory_space<semaphore_mem>>)
    %broadcast_in_dim3A_23 = arith.constant 0.000000e+00 : f32
    %broadcast_in_dim3A_24 = vector.broadcast %broadcast_in_dim3A_23 : f32 to vector<16xf32>
    %dma_wait3A = arith.constant 0 : i32
    %dma_wait3A_25 = tpu.memref_slice %arg2[%add3A_7, %dma_wait3A] : memref<4096x1000xf32, #tpu.memory_space<hbm>> -> memref<16x1000xf32, #tpu.memory_space<hbm>>
    %dma_wait3A_26 = arith.constant 0 : i32
    %dma_wait3A_27 = tpu.memref_slice %arg2[%add3A_7, %dma_wait3A_26] : memref<4096x1000xf32, #tpu.memory_space<hbm>> -> memref<16x1000xf32, #tpu.memory_space<hbm>>
    tpu.wait_dma2 semaphore(%arg11 : memref<!tpu.dma_semaphore, #tpu.memory_space<semaphore_mem>>) src(%dma_wait3A_27 : memref<16x1000xf32, #tpu.memory_space<hbm>>) dst(%arg5 : memref<16x1000xf32, #tpu.memory_space<vmem>>)
    %add3A_28 = arith.constant 48 : i32
    %add3A_29 = arith.addi %mul3A_2, %add3A_28 : i32
    %dma_start3A_30 = arith.constant 0 : i32
    %dma_start3A_31 = tpu.memref_slice %arg2[%add3A_29, %dma_start3A_30] : memref<4096x1000xf32, #tpu.memory_space<hbm>> -> memref<16x1000xf32, #tpu.memory_space<hbm>>
    %dma_start3A_32 = arith.constant 0 : i32
    %dma_start3A_33 = tpu.memref_slice %arg2[%add3A_29, %dma_start3A_32] : memref<4096x1000xf32, #tpu.memory_space<hbm>> -> memref<16x1000xf32, #tpu.memory_space<hbm>>
    tpu.enqueue_dma source(%dma_start3A_33 : memref<16x1000xf32, #tpu.memory_space<hbm>>) target(%arg8 : memref<16x1000xf32, #tpu.memory_space<vmem>>) target_semaphore(%arg14 : memref<!tpu.dma_semaphore, #tpu.memory_space<semaphore_mem>>)
    %get3A = arith.constant 0 : index
    %get3A_34 = tpu.vector_load %arg9[%get3A] {strides = array<i32>} : memref<128xi32, #tpu.memory_space<vmem>>, vector<16xi32>,
    %gather3A = tpu.vector_load_idx %arg5[%iota3A, %get3A_34] : memref<16x1000xf32, #tpu.memory_space<vmem>>[vector<16xi32>, vector<16xi32>], vector<16xf32>,
    tpu.vector_store_idx %arg5[%iota3A, %get3A_34], %broadcast_in_dim3A_5 : memref<16x1000xf32, #tpu.memory_space<vmem>>[vector<16xi32>, vector<16xi32>], vector<16xf32>,
    %scan3A = arith.constant 0 : i32
    %scan3A_35 = arith.constant 16 : i32
    %scan3A_36 = arith.addi %scan3A, %scan3A_35 : i32
    %scan3A_37 = arith.constant 1 : i32
    %scan3A_38 = scf.for %scan3A_218 = %scan3A to %scan3A_36 step %scan3A_37 iter_args(%scan3A_219 = %broadcast_in_dim3A_5) -> (vector<16xf32>)  : i32 {
      %get3A_220 = arith.index_cast %scan3A_218 : i32 to index
      %get3A_221 = arith.constant 0 : index
      %get3A_222 = tpu.vector_load %arg5[%get3A_220, %get3A_221] {strides = array<i32>} : memref<16x1000xf32, #tpu.memory_space<vmem>>, vector<16xf32>,
      %get3A_223 = arith.index_cast %scan3A_218 : i32 to index
      %get3A_224 = arith.constant 16 : index
      %get3A_225 = tpu.vector_load %arg5[%get3A_223, %get3A_224] {strides = array<i32>} : memref<16x1000xf32, #tpu.memory_space<vmem>>, vector<16xf32>,
      %max3A_226 = arith.maximumf %get3A_222, %get3A_225 : vector<16xf32>
      %get3A_227 = arith.index_cast %scan3A_218 : i32 to index
      %get3A_228 = arith.constant 32 : index
      %get3A_229 = tpu.vector_load %arg5[%get3A_227, %get3A_228] {strides = array<i32>} : memref<16x1000xf32, #tpu.memory_space<vmem>>, vector<16xf32>,
      %max3A_230 = arith.maximumf %max3A_226, %get3A_229 : vector<16xf32>
      %get3A_231 = arith.index_cast %scan3A_218 : i32 to index
      %get3A_232 = arith.constant 48 : index
      %get3A_233 = tpu.vector_load %arg5[%get3A_231, %get3A_232] {strides = array<i32>} : memref<16x1000xf32, #tpu.memory_space<vmem>>, vector<16xf32>,
      %max3A_234 = arith.maximumf %max3A_230, %get3A_233 : vector<16xf32>
      %get3A_235 = arith.index_cast %scan3A_218 : i32 to index
      %get3A_236 = arith.constant 64 : index
      %get3A_237 = tpu.vector_load %arg5[%get3A_235, %get3A_236] {strides = array<i32>} : memref<16x1000xf32, #tpu.memory_space<vmem>>, vector<16xf32>,
      %max3A_238 = arith.maximumf %max3A_234, %get3A_237 : vector<16xf32>
      %get3A_239 = arith.index_cast %scan3A_218 : i32 to index
      %get3A_240 = arith.constant 80 : index
      %get3A_241 = tpu.vector_load %arg5[%get3A_239, %get3A_240] {strides = array<i32>} : memref<16x1000xf32, #tpu.memory_space<vmem>>, vector<16xf32>,
      %max3A_242 = arith.maximumf %max3A_238, %get3A_241 : vector<16xf32>
      %get3A_243 = arith.index_cast %scan3A_218 : i32 to index
      %get3A_244 = arith.constant 96 : index
      %get3A_245 = tpu.vector_load %arg5[%get3A_243, %get3A_244] {strides = array<i32>} : memref<16x1000xf32, #tpu.memory_space<vmem>>, vector<16xf32>,
      %max3A_246 = arith.maximumf %max3A_242, %get3A_245 : vector<16xf32>
      %get3A_247 = arith.index_cast %scan3A_218 : i32 to index
      %get3A_248 = arith.constant 112 : index
      %get3A_249 = tpu.vector_load %arg5[%get3A_247, %get3A_248] {strides = array<i32>} : memref<16x1000xf32, #tpu.memory_space<vmem>>, vector<16xf32>,
      %max3A_250 = arith.maximumf %max3A_246, %get3A_249 : vector<16xf32>
      %get3A_251 = arith.index_cast %scan3A_218 : i32 to index
      %get3A_252 = arith.constant 128 : index
      %get3A_253 = tpu.vector_load %arg5[%get3A_251, %get3A_252] {strides = array<i32>} : memref<16x1000xf32, #tpu.memory_space<vmem>>, vector<16xf32>,
      %max3A_254 = arith.maximumf %max3A_250, %get3A_253 : vector<16xf32>
      %get3A_255 = arith.index_cast %scan3A_218 : i32 to index
      %get3A_256 = arith.constant 144 : index
      %get3A_257 = tpu.vector_load %arg5[%get3A_255, %get3A_256] {strides = array<i32>} : memref<16x1000xf32, #tpu.memory_space<vmem>>, vector<16xf32>,
      %max3A_258 = arith.maximumf %max3A_254, %get3A_257 : vector<16xf32>
      %get3A_259 = arith.index_cast %scan3A_218 : i32 to index
      %get3A_260 = arith.constant 160 : index
      %get3A_261 = tpu.vector_load %arg5[%get3A_259, %get3A_260] {strides = array<i32>} : memref<16x1000xf32, #tpu.memory_space<vmem>>, vector<16xf32>,
      %max3A_262 = arith.maximumf %max3A_258, %get3A_261 : vector<16xf32>
      %get3A_263 = arith.index_cast %scan3A_218 : i32 to index
      %get3A_264 = arith.constant 176 : index
      %get3A_265 = tpu.vector_load %arg5[%get3A_263, %get3A_264] {strides = array<i32>} : memref<16x1000xf32, #tpu.memory_space<vmem>>, vector<16xf32>,
      %max3A_266 = arith.maximumf %max3A_262, %get3A_265 : vector<16xf32>
      %get3A_267 = arith.index_cast %scan3A_218 : i32 to index
      %get3A_268 = arith.constant 192 : index
      %get3A_269 = tpu.vector_load %arg5[%get3A_267, %get3A_268] {strides = array<i32>} : memref<16x1000xf32, #tpu.memory_space<vmem>>, vector<16xf32>,
      %max3A_270 = arith.maximumf %max3A_266, %get3A_269 : vector<16xf32>
      %get3A_271 = arith.index_cast %scan3A_218 : i32 to index
      %get3A_272 = arith.constant 208 : index
      %get3A_273 = tpu.vector_load %arg5[%get3A_271, %get3A_272] {strides = array<i32>} : memref<16x1000xf32, #tpu.memory_space<vmem>>, vector<16xf32>,
      %max3A_274 = arith.maximumf %max3A_270, %get3A_273 : vector<16xf32>
      %get3A_275 = arith.index_cast %scan3A_218 : i32 to index
      %get3A_276 = arith.constant 224 : index
      %get3A_277 = tpu.vector_load %arg5[%get3A_275, %get3A_276] {strides = array<i32>} : memref<16x1000xf32, #tpu.memory_space<vmem>>, vector<16xf32>,
      %max3A_278 = arith.maximumf %max3A_274, %get3A_277 : vector<16xf32>
      %get3A_279 = arith.index_cast %scan3A_218 : i32 to index
      %get3A_280 = arith.constant 240 : index
      %get3A_281 = tpu.vector_load %arg5[%get3A_279, %get3A_280] {strides = array<i32>} : memref<16x1000xf32, #tpu.memory_space<vmem>>, vector<16xf32>,
      %max3A_282 = arith.maximumf %max3A_278, %get3A_281 : vector<16xf32>
      %get3A_283 = arith.index_cast %scan3A_218 : i32 to index
      %get3A_284 = arith.constant 256 : index
      %get3A_285 = tpu.vector_load %arg5[%get3A_283, %get3A_284] {strides = array<i32>} : memref<16x1000xf32, #tpu.memory_space<vmem>>, vector<16xf32>,
      %max3A_286 = arith.maximumf %max3A_282, %get3A_285 : vector<16xf32>
      %get3A_287 = arith.index_cast %scan3A_218 : i32 to index
      %get3A_288 = arith.constant 272 : index
      %get3A_289 = tpu.vector_load %arg5[%get3A_287, %get3A_288] {strides = array<i32>} : memref<16x1000xf32, #tpu.memory_space<vmem>>, vector<16xf32>,
      %max3A_290 = arith.maximumf %max3A_286, %get3A_289 : vector<16xf32>
      %get3A_291 = arith.index_cast %scan3A_218 : i32 to index
      %get3A_292 = arith.constant 288 : index
      %get3A_293 = tpu.vector_load %arg5[%get3A_291, %get3A_292] {strides = array<i32>} : memref<16x1000xf32, #tpu.memory_space<vmem>>, vector<16xf32>,
      %max3A_294 = arith.maximumf %max3A_290, %get3A_293 : vector<16xf32>
      %get3A_295 = arith.index_cast %scan3A_218 : i32 to index
      %get3A_296 = arith.constant 304 : index
      %get3A_297 = tpu.vector_load %arg5[%get3A_295, %get3A_296] {strides = array<i32>} : memref<16x1000xf32, #tpu.memory_space<vmem>>, vector<16xf32>,
      %max3A_298 = arith.maximumf %max3A_294, %get3A_297 : vector<16xf32>
      %get3A_299 = arith.index_cast %scan3A_218 : i32 to index
      %get3A_300 = arith.constant 320 : index
      %get3A_301 = tpu.vector_load %arg5[%get3A_299, %get3A_300] {strides = array<i32>} : memref<16x1000xf32, #tpu.memory_space<vmem>>, vector<16xf32>,
      %max3A_302 = arith.maximumf %max3A_298, %get3A_301 : vector<16xf32>
      %get3A_303 = arith.index_cast %scan3A_218 : i32 to index
      %get3A_304 = arith.constant 336 : index
      %get3A_305 = tpu.vector_load %arg5[%get3A_303, %get3A_304] {strides = array<i32>} : memref<16x1000xf32, #tpu.memory_space<vmem>>, vector<16xf32>,
      %max3A_306 = arith.maximumf %max3A_302, %get3A_305 : vector<16xf32>
      %get3A_307 = arith.index_cast %scan3A_218 : i32 to index
      %get3A_308 = arith.constant 352 : index
      %get3A_309 = tpu.vector_load %arg5[%get3A_307, %get3A_308] {strides = array<i32>} : memref<16x1000xf32, #tpu.memory_space<vmem>>, vector<16xf32>,
      %max3A_310 = arith.maximumf %max3A_306, %get3A_309 : vector<16xf32>
      %get3A_311 = arith.index_cast %scan3A_218 : i32 to index
      %get3A_312 = arith.constant 368 : index
      %get3A_313 = tpu.vector_load %arg5[%get3A_311, %get3A_312] {strides = array<i32>} : memref<16x1000xf32, #tpu.memory_space<vmem>>, vector<16xf32>,
      %max3A_314 = arith.maximumf %max3A_310, %get3A_313 : vector<16xf32>
      %get3A_315 = arith.index_cast %scan3A_218 : i32 to index
      %get3A_316 = arith.constant 384 : index
      %get3A_317 = tpu.vector_load %arg5[%get3A_315, %get3A_316] {strides = array<i32>} : memref<16x1000xf32, #tpu.memory_space<vmem>>, vector<16xf32>,
      %max3A_318 = arith.maximumf %max3A_314, %get3A_317 : vector<16xf32>
      %get3A_319 = arith.index_cast %scan3A_218 : i32 to index
      %get3A_320 = arith.constant 400 : index
      %get3A_321 = tpu.vector_load %arg5[%get3A_319, %get3A_320] {strides = array<i32>} : memref<16x1000xf32, #tpu.memory_space<vmem>>, vector<16xf32>,
      %max3A_322 = arith.maximumf %max3A_318, %get3A_321 : vector<16xf32>
      %get3A_323 = arith.index_cast %scan3A_218 : i32 to index
      %get3A_324 = arith.constant 416 : index
      %get3A_325 = tpu.vector_load %arg5[%get3A_323, %get3A_324] {strides = array<i32>} : memref<16x1000xf32, #tpu.memory_space<vmem>>, vector<16xf32>,
      %max3A_326 = arith.maximumf %max3A_322, %get3A_325 : vector<16xf32>
      %get3A_327 = arith.index_cast %scan3A_218 : i32 to index
      %get3A_328 = arith.constant 432 : index
      %get3A_329 = tpu.vector_load %arg5[%get3A_327, %get3A_328] {strides = array<i32>} : memref<16x1000xf32, #tpu.memory_space<vmem>>, vector<16xf32>,
      %max3A_330 = arith.maximumf %max3A_326, %get3A_329 : vector<16xf32>
      %get3A_331 = arith.index_cast %scan3A_218 : i32 to index
      %get3A_332 = arith.constant 448 : index
      %get3A_333 = tpu.vector_load %arg5[%get3A_331, %get3A_332] {strides = array<i32>} : memref<16x1000xf32, #tpu.memory_space<vmem>>, vector<16xf32>,
      %max3A_334 = arith.maximumf %max3A_330, %get3A_333 : vector<16xf32>
      %get3A_335 = arith.index_cast %scan3A_218 : i32 to index
      %get3A_336 = arith.constant 464 : index
      %get3A_337 = tpu.vector_load %arg5[%get3A_335, %get3A_336] {strides = array<i32>} : memref<16x1000xf32, #tpu.memory_space<vmem>>, vector<16xf32>,
      %max3A_338 = arith.maximumf %max3A_334, %get3A_337 : vector<16xf32>
      %get3A_339 = arith.index_cast %scan3A_218 : i32 to index
      %get3A_340 = arith.constant 480 : index
      %get3A_341 = tpu.vector_load %arg5[%get3A_339, %get3A_340] {strides = array<i32>} : memref<16x1000xf32, #tpu.memory_space<vmem>>, vector<16xf32>,
      %max3A_342 = arith.maximumf %max3A_338, %get3A_341 : vector<16xf32>
      %get3A_343 = arith.index_cast %scan3A_218 : i32 to index
      %get3A_344 = arith.constant 496 : index
      %get3A_345 = tpu.vector_load %arg5[%get3A_343, %get3A_344] {strides = array<i32>} : memref<16x1000xf32, #tpu.memory_space<vmem>>, vector<16xf32>,
      %max3A_346 = arith.maximumf %max3A_342, %get3A_345 : vector<16xf32>
      %get3A_347 = arith.index_cast %scan3A_218 : i32 to index
      %get3A_348 = arith.constant 512 : index
      %get3A_349 = tpu.vector_load %arg5[%get3A_347, %get3A_348] {strides = array<i32>} : memref<16x1000xf32, #tpu.memory_space<vmem>>, vector<16xf32>,
      %max3A_350 = arith.maximumf %max3A_346, %get3A_349 : vector<16xf32>
      %get3A_351 = arith.index_cast %scan3A_218 : i32 to index
      %get3A_352 = arith.constant 528 : index
      %get3A_353 = tpu.vector_load %arg5[%get3A_351, %get3A_352] {strides = array<i32>} : memref<16x1000xf32, #tpu.memory_space<vmem>>, vector<16xf32>,
      %max3A_354 = arith.maximumf %max3A_350, %get3A_353 : vector<16xf32>
      %get3A_355 = arith.index_cast %scan3A_218 : i32 to index
      %get3A_356 = arith.constant 544 : index
      %get3A_357 = tpu.vector_load %arg5[%get3A_355, %get3A_356] {strides = array<i32>} : memref<16x1000xf32, #tpu.memory_space<vmem>>, vector<16xf32>,
      %max3A_358 = arith.maximumf %max3A_354, %get3A_357 : vector<16xf32>
      %get3A_359 = arith.index_cast %scan3A_218 : i32 to index
      %get3A_360 = arith.constant 560 : index
      %get3A_361 = tpu.vector_load %arg5[%get3A_359, %get3A_360] {strides = array<i32>} : memref<16x1000xf32, #tpu.memory_space<vmem>>, vector<16xf32>,
      %max3A_362 = arith.maximumf %max3A_358, %get3A_361 : vector<16xf32>
      %get3A_363 = arith.index_cast %scan3A_218 : i32 to index
      %get3A_364 = arith.constant 576 : index
      %get3A_365 = tpu.vector_load %arg5[%get3A_363, %get3A_364] {strides = array<i32>} : memref<16x1000xf32, #tpu.memory_space<vmem>>, vector<16xf32>,
      %max3A_366 = arith.maximumf %max3A_362, %get3A_365 : vector<16xf32>
      %get3A_367 = arith.index_cast %scan3A_218 : i32 to index
      %get3A_368 = arith.constant 592 : index
      %get3A_369 = tpu.vector_load %arg5[%get3A_367, %get3A_368] {strides = array<i32>} : memref<16x1000xf32, #tpu.memory_space<vmem>>, vector<16xf32>,
      %max3A_370 = arith.maximumf %max3A_366, %get3A_369 : vector<16xf32>
      %get3A_371 = arith.index_cast %scan3A_218 : i32 to index
      %get3A_372 = arith.constant 608 : index
      %get3A_373 = tpu.vector_load %arg5[%get3A_371, %get3A_372] {strides = array<i32>} : memref<16x1000xf32, #tpu.memory_space<vmem>>, vector<16xf32>,
      %max3A_374 = arith.maximumf %max3A_370, %get3A_373 : vector<16xf32>
      %get3A_375 = arith.index_cast %scan3A_218 : i32 to index
      %get3A_376 = arith.constant 624 : index
      %get3A_377 = tpu.vector_load %arg5[%get3A_375, %get3A_376] {strides = array<i32>} : memref<16x1000xf32, #tpu.memory_space<vmem>>, vector<16xf32>,
      %max3A_378 = arith.maximumf %max3A_374, %get3A_377 : vector<16xf32>
      %get3A_379 = arith.index_cast %scan3A_218 : i32 to index
      %get3A_380 = arith.constant 640 : index
      %get3A_381 = tpu.vector_load %arg5[%get3A_379, %get3A_380] {strides = array<i32>} : memref<16x1000xf32, #tpu.memory_space<vmem>>, vector<16xf32>,
      %max3A_382 = arith.maximumf %max3A_378, %get3A_381 : vector<16xf32>
      %get3A_383 = arith.index_cast %scan3A_218 : i32 to index
      %get3A_384 = arith.constant 656 : index
      %get3A_385 = tpu.vector_load %arg5[%get3A_383, %get3A_384] {strides = array<i32>} : memref<16x1000xf32, #tpu.memory_space<vmem>>, vector<16xf32>,
      %max3A_386 = arith.maximumf %max3A_382, %get3A_385 : vector<16xf32>
      %get3A_387 = arith.index_cast %scan3A_218 : i32 to index
      %get3A_388 = arith.constant 672 : index
      %get3A_389 = tpu.vector_load %arg5[%get3A_387, %get3A_388] {strides = array<i32>} : memref<16x1000xf32, #tpu.memory_space<vmem>>, vector<16xf32>,
      %max3A_390 = arith.maximumf %max3A_386, %get3A_389 : vector<16xf32>
      %get3A_391 = arith.index_cast %scan3A_218 : i32 to index
      %get3A_392 = arith.constant 688 : index
      %get3A_393 = tpu.vector_load %arg5[%get3A_391, %get3A_392] {strides = array<i32>} : memref<16x1000xf32, #tpu.memory_space<vmem>>, vector<16xf32>,
      %max3A_394 = arith.maximumf %max3A_390, %get3A_393 : vector<16xf32>
      %get3A_395 = arith.index_cast %scan3A_218 : i32 to index
      %get3A_396 = arith.constant 704 : index
      %get3A_397 = tpu.vector_load %arg5[%get3A_395, %get3A_396] {strides = array<i32>} : memref<16x1000xf32, #tpu.memory_space<vmem>>, vector<16xf32>,
      %max3A_398 = arith.maximumf %max3A_394, %get3A_397 : vector<16xf32>
      %get3A_399 = arith.index_cast %scan3A_218 : i32 to index
      %get3A_400 = arith.constant 720 : index
      %get3A_401 = tpu.vector_load %arg5[%get3A_399, %get3A_400] {strides = array<i32>} : memref<16x1000xf32, #tpu.memory_space<vmem>>, vector<16xf32>,
      %max3A_402 = arith.maximumf %max3A_398, %get3A_401 : vector<16xf32>
      %get3A_403 = arith.index_cast %scan3A_218 : i32 to index
      %get3A_404 = arith.constant 736 : index
      %get3A_405 = tpu.vector_load %arg5[%get3A_403, %get3A_404] {strides = array<i32>} : memref<16x1000xf32, #tpu.memory_space<vmem>>, vector<16xf32>,
      %max3A_406 = arith.maximumf %max3A_402, %get3A_405 : vector<16xf32>
      %get3A_407 = arith.index_cast %scan3A_218 : i32 to index
      %get3A_408 = arith.constant 752 : index
      %get3A_409 = tpu.vector_load %arg5[%get3A_407, %get3A_408] {strides = array<i32>} : memref<16x1000xf32, #tpu.memory_space<vmem>>, vector<16xf32>,
      %max3A_410 = arith.maximumf %max3A_406, %get3A_409 : vector<16xf32>
      %get3A_411 = arith.index_cast %scan3A_218 : i32 to index
      %get3A_412 = arith.constant 768 : index
      %get3A_413 = tpu.vector_load %arg5[%get3A_411, %get3A_412] {strides = array<i32>} : memref<16x1000xf32, #tpu.memory_space<vmem>>, vector<16xf32>,
      %max3A_414 = arith.maximumf %max3A_410, %get3A_413 : vector<16xf32>
      %get3A_415 = arith.index_cast %scan3A_218 : i32 to index
      %get3A_416 = arith.constant 784 : index
      %get3A_417 = tpu.vector_load %arg5[%get3A_415, %get3A_416] {strides = array<i32>} : memref<16x1000xf32, #tpu.memory_space<vmem>>, vector<16xf32>,
      %max3A_418 = arith.maximumf %max3A_414, %get3A_417 : vector<16xf32>
      %get3A_419 = arith.index_cast %scan3A_218 : i32 to index
      %get3A_420 = arith.constant 800 : index
      %get3A_421 = tpu.vector_load %arg5[%get3A_419, %get3A_420] {strides = array<i32>} : memref<16x1000xf32, #tpu.memory_space<vmem>>, vector<16xf32>,
      %max3A_422 = arith.maximumf %max3A_418, %get3A_421 : vector<16xf32>
      %get3A_423 = arith.index_cast %scan3A_218 : i32 to index
      %get3A_424 = arith.constant 816 : index
      %get3A_425 = tpu.vector_load %arg5[%get3A_423, %get3A_424] {strides = array<i32>} : memref<16x1000xf32, #tpu.memory_space<vmem>>, vector<16xf32>,
      %max3A_426 = arith.maximumf %max3A_422, %get3A_425 : vector<16xf32>
      %get3A_427 = arith.index_cast %scan3A_218 : i32 to index
      %get3A_428 = arith.constant 832 : index
      %get3A_429 = tpu.vector_load %arg5[%get3A_427, %get3A_428] {strides = array<i32>} : memref<16x1000xf32, #tpu.memory_space<vmem>>, vector<16xf32>,
      %max3A_430 = arith.maximumf %max3A_426, %get3A_429 : vector<16xf32>
      %get3A_431 = arith.index_cast %scan3A_218 : i32 to index
      %get3A_432 = arith.constant 848 : index
      %get3A_433 = tpu.vector_load %arg5[%get3A_431, %get3A_432] {strides = array<i32>} : memref<16x1000xf32, #tpu.memory_space<vmem>>, vector<16xf32>,
      %max3A_434 = arith.maximumf %max3A_430, %get3A_433 : vector<16xf32>
      %get3A_435 = arith.index_cast %scan3A_218 : i32 to index
      %get3A_436 = arith.constant 864 : index
      %get3A_437 = tpu.vector_load %arg5[%get3A_435, %get3A_436] {strides = array<i32>} : memref<16x1000xf32, #tpu.memory_space<vmem>>, vector<16xf32>,
      %max3A_438 = arith.maximumf %max3A_434, %get3A_437 : vector<16xf32>
      %get3A_439 = arith.index_cast %scan3A_218 : i32 to index
      %get3A_440 = arith.constant 880 : index
      %get3A_441 = tpu.vector_load %arg5[%get3A_439, %get3A_440] {strides = array<i32>} : memref<16x1000xf32, #tpu.memory_space<vmem>>, vector<16xf32>,
      %max3A_442 = arith.maximumf %max3A_438, %get3A_441 : vector<16xf32>
      %get3A_443 = arith.index_cast %scan3A_218 : i32 to index
      %get3A_444 = arith.constant 896 : index
      %get3A_445 = tpu.vector_load %arg5[%get3A_443, %get3A_444] {strides = array<i32>} : memref<16x1000xf32, #tpu.memory_space<vmem>>, vector<16xf32>,
      %max3A_446 = arith.maximumf %max3A_442, %get3A_445 : vector<16xf32>
      %get3A_447 = arith.index_cast %scan3A_218 : i32 to index
      %get3A_448 = arith.constant 912 : index
      %get3A_449 = tpu.vector_load %arg5[%get3A_447, %get3A_448] {strides = array<i32>} : memref<16x1000xf32, #tpu.memory_space<vmem>>, vector<16xf32>,
      %max3A_450 = arith.maximumf %max3A_446, %get3A_449 : vector<16xf32>
      %get3A_451 = arith.index_cast %scan3A_218 : i32 to index
      %get3A_452 = arith.constant 928 : index
      %get3A_453 = tpu.vector_load %arg5[%get3A_451, %get3A_452] {strides = array<i32>} : memref<16x1000xf32, #tpu.memory_space<vmem>>, vector<16xf32>,
      %max3A_454 = arith.maximumf %max3A_450, %get3A_453 : vector<16xf32>
      %get3A_455 = arith.index_cast %scan3A_218 : i32 to index
      %get3A_456 = arith.constant 944 : index
      %get3A_457 = tpu.vector_load %arg5[%get3A_455, %get3A_456] {strides = array<i32>} : memref<16x1000xf32, #tpu.memory_space<vmem>>, vector<16xf32>,
      %max3A_458 = arith.maximumf %max3A_454, %get3A_457 : vector<16xf32>
      %get3A_459 = arith.index_cast %scan3A_218 : i32 to index
      %get3A_460 = arith.constant 960 : index
      %get3A_461 = tpu.vector_load %arg5[%get3A_459, %get3A_460] {strides = array<i32>} : memref<16x1000xf32, #tpu.memory_space<vmem>>, vector<16xf32>,
      %max3A_462 = arith.maximumf %max3A_458, %get3A_461 : vector<16xf32>
      %get3A_463 = arith.index_cast %scan3A_218 : i32 to index
      %get3A_464 = arith.constant 976 : index
      %get3A_465 = tpu.vector_load %arg5[%get3A_463, %get3A_464] {strides = array<i32>} : memref<16x1000xf32, #tpu.memory_space<vmem>>, vector<16xf32>,
      %max3A_466 = arith.maximumf %max3A_462, %get3A_465 : vector<16xf32>
      %get3A_467 = arith.index_cast %scan3A_218 : i32 to index
      %get3A_468 = arith.constant 984 : index
      %get3A_469 = tpu.vector_load %arg5[%get3A_467, %get3A_468] {strides = array<i32>} : memref<16x1000xf32, #tpu.memory_space<vmem>>, vector<16xf32>,
      %max3A_470 = arith.maximumf %max3A_466, %get3A_469 : vector<16xf32>
      %reduce_max3A = arith.constant true
      %reduce_max3A_471 = vector.broadcast %reduce_max3A : i1 to vector<16xi1>
      %reduce_max3A_472 = tpu.scan <max>, %max3A_470 masked %reduce_max3A_471 : vector<16xf32>, vector<16xi1> -> vector<16xf32>
      %reduce_max3A_473 = vector.extract %reduce_max3A_472[15] : f32 from vector<16xf32>
      %eq3A = vector.broadcast %scan3A_218 : i32 to vector<16xi32>
      %eq3A_474 = arith.cmpi eq, %iota3A, %eq3A : vector<16xi32>
      %broadcast_in_dim3A_475 = vector.broadcast %reduce_max3A_473 : f32 to vector<16xf32>
      %select_n3A = arith.select %eq3A_474, %broadcast_in_dim3A_475, %scan3A_219 : vector<16xi1>, vector<16xf32>
      scf.yield %select_n3A : vector<16xf32>
    }
    %scan3A_39 = arith.constant 16 : i32
    %sub3A = arith.constant 1.000000e+00 : f32
    %sub3A_40 = vector.broadcast %sub3A : f32 to vector<16xf32>
    %sub3A_41 = arith.subf %sub3A_40, %gather3A : vector<16xf32>
    %add3A_42 = arith.addf %sub3A_41, %scan3A_38 : vector<16xf32>
    %max3A = arith.constant 0.000000e+00 : f32
    %max3A_43 = vector.broadcast %max3A : f32 to vector<16xf32>
    %max3A_44 = arith.maximumf %max3A_43, %add3A_42 : vector<16xf32>
    %add3A_45 = arith.addf %broadcast_in_dim3A_24, %max3A_44 : vector<16xf32>
    %dma_wait3A_46 = arith.constant 0 : i32
    %dma_wait3A_47 = tpu.memref_slice %arg2[%add3A_12, %dma_wait3A_46] : memref<4096x1000xf32, #tpu.memory_space<hbm>> -> memref<16x1000xf32, #tpu.memory_space<hbm>>
    %dma_wait3A_48 = arith.constant 0 : i32
    %dma_wait3A_49 = tpu.memref_slice %arg2[%add3A_12, %dma_wait3A_48] : memref<4096x1000xf32, #tpu.memory_space<hbm>> -> memref<16x1000xf32, #tpu.memory_space<hbm>>
    tpu.wait_dma2 semaphore(%arg12 : memref<!tpu.dma_semaphore, #tpu.memory_space<semaphore_mem>>) src(%dma_wait3A_49 : memref<16x1000xf32, #tpu.memory_space<hbm>>) dst(%arg6 : memref<16x1000xf32, #tpu.memory_space<vmem>>)
    %add3A_50 = arith.constant 64 : i32
    %add3A_51 = arith.addi %mul3A_2, %add3A_50 : i32
    %dma_start3A_52 = arith.constant 0 : i32
    %dma_start3A_53 = tpu.memref_slice %arg2[%add3A_51, %dma_start3A_52] : memref<4096x1000xf32, #tpu.memory_space<hbm>> -> memref<16x1000xf32, #tpu.memory_space<hbm>>
    %dma_start3A_54 = arith.constant 0 : i32
    %dma_start3A_55 = tpu.memref_slice %arg2[%add3A_51, %dma_start3A_54] : memref<4096x1000xf32, #tpu.memory_space<hbm>> -> memref<16x1000xf32, #tpu.memory_space<hbm>>
    tpu.enqueue_dma source(%dma_start3A_55 : memref<16x1000xf32, #tpu.memory_space<hbm>>) target(%arg5 : memref<16x1000xf32, #tpu.memory_space<vmem>>) target_semaphore(%arg11 : memref<!tpu.dma_semaphore, #tpu.memory_space<semaphore_mem>>)
    %get3A_56 = arith.constant 16 : index
    %get3A_57 = tpu.vector_load %arg9[%get3A_56] {strides = array<i32>} : memref<128xi32, #tpu.memory_space<vmem>>, vector<16xi32>,
    %gather3A_58 = tpu.vector_load_idx %arg6[%iota3A, %get3A_57] : memref<16x1000xf32, #tpu.memory_space<vmem>>[vector<16xi32>, vector<16xi32>], vector<16xf32>,
    tpu.vector_store_idx %arg6[%iota3A, %get3A_57], %broadcast_in_dim3A_5 : memref<16x1000xf32, #tpu.memory_space<vmem>>[vector<16xi32>, vector<16xi32>], vector<16xf32>,
    %scan3A_59 = arith.constant 0 : i32
    %scan3A_60 = arith.constant 16 : i32
    %scan3A_61 = arith.addi %scan3A_59, %scan3A_60 : i32
    %scan3A_62 = arith.constant 1 : i32
    %scan3A_63 = scf.for %scan3A_218 = %scan3A_59 to %scan3A_61 step %scan3A_62 iter_args(%scan3A_219 = %broadcast_in_dim3A_5) -> (vector<16xf32>)  : i32 {
      %get3A_220 = arith.index_cast %scan3A_218 : i32 to index
      %get3A_221 = arith.constant 0 : index
      %get3A_222 = tpu.vector_load %arg6[%get3A_220, %get3A_221] {strides = array<i32>} : memref<16x1000xf32, #tpu.memory_space<vmem>>, vector<16xf32>,
      %get3A_223 = arith.index_cast %scan3A_218 : i32 to index
      %get3A_224 = arith.constant 16 : index
      %get3A_225 = tpu.vector_load %arg6[%get3A_223, %get3A_224] {strides = array<i32>} : memref<16x1000xf32, #tpu.memory_space<vmem>>, vector<16xf32>,
      %max3A_226 = arith.maximumf %get3A_222, %get3A_225 : vector<16xf32>
      %get3A_227 = arith.index_cast %scan3A_218 : i32 to index
      %get3A_228 = arith.constant 32 : index
      %get3A_229 = tpu.vector_load %arg6[%get3A_227, %get3A_228] {strides = array<i32>} : memref<16x1000xf32, #tpu.memory_space<vmem>>, vector<16xf32>,
      %max3A_230 = arith.maximumf %max3A_226, %get3A_229 : vector<16xf32>
      %get3A_231 = arith.index_cast %scan3A_218 : i32 to index
      %get3A_232 = arith.constant 48 : index
      %get3A_233 = tpu.vector_load %arg6[%get3A_231, %get3A_232] {strides = array<i32>} : memref<16x1000xf32, #tpu.memory_space<vmem>>, vector<16xf32>,
      %max3A_234 = arith.maximumf %max3A_230, %get3A_233 : vector<16xf32>
      %get3A_235 = arith.index_cast %scan3A_218 : i32 to index
      %get3A_236 = arith.constant 64 : index
      %get3A_237 = tpu.vector_load %arg6[%get3A_235, %get3A_236] {strides = array<i32>} : memref<16x1000xf32, #tpu.memory_space<vmem>>, vector<16xf32>,
      %max3A_238 = arith.maximumf %max3A_234, %get3A_237 : vector<16xf32>
      %get3A_239 = arith.index_cast %scan3A_218 : i32 to index
      %get3A_240 = arith.constant 80 : index
      %get3A_241 = tpu.vector_load %arg6[%get3A_239, %get3A_240] {strides = array<i32>} : memref<16x1000xf32, #tpu.memory_space<vmem>>, vector<16xf32>,
      %max3A_242 = arith.maximumf %max3A_238, %get3A_241 : vector<16xf32>
      %get3A_243 = arith.index_cast %scan3A_218 : i32 to index
      %get3A_244 = arith.constant 96 : index
      %get3A_245 = tpu.vector_load %arg6[%get3A_243, %get3A_244] {strides = array<i32>} : memref<16x1000xf32, #tpu.memory_space<vmem>>, vector<16xf32>,
      %max3A_246 = arith.maximumf %max3A_242, %get3A_245 : vector<16xf32>
      %get3A_247 = arith.index_cast %scan3A_218 : i32 to index
      %get3A_248 = arith.constant 112 : index
      %get3A_249 = tpu.vector_load %arg6[%get3A_247, %get3A_248] {strides = array<i32>} : memref<16x1000xf32, #tpu.memory_space<vmem>>, vector<16xf32>,
      %max3A_250 = arith.maximumf %max3A_246, %get3A_249 : vector<16xf32>
      %get3A_251 = arith.index_cast %scan3A_218 : i32 to index
      %get3A_252 = arith.constant 128 : index
      %get3A_253 = tpu.vector_load %arg6[%get3A_251, %get3A_252] {strides = array<i32>} : memref<16x1000xf32, #tpu.memory_space<vmem>>, vector<16xf32>,
      %max3A_254 = arith.maximumf %max3A_250, %get3A_253 : vector<16xf32>
      %get3A_255 = arith.index_cast %scan3A_218 : i32 to index
      %get3A_256 = arith.constant 144 : index
      %get3A_257 = tpu.vector_load %arg6[%get3A_255, %get3A_256] {strides = array<i32>} : memref<16x1000xf32, #tpu.memory_space<vmem>>, vector<16xf32>,
      %max3A_258 = arith.maximumf %max3A_254, %get3A_257 : vector<16xf32>
      %get3A_259 = arith.index_cast %scan3A_218 : i32 to index
      %get3A_260 = arith.constant 160 : index
      %get3A_261 = tpu.vector_load %arg6[%get3A_259, %get3A_260] {strides = array<i32>} : memref<16x1000xf32, #tpu.memory_space<vmem>>, vector<16xf32>,
      %max3A_262 = arith.maximumf %max3A_258, %get3A_261 : vector<16xf32>
      %get3A_263 = arith.index_cast %scan3A_218 : i32 to index
      %get3A_264 = arith.constant 176 : index
      %get3A_265 = tpu.vector_load %arg6[%get3A_263, %get3A_264] {strides = array<i32>} : memref<16x1000xf32, #tpu.memory_space<vmem>>, vector<16xf32>,
      %max3A_266 = arith.maximumf %max3A_262, %get3A_265 : vector<16xf32>
      %get3A_267 = arith.index_cast %scan3A_218 : i32 to index
      %get3A_268 = arith.constant 192 : index
      %get3A_269 = tpu.vector_load %arg6[%get3A_267, %get3A_268] {strides = array<i32>} : memref<16x1000xf32, #tpu.memory_space<vmem>>, vector<16xf32>,
      %max3A_270 = arith.maximumf %max3A_266, %get3A_269 : vector<16xf32>
      %get3A_271 = arith.index_cast %scan3A_218 : i32 to index
      %get3A_272 = arith.constant 208 : index
      %get3A_273 = tpu.vector_load %arg6[%get3A_271, %get3A_272] {strides = array<i32>} : memref<16x1000xf32, #tpu.memory_space<vmem>>, vector<16xf32>,
      %max3A_274 = arith.maximumf %max3A_270, %get3A_273 : vector<16xf32>
      %get3A_275 = arith.index_cast %scan3A_218 : i32 to index
      %get3A_276 = arith.constant 224 : index
      %get3A_277 = tpu.vector_load %arg6[%get3A_275, %get3A_276] {strides = array<i32>} : memref<16x1000xf32, #tpu.memory_space<vmem>>, vector<16xf32>,
      %max3A_278 = arith.maximumf %max3A_274, %get3A_277 : vector<16xf32>
      %get3A_279 = arith.index_cast %scan3A_218 : i32 to index
      %get3A_280 = arith.constant 240 : index
      %get3A_281 = tpu.vector_load %arg6[%get3A_279, %get3A_280] {strides = array<i32>} : memref<16x1000xf32, #tpu.memory_space<vmem>>, vector<16xf32>,
      %max3A_282 = arith.maximumf %max3A_278, %get3A_281 : vector<16xf32>
      %get3A_283 = arith.index_cast %scan3A_218 : i32 to index
      %get3A_284 = arith.constant 256 : index
      %get3A_285 = tpu.vector_load %arg6[%get3A_283, %get3A_284] {strides = array<i32>} : memref<16x1000xf32, #tpu.memory_space<vmem>>, vector<16xf32>,
      %max3A_286 = arith.maximumf %max3A_282, %get3A_285 : vector<16xf32>
      %get3A_287 = arith.index_cast %scan3A_218 : i32 to index
      %get3A_288 = arith.constant 272 : index
      %get3A_289 = tpu.vector_load %arg6[%get3A_287, %get3A_288] {strides = array<i32>} : memref<16x1000xf32, #tpu.memory_space<vmem>>, vector<16xf32>,
      %max3A_290 = arith.maximumf %max3A_286, %get3A_289 : vector<16xf32>
      %get3A_291 = arith.index_cast %scan3A_218 : i32 to index
      %get3A_292 = arith.constant 288 : index
      %get3A_293 = tpu.vector_load %arg6[%get3A_291, %get3A_292] {strides = array<i32>} : memref<16x1000xf32, #tpu.memory_space<vmem>>, vector<16xf32>,
      %max3A_294 = arith.maximumf %max3A_290, %get3A_293 : vector<16xf32>
      %get3A_295 = arith.index_cast %scan3A_218 : i32 to index
      %get3A_296 = arith.constant 304 : index
      %get3A_297 = tpu.vector_load %arg6[%get3A_295, %get3A_296] {strides = array<i32>} : memref<16x1000xf32, #tpu.memory_space<vmem>>, vector<16xf32>,
      %max3A_298 = arith.maximumf %max3A_294, %get3A_297 : vector<16xf32>
      %get3A_299 = arith.index_cast %scan3A_218 : i32 to index
      %get3A_300 = arith.constant 320 : index
      %get3A_301 = tpu.vector_load %arg6[%get3A_299, %get3A_300] {strides = array<i32>} : memref<16x1000xf32, #tpu.memory_space<vmem>>, vector<16xf32>,
      %max3A_302 = arith.maximumf %max3A_298, %get3A_301 : vector<16xf32>
      %get3A_303 = arith.index_cast %scan3A_218 : i32 to index
      %get3A_304 = arith.constant 336 : index
      %get3A_305 = tpu.vector_load %arg6[%get3A_303, %get3A_304] {strides = array<i32>} : memref<16x1000xf32, #tpu.memory_space<vmem>>, vector<16xf32>,
      %max3A_306 = arith.maximumf %max3A_302, %get3A_305 : vector<16xf32>
      %get3A_307 = arith.index_cast %scan3A_218 : i32 to index
      %get3A_308 = arith.constant 352 : index
      %get3A_309 = tpu.vector_load %arg6[%get3A_307, %get3A_308] {strides = array<i32>} : memref<16x1000xf32, #tpu.memory_space<vmem>>, vector<16xf32>,
      %max3A_310 = arith.maximumf %max3A_306, %get3A_309 : vector<16xf32>
      %get3A_311 = arith.index_cast %scan3A_218 : i32 to index
      %get3A_312 = arith.constant 368 : index
      %get3A_313 = tpu.vector_load %arg6[%get3A_311, %get3A_312] {strides = array<i32>} : memref<16x1000xf32, #tpu.memory_space<vmem>>, vector<16xf32>,
      %max3A_314 = arith.maximumf %max3A_310, %get3A_313 : vector<16xf32>
      %get3A_315 = arith.index_cast %scan3A_218 : i32 to index
      %get3A_316 = arith.constant 384 : index
      %get3A_317 = tpu.vector_load %arg6[%get3A_315, %get3A_316] {strides = array<i32>} : memref<16x1000xf32, #tpu.memory_space<vmem>>, vector<16xf32>,
      %max3A_318 = arith.maximumf %max3A_314, %get3A_317 : vector<16xf32>
      %get3A_319 = arith.index_cast %scan3A_218 : i32 to index
      %get3A_320 = arith.constant 400 : index
      %get3A_321 = tpu.vector_load %arg6[%get3A_319, %get3A_320] {strides = array<i32>} : memref<16x1000xf32, #tpu.memory_space<vmem>>, vector<16xf32>,
      %max3A_322 = arith.maximumf %max3A_318, %get3A_321 : vector<16xf32>
      %get3A_323 = arith.index_cast %scan3A_218 : i32 to index
      %get3A_324 = arith.constant 416 : index
      %get3A_325 = tpu.vector_load %arg6[%get3A_323, %get3A_324] {strides = array<i32>} : memref<16x1000xf32, #tpu.memory_space<vmem>>, vector<16xf32>,
      %max3A_326 = arith.maximumf %max3A_322, %get3A_325 : vector<16xf32>
      %get3A_327 = arith.index_cast %scan3A_218 : i32 to index
      %get3A_328 = arith.constant 432 : index
      %get3A_329 = tpu.vector_load %arg6[%get3A_327, %get3A_328] {strides = array<i32>} : memref<16x1000xf32, #tpu.memory_space<vmem>>, vector<16xf32>,
      %max3A_330 = arith.maximumf %max3A_326, %get3A_329 : vector<16xf32>
      %get3A_331 = arith.index_cast %scan3A_218 : i32 to index
      %get3A_332 = arith.constant 448 : index
      %get3A_333 = tpu.vector_load %arg6[%get3A_331, %get3A_332] {strides = array<i32>} : memref<16x1000xf32, #tpu.memory_space<vmem>>, vector<16xf32>,
      %max3A_334 = arith.maximumf %max3A_330, %get3A_333 : vector<16xf32>
      %get3A_335 = arith.index_cast %scan3A_218 : i32 to index
      %get3A_336 = arith.constant 464 : index
      %get3A_337 = tpu.vector_load %arg6[%get3A_335, %get3A_336] {strides = array<i32>} : memref<16x1000xf32, #tpu.memory_space<vmem>>, vector<16xf32>,
      %max3A_338 = arith.maximumf %max3A_334, %get3A_337 : vector<16xf32>
      %get3A_339 = arith.index_cast %scan3A_218 : i32 to index
      %get3A_340 = arith.constant 480 : index
      %get3A_341 = tpu.vector_load %arg6[%get3A_339, %get3A_340] {strides = array<i32>} : memref<16x1000xf32, #tpu.memory_space<vmem>>, vector<16xf32>,
      %max3A_342 = arith.maximumf %max3A_338, %get3A_341 : vector<16xf32>
      %get3A_343 = arith.index_cast %scan3A_218 : i32 to index
      %get3A_344 = arith.constant 496 : index
      %get3A_345 = tpu.vector_load %arg6[%get3A_343, %get3A_344] {strides = array<i32>} : memref<16x1000xf32, #tpu.memory_space<vmem>>, vector<16xf32>,
      %max3A_346 = arith.maximumf %max3A_342, %get3A_345 : vector<16xf32>
      %get3A_347 = arith.index_cast %scan3A_218 : i32 to index
      %get3A_348 = arith.constant 512 : index
      %get3A_349 = tpu.vector_load %arg6[%get3A_347, %get3A_348] {strides = array<i32>} : memref<16x1000xf32, #tpu.memory_space<vmem>>, vector<16xf32>,
      %max3A_350 = arith.maximumf %max3A_346, %get3A_349 : vector<16xf32>
      %get3A_351 = arith.index_cast %scan3A_218 : i32 to index
      %get3A_352 = arith.constant 528 : index
      %get3A_353 = tpu.vector_load %arg6[%get3A_351, %get3A_352] {strides = array<i32>} : memref<16x1000xf32, #tpu.memory_space<vmem>>, vector<16xf32>,
      %max3A_354 = arith.maximumf %max3A_350, %get3A_353 : vector<16xf32>
      %get3A_355 = arith.index_cast %scan3A_218 : i32 to index
      %get3A_356 = arith.constant 544 : index
      %get3A_357 = tpu.vector_load %arg6[%get3A_355, %get3A_356] {strides = array<i32>} : memref<16x1000xf32, #tpu.memory_space<vmem>>, vector<16xf32>,
      %max3A_358 = arith.maximumf %max3A_354, %get3A_357 : vector<16xf32>
      %get3A_359 = arith.index_cast %scan3A_218 : i32 to index
      %get3A_360 = arith.constant 560 : index
      %get3A_361 = tpu.vector_load %arg6[%get3A_359, %get3A_360] {strides = array<i32>} : memref<16x1000xf32, #tpu.memory_space<vmem>>, vector<16xf32>,
      %max3A_362 = arith.maximumf %max3A_358, %get3A_361 : vector<16xf32>
      %get3A_363 = arith.index_cast %scan3A_218 : i32 to index
      %get3A_364 = arith.constant 576 : index
      %get3A_365 = tpu.vector_load %arg6[%get3A_363, %get3A_364] {strides = array<i32>} : memref<16x1000xf32, #tpu.memory_space<vmem>>, vector<16xf32>,
      %max3A_366 = arith.maximumf %max3A_362, %get3A_365 : vector<16xf32>
      %get3A_367 = arith.index_cast %scan3A_218 : i32 to index
      %get3A_368 = arith.constant 592 : index
      %get3A_369 = tpu.vector_load %arg6[%get3A_367, %get3A_368] {strides = array<i32>} : memref<16x1000xf32, #tpu.memory_space<vmem>>, vector<16xf32>,
      %max3A_370 = arith.maximumf %max3A_366, %get3A_369 : vector<16xf32>
      %get3A_371 = arith.index_cast %scan3A_218 : i32 to index
      %get3A_372 = arith.constant 608 : index
      %get3A_373 = tpu.vector_load %arg6[%get3A_371, %get3A_372] {strides = array<i32>} : memref<16x1000xf32, #tpu.memory_space<vmem>>, vector<16xf32>,
      %max3A_374 = arith.maximumf %max3A_370, %get3A_373 : vector<16xf32>
      %get3A_375 = arith.index_cast %scan3A_218 : i32 to index
      %get3A_376 = arith.constant 624 : index
      %get3A_377 = tpu.vector_load %arg6[%get3A_375, %get3A_376] {strides = array<i32>} : memref<16x1000xf32, #tpu.memory_space<vmem>>, vector<16xf32>,
      %max3A_378 = arith.maximumf %max3A_374, %get3A_377 : vector<16xf32>
      %get3A_379 = arith.index_cast %scan3A_218 : i32 to index
      %get3A_380 = arith.constant 640 : index
      %get3A_381 = tpu.vector_load %arg6[%get3A_379, %get3A_380] {strides = array<i32>} : memref<16x1000xf32, #tpu.memory_space<vmem>>, vector<16xf32>,
      %max3A_382 = arith.maximumf %max3A_378, %get3A_381 : vector<16xf32>
      %get3A_383 = arith.index_cast %scan3A_218 : i32 to index
      %get3A_384 = arith.constant 656 : index
      %get3A_385 = tpu.vector_load %arg6[%get3A_383, %get3A_384] {strides = array<i32>} : memref<16x1000xf32, #tpu.memory_space<vmem>>, vector<16xf32>,
      %max3A_386 = arith.maximumf %max3A_382, %get3A_385 : vector<16xf32>
      %get3A_387 = arith.index_cast %scan3A_218 : i32 to index
      %get3A_388 = arith.constant 672 : index
      %get3A_389 = tpu.vector_load %arg6[%get3A_387, %get3A_388] {strides = array<i32>} : memref<16x1000xf32, #tpu.memory_space<vmem>>, vector<16xf32>,
      %max3A_390 = arith.maximumf %max3A_386, %get3A_389 : vector<16xf32>
      %get3A_391 = arith.index_cast %scan3A_218 : i32 to index
      %get3A_392 = arith.constant 688 : index
      %get3A_393 = tpu.vector_load %arg6[%get3A_391, %get3A_392] {strides = array<i32>} : memref<16x1000xf32, #tpu.memory_space<vmem>>, vector<16xf32>,
      %max3A_394 = arith.maximumf %max3A_390, %get3A_393 : vector<16xf32>
      %get3A_395 = arith.index_cast %scan3A_218 : i32 to index
      %get3A_396 = arith.constant 704 : index
      %get3A_397 = tpu.vector_load %arg6[%get3A_395, %get3A_396] {strides = array<i32>} : memref<16x1000xf32, #tpu.memory_space<vmem>>, vector<16xf32>,
      %max3A_398 = arith.maximumf %max3A_394, %get3A_397 : vector<16xf32>
      %get3A_399 = arith.index_cast %scan3A_218 : i32 to index
      %get3A_400 = arith.constant 720 : index
      %get3A_401 = tpu.vector_load %arg6[%get3A_399, %get3A_400] {strides = array<i32>} : memref<16x1000xf32, #tpu.memory_space<vmem>>, vector<16xf32>,
      %max3A_402 = arith.maximumf %max3A_398, %get3A_401 : vector<16xf32>
      %get3A_403 = arith.index_cast %scan3A_218 : i32 to index
      %get3A_404 = arith.constant 736 : index
      %get3A_405 = tpu.vector_load %arg6[%get3A_403, %get3A_404] {strides = array<i32>} : memref<16x1000xf32, #tpu.memory_space<vmem>>, vector<16xf32>,
      %max3A_406 = arith.maximumf %max3A_402, %get3A_405 : vector<16xf32>
      %get3A_407 = arith.index_cast %scan3A_218 : i32 to index
      %get3A_408 = arith.constant 752 : index
      %get3A_409 = tpu.vector_load %arg6[%get3A_407, %get3A_408] {strides = array<i32>} : memref<16x1000xf32, #tpu.memory_space<vmem>>, vector<16xf32>,
      %max3A_410 = arith.maximumf %max3A_406, %get3A_409 : vector<16xf32>
      %get3A_411 = arith.index_cast %scan3A_218 : i32 to index
      %get3A_412 = arith.constant 768 : index
      %get3A_413 = tpu.vector_load %arg6[%get3A_411, %get3A_412] {strides = array<i32>} : memref<16x1000xf32, #tpu.memory_space<vmem>>, vector<16xf32>,
      %max3A_414 = arith.maximumf %max3A_410, %get3A_413 : vector<16xf32>
      %get3A_415 = arith.index_cast %scan3A_218 : i32 to index
      %get3A_416 = arith.constant 784 : index
      %get3A_417 = tpu.vector_load %arg6[%get3A_415, %get3A_416] {strides = array<i32>} : memref<16x1000xf32, #tpu.memory_space<vmem>>, vector<16xf32>,
      %max3A_418 = arith.maximumf %max3A_414, %get3A_417 : vector<16xf32>
      %get3A_419 = arith.index_cast %scan3A_218 : i32 to index
      %get3A_420 = arith.constant 800 : index
      %get3A_421 = tpu.vector_load %arg6[%get3A_419, %get3A_420] {strides = array<i32>} : memref<16x1000xf32, #tpu.memory_space<vmem>>, vector<16xf32>,
      %max3A_422 = arith.maximumf %max3A_418, %get3A_421 : vector<16xf32>
      %get3A_423 = arith.index_cast %scan3A_218 : i32 to index
      %get3A_424 = arith.constant 816 : index
      %get3A_425 = tpu.vector_load %arg6[%get3A_423, %get3A_424] {strides = array<i32>} : memref<16x1000xf32, #tpu.memory_space<vmem>>, vector<16xf32>,
      %max3A_426 = arith.maximumf %max3A_422, %get3A_425 : vector<16xf32>
      %get3A_427 = arith.index_cast %scan3A_218 : i32 to index
      %get3A_428 = arith.constant 832 : index
      %get3A_429 = tpu.vector_load %arg6[%get3A_427, %get3A_428] {strides = array<i32>} : memref<16x1000xf32, #tpu.memory_space<vmem>>, vector<16xf32>,
      %max3A_430 = arith.maximumf %max3A_426, %get3A_429 : vector<16xf32>
      %get3A_431 = arith.index_cast %scan3A_218 : i32 to index
      %get3A_432 = arith.constant 848 : index
      %get3A_433 = tpu.vector_load %arg6[%get3A_431, %get3A_432] {strides = array<i32>} : memref<16x1000xf32, #tpu.memory_space<vmem>>, vector<16xf32>,
      %max3A_434 = arith.maximumf %max3A_430, %get3A_433 : vector<16xf32>
      %get3A_435 = arith.index_cast %scan3A_218 : i32 to index
      %get3A_436 = arith.constant 864 : index
      %get3A_437 = tpu.vector_load %arg6[%get3A_435, %get3A_436] {strides = array<i32>} : memref<16x1000xf32, #tpu.memory_space<vmem>>, vector<16xf32>,
      %max3A_438 = arith.maximumf %max3A_434, %get3A_437 : vector<16xf32>
      %get3A_439 = arith.index_cast %scan3A_218 : i32 to index
      %get3A_440 = arith.constant 880 : index
      %get3A_441 = tpu.vector_load %arg6[%get3A_439, %get3A_440] {strides = array<i32>} : memref<16x1000xf32, #tpu.memory_space<vmem>>, vector<16xf32>,
      %max3A_442 = arith.maximumf %max3A_438, %get3A_441 : vector<16xf32>
      %get3A_443 = arith.index_cast %scan3A_218 : i32 to index
      %get3A_444 = arith.constant 896 : index
      %get3A_445 = tpu.vector_load %arg6[%get3A_443, %get3A_444] {strides = array<i32>} : memref<16x1000xf32, #tpu.memory_space<vmem>>, vector<16xf32>,
      %max3A_446 = arith.maximumf %max3A_442, %get3A_445 : vector<16xf32>
      %get3A_447 = arith.index_cast %scan3A_218 : i32 to index
      %get3A_448 = arith.constant 912 : index
      %get3A_449 = tpu.vector_load %arg6[%get3A_447, %get3A_448] {strides = array<i32>} : memref<16x1000xf32, #tpu.memory_space<vmem>>, vector<16xf32>,
      %max3A_450 = arith.maximumf %max3A_446, %get3A_449 : vector<16xf32>
      %get3A_451 = arith.index_cast %scan3A_218 : i32 to index
      %get3A_452 = arith.constant 928 : index
      %get3A_453 = tpu.vector_load %arg6[%get3A_451, %get3A_452] {strides = array<i32>} : memref<16x1000xf32, #tpu.memory_space<vmem>>, vector<16xf32>,
      %max3A_454 = arith.maximumf %max3A_450, %get3A_453 : vector<16xf32>
      %get3A_455 = arith.index_cast %scan3A_218 : i32 to index
      %get3A_456 = arith.constant 944 : index
      %get3A_457 = tpu.vector_load %arg6[%get3A_455, %get3A_456] {strides = array<i32>} : memref<16x1000xf32, #tpu.memory_space<vmem>>, vector<16xf32>,
      %max3A_458 = arith.maximumf %max3A_454, %get3A_457 : vector<16xf32>
      %get3A_459 = arith.index_cast %scan3A_218 : i32 to index
      %get3A_460 = arith.constant 960 : index
      %get3A_461 = tpu.vector_load %arg6[%get3A_459, %get3A_460] {strides = array<i32>} : memref<16x1000xf32, #tpu.memory_space<vmem>>, vector<16xf32>,
      %max3A_462 = arith.maximumf %max3A_458, %get3A_461 : vector<16xf32>
      %get3A_463 = arith.index_cast %scan3A_218 : i32 to index
      %get3A_464 = arith.constant 976 : index
      %get3A_465 = tpu.vector_load %arg6[%get3A_463, %get3A_464] {strides = array<i32>} : memref<16x1000xf32, #tpu.memory_space<vmem>>, vector<16xf32>,
      %max3A_466 = arith.maximumf %max3A_462, %get3A_465 : vector<16xf32>
      %get3A_467 = arith.index_cast %scan3A_218 : i32 to index
      %get3A_468 = arith.constant 984 : index
      %get3A_469 = tpu.vector_load %arg6[%get3A_467, %get3A_468] {strides = array<i32>} : memref<16x1000xf32, #tpu.memory_space<vmem>>, vector<16xf32>,
      %max3A_470 = arith.maximumf %max3A_466, %get3A_469 : vector<16xf32>
      %reduce_max3A = arith.constant true
      %reduce_max3A_471 = vector.broadcast %reduce_max3A : i1 to vector<16xi1>
      %reduce_max3A_472 = tpu.scan <max>, %max3A_470 masked %reduce_max3A_471 : vector<16xf32>, vector<16xi1> -> vector<16xf32>
      %reduce_max3A_473 = vector.extract %reduce_max3A_472[15] : f32 from vector<16xf32>
      %eq3A = vector.broadcast %scan3A_218 : i32 to vector<16xi32>
      %eq3A_474 = arith.cmpi eq, %iota3A, %eq3A : vector<16xi32>
      %broadcast_in_dim3A_475 = vector.broadcast %reduce_max3A_473 : f32 to vector<16xf32>
      %select_n3A = arith.select %eq3A_474, %broadcast_in_dim3A_475, %scan3A_219 : vector<16xi1>, vector<16xf32>
      scf.yield %select_n3A : vector<16xf32>
    }
    %scan3A_64 = arith.constant 16 : i32
    %sub3A_65 = arith.constant 1.000000e+00 : f32
    %sub3A_66 = vector.broadcast %sub3A_65 : f32 to vector<16xf32>
    %sub3A_67 = arith.subf %sub3A_66, %gather3A_58 : vector<16xf32>
    %add3A_68 = arith.addf %sub3A_67, %scan3A_63 : vector<16xf32>
    %max3A_69 = arith.constant 0.000000e+00 : f32
    %max3A_70 = vector.broadcast %max3A_69 : f32 to vector<16xf32>
    %max3A_71 = arith.maximumf %max3A_70, %add3A_68 : vector<16xf32>
    %add3A_72 = arith.addf %add3A_45, %max3A_71 : vector<16xf32>
    %dma_wait3A_73 = arith.constant 0 : i32
    %dma_wait3A_74 = tpu.memref_slice %arg2[%add3A_18, %dma_wait3A_73] : memref<4096x1000xf32, #tpu.memory_space<hbm>> -> memref<16x1000xf32, #tpu.memory_space<hbm>>
    %dma_wait3A_75 = arith.constant 0 : i32
    %dma_wait3A_76 = tpu.memref_slice %arg2[%add3A_18, %dma_wait3A_75] : memref<4096x1000xf32, #tpu.memory_space<hbm>> -> memref<16x1000xf32, #tpu.memory_space<hbm>>
    tpu.wait_dma2 semaphore(%arg13 : memref<!tpu.dma_semaphore, #tpu.memory_space<semaphore_mem>>) src(%dma_wait3A_76 : memref<16x1000xf32, #tpu.memory_space<hbm>>) dst(%arg7 : memref<16x1000xf32, #tpu.memory_space<vmem>>)
    %add3A_77 = arith.constant 80 : i32
    %add3A_78 = arith.addi %mul3A_2, %add3A_77 : i32
    %dma_start3A_79 = arith.constant 0 : i32
    %dma_start3A_80 = tpu.memref_slice %arg2[%add3A_78, %dma_start3A_79] : memref<4096x1000xf32, #tpu.memory_space<hbm>> -> memref<16x1000xf32, #tpu.memory_space<hbm>>
    %dma_start3A_81 = arith.constant 0 : i32
    %dma_start3A_82 = tpu.memref_slice %arg2[%add3A_78, %dma_start3A_81] : memref<4096x1000xf32, #tpu.memory_space<hbm>> -> memref<16x1000xf32, #tpu.memory_space<hbm>>
    tpu.enqueue_dma source(%dma_start3A_82 : memref<16x1000xf32, #tpu.memory_space<hbm>>) target(%arg6 : memref<16x1000xf32, #tpu.memory_space<vmem>>) target_semaphore(%arg12 : memref<!tpu.dma_semaphore, #tpu.memory_space<semaphore_mem>>)
    %get3A_83 = arith.constant 32 : index
    %get3A_84 = tpu.vector_load %arg9[%get3A_83] {strides = array<i32>} : memref<128xi32, #tpu.memory_space<vmem>>, vector<16xi32>,
    %gather3A_85 = tpu.vector_load_idx %arg7[%iota3A, %get3A_84] : memref<16x1000xf32, #tpu.memory_space<vmem>>[vector<16xi32>, vector<16xi32>], vector<16xf32>,
    tpu.vector_store_idx %arg7[%iota3A, %get3A_84], %broadcast_in_dim3A_5 : memref<16x1000xf32, #tpu.memory_space<vmem>>[vector<16xi32>, vector<16xi32>], vector<16xf32>,
    %scan3A_86 = arith.constant 0 : i32
    %scan3A_87 = arith.constant 16 : i32
    %scan3A_88 = arith.addi %scan3A_86, %scan3A_87 : i32
    %scan3A_89 = arith.constant 1 : i32
    %scan3A_90 = scf.for %scan3A_218 = %scan3A_86 to %scan3A_88 step %scan3A_89 iter_args(%scan3A_219 = %broadcast_in_dim3A_5) -> (vector<16xf32>)  : i32 {
      %get3A_220 = arith.index_cast %scan3A_218 : i32 to index
      %get3A_221 = arith.constant 0 : index
      %get3A_222 = tpu.vector_load %arg7[%get3A_220, %get3A_221] {strides = array<i32>} : memref<16x1000xf32, #tpu.memory_space<vmem>>, vector<16xf32>,
      %get3A_223 = arith.index_cast %scan3A_218 : i32 to index
      %get3A_224 = arith.constant 16 : index
      %get3A_225 = tpu.vector_load %arg7[%get3A_223, %get3A_224] {strides = array<i32>} : memref<16x1000xf32, #tpu.memory_space<vmem>>, vector<16xf32>,
      %max3A_226 = arith.maximumf %get3A_222, %get3A_225 : vector<16xf32>
      %get3A_227 = arith.index_cast %scan3A_218 : i32 to index
      %get3A_228 = arith.constant 32 : index
      %get3A_229 = tpu.vector_load %arg7[%get3A_227, %get3A_228] {strides = array<i32>} : memref<16x1000xf32, #tpu.memory_space<vmem>>, vector<16xf32>,
      %max3A_230 = arith.maximumf %max3A_226, %get3A_229 : vector<16xf32>
      %get3A_231 = arith.index_cast %scan3A_218 : i32 to index
      %get3A_232 = arith.constant 48 : index
      %get3A_233 = tpu.vector_load %arg7[%get3A_231, %get3A_232] {strides = array<i32>} : memref<16x1000xf32, #tpu.memory_space<vmem>>, vector<16xf32>,
      %max3A_234 = arith.maximumf %max3A_230, %get3A_233 : vector<16xf32>
      %get3A_235 = arith.index_cast %scan3A_218 : i32 to index
      %get3A_236 = arith.constant 64 : index
      %get3A_237 = tpu.vector_load %arg7[%get3A_235, %get3A_236] {strides = array<i32>} : memref<16x1000xf32, #tpu.memory_space<vmem>>, vector<16xf32>,
      %max3A_238 = arith.maximumf %max3A_234, %get3A_237 : vector<16xf32>
      %get3A_239 = arith.index_cast %scan3A_218 : i32 to index
      %get3A_240 = arith.constant 80 : index
      %get3A_241 = tpu.vector_load %arg7[%get3A_239, %get3A_240] {strides = array<i32>} : memref<16x1000xf32, #tpu.memory_space<vmem>>, vector<16xf32>,
      %max3A_242 = arith.maximumf %max3A_238, %get3A_241 : vector<16xf32>
      %get3A_243 = arith.index_cast %scan3A_218 : i32 to index
      %get3A_244 = arith.constant 96 : index
      %get3A_245 = tpu.vector_load %arg7[%get3A_243, %get3A_244] {strides = array<i32>} : memref<16x1000xf32, #tpu.memory_space<vmem>>, vector<16xf32>,
      %max3A_246 = arith.maximumf %max3A_242, %get3A_245 : vector<16xf32>
      %get3A_247 = arith.index_cast %scan3A_218 : i32 to index
      %get3A_248 = arith.constant 112 : index
      %get3A_249 = tpu.vector_load %arg7[%get3A_247, %get3A_248] {strides = array<i32>} : memref<16x1000xf32, #tpu.memory_space<vmem>>, vector<16xf32>,
      %max3A_250 = arith.maximumf %max3A_246, %get3A_249 : vector<16xf32>
      %get3A_251 = arith.index_cast %scan3A_218 : i32 to index
      %get3A_252 = arith.constant 128 : index
      %get3A_253 = tpu.vector_load %arg7[%get3A_251, %get3A_252] {strides = array<i32>} : memref<16x1000xf32, #tpu.memory_space<vmem>>, vector<16xf32>,
      %max3A_254 = arith.maximumf %max3A_250, %get3A_253 : vector<16xf32>
      %get3A_255 = arith.index_cast %scan3A_218 : i32 to index
      %get3A_256 = arith.constant 144 : index
      %get3A_257 = tpu.vector_load %arg7[%get3A_255, %get3A_256] {strides = array<i32>} : memref<16x1000xf32, #tpu.memory_space<vmem>>, vector<16xf32>,
      %max3A_258 = arith.maximumf %max3A_254, %get3A_257 : vector<16xf32>
      %get3A_259 = arith.index_cast %scan3A_218 : i32 to index
      %get3A_260 = arith.constant 160 : index
      %get3A_261 = tpu.vector_load %arg7[%get3A_259, %get3A_260] {strides = array<i32>} : memref<16x1000xf32, #tpu.memory_space<vmem>>, vector<16xf32>,
      %max3A_262 = arith.maximumf %max3A_258, %get3A_261 : vector<16xf32>
      %get3A_263 = arith.index_cast %scan3A_218 : i32 to index
      %get3A_264 = arith.constant 176 : index
      %get3A_265 = tpu.vector_load %arg7[%get3A_263, %get3A_264] {strides = array<i32>} : memref<16x1000xf32, #tpu.memory_space<vmem>>, vector<16xf32>,
      %max3A_266 = arith.maximumf %max3A_262, %get3A_265 : vector<16xf32>
      %get3A_267 = arith.index_cast %scan3A_218 : i32 to index
      %get3A_268 = arith.constant 192 : index
      %get3A_269 = tpu.vector_load %arg7[%get3A_267, %get3A_268] {strides = array<i32>} : memref<16x1000xf32, #tpu.memory_space<vmem>>, vector<16xf32>,
      %max3A_270 = arith.maximumf %max3A_266, %get3A_269 : vector<16xf32>
      %get3A_271 = arith.index_cast %scan3A_218 : i32 to index
      %get3A_272 = arith.constant 208 : index
      %get3A_273 = tpu.vector_load %arg7[%get3A_271, %get3A_272] {strides = array<i32>} : memref<16x1000xf32, #tpu.memory_space<vmem>>, vector<16xf32>,
      %max3A_274 = arith.maximumf %max3A_270, %get3A_273 : vector<16xf32>
      %get3A_275 = arith.index_cast %scan3A_218 : i32 to index
      %get3A_276 = arith.constant 224 : index
      %get3A_277 = tpu.vector_load %arg7[%get3A_275, %get3A_276] {strides = array<i32>} : memref<16x1000xf32, #tpu.memory_space<vmem>>, vector<16xf32>,
      %max3A_278 = arith.maximumf %max3A_274, %get3A_277 : vector<16xf32>
      %get3A_279 = arith.index_cast %scan3A_218 : i32 to index
      %get3A_280 = arith.constant 240 : index
      %get3A_281 = tpu.vector_load %arg7[%get3A_279, %get3A_280] {strides = array<i32>} : memref<16x1000xf32, #tpu.memory_space<vmem>>, vector<16xf32>,
      %max3A_282 = arith.maximumf %max3A_278, %get3A_281 : vector<16xf32>
      %get3A_283 = arith.index_cast %scan3A_218 : i32 to index
      %get3A_284 = arith.constant 256 : index
      %get3A_285 = tpu.vector_load %arg7[%get3A_283, %get3A_284] {strides = array<i32>} : memref<16x1000xf32, #tpu.memory_space<vmem>>, vector<16xf32>,
      %max3A_286 = arith.maximumf %max3A_282, %get3A_285 : vector<16xf32>
      %get3A_287 = arith.index_cast %scan3A_218 : i32 to index
      %get3A_288 = arith.constant 272 : index
      %get3A_289 = tpu.vector_load %arg7[%get3A_287, %get3A_288] {strides = array<i32>} : memref<16x1000xf32, #tpu.memory_space<vmem>>, vector<16xf32>,
      %max3A_290 = arith.maximumf %max3A_286, %get3A_289 : vector<16xf32>
      %get3A_291 = arith.index_cast %scan3A_218 : i32 to index
      %get3A_292 = arith.constant 288 : index
      %get3A_293 = tpu.vector_load %arg7[%get3A_291, %get3A_292] {strides = array<i32>} : memref<16x1000xf32, #tpu.memory_space<vmem>>, vector<16xf32>,
      %max3A_294 = arith.maximumf %max3A_290, %get3A_293 : vector<16xf32>
      %get3A_295 = arith.index_cast %scan3A_218 : i32 to index
      %get3A_296 = arith.constant 304 : index
      %get3A_297 = tpu.vector_load %arg7[%get3A_295, %get3A_296] {strides = array<i32>} : memref<16x1000xf32, #tpu.memory_space<vmem>>, vector<16xf32>,
      %max3A_298 = arith.maximumf %max3A_294, %get3A_297 : vector<16xf32>
      %get3A_299 = arith.index_cast %scan3A_218 : i32 to index
      %get3A_300 = arith.constant 320 : index
      %get3A_301 = tpu.vector_load %arg7[%get3A_299, %get3A_300] {strides = array<i32>} : memref<16x1000xf32, #tpu.memory_space<vmem>>, vector<16xf32>,
      %max3A_302 = arith.maximumf %max3A_298, %get3A_301 : vector<16xf32>
      %get3A_303 = arith.index_cast %scan3A_218 : i32 to index
      %get3A_304 = arith.constant 336 : index
      %get3A_305 = tpu.vector_load %arg7[%get3A_303, %get3A_304] {strides = array<i32>} : memref<16x1000xf32, #tpu.memory_space<vmem>>, vector<16xf32>,
      %max3A_306 = arith.maximumf %max3A_302, %get3A_305 : vector<16xf32>
      %get3A_307 = arith.index_cast %scan3A_218 : i32 to index
      %get3A_308 = arith.constant 352 : index
      %get3A_309 = tpu.vector_load %arg7[%get3A_307, %get3A_308] {strides = array<i32>} : memref<16x1000xf32, #tpu.memory_space<vmem>>, vector<16xf32>,
      %max3A_310 = arith.maximumf %max3A_306, %get3A_309 : vector<16xf32>
      %get3A_311 = arith.index_cast %scan3A_218 : i32 to index
      %get3A_312 = arith.constant 368 : index
      %get3A_313 = tpu.vector_load %arg7[%get3A_311, %get3A_312] {strides = array<i32>} : memref<16x1000xf32, #tpu.memory_space<vmem>>, vector<16xf32>,
      %max3A_314 = arith.maximumf %max3A_310, %get3A_313 : vector<16xf32>
      %get3A_315 = arith.index_cast %scan3A_218 : i32 to index
      %get3A_316 = arith.constant 384 : index
      %get3A_317 = tpu.vector_load %arg7[%get3A_315, %get3A_316] {strides = array<i32>} : memref<16x1000xf32, #tpu.memory_space<vmem>>, vector<16xf32>,
      %max3A_318 = arith.maximumf %max3A_314, %get3A_317 : vector<16xf32>
      %get3A_319 = arith.index_cast %scan3A_218 : i32 to index
      %get3A_320 = arith.constant 400 : index
      %get3A_321 = tpu.vector_load %arg7[%get3A_319, %get3A_320] {strides = array<i32>} : memref<16x1000xf32, #tpu.memory_space<vmem>>, vector<16xf32>,
      %max3A_322 = arith.maximumf %max3A_318, %get3A_321 : vector<16xf32>
      %get3A_323 = arith.index_cast %scan3A_218 : i32 to index
      %get3A_324 = arith.constant 416 : index
      %get3A_325 = tpu.vector_load %arg7[%get3A_323, %get3A_324] {strides = array<i32>} : memref<16x1000xf32, #tpu.memory_space<vmem>>, vector<16xf32>,
      %max3A_326 = arith.maximumf %max3A_322, %get3A_325 : vector<16xf32>
      %get3A_327 = arith.index_cast %scan3A_218 : i32 to index
      %get3A_328 = arith.constant 432 : index
      %get3A_329 = tpu.vector_load %arg7[%get3A_327, %get3A_328] {strides = array<i32>} : memref<16x1000xf32, #tpu.memory_space<vmem>>, vector<16xf32>,
      %max3A_330 = arith.maximumf %max3A_326, %get3A_329 : vector<16xf32>
      %get3A_331 = arith.index_cast %scan3A_218 : i32 to index
      %get3A_332 = arith.constant 448 : index
      %get3A_333 = tpu.vector_load %arg7[%get3A_331, %get3A_332] {strides = array<i32>} : memref<16x1000xf32, #tpu.memory_space<vmem>>, vector<16xf32>,
      %max3A_334 = arith.maximumf %max3A_330, %get3A_333 : vector<16xf32>
      %get3A_335 = arith.index_cast %scan3A_218 : i32 to index
      %get3A_336 = arith.constant 464 : index
      %get3A_337 = tpu.vector_load %arg7[%get3A_335, %get3A_336] {strides = array<i32>} : memref<16x1000xf32, #tpu.memory_space<vmem>>, vector<16xf32>,
      %max3A_338 = arith.maximumf %max3A_334, %get3A_337 : vector<16xf32>
      %get3A_339 = arith.index_cast %scan3A_218 : i32 to index
      %get3A_340 = arith.constant 480 : index
      %get3A_341 = tpu.vector_load %arg7[%get3A_339, %get3A_340] {strides = array<i32>} : memref<16x1000xf32, #tpu.memory_space<vmem>>, vector<16xf32>,
      %max3A_342 = arith.maximumf %max3A_338, %get3A_341 : vector<16xf32>
      %get3A_343 = arith.index_cast %scan3A_218 : i32 to index
      %get3A_344 = arith.constant 496 : index
      %get3A_345 = tpu.vector_load %arg7[%get3A_343, %get3A_344] {strides = array<i32>} : memref<16x1000xf32, #tpu.memory_space<vmem>>, vector<16xf32>,
      %max3A_346 = arith.maximumf %max3A_342, %get3A_345 : vector<16xf32>
      %get3A_347 = arith.index_cast %scan3A_218 : i32 to index
      %get3A_348 = arith.constant 512 : index
      %get3A_349 = tpu.vector_load %arg7[%get3A_347, %get3A_348] {strides = array<i32>} : memref<16x1000xf32, #tpu.memory_space<vmem>>, vector<16xf32>,
      %max3A_350 = arith.maximumf %max3A_346, %get3A_349 : vector<16xf32>
      %get3A_351 = arith.index_cast %scan3A_218 : i32 to index
      %get3A_352 = arith.constant 528 : index
      %get3A_353 = tpu.vector_load %arg7[%get3A_351, %get3A_352] {strides = array<i32>} : memref<16x1000xf32, #tpu.memory_space<vmem>>, vector<16xf32>,
      %max3A_354 = arith.maximumf %max3A_350, %get3A_353 : vector<16xf32>
      %get3A_355 = arith.index_cast %scan3A_218 : i32 to index
      %get3A_356 = arith.constant 544 : index
      %get3A_357 = tpu.vector_load %arg7[%get3A_355, %get3A_356] {strides = array<i32>} : memref<16x1000xf32, #tpu.memory_space<vmem>>, vector<16xf32>,
      %max3A_358 = arith.maximumf %max3A_354, %get3A_357 : vector<16xf32>
      %get3A_359 = arith.index_cast %scan3A_218 : i32 to index
      %get3A_360 = arith.constant 560 : index
      %get3A_361 = tpu.vector_load %arg7[%get3A_359, %get3A_360] {strides = array<i32>} : memref<16x1000xf32, #tpu.memory_space<vmem>>, vector<16xf32>,
      %max3A_362 = arith.maximumf %max3A_358, %get3A_361 : vector<16xf32>
      %get3A_363 = arith.index_cast %scan3A_218 : i32 to index
      %get3A_364 = arith.constant 576 : index
      %get3A_365 = tpu.vector_load %arg7[%get3A_363, %get3A_364] {strides = array<i32>} : memref<16x1000xf32, #tpu.memory_space<vmem>>, vector<16xf32>,
      %max3A_366 = arith.maximumf %max3A_362, %get3A_365 : vector<16xf32>
      %get3A_367 = arith.index_cast %scan3A_218 : i32 to index
      %get3A_368 = arith.constant 592 : index
      %get3A_369 = tpu.vector_load %arg7[%get3A_367, %get3A_368] {strides = array<i32>} : memref<16x1000xf32, #tpu.memory_space<vmem>>, vector<16xf32>,
      %max3A_370 = arith.maximumf %max3A_366, %get3A_369 : vector<16xf32>
      %get3A_371 = arith.index_cast %scan3A_218 : i32 to index
      %get3A_372 = arith.constant 608 : index
      %get3A_373 = tpu.vector_load %arg7[%get3A_371, %get3A_372] {strides = array<i32>} : memref<16x1000xf32, #tpu.memory_space<vmem>>, vector<16xf32>,
      %max3A_374 = arith.maximumf %max3A_370, %get3A_373 : vector<16xf32>
      %get3A_375 = arith.index_cast %scan3A_218 : i32 to index
      %get3A_376 = arith.constant 624 : index
      %get3A_377 = tpu.vector_load %arg7[%get3A_375, %get3A_376] {strides = array<i32>} : memref<16x1000xf32, #tpu.memory_space<vmem>>, vector<16xf32>,
      %max3A_378 = arith.maximumf %max3A_374, %get3A_377 : vector<16xf32>
      %get3A_379 = arith.index_cast %scan3A_218 : i32 to index
      %get3A_380 = arith.constant 640 : index
      %get3A_381 = tpu.vector_load %arg7[%get3A_379, %get3A_380] {strides = array<i32>} : memref<16x1000xf32, #tpu.memory_space<vmem>>, vector<16xf32>,
      %max3A_382 = arith.maximumf %max3A_378, %get3A_381 : vector<16xf32>
      %get3A_383 = arith.index_cast %scan3A_218 : i32 to index
      %get3A_384 = arith.constant 656 : index
      %get3A_385 = tpu.vector_load %arg7[%get3A_383, %get3A_384] {strides = array<i32>} : memref<16x1000xf32, #tpu.memory_space<vmem>>, vector<16xf32>,
      %max3A_386 = arith.maximumf %max3A_382, %get3A_385 : vector<16xf32>
      %get3A_387 = arith.index_cast %scan3A_218 : i32 to index
      %get3A_388 = arith.constant 672 : index
      %get3A_389 = tpu.vector_load %arg7[%get3A_387, %get3A_388] {strides = array<i32>} : memref<16x1000xf32, #tpu.memory_space<vmem>>, vector<16xf32>,
      %max3A_390 = arith.maximumf %max3A_386, %get3A_389 : vector<16xf32>
      %get3A_391 = arith.index_cast %scan3A_218 : i32 to index
      %get3A_392 = arith.constant 688 : index
      %get3A_393 = tpu.vector_load %arg7[%get3A_391, %get3A_392] {strides = array<i32>} : memref<16x1000xf32, #tpu.memory_space<vmem>>, vector<16xf32>,
      %max3A_394 = arith.maximumf %max3A_390, %get3A_393 : vector<16xf32>
      %get3A_395 = arith.index_cast %scan3A_218 : i32 to index
      %get3A_396 = arith.constant 704 : index
      %get3A_397 = tpu.vector_load %arg7[%get3A_395, %get3A_396] {strides = array<i32>} : memref<16x1000xf32, #tpu.memory_space<vmem>>, vector<16xf32>,
      %max3A_398 = arith.maximumf %max3A_394, %get3A_397 : vector<16xf32>
      %get3A_399 = arith.index_cast %scan3A_218 : i32 to index
      %get3A_400 = arith.constant 720 : index
      %get3A_401 = tpu.vector_load %arg7[%get3A_399, %get3A_400] {strides = array<i32>} : memref<16x1000xf32, #tpu.memory_space<vmem>>, vector<16xf32>,
      %max3A_402 = arith.maximumf %max3A_398, %get3A_401 : vector<16xf32>
      %get3A_403 = arith.index_cast %scan3A_218 : i32 to index
      %get3A_404 = arith.constant 736 : index
      %get3A_405 = tpu.vector_load %arg7[%get3A_403, %get3A_404] {strides = array<i32>} : memref<16x1000xf32, #tpu.memory_space<vmem>>, vector<16xf32>,
      %max3A_406 = arith.maximumf %max3A_402, %get3A_405 : vector<16xf32>
      %get3A_407 = arith.index_cast %scan3A_218 : i32 to index
      %get3A_408 = arith.constant 752 : index
      %get3A_409 = tpu.vector_load %arg7[%get3A_407, %get3A_408] {strides = array<i32>} : memref<16x1000xf32, #tpu.memory_space<vmem>>, vector<16xf32>,
      %max3A_410 = arith.maximumf %max3A_406, %get3A_409 : vector<16xf32>
      %get3A_411 = arith.index_cast %scan3A_218 : i32 to index
      %get3A_412 = arith.constant 768 : index
      %get3A_413 = tpu.vector_load %arg7[%get3A_411, %get3A_412] {strides = array<i32>} : memref<16x1000xf32, #tpu.memory_space<vmem>>, vector<16xf32>,
      %max3A_414 = arith.maximumf %max3A_410, %get3A_413 : vector<16xf32>
      %get3A_415 = arith.index_cast %scan3A_218 : i32 to index
      %get3A_416 = arith.constant 784 : index
      %get3A_417 = tpu.vector_load %arg7[%get3A_415, %get3A_416] {strides = array<i32>} : memref<16x1000xf32, #tpu.memory_space<vmem>>, vector<16xf32>,
      %max3A_418 = arith.maximumf %max3A_414, %get3A_417 : vector<16xf32>
      %get3A_419 = arith.index_cast %scan3A_218 : i32 to index
      %get3A_420 = arith.constant 800 : index
      %get3A_421 = tpu.vector_load %arg7[%get3A_419, %get3A_420] {strides = array<i32>} : memref<16x1000xf32, #tpu.memory_space<vmem>>, vector<16xf32>,
      %max3A_422 = arith.maximumf %max3A_418, %get3A_421 : vector<16xf32>
      %get3A_423 = arith.index_cast %scan3A_218 : i32 to index
      %get3A_424 = arith.constant 816 : index
      %get3A_425 = tpu.vector_load %arg7[%get3A_423, %get3A_424] {strides = array<i32>} : memref<16x1000xf32, #tpu.memory_space<vmem>>, vector<16xf32>,
      %max3A_426 = arith.maximumf %max3A_422, %get3A_425 : vector<16xf32>
      %get3A_427 = arith.index_cast %scan3A_218 : i32 to index
      %get3A_428 = arith.constant 832 : index
      %get3A_429 = tpu.vector_load %arg7[%get3A_427, %get3A_428] {strides = array<i32>} : memref<16x1000xf32, #tpu.memory_space<vmem>>, vector<16xf32>,
      %max3A_430 = arith.maximumf %max3A_426, %get3A_429 : vector<16xf32>
      %get3A_431 = arith.index_cast %scan3A_218 : i32 to index
      %get3A_432 = arith.constant 848 : index
      %get3A_433 = tpu.vector_load %arg7[%get3A_431, %get3A_432] {strides = array<i32>} : memref<16x1000xf32, #tpu.memory_space<vmem>>, vector<16xf32>,
      %max3A_434 = arith.maximumf %max3A_430, %get3A_433 : vector<16xf32>
      %get3A_435 = arith.index_cast %scan3A_218 : i32 to index
      %get3A_436 = arith.constant 864 : index
      %get3A_437 = tpu.vector_load %arg7[%get3A_435, %get3A_436] {strides = array<i32>} : memref<16x1000xf32, #tpu.memory_space<vmem>>, vector<16xf32>,
      %max3A_438 = arith.maximumf %max3A_434, %get3A_437 : vector<16xf32>
      %get3A_439 = arith.index_cast %scan3A_218 : i32 to index
      %get3A_440 = arith.constant 880 : index
      %get3A_441 = tpu.vector_load %arg7[%get3A_439, %get3A_440] {strides = array<i32>} : memref<16x1000xf32, #tpu.memory_space<vmem>>, vector<16xf32>,
      %max3A_442 = arith.maximumf %max3A_438, %get3A_441 : vector<16xf32>
      %get3A_443 = arith.index_cast %scan3A_218 : i32 to index
      %get3A_444 = arith.constant 896 : index
      %get3A_445 = tpu.vector_load %arg7[%get3A_443, %get3A_444] {strides = array<i32>} : memref<16x1000xf32, #tpu.memory_space<vmem>>, vector<16xf32>,
      %max3A_446 = arith.maximumf %max3A_442, %get3A_445 : vector<16xf32>
      %get3A_447 = arith.index_cast %scan3A_218 : i32 to index
      %get3A_448 = arith.constant 912 : index
      %get3A_449 = tpu.vector_load %arg7[%get3A_447, %get3A_448] {strides = array<i32>} : memref<16x1000xf32, #tpu.memory_space<vmem>>, vector<16xf32>,
      %max3A_450 = arith.maximumf %max3A_446, %get3A_449 : vector<16xf32>
      %get3A_451 = arith.index_cast %scan3A_218 : i32 to index
      %get3A_452 = arith.constant 928 : index
      %get3A_453 = tpu.vector_load %arg7[%get3A_451, %get3A_452] {strides = array<i32>} : memref<16x1000xf32, #tpu.memory_space<vmem>>, vector<16xf32>,
      %max3A_454 = arith.maximumf %max3A_450, %get3A_453 : vector<16xf32>
      %get3A_455 = arith.index_cast %scan3A_218 : i32 to index
      %get3A_456 = arith.constant 944 : index
      %get3A_457 = tpu.vector_load %arg7[%get3A_455, %get3A_456] {strides = array<i32>} : memref<16x1000xf32, #tpu.memory_space<vmem>>, vector<16xf32>,
      %max3A_458 = arith.maximumf %max3A_454, %get3A_457 : vector<16xf32>
      %get3A_459 = arith.index_cast %scan3A_218 : i32 to index
      %get3A_460 = arith.constant 960 : index
      %get3A_461 = tpu.vector_load %arg7[%get3A_459, %get3A_460] {strides = array<i32>} : memref<16x1000xf32, #tpu.memory_space<vmem>>, vector<16xf32>,
      %max3A_462 = arith.maximumf %max3A_458, %get3A_461 : vector<16xf32>
      %get3A_463 = arith.index_cast %scan3A_218 : i32 to index
      %get3A_464 = arith.constant 976 : index
      %get3A_465 = tpu.vector_load %arg7[%get3A_463, %get3A_464] {strides = array<i32>} : memref<16x1000xf32, #tpu.memory_space<vmem>>, vector<16xf32>,
      %max3A_466 = arith.maximumf %max3A_462, %get3A_465 : vector<16xf32>
      %get3A_467 = arith.index_cast %scan3A_218 : i32 to index
      %get3A_468 = arith.constant 984 : index
      %get3A_469 = tpu.vector_load %arg7[%get3A_467, %get3A_468] {strides = array<i32>} : memref<16x1000xf32, #tpu.memory_space<vmem>>, vector<16xf32>,
      %max3A_470 = arith.maximumf %max3A_466, %get3A_469 : vector<16xf32>
      %reduce_max3A = arith.constant true
      %reduce_max3A_471 = vector.broadcast %reduce_max3A : i1 to vector<16xi1>
      %reduce_max3A_472 = tpu.scan <max>, %max3A_470 masked %reduce_max3A_471 : vector<16xf32>, vector<16xi1> -> vector<16xf32>
      %reduce_max3A_473 = vector.extract %reduce_max3A_472[15] : f32 from vector<16xf32>
      %eq3A = vector.broadcast %scan3A_218 : i32 to vector<16xi32>
      %eq3A_474 = arith.cmpi eq, %iota3A, %eq3A : vector<16xi32>
      %broadcast_in_dim3A_475 = vector.broadcast %reduce_max3A_473 : f32 to vector<16xf32>
      %select_n3A = arith.select %eq3A_474, %broadcast_in_dim3A_475, %scan3A_219 : vector<16xi1>, vector<16xf32>
      scf.yield %select_n3A : vector<16xf32>
    }
    %scan3A_91 = arith.constant 16 : i32
    %sub3A_92 = arith.constant 1.000000e+00 : f32
    %sub3A_93 = vector.broadcast %sub3A_92 : f32 to vector<16xf32>
    %sub3A_94 = arith.subf %sub3A_93, %gather3A_85 : vector<16xf32>
    %add3A_95 = arith.addf %sub3A_94, %scan3A_90 : vector<16xf32>
    %max3A_96 = arith.constant 0.000000e+00 : f32
    %max3A_97 = vector.broadcast %max3A_96 : f32 to vector<16xf32>
    %max3A_98 = arith.maximumf %max3A_97, %add3A_95 : vector<16xf32>
    %add3A_99 = arith.addf %add3A_72, %max3A_98 : vector<16xf32>
    %dma_wait3A_100 = arith.constant 0 : i32
    %dma_wait3A_101 = tpu.memref_slice %arg2[%add3A_29, %dma_wait3A_100] : memref<4096x1000xf32, #tpu.memory_space<hbm>> -> memref<16x1000xf32, #tpu.memory_space<hbm>>
    %dma_wait3A_102 = arith.constant 0 : i32
    %dma_wait3A_103 = tpu.memref_slice %arg2[%add3A_29, %dma_wait3A_102] : memref<4096x1000xf32, #tpu.memory_space<hbm>> -> memref<16x1000xf32, #tpu.memory_space<hbm>>
    tpu.wait_dma2 semaphore(%arg14 : memref<!tpu.dma_semaphore, #tpu.memory_space<semaphore_mem>>) src(%dma_wait3A_103 : memref<16x1000xf32, #tpu.memory_space<hbm>>) dst(%arg8 : memref<16x1000xf32, #tpu.memory_space<vmem>>)
    %add3A_104 = arith.constant 96 : i32
    %add3A_105 = arith.addi %mul3A_2, %add3A_104 : i32
    %dma_start3A_106 = arith.constant 0 : i32
    %dma_start3A_107 = tpu.memref_slice %arg2[%add3A_105, %dma_start3A_106] : memref<4096x1000xf32, #tpu.memory_space<hbm>> -> memref<16x1000xf32, #tpu.memory_space<hbm>>
    %dma_start3A_108 = arith.constant 0 : i32
    %dma_start3A_109 = tpu.memref_slice %arg2[%add3A_105, %dma_start3A_108] : memref<4096x1000xf32, #tpu.memory_space<hbm>> -> memref<16x1000xf32, #tpu.memory_space<hbm>>
    tpu.enqueue_dma source(%dma_start3A_109 : memref<16x1000xf32, #tpu.memory_space<hbm>>) target(%arg7 : memref<16x1000xf32, #tpu.memory_space<vmem>>) target_semaphore(%arg13 : memref<!tpu.dma_semaphore, #tpu.memory_space<semaphore_mem>>)
    %get3A_110 = arith.constant 48 : index
    %get3A_111 = tpu.vector_load %arg9[%get3A_110] {strides = array<i32>} : memref<128xi32, #tpu.memory_space<vmem>>, vector<16xi32>,
    %gather3A_112 = tpu.vector_load_idx %arg8[%iota3A, %get3A_111] : memref<16x1000xf32, #tpu.memory_space<vmem>>[vector<16xi32>, vector<16xi32>], vector<16xf32>,
    tpu.vector_store_idx %arg8[%iota3A, %get3A_111], %broadcast_in_dim3A_5 : memref<16x1000xf32, #tpu.memory_space<vmem>>[vector<16xi32>, vector<16xi32>], vector<16xf32>,
    %scan3A_113 = arith.constant 0 : i32
    %scan3A_114 = arith.constant 16 : i32
    %scan3A_115 = arith.addi %scan3A_113, %scan3A_114 : i32
    %scan3A_116 = arith.constant 1 : i32
    %scan3A_117 = scf.for %scan3A_218 = %scan3A_113 to %scan3A_115 step %scan3A_116 iter_args(%scan3A_219 = %broadcast_in_dim3A_5) -> (vector<16xf32>)  : i32 {
      %get3A_220 = arith.index_cast %scan3A_218 : i32 to index
      %get3A_221 = arith.constant 0 : index
      %get3A_222 = tpu.vector_load %arg8[%get3A_220, %get3A_221] {strides = array<i32>} : memref<16x1000xf32, #tpu.memory_space<vmem>>, vector<16xf32>,
      %get3A_223 = arith.index_cast %scan3A_218 : i32 to index
      %get3A_224 = arith.constant 16 : index
      %get3A_225 = tpu.vector_load %arg8[%get3A_223, %get3A_224] {strides = array<i32>} : memref<16x1000xf32, #tpu.memory_space<vmem>>, vector<16xf32>,
      %max3A_226 = arith.maximumf %get3A_222, %get3A_225 : vector<16xf32>
      %get3A_227 = arith.index_cast %scan3A_218 : i32 to index
      %get3A_228 = arith.constant 32 : index
      %get3A_229 = tpu.vector_load %arg8[%get3A_227, %get3A_228] {strides = array<i32>} : memref<16x1000xf32, #tpu.memory_space<vmem>>, vector<16xf32>,
      %max3A_230 = arith.maximumf %max3A_226, %get3A_229 : vector<16xf32>
      %get3A_231 = arith.index_cast %scan3A_218 : i32 to index
      %get3A_232 = arith.constant 48 : index
      %get3A_233 = tpu.vector_load %arg8[%get3A_231, %get3A_232] {strides = array<i32>} : memref<16x1000xf32, #tpu.memory_space<vmem>>, vector<16xf32>,
      %max3A_234 = arith.maximumf %max3A_230, %get3A_233 : vector<16xf32>
      %get3A_235 = arith.index_cast %scan3A_218 : i32 to index
      %get3A_236 = arith.constant 64 : index
      %get3A_237 = tpu.vector_load %arg8[%get3A_235, %get3A_236] {strides = array<i32>} : memref<16x1000xf32, #tpu.memory_space<vmem>>, vector<16xf32>,
      %max3A_238 = arith.maximumf %max3A_234, %get3A_237 : vector<16xf32>
      %get3A_239 = arith.index_cast %scan3A_218 : i32 to index
      %get3A_240 = arith.constant 80 : index
      %get3A_241 = tpu.vector_load %arg8[%get3A_239, %get3A_240] {strides = array<i32>} : memref<16x1000xf32, #tpu.memory_space<vmem>>, vector<16xf32>,
      %max3A_242 = arith.maximumf %max3A_238, %get3A_241 : vector<16xf32>
      %get3A_243 = arith.index_cast %scan3A_218 : i32 to index
      %get3A_244 = arith.constant 96 : index
      %get3A_245 = tpu.vector_load %arg8[%get3A_243, %get3A_244] {strides = array<i32>} : memref<16x1000xf32, #tpu.memory_space<vmem>>, vector<16xf32>,
      %max3A_246 = arith.maximumf %max3A_242, %get3A_245 : vector<16xf32>
      %get3A_247 = arith.index_cast %scan3A_218 : i32 to index
      %get3A_248 = arith.constant 112 : index
      %get3A_249 = tpu.vector_load %arg8[%get3A_247, %get3A_248] {strides = array<i32>} : memref<16x1000xf32, #tpu.memory_space<vmem>>, vector<16xf32>,
      %max3A_250 = arith.maximumf %max3A_246, %get3A_249 : vector<16xf32>
      %get3A_251 = arith.index_cast %scan3A_218 : i32 to index
      %get3A_252 = arith.constant 128 : index
      %get3A_253 = tpu.vector_load %arg8[%get3A_251, %get3A_252] {strides = array<i32>} : memref<16x1000xf32, #tpu.memory_space<vmem>>, vector<16xf32>,
      %max3A_254 = arith.maximumf %max3A_250, %get3A_253 : vector<16xf32>
      %get3A_255 = arith.index_cast %scan3A_218 : i32 to index
      %get3A_256 = arith.constant 144 : index
      %get3A_257 = tpu.vector_load %arg8[%get3A_255, %get3A_256] {strides = array<i32>} : memref<16x1000xf32, #tpu.memory_space<vmem>>, vector<16xf32>,
      %max3A_258 = arith.maximumf %max3A_254, %get3A_257 : vector<16xf32>
      %get3A_259 = arith.index_cast %scan3A_218 : i32 to index
      %get3A_260 = arith.constant 160 : index
      %get3A_261 = tpu.vector_load %arg8[%get3A_259, %get3A_260] {strides = array<i32>} : memref<16x1000xf32, #tpu.memory_space<vmem>>, vector<16xf32>,
      %max3A_262 = arith.maximumf %max3A_258, %get3A_261 : vector<16xf32>
      %get3A_263 = arith.index_cast %scan3A_218 : i32 to index
      %get3A_264 = arith.constant 176 : index
      %get3A_265 = tpu.vector_load %arg8[%get3A_263, %get3A_264] {strides = array<i32>} : memref<16x1000xf32, #tpu.memory_space<vmem>>, vector<16xf32>,
      %max3A_266 = arith.maximumf %max3A_262, %get3A_265 : vector<16xf32>
      %get3A_267 = arith.index_cast %scan3A_218 : i32 to index
      %get3A_268 = arith.constant 192 : index
      %get3A_269 = tpu.vector_load %arg8[%get3A_267, %get3A_268] {strides = array<i32>} : memref<16x1000xf32, #tpu.memory_space<vmem>>, vector<16xf32>,
      %max3A_270 = arith.maximumf %max3A_266, %get3A_269 : vector<16xf32>
      %get3A_271 = arith.index_cast %scan3A_218 : i32 to index
      %get3A_272 = arith.constant 208 : index
      %get3A_273 = tpu.vector_load %arg8[%get3A_271, %get3A_272] {strides = array<i32>} : memref<16x1000xf32, #tpu.memory_space<vmem>>, vector<16xf32>,
      %max3A_274 = arith.maximumf %max3A_270, %get3A_273 : vector<16xf32>
      %get3A_275 = arith.index_cast %scan3A_218 : i32 to index
      %get3A_276 = arith.constant 224 : index
      %get3A_277 = tpu.vector_load %arg8[%get3A_275, %get3A_276] {strides = array<i32>} : memref<16x1000xf32, #tpu.memory_space<vmem>>, vector<16xf32>,
      %max3A_278 = arith.maximumf %max3A_274, %get3A_277 : vector<16xf32>
      %get3A_279 = arith.index_cast %scan3A_218 : i32 to index
      %get3A_280 = arith.constant 240 : index
      %get3A_281 = tpu.vector_load %arg8[%get3A_279, %get3A_280] {strides = array<i32>} : memref<16x1000xf32, #tpu.memory_space<vmem>>, vector<16xf32>,
      %max3A_282 = arith.maximumf %max3A_278, %get3A_281 : vector<16xf32>
      %get3A_283 = arith.index_cast %scan3A_218 : i32 to index
      %get3A_284 = arith.constant 256 : index
      %get3A_285 = tpu.vector_load %arg8[%get3A_283, %get3A_284] {strides = array<i32>} : memref<16x1000xf32, #tpu.memory_space<vmem>>, vector<16xf32>,
      %max3A_286 = arith.maximumf %max3A_282, %get3A_285 : vector<16xf32>
      %get3A_287 = arith.index_cast %scan3A_218 : i32 to index
      %get3A_288 = arith.constant 272 : index
      %get3A_289 = tpu.vector_load %arg8[%get3A_287, %get3A_288] {strides = array<i32>} : memref<16x1000xf32, #tpu.memory_space<vmem>>, vector<16xf32>,
      %max3A_290 = arith.maximumf %max3A_286, %get3A_289 : vector<16xf32>
      %get3A_291 = arith.index_cast %scan3A_218 : i32 to index
      %get3A_292 = arith.constant 288 : index
      %get3A_293 = tpu.vector_load %arg8[%get3A_291, %get3A_292] {strides = array<i32>} : memref<16x1000xf32, #tpu.memory_space<vmem>>, vector<16xf32>,
      %max3A_294 = arith.maximumf %max3A_290, %get3A_293 : vector<16xf32>
      %get3A_295 = arith.index_cast %scan3A_218 : i32 to index
      %get3A_296 = arith.constant 304 : index
      %get3A_297 = tpu.vector_load %arg8[%get3A_295, %get3A_296] {strides = array<i32>} : memref<16x1000xf32, #tpu.memory_space<vmem>>, vector<16xf32>,
      %max3A_298 = arith.maximumf %max3A_294, %get3A_297 : vector<16xf32>
      %get3A_299 = arith.index_cast %scan3A_218 : i32 to index
      %get3A_300 = arith.constant 320 : index
      %get3A_301 = tpu.vector_load %arg8[%get3A_299, %get3A_300] {strides = array<i32>} : memref<16x1000xf32, #tpu.memory_space<vmem>>, vector<16xf32>,
      %max3A_302 = arith.maximumf %max3A_298, %get3A_301 : vector<16xf32>
      %get3A_303 = arith.index_cast %scan3A_218 : i32 to index
      %get3A_304 = arith.constant 336 : index
      %get3A_305 = tpu.vector_load %arg8[%get3A_303, %get3A_304] {strides = array<i32>} : memref<16x1000xf32, #tpu.memory_space<vmem>>, vector<16xf32>,
      %max3A_306 = arith.maximumf %max3A_302, %get3A_305 : vector<16xf32>
      %get3A_307 = arith.index_cast %scan3A_218 : i32 to index
      %get3A_308 = arith.constant 352 : index
      %get3A_309 = tpu.vector_load %arg8[%get3A_307, %get3A_308] {strides = array<i32>} : memref<16x1000xf32, #tpu.memory_space<vmem>>, vector<16xf32>,
      %max3A_310 = arith.maximumf %max3A_306, %get3A_309 : vector<16xf32>
      %get3A_311 = arith.index_cast %scan3A_218 : i32 to index
      %get3A_312 = arith.constant 368 : index
      %get3A_313 = tpu.vector_load %arg8[%get3A_311, %get3A_312] {strides = array<i32>} : memref<16x1000xf32, #tpu.memory_space<vmem>>, vector<16xf32>,
      %max3A_314 = arith.maximumf %max3A_310, %get3A_313 : vector<16xf32>
      %get3A_315 = arith.index_cast %scan3A_218 : i32 to index
      %get3A_316 = arith.constant 384 : index
      %get3A_317 = tpu.vector_load %arg8[%get3A_315, %get3A_316] {strides = array<i32>} : memref<16x1000xf32, #tpu.memory_space<vmem>>, vector<16xf32>,
      %max3A_318 = arith.maximumf %max3A_314, %get3A_317 : vector<16xf32>
      %get3A_319 = arith.index_cast %scan3A_218 : i32 to index
      %get3A_320 = arith.constant 400 : index
      %get3A_321 = tpu.vector_load %arg8[%get3A_319, %get3A_320] {strides = array<i32>} : memref<16x1000xf32, #tpu.memory_space<vmem>>, vector<16xf32>,
      %max3A_322 = arith.maximumf %max3A_318, %get3A_321 : vector<16xf32>
      %get3A_323 = arith.index_cast %scan3A_218 : i32 to index
      %get3A_324 = arith.constant 416 : index
      %get3A_325 = tpu.vector_load %arg8[%get3A_323, %get3A_324] {strides = array<i32>} : memref<16x1000xf32, #tpu.memory_space<vmem>>, vector<16xf32>,
      %max3A_326 = arith.maximumf %max3A_322, %get3A_325 : vector<16xf32>
      %get3A_327 = arith.index_cast %scan3A_218 : i32 to index
      %get3A_328 = arith.constant 432 : index
      %get3A_329 = tpu.vector_load %arg8[%get3A_327, %get3A_328] {strides = array<i32>} : memref<16x1000xf32, #tpu.memory_space<vmem>>, vector<16xf32>,
      %max3A_330 = arith.maximumf %max3A_326, %get3A_329 : vector<16xf32>
      %get3A_331 = arith.index_cast %scan3A_218 : i32 to index
      %get3A_332 = arith.constant 448 : index
      %get3A_333 = tpu.vector_load %arg8[%get3A_331, %get3A_332] {strides = array<i32>} : memref<16x1000xf32, #tpu.memory_space<vmem>>, vector<16xf32>,
      %max3A_334 = arith.maximumf %max3A_330, %get3A_333 : vector<16xf32>
      %get3A_335 = arith.index_cast %scan3A_218 : i32 to index
      %get3A_336 = arith.constant 464 : index
      %get3A_337 = tpu.vector_load %arg8[%get3A_335, %get3A_336] {strides = array<i32>} : memref<16x1000xf32, #tpu.memory_space<vmem>>, vector<16xf32>,
      %max3A_338 = arith.maximumf %max3A_334, %get3A_337 : vector<16xf32>
      %get3A_339 = arith.index_cast %scan3A_218 : i32 to index
      %get3A_340 = arith.constant 480 : index
      %get3A_341 = tpu.vector_load %arg8[%get3A_339, %get3A_340] {strides = array<i32>} : memref<16x1000xf32, #tpu.memory_space<vmem>>, vector<16xf32>,
      %max3A_342 = arith.maximumf %max3A_338, %get3A_341 : vector<16xf32>
      %get3A_343 = arith.index_cast %scan3A_218 : i32 to index
      %get3A_344 = arith.constant 496 : index
      %get3A_345 = tpu.vector_load %arg8[%get3A_343, %get3A_344] {strides = array<i32>} : memref<16x1000xf32, #tpu.memory_space<vmem>>, vector<16xf32>,
      %max3A_346 = arith.maximumf %max3A_342, %get3A_345 : vector<16xf32>
      %get3A_347 = arith.index_cast %scan3A_218 : i32 to index
      %get3A_348 = arith.constant 512 : index
      %get3A_349 = tpu.vector_load %arg8[%get3A_347, %get3A_348] {strides = array<i32>} : memref<16x1000xf32, #tpu.memory_space<vmem>>, vector<16xf32>,
      %max3A_350 = arith.maximumf %max3A_346, %get3A_349 : vector<16xf32>
      %get3A_351 = arith.index_cast %scan3A_218 : i32 to index
      %get3A_352 = arith.constant 528 : index
      %get3A_353 = tpu.vector_load %arg8[%get3A_351, %get3A_352] {strides = array<i32>} : memref<16x1000xf32, #tpu.memory_space<vmem>>, vector<16xf32>,
      %max3A_354 = arith.maximumf %max3A_350, %get3A_353 : vector<16xf32>
      %get3A_355 = arith.index_cast %scan3A_218 : i32 to index
      %get3A_356 = arith.constant 544 : index
      %get3A_357 = tpu.vector_load %arg8[%get3A_355, %get3A_356] {strides = array<i32>} : memref<16x1000xf32, #tpu.memory_space<vmem>>, vector<16xf32>,
      %max3A_358 = arith.maximumf %max3A_354, %get3A_357 : vector<16xf32>
      %get3A_359 = arith.index_cast %scan3A_218 : i32 to index
      %get3A_360 = arith.constant 560 : index
      %get3A_361 = tpu.vector_load %arg8[%get3A_359, %get3A_360] {strides = array<i32>} : memref<16x1000xf32, #tpu.memory_space<vmem>>, vector<16xf32>,
      %max3A_362 = arith.maximumf %max3A_358, %get3A_361 : vector<16xf32>
      %get3A_363 = arith.index_cast %scan3A_218 : i32 to index
      %get3A_364 = arith.constant 576 : index
      %get3A_365 = tpu.vector_load %arg8[%get3A_363, %get3A_364] {strides = array<i32>} : memref<16x1000xf32, #tpu.memory_space<vmem>>, vector<16xf32>,
      %max3A_366 = arith.maximumf %max3A_362, %get3A_365 : vector<16xf32>
      %get3A_367 = arith.index_cast %scan3A_218 : i32 to index
      %get3A_368 = arith.constant 592 : index
      %get3A_369 = tpu.vector_load %arg8[%get3A_367, %get3A_368] {strides = array<i32>} : memref<16x1000xf32, #tpu.memory_space<vmem>>, vector<16xf32>,
      %max3A_370 = arith.maximumf %max3A_366, %get3A_369 : vector<16xf32>
      %get3A_371 = arith.index_cast %scan3A_218 : i32 to index
      %get3A_372 = arith.constant 608 : index
      %get3A_373 = tpu.vector_load %arg8[%get3A_371, %get3A_372] {strides = array<i32>} : memref<16x1000xf32, #tpu.memory_space<vmem>>, vector<16xf32>,
      %max3A_374 = arith.maximumf %max3A_370, %get3A_373 : vector<16xf32>
      %get3A_375 = arith.index_cast %scan3A_218 : i32 to index
      %get3A_376 = arith.constant 624 : index
      %get3A_377 = tpu.vector_load %arg8[%get3A_375, %get3A_376] {strides = array<i32>} : memref<16x1000xf32, #tpu.memory_space<vmem>>, vector<16xf32>,
      %max3A_378 = arith.maximumf %max3A_374, %get3A_377 : vector<16xf32>
      %get3A_379 = arith.index_cast %scan3A_218 : i32 to index
      %get3A_380 = arith.constant 640 : index
      %get3A_381 = tpu.vector_load %arg8[%get3A_379, %get3A_380] {strides = array<i32>} : memref<16x1000xf32, #tpu.memory_space<vmem>>, vector<16xf32>,
      %max3A_382 = arith.maximumf %max3A_378, %get3A_381 : vector<16xf32>
      %get3A_383 = arith.index_cast %scan3A_218 : i32 to index
      %get3A_384 = arith.constant 656 : index
      %get3A_385 = tpu.vector_load %arg8[%get3A_383, %get3A_384] {strides = array<i32>} : memref<16x1000xf32, #tpu.memory_space<vmem>>, vector<16xf32>,
      %max3A_386 = arith.maximumf %max3A_382, %get3A_385 : vector<16xf32>
      %get3A_387 = arith.index_cast %scan3A_218 : i32 to index
      %get3A_388 = arith.constant 672 : index
      %get3A_389 = tpu.vector_load %arg8[%get3A_387, %get3A_388] {strides = array<i32>} : memref<16x1000xf32, #tpu.memory_space<vmem>>, vector<16xf32>,
      %max3A_390 = arith.maximumf %max3A_386, %get3A_389 : vector<16xf32>
      %get3A_391 = arith.index_cast %scan3A_218 : i32 to index
      %get3A_392 = arith.constant 688 : index
      %get3A_393 = tpu.vector_load %arg8[%get3A_391, %get3A_392] {strides = array<i32>} : memref<16x1000xf32, #tpu.memory_space<vmem>>, vector<16xf32>,
      %max3A_394 = arith.maximumf %max3A_390, %get3A_393 : vector<16xf32>
      %get3A_395 = arith.index_cast %scan3A_218 : i32 to index
      %get3A_396 = arith.constant 704 : index
      %get3A_397 = tpu.vector_load %arg8[%get3A_395, %get3A_396] {strides = array<i32>} : memref<16x1000xf32, #tpu.memory_space<vmem>>, vector<16xf32>,
      %max3A_398 = arith.maximumf %max3A_394, %get3A_397 : vector<16xf32>
      %get3A_399 = arith.index_cast %scan3A_218 : i32 to index
      %get3A_400 = arith.constant 720 : index
      %get3A_401 = tpu.vector_load %arg8[%get3A_399, %get3A_400] {strides = array<i32>} : memref<16x1000xf32, #tpu.memory_space<vmem>>, vector<16xf32>,
      %max3A_402 = arith.maximumf %max3A_398, %get3A_401 : vector<16xf32>
      %get3A_403 = arith.index_cast %scan3A_218 : i32 to index
      %get3A_404 = arith.constant 736 : index
      %get3A_405 = tpu.vector_load %arg8[%get3A_403, %get3A_404] {strides = array<i32>} : memref<16x1000xf32, #tpu.memory_space<vmem>>, vector<16xf32>,
      %max3A_406 = arith.maximumf %max3A_402, %get3A_405 : vector<16xf32>
      %get3A_407 = arith.index_cast %scan3A_218 : i32 to index
      %get3A_408 = arith.constant 752 : index
      %get3A_409 = tpu.vector_load %arg8[%get3A_407, %get3A_408] {strides = array<i32>} : memref<16x1000xf32, #tpu.memory_space<vmem>>, vector<16xf32>,
      %max3A_410 = arith.maximumf %max3A_406, %get3A_409 : vector<16xf32>
      %get3A_411 = arith.index_cast %scan3A_218 : i32 to index
      %get3A_412 = arith.constant 768 : index
      %get3A_413 = tpu.vector_load %arg8[%get3A_411, %get3A_412] {strides = array<i32>} : memref<16x1000xf32, #tpu.memory_space<vmem>>, vector<16xf32>,
      %max3A_414 = arith.maximumf %max3A_410, %get3A_413 : vector<16xf32>
      %get3A_415 = arith.index_cast %scan3A_218 : i32 to index
      %get3A_416 = arith.constant 784 : index
      %get3A_417 = tpu.vector_load %arg8[%get3A_415, %get3A_416] {strides = array<i32>} : memref<16x1000xf32, #tpu.memory_space<vmem>>, vector<16xf32>,
      %max3A_418 = arith.maximumf %max3A_414, %get3A_417 : vector<16xf32>
      %get3A_419 = arith.index_cast %scan3A_218 : i32 to index
      %get3A_420 = arith.constant 800 : index
      %get3A_421 = tpu.vector_load %arg8[%get3A_419, %get3A_420] {strides = array<i32>} : memref<16x1000xf32, #tpu.memory_space<vmem>>, vector<16xf32>,
      %max3A_422 = arith.maximumf %max3A_418, %get3A_421 : vector<16xf32>
      %get3A_423 = arith.index_cast %scan3A_218 : i32 to index
      %get3A_424 = arith.constant 816 : index
      %get3A_425 = tpu.vector_load %arg8[%get3A_423, %get3A_424] {strides = array<i32>} : memref<16x1000xf32, #tpu.memory_space<vmem>>, vector<16xf32>,
      %max3A_426 = arith.maximumf %max3A_422, %get3A_425 : vector<16xf32>
      %get3A_427 = arith.index_cast %scan3A_218 : i32 to index
      %get3A_428 = arith.constant 832 : index
      %get3A_429 = tpu.vector_load %arg8[%get3A_427, %get3A_428] {strides = array<i32>} : memref<16x1000xf32, #tpu.memory_space<vmem>>, vector<16xf32>,
      %max3A_430 = arith.maximumf %max3A_426, %get3A_429 : vector<16xf32>
      %get3A_431 = arith.index_cast %scan3A_218 : i32 to index
      %get3A_432 = arith.constant 848 : index
      %get3A_433 = tpu.vector_load %arg8[%get3A_431, %get3A_432] {strides = array<i32>} : memref<16x1000xf32, #tpu.memory_space<vmem>>, vector<16xf32>,
      %max3A_434 = arith.maximumf %max3A_430, %get3A_433 : vector<16xf32>
      %get3A_435 = arith.index_cast %scan3A_218 : i32 to index
      %get3A_436 = arith.constant 864 : index
      %get3A_437 = tpu.vector_load %arg8[%get3A_435, %get3A_436] {strides = array<i32>} : memref<16x1000xf32, #tpu.memory_space<vmem>>, vector<16xf32>,
      %max3A_438 = arith.maximumf %max3A_434, %get3A_437 : vector<16xf32>
      %get3A_439 = arith.index_cast %scan3A_218 : i32 to index
      %get3A_440 = arith.constant 880 : index
      %get3A_441 = tpu.vector_load %arg8[%get3A_439, %get3A_440] {strides = array<i32>} : memref<16x1000xf32, #tpu.memory_space<vmem>>, vector<16xf32>,
      %max3A_442 = arith.maximumf %max3A_438, %get3A_441 : vector<16xf32>
      %get3A_443 = arith.index_cast %scan3A_218 : i32 to index
      %get3A_444 = arith.constant 896 : index
      %get3A_445 = tpu.vector_load %arg8[%get3A_443, %get3A_444] {strides = array<i32>} : memref<16x1000xf32, #tpu.memory_space<vmem>>, vector<16xf32>,
      %max3A_446 = arith.maximumf %max3A_442, %get3A_445 : vector<16xf32>
      %get3A_447 = arith.index_cast %scan3A_218 : i32 to index
      %get3A_448 = arith.constant 912 : index
      %get3A_449 = tpu.vector_load %arg8[%get3A_447, %get3A_448] {strides = array<i32>} : memref<16x1000xf32, #tpu.memory_space<vmem>>, vector<16xf32>,
      %max3A_450 = arith.maximumf %max3A_446, %get3A_449 : vector<16xf32>
      %get3A_451 = arith.index_cast %scan3A_218 : i32 to index
      %get3A_452 = arith.constant 928 : index
      %get3A_453 = tpu.vector_load %arg8[%get3A_451, %get3A_452] {strides = array<i32>} : memref<16x1000xf32, #tpu.memory_space<vmem>>, vector<16xf32>,
      %max3A_454 = arith.maximumf %max3A_450, %get3A_453 : vector<16xf32>
      %get3A_455 = arith.index_cast %scan3A_218 : i32 to index
      %get3A_456 = arith.constant 944 : index
      %get3A_457 = tpu.vector_load %arg8[%get3A_455, %get3A_456] {strides = array<i32>} : memref<16x1000xf32, #tpu.memory_space<vmem>>, vector<16xf32>,
      %max3A_458 = arith.maximumf %max3A_454, %get3A_457 : vector<16xf32>
      %get3A_459 = arith.index_cast %scan3A_218 : i32 to index
      %get3A_460 = arith.constant 960 : index
      %get3A_461 = tpu.vector_load %arg8[%get3A_459, %get3A_460] {strides = array<i32>} : memref<16x1000xf32, #tpu.memory_space<vmem>>, vector<16xf32>,
      %max3A_462 = arith.maximumf %max3A_458, %get3A_461 : vector<16xf32>
      %get3A_463 = arith.index_cast %scan3A_218 : i32 to index
      %get3A_464 = arith.constant 976 : index
      %get3A_465 = tpu.vector_load %arg8[%get3A_463, %get3A_464] {strides = array<i32>} : memref<16x1000xf32, #tpu.memory_space<vmem>>, vector<16xf32>,
      %max3A_466 = arith.maximumf %max3A_462, %get3A_465 : vector<16xf32>
      %get3A_467 = arith.index_cast %scan3A_218 : i32 to index
      %get3A_468 = arith.constant 984 : index
      %get3A_469 = tpu.vector_load %arg8[%get3A_467, %get3A_468] {strides = array<i32>} : memref<16x1000xf32, #tpu.memory_space<vmem>>, vector<16xf32>,
      %max3A_470 = arith.maximumf %max3A_466, %get3A_469 : vector<16xf32>
      %reduce_max3A = arith.constant true
      %reduce_max3A_471 = vector.broadcast %reduce_max3A : i1 to vector<16xi1>
      %reduce_max3A_472 = tpu.scan <max>, %max3A_470 masked %reduce_max3A_471 : vector<16xf32>, vector<16xi1> -> vector<16xf32>
      %reduce_max3A_473 = vector.extract %reduce_max3A_472[15] : f32 from vector<16xf32>
      %eq3A = vector.broadcast %scan3A_218 : i32 to vector<16xi32>
      %eq3A_474 = arith.cmpi eq, %iota3A, %eq3A : vector<16xi32>
      %broadcast_in_dim3A_475 = vector.broadcast %reduce_max3A_473 : f32 to vector<16xf32>
      %select_n3A = arith.select %eq3A_474, %broadcast_in_dim3A_475, %scan3A_219 : vector<16xi1>, vector<16xf32>
      scf.yield %select_n3A : vector<16xf32>
    }
    %scan3A_118 = arith.constant 16 : i32
    %sub3A_119 = arith.constant 1.000000e+00 : f32
    %sub3A_120 = vector.broadcast %sub3A_119 : f32 to vector<16xf32>
    %sub3A_121 = arith.subf %sub3A_120, %gather3A_112 : vector<16xf32>
    %add3A_122 = arith.addf %sub3A_121, %scan3A_117 : vector<16xf32>
    %max3A_123 = arith.constant 0.000000e+00 : f32
    %max3A_124 = vector.broadcast %max3A_123 : f32 to vector<16xf32>
    %max3A_125 = arith.maximumf %max3A_124, %add3A_122 : vector<16xf32>
    %add3A_126 = arith.addf %add3A_99, %max3A_125 : vector<16xf32>
    %dma_wait3A_127 = arith.constant 0 : i32
    %dma_wait3A_128 = tpu.memref_slice %arg2[%add3A_51, %dma_wait3A_127] : memref<4096x1000xf32, #tpu.memory_space<hbm>> -> memref<16x1000xf32, #tpu.memory_space<hbm>>
    %dma_wait3A_129 = arith.constant 0 : i32
    %dma_wait3A_130 = tpu.memref_slice %arg2[%add3A_51, %dma_wait3A_129] : memref<4096x1000xf32, #tpu.memory_space<hbm>> -> memref<16x1000xf32, #tpu.memory_space<hbm>>
    tpu.wait_dma2 semaphore(%arg11 : memref<!tpu.dma_semaphore, #tpu.memory_space<semaphore_mem>>) src(%dma_wait3A_130 : memref<16x1000xf32, #tpu.memory_space<hbm>>) dst(%arg5 : memref<16x1000xf32, #tpu.memory_space<vmem>>)
    %add3A_131 = arith.constant 112 : i32
    %add3A_132 = arith.addi %mul3A_2, %add3A_131 : i32
    %dma_start3A_133 = arith.constant 0 : i32
    %dma_start3A_134 = tpu.memref_slice %arg2[%add3A_132, %dma_start3A_133] : memref<4096x1000xf32, #tpu.memory_space<hbm>> -> memref<16x1000xf32, #tpu.memory_space<hbm>>
    %dma_start3A_135 = arith.constant 0 : i32
    %dma_start3A_136 = tpu.memref_slice %arg2[%add3A_132, %dma_start3A_135] : memref<4096x1000xf32, #tpu.memory_space<hbm>> -> memref<16x1000xf32, #tpu.memory_space<hbm>>
    tpu.enqueue_dma source(%dma_start3A_136 : memref<16x1000xf32, #tpu.memory_space<hbm>>) target(%arg8 : memref<16x1000xf32, #tpu.memory_space<vmem>>) target_semaphore(%arg14 : memref<!tpu.dma_semaphore, #tpu.memory_space<semaphore_mem>>)
    %get3A_137 = arith.constant 64 : index
    %get3A_138 = tpu.vector_load %arg9[%get3A_137] {strides = array<i32>} : memref<128xi32, #tpu.memory_space<vmem>>, vector<16xi32>,
    %gather3A_139 = tpu.vector_load_idx %arg5[%iota3A, %get3A_138] : memref<16x1000xf32, #tpu.memory_space<vmem>>[vector<16xi32>, vector<16xi32>], vector<16xf32>,
    tpu.vector_store_idx %arg5[%iota3A, %get3A_138], %broadcast_in_dim3A_5 : memref<16x1000xf32, #tpu.memory_space<vmem>>[vector<16xi32>, vector<16xi32>], vector<16xf32>,
    %scan3A_140 = arith.constant 0 : i32
    %scan3A_141 = arith.constant 16 : i32
    %scan3A_142 = arith.addi %scan3A_140, %scan3A_141 : i32
    %scan3A_143 = arith.constant 1 : i32
    %scan3A_144 = scf.for %scan3A_218 = %scan3A_140 to %scan3A_142 step %scan3A_143 iter_args(%scan3A_219 = %broadcast_in_dim3A_5) -> (vector<16xf32>)  : i32 {
      %get3A_220 = arith.index_cast %scan3A_218 : i32 to index
      %get3A_221 = arith.constant 0 : index
      %get3A_222 = tpu.vector_load %arg5[%get3A_220, %get3A_221] {strides = array<i32>} : memref<16x1000xf32, #tpu.memory_space<vmem>>, vector<16xf32>,
      %get3A_223 = arith.index_cast %scan3A_218 : i32 to index
      %get3A_224 = arith.constant 16 : index
      %get3A_225 = tpu.vector_load %arg5[%get3A_223, %get3A_224] {strides = array<i32>} : memref<16x1000xf32, #tpu.memory_space<vmem>>, vector<16xf32>,
      %max3A_226 = arith.maximumf %get3A_222, %get3A_225 : vector<16xf32>
      %get3A_227 = arith.index_cast %scan3A_218 : i32 to index
      %get3A_228 = arith.constant 32 : index
      %get3A_229 = tpu.vector_load %arg5[%get3A_227, %get3A_228] {strides = array<i32>} : memref<16x1000xf32, #tpu.memory_space<vmem>>, vector<16xf32>,
      %max3A_230 = arith.maximumf %max3A_226, %get3A_229 : vector<16xf32>
      %get3A_231 = arith.index_cast %scan3A_218 : i32 to index
      %get3A_232 = arith.constant 48 : index
      %get3A_233 = tpu.vector_load %arg5[%get3A_231, %get3A_232] {strides = array<i32>} : memref<16x1000xf32, #tpu.memory_space<vmem>>, vector<16xf32>,
      %max3A_234 = arith.maximumf %max3A_230, %get3A_233 : vector<16xf32>
      %get3A_235 = arith.index_cast %scan3A_218 : i32 to index
      %get3A_236 = arith.constant 64 : index
      %get3A_237 = tpu.vector_load %arg5[%get3A_235, %get3A_236] {strides = array<i32>} : memref<16x1000xf32, #tpu.memory_space<vmem>>, vector<16xf32>,
      %max3A_238 = arith.maximumf %max3A_234, %get3A_237 : vector<16xf32>
      %get3A_239 = arith.index_cast %scan3A_218 : i32 to index
      %get3A_240 = arith.constant 80 : index
      %get3A_241 = tpu.vector_load %arg5[%get3A_239, %get3A_240] {strides = array<i32>} : memref<16x1000xf32, #tpu.memory_space<vmem>>, vector<16xf32>,
      %max3A_242 = arith.maximumf %max3A_238, %get3A_241 : vector<16xf32>
      %get3A_243 = arith.index_cast %scan3A_218 : i32 to index
      %get3A_244 = arith.constant 96 : index
      %get3A_245 = tpu.vector_load %arg5[%get3A_243, %get3A_244] {strides = array<i32>} : memref<16x1000xf32, #tpu.memory_space<vmem>>, vector<16xf32>,
      %max3A_246 = arith.maximumf %max3A_242, %get3A_245 : vector<16xf32>
      %get3A_247 = arith.index_cast %scan3A_218 : i32 to index
      %get3A_248 = arith.constant 112 : index
      %get3A_249 = tpu.vector_load %arg5[%get3A_247, %get3A_248] {strides = array<i32>} : memref<16x1000xf32, #tpu.memory_space<vmem>>, vector<16xf32>,
      %max3A_250 = arith.maximumf %max3A_246, %get3A_249 : vector<16xf32>
      %get3A_251 = arith.index_cast %scan3A_218 : i32 to index
      %get3A_252 = arith.constant 128 : index
      %get3A_253 = tpu.vector_load %arg5[%get3A_251, %get3A_252] {strides = array<i32>} : memref<16x1000xf32, #tpu.memory_space<vmem>>, vector<16xf32>,
      %max3A_254 = arith.maximumf %max3A_250, %get3A_253 : vector<16xf32>
      %get3A_255 = arith.index_cast %scan3A_218 : i32 to index
      %get3A_256 = arith.constant 144 : index
      %get3A_257 = tpu.vector_load %arg5[%get3A_255, %get3A_256] {strides = array<i32>} : memref<16x1000xf32, #tpu.memory_space<vmem>>, vector<16xf32>,
      %max3A_258 = arith.maximumf %max3A_254, %get3A_257 : vector<16xf32>
      %get3A_259 = arith.index_cast %scan3A_218 : i32 to index
      %get3A_260 = arith.constant 160 : index
      %get3A_261 = tpu.vector_load %arg5[%get3A_259, %get3A_260] {strides = array<i32>} : memref<16x1000xf32, #tpu.memory_space<vmem>>, vector<16xf32>,
      %max3A_262 = arith.maximumf %max3A_258, %get3A_261 : vector<16xf32>
      %get3A_263 = arith.index_cast %scan3A_218 : i32 to index
      %get3A_264 = arith.constant 176 : index
      %get3A_265 = tpu.vector_load %arg5[%get3A_263, %get3A_264] {strides = array<i32>} : memref<16x1000xf32, #tpu.memory_space<vmem>>, vector<16xf32>,
      %max3A_266 = arith.maximumf %max3A_262, %get3A_265 : vector<16xf32>
      %get3A_267 = arith.index_cast %scan3A_218 : i32 to index
      %get3A_268 = arith.constant 192 : index
      %get3A_269 = tpu.vector_load %arg5[%get3A_267, %get3A_268] {strides = array<i32>} : memref<16x1000xf32, #tpu.memory_space<vmem>>, vector<16xf32>,
      %max3A_270 = arith.maximumf %max3A_266, %get3A_269 : vector<16xf32>
      %get3A_271 = arith.index_cast %scan3A_218 : i32 to index
      %get3A_272 = arith.constant 208 : index
      %get3A_273 = tpu.vector_load %arg5[%get3A_271, %get3A_272] {strides = array<i32>} : memref<16x1000xf32, #tpu.memory_space<vmem>>, vector<16xf32>,
      %max3A_274 = arith.maximumf %max3A_270, %get3A_273 : vector<16xf32>
      %get3A_275 = arith.index_cast %scan3A_218 : i32 to index
      %get3A_276 = arith.constant 224 : index
      %get3A_277 = tpu.vector_load %arg5[%get3A_275, %get3A_276] {strides = array<i32>} : memref<16x1000xf32, #tpu.memory_space<vmem>>, vector<16xf32>,
      %max3A_278 = arith.maximumf %max3A_274, %get3A_277 : vector<16xf32>
      %get3A_279 = arith.index_cast %scan3A_218 : i32 to index
      %get3A_280 = arith.constant 240 : index
      %get3A_281 = tpu.vector_load %arg5[%get3A_279, %get3A_280] {strides = array<i32>} : memref<16x1000xf32, #tpu.memory_space<vmem>>, vector<16xf32>,
      %max3A_282 = arith.maximumf %max3A_278, %get3A_281 : vector<16xf32>
      %get3A_283 = arith.index_cast %scan3A_218 : i32 to index
      %get3A_284 = arith.constant 256 : index
      %get3A_285 = tpu.vector_load %arg5[%get3A_283, %get3A_284] {strides = array<i32>} : memref<16x1000xf32, #tpu.memory_space<vmem>>, vector<16xf32>,
      %max3A_286 = arith.maximumf %max3A_282, %get3A_285 : vector<16xf32>
      %get3A_287 = arith.index_cast %scan3A_218 : i32 to index
      %get3A_288 = arith.constant 272 : index
      %get3A_289 = tpu.vector_load %arg5[%get3A_287, %get3A_288] {strides = array<i32>} : memref<16x1000xf32, #tpu.memory_space<vmem>>, vector<16xf32>,
      %max3A_290 = arith.maximumf %max3A_286, %get3A_289 : vector<16xf32>
      %get3A_291 = arith.index_cast %scan3A_218 : i32 to index
      %get3A_292 = arith.constant 288 : index
      %get3A_293 = tpu.vector_load %arg5[%get3A_291, %get3A_292] {strides = array<i32>} : memref<16x1000xf32, #tpu.memory_space<vmem>>, vector<16xf32>,
      %max3A_294 = arith.maximumf %max3A_290, %get3A_293 : vector<16xf32>
      %get3A_295 = arith.index_cast %scan3A_218 : i32 to index
      %get3A_296 = arith.constant 304 : index
      %get3A_297 = tpu.vector_load %arg5[%get3A_295, %get3A_296] {strides = array<i32>} : memref<16x1000xf32, #tpu.memory_space<vmem>>, vector<16xf32>,
      %max3A_298 = arith.maximumf %max3A_294, %get3A_297 : vector<16xf32>
      %get3A_299 = arith.index_cast %scan3A_218 : i32 to index
      %get3A_300 = arith.constant 320 : index
      %get3A_301 = tpu.vector_load %arg5[%get3A_299, %get3A_300] {strides = array<i32>} : memref<16x1000xf32, #tpu.memory_space<vmem>>, vector<16xf32>,
      %max3A_302 = arith.maximumf %max3A_298, %get3A_301 : vector<16xf32>
      %get3A_303 = arith.index_cast %scan3A_218 : i32 to index
      %get3A_304 = arith.constant 336 : index
      %get3A_305 = tpu.vector_load %arg5[%get3A_303, %get3A_304] {strides = array<i32>} : memref<16x1000xf32, #tpu.memory_space<vmem>>, vector<16xf32>,
      %max3A_306 = arith.maximumf %max3A_302, %get3A_305 : vector<16xf32>
      %get3A_307 = arith.index_cast %scan3A_218 : i32 to index
      %get3A_308 = arith.constant 352 : index
      %get3A_309 = tpu.vector_load %arg5[%get3A_307, %get3A_308] {strides = array<i32>} : memref<16x1000xf32, #tpu.memory_space<vmem>>, vector<16xf32>,
      %max3A_310 = arith.maximumf %max3A_306, %get3A_309 : vector<16xf32>
      %get3A_311 = arith.index_cast %scan3A_218 : i32 to index
      %get3A_312 = arith.constant 368 : index
      %get3A_313 = tpu.vector_load %arg5[%get3A_311, %get3A_312] {strides = array<i32>} : memref<16x1000xf32, #tpu.memory_space<vmem>>, vector<16xf32>,
      %max3A_314 = arith.maximumf %max3A_310, %get3A_313 : vector<16xf32>
      %get3A_315 = arith.index_cast %scan3A_218 : i32 to index
      %get3A_316 = arith.constant 384 : index
      %get3A_317 = tpu.vector_load %arg5[%get3A_315, %get3A_316] {strides = array<i32>} : memref<16x1000xf32, #tpu.memory_space<vmem>>, vector<16xf32>,
      %max3A_318 = arith.maximumf %max3A_314, %get3A_317 : vector<16xf32>
      %get3A_319 = arith.index_cast %scan3A_218 : i32 to index
      %get3A_320 = arith.constant 400 : index
      %get3A_321 = tpu.vector_load %arg5[%get3A_319, %get3A_320] {strides = array<i32>} : memref<16x1000xf32, #tpu.memory_space<vmem>>, vector<16xf32>,
      %max3A_322 = arith.maximumf %max3A_318, %get3A_321 : vector<16xf32>
      %get3A_323 = arith.index_cast %scan3A_218 : i32 to index
      %get3A_324 = arith.constant 416 : index
      %get3A_325 = tpu.vector_load %arg5[%get3A_323, %get3A_324] {strides = array<i32>} : memref<16x1000xf32, #tpu.memory_space<vmem>>, vector<16xf32>,
      %max3A_326 = arith.maximumf %max3A_322, %get3A_325 : vector<16xf32>
      %get3A_327 = arith.index_cast %scan3A_218 : i32 to index
      %get3A_328 = arith.constant 432 : index
      %get3A_329 = tpu.vector_load %arg5[%get3A_327, %get3A_328] {strides = array<i32>} : memref<16x1000xf32, #tpu.memory_space<vmem>>, vector<16xf32>,
      %max3A_330 = arith.maximumf %max3A_326, %get3A_329 : vector<16xf32>
      %get3A_331 = arith.index_cast %scan3A_218 : i32 to index
      %get3A_332 = arith.constant 448 : index
      %get3A_333 = tpu.vector_load %arg5[%get3A_331, %get3A_332] {strides = array<i32>} : memref<16x1000xf32, #tpu.memory_space<vmem>>, vector<16xf32>,
      %max3A_334 = arith.maximumf %max3A_330, %get3A_333 : vector<16xf32>
      %get3A_335 = arith.index_cast %scan3A_218 : i32 to index
      %get3A_336 = arith.constant 464 : index
      %get3A_337 = tpu.vector_load %arg5[%get3A_335, %get3A_336] {strides = array<i32>} : memref<16x1000xf32, #tpu.memory_space<vmem>>, vector<16xf32>,
      %max3A_338 = arith.maximumf %max3A_334, %get3A_337 : vector<16xf32>
      %get3A_339 = arith.index_cast %scan3A_218 : i32 to index
      %get3A_340 = arith.constant 480 : index
      %get3A_341 = tpu.vector_load %arg5[%get3A_339, %get3A_340] {strides = array<i32>} : memref<16x1000xf32, #tpu.memory_space<vmem>>, vector<16xf32>,
      %max3A_342 = arith.maximumf %max3A_338, %get3A_341 : vector<16xf32>
      %get3A_343 = arith.index_cast %scan3A_218 : i32 to index
      %get3A_344 = arith.constant 496 : index
      %get3A_345 = tpu.vector_load %arg5[%get3A_343, %get3A_344] {strides = array<i32>} : memref<16x1000xf32, #tpu.memory_space<vmem>>, vector<16xf32>,
      %max3A_346 = arith.maximumf %max3A_342, %get3A_345 : vector<16xf32>
      %get3A_347 = arith.index_cast %scan3A_218 : i32 to index
      %get3A_348 = arith.constant 512 : index
      %get3A_349 = tpu.vector_load %arg5[%get3A_347, %get3A_348] {strides = array<i32>} : memref<16x1000xf32, #tpu.memory_space<vmem>>, vector<16xf32>,
      %max3A_350 = arith.maximumf %max3A_346, %get3A_349 : vector<16xf32>
      %get3A_351 = arith.index_cast %scan3A_218 : i32 to index
      %get3A_352 = arith.constant 528 : index
      %get3A_353 = tpu.vector_load %arg5[%get3A_351, %get3A_352] {strides = array<i32>} : memref<16x1000xf32, #tpu.memory_space<vmem>>, vector<16xf32>,
      %max3A_354 = arith.maximumf %max3A_350, %get3A_353 : vector<16xf32>
      %get3A_355 = arith.index_cast %scan3A_218 : i32 to index
      %get3A_356 = arith.constant 544 : index
      %get3A_357 = tpu.vector_load %arg5[%get3A_355, %get3A_356] {strides = array<i32>} : memref<16x1000xf32, #tpu.memory_space<vmem>>, vector<16xf32>,
      %max3A_358 = arith.maximumf %max3A_354, %get3A_357 : vector<16xf32>
      %get3A_359 = arith.index_cast %scan3A_218 : i32 to index
      %get3A_360 = arith.constant 560 : index
      %get3A_361 = tpu.vector_load %arg5[%get3A_359, %get3A_360] {strides = array<i32>} : memref<16x1000xf32, #tpu.memory_space<vmem>>, vector<16xf32>,
      %max3A_362 = arith.maximumf %max3A_358, %get3A_361 : vector<16xf32>
      %get3A_363 = arith.index_cast %scan3A_218 : i32 to index
      %get3A_364 = arith.constant 576 : index
      %get3A_365 = tpu.vector_load %arg5[%get3A_363, %get3A_364] {strides = array<i32>} : memref<16x1000xf32, #tpu.memory_space<vmem>>, vector<16xf32>,
      %max3A_366 = arith.maximumf %max3A_362, %get3A_365 : vector<16xf32>
      %get3A_367 = arith.index_cast %scan3A_218 : i32 to index
      %get3A_368 = arith.constant 592 : index
      %get3A_369 = tpu.vector_load %arg5[%get3A_367, %get3A_368] {strides = array<i32>} : memref<16x1000xf32, #tpu.memory_space<vmem>>, vector<16xf32>,
      %max3A_370 = arith.maximumf %max3A_366, %get3A_369 : vector<16xf32>
      %get3A_371 = arith.index_cast %scan3A_218 : i32 to index
      %get3A_372 = arith.constant 608 : index
      %get3A_373 = tpu.vector_load %arg5[%get3A_371, %get3A_372] {strides = array<i32>} : memref<16x1000xf32, #tpu.memory_space<vmem>>, vector<16xf32>,
      %max3A_374 = arith.maximumf %max3A_370, %get3A_373 : vector<16xf32>
      %get3A_375 = arith.index_cast %scan3A_218 : i32 to index
      %get3A_376 = arith.constant 624 : index
      %get3A_377 = tpu.vector_load %arg5[%get3A_375, %get3A_376] {strides = array<i32>} : memref<16x1000xf32, #tpu.memory_space<vmem>>, vector<16xf32>,
      %max3A_378 = arith.maximumf %max3A_374, %get3A_377 : vector<16xf32>
      %get3A_379 = arith.index_cast %scan3A_218 : i32 to index
      %get3A_380 = arith.constant 640 : index
      %get3A_381 = tpu.vector_load %arg5[%get3A_379, %get3A_380] {strides = array<i32>} : memref<16x1000xf32, #tpu.memory_space<vmem>>, vector<16xf32>,
      %max3A_382 = arith.maximumf %max3A_378, %get3A_381 : vector<16xf32>
      %get3A_383 = arith.index_cast %scan3A_218 : i32 to index
      %get3A_384 = arith.constant 656 : index
      %get3A_385 = tpu.vector_load %arg5[%get3A_383, %get3A_384] {strides = array<i32>} : memref<16x1000xf32, #tpu.memory_space<vmem>>, vector<16xf32>,
      %max3A_386 = arith.maximumf %max3A_382, %get3A_385 : vector<16xf32>
      %get3A_387 = arith.index_cast %scan3A_218 : i32 to index
      %get3A_388 = arith.constant 672 : index
      %get3A_389 = tpu.vector_load %arg5[%get3A_387, %get3A_388] {strides = array<i32>} : memref<16x1000xf32, #tpu.memory_space<vmem>>, vector<16xf32>,
      %max3A_390 = arith.maximumf %max3A_386, %get3A_389 : vector<16xf32>
      %get3A_391 = arith.index_cast %scan3A_218 : i32 to index
      %get3A_392 = arith.constant 688 : index
      %get3A_393 = tpu.vector_load %arg5[%get3A_391, %get3A_392] {strides = array<i32>} : memref<16x1000xf32, #tpu.memory_space<vmem>>, vector<16xf32>,
      %max3A_394 = arith.maximumf %max3A_390, %get3A_393 : vector<16xf32>
      %get3A_395 = arith.index_cast %scan3A_218 : i32 to index
      %get3A_396 = arith.constant 704 : index
      %get3A_397 = tpu.vector_load %arg5[%get3A_395, %get3A_396] {strides = array<i32>} : memref<16x1000xf32, #tpu.memory_space<vmem>>, vector<16xf32>,
      %max3A_398 = arith.maximumf %max3A_394, %get3A_397 : vector<16xf32>
      %get3A_399 = arith.index_cast %scan3A_218 : i32 to index
      %get3A_400 = arith.constant 720 : index
      %get3A_401 = tpu.vector_load %arg5[%get3A_399, %get3A_400] {strides = array<i32>} : memref<16x1000xf32, #tpu.memory_space<vmem>>, vector<16xf32>,
      %max3A_402 = arith.maximumf %max3A_398, %get3A_401 : vector<16xf32>
      %get3A_403 = arith.index_cast %scan3A_218 : i32 to index
      %get3A_404 = arith.constant 736 : index
      %get3A_405 = tpu.vector_load %arg5[%get3A_403, %get3A_404] {strides = array<i32>} : memref<16x1000xf32, #tpu.memory_space<vmem>>, vector<16xf32>,
      %max3A_406 = arith.maximumf %max3A_402, %get3A_405 : vector<16xf32>
      %get3A_407 = arith.index_cast %scan3A_218 : i32 to index
      %get3A_408 = arith.constant 752 : index
      %get3A_409 = tpu.vector_load %arg5[%get3A_407, %get3A_408] {strides = array<i32>} : memref<16x1000xf32, #tpu.memory_space<vmem>>, vector<16xf32>,
      %max3A_410 = arith.maximumf %max3A_406, %get3A_409 : vector<16xf32>
      %get3A_411 = arith.index_cast %scan3A_218 : i32 to index
      %get3A_412 = arith.constant 768 : index
      %get3A_413 = tpu.vector_load %arg5[%get3A_411, %get3A_412] {strides = array<i32>} : memref<16x1000xf32, #tpu.memory_space<vmem>>, vector<16xf32>,
      %max3A_414 = arith.maximumf %max3A_410, %get3A_413 : vector<16xf32>
      %get3A_415 = arith.index_cast %scan3A_218 : i32 to index
      %get3A_416 = arith.constant 784 : index
      %get3A_417 = tpu.vector_load %arg5[%get3A_415, %get3A_416] {strides = array<i32>} : memref<16x1000xf32, #tpu.memory_space<vmem>>, vector<16xf32>,
      %max3A_418 = arith.maximumf %max3A_414, %get3A_417 : vector<16xf32>
      %get3A_419 = arith.index_cast %scan3A_218 : i32 to index
      %get3A_420 = arith.constant 800 : index
      %get3A_421 = tpu.vector_load %arg5[%get3A_419, %get3A_420] {strides = array<i32>} : memref<16x1000xf32, #tpu.memory_space<vmem>>, vector<16xf32>,
      %max3A_422 = arith.maximumf %max3A_418, %get3A_421 : vector<16xf32>
      %get3A_423 = arith.index_cast %scan3A_218 : i32 to index
      %get3A_424 = arith.constant 816 : index
      %get3A_425 = tpu.vector_load %arg5[%get3A_423, %get3A_424] {strides = array<i32>} : memref<16x1000xf32, #tpu.memory_space<vmem>>, vector<16xf32>,
      %max3A_426 = arith.maximumf %max3A_422, %get3A_425 : vector<16xf32>
      %get3A_427 = arith.index_cast %scan3A_218 : i32 to index
      %get3A_428 = arith.constant 832 : index
      %get3A_429 = tpu.vector_load %arg5[%get3A_427, %get3A_428] {strides = array<i32>} : memref<16x1000xf32, #tpu.memory_space<vmem>>, vector<16xf32>,
      %max3A_430 = arith.maximumf %max3A_426, %get3A_429 : vector<16xf32>
      %get3A_431 = arith.index_cast %scan3A_218 : i32 to index
      %get3A_432 = arith.constant 848 : index
      %get3A_433 = tpu.vector_load %arg5[%get3A_431, %get3A_432] {strides = array<i32>} : memref<16x1000xf32, #tpu.memory_space<vmem>>, vector<16xf32>,
      %max3A_434 = arith.maximumf %max3A_430, %get3A_433 : vector<16xf32>
      %get3A_435 = arith.index_cast %scan3A_218 : i32 to index
      %get3A_436 = arith.constant 864 : index
      %get3A_437 = tpu.vector_load %arg5[%get3A_435, %get3A_436] {strides = array<i32>} : memref<16x1000xf32, #tpu.memory_space<vmem>>, vector<16xf32>,
      %max3A_438 = arith.maximumf %max3A_434, %get3A_437 : vector<16xf32>
      %get3A_439 = arith.index_cast %scan3A_218 : i32 to index
      %get3A_440 = arith.constant 880 : index
      %get3A_441 = tpu.vector_load %arg5[%get3A_439, %get3A_440] {strides = array<i32>} : memref<16x1000xf32, #tpu.memory_space<vmem>>, vector<16xf32>,
      %max3A_442 = arith.maximumf %max3A_438, %get3A_441 : vector<16xf32>
      %get3A_443 = arith.index_cast %scan3A_218 : i32 to index
      %get3A_444 = arith.constant 896 : index
      %get3A_445 = tpu.vector_load %arg5[%get3A_443, %get3A_444] {strides = array<i32>} : memref<16x1000xf32, #tpu.memory_space<vmem>>, vector<16xf32>,
      %max3A_446 = arith.maximumf %max3A_442, %get3A_445 : vector<16xf32>
      %get3A_447 = arith.index_cast %scan3A_218 : i32 to index
      %get3A_448 = arith.constant 912 : index
      %get3A_449 = tpu.vector_load %arg5[%get3A_447, %get3A_448] {strides = array<i32>} : memref<16x1000xf32, #tpu.memory_space<vmem>>, vector<16xf32>,
      %max3A_450 = arith.maximumf %max3A_446, %get3A_449 : vector<16xf32>
      %get3A_451 = arith.index_cast %scan3A_218 : i32 to index
      %get3A_452 = arith.constant 928 : index
      %get3A_453 = tpu.vector_load %arg5[%get3A_451, %get3A_452] {strides = array<i32>} : memref<16x1000xf32, #tpu.memory_space<vmem>>, vector<16xf32>,
      %max3A_454 = arith.maximumf %max3A_450, %get3A_453 : vector<16xf32>
      %get3A_455 = arith.index_cast %scan3A_218 : i32 to index
      %get3A_456 = arith.constant 944 : index
      %get3A_457 = tpu.vector_load %arg5[%get3A_455, %get3A_456] {strides = array<i32>} : memref<16x1000xf32, #tpu.memory_space<vmem>>, vector<16xf32>,
      %max3A_458 = arith.maximumf %max3A_454, %get3A_457 : vector<16xf32>
      %get3A_459 = arith.index_cast %scan3A_218 : i32 to index
      %get3A_460 = arith.constant 960 : index
      %get3A_461 = tpu.vector_load %arg5[%get3A_459, %get3A_460] {strides = array<i32>} : memref<16x1000xf32, #tpu.memory_space<vmem>>, vector<16xf32>,
      %max3A_462 = arith.maximumf %max3A_458, %get3A_461 : vector<16xf32>
      %get3A_463 = arith.index_cast %scan3A_218 : i32 to index
      %get3A_464 = arith.constant 976 : index
      %get3A_465 = tpu.vector_load %arg5[%get3A_463, %get3A_464] {strides = array<i32>} : memref<16x1000xf32, #tpu.memory_space<vmem>>, vector<16xf32>,
      %max3A_466 = arith.maximumf %max3A_462, %get3A_465 : vector<16xf32>
      %get3A_467 = arith.index_cast %scan3A_218 : i32 to index
      %get3A_468 = arith.constant 984 : index
      %get3A_469 = tpu.vector_load %arg5[%get3A_467, %get3A_468] {strides = array<i32>} : memref<16x1000xf32, #tpu.memory_space<vmem>>, vector<16xf32>,
      %max3A_470 = arith.maximumf %max3A_466, %get3A_469 : vector<16xf32>
      %reduce_max3A = arith.constant true
      %reduce_max3A_471 = vector.broadcast %reduce_max3A : i1 to vector<16xi1>
      %reduce_max3A_472 = tpu.scan <max>, %max3A_470 masked %reduce_max3A_471 : vector<16xf32>, vector<16xi1> -> vector<16xf32>
      %reduce_max3A_473 = vector.extract %reduce_max3A_472[15] : f32 from vector<16xf32>
      %eq3A = vector.broadcast %scan3A_218 : i32 to vector<16xi32>
      %eq3A_474 = arith.cmpi eq, %iota3A, %eq3A : vector<16xi32>
      %broadcast_in_dim3A_475 = vector.broadcast %reduce_max3A_473 : f32 to vector<16xf32>
      %select_n3A = arith.select %eq3A_474, %broadcast_in_dim3A_475, %scan3A_219 : vector<16xi1>, vector<16xf32>
      scf.yield %select_n3A : vector<16xf32>
    }
    %scan3A_145 = arith.constant 16 : i32
    %sub3A_146 = arith.constant 1.000000e+00 : f32
    %sub3A_147 = vector.broadcast %sub3A_146 : f32 to vector<16xf32>
    %sub3A_148 = arith.subf %sub3A_147, %gather3A_139 : vector<16xf32>
    %add3A_149 = arith.addf %sub3A_148, %scan3A_144 : vector<16xf32>
    %max3A_150 = arith.constant 0.000000e+00 : f32
    %max3A_151 = vector.broadcast %max3A_150 : f32 to vector<16xf32>
    %max3A_152 = arith.maximumf %max3A_151, %add3A_149 : vector<16xf32>
    %add3A_153 = arith.addf %add3A_126, %max3A_152 : vector<16xf32>
    %dma_wait3A_154 = arith.constant 0 : i32
    %dma_wait3A_155 = tpu.memref_slice %arg2[%add3A_78, %dma_wait3A_154] : memref<4096x1000xf32, #tpu.memory_space<hbm>> -> memref<16x1000xf32, #tpu.memory_space<hbm>>
    %dma_wait3A_156 = arith.constant 0 : i32
    %dma_wait3A_157 = tpu.memref_slice %arg2[%add3A_78, %dma_wait3A_156] : memref<4096x1000xf32, #tpu.memory_space<hbm>> -> memref<16x1000xf32, #tpu.memory_space<hbm>>
    tpu.wait_dma2 semaphore(%arg12 : memref<!tpu.dma_semaphore, #tpu.memory_space<semaphore_mem>>) src(%dma_wait3A_157 : memref<16x1000xf32, #tpu.memory_space<hbm>>) dst(%arg6 : memref<16x1000xf32, #tpu.memory_space<vmem>>)
    %get3A_158 = arith.constant 80 : index
    %get3A_159 = tpu.vector_load %arg9[%get3A_158] {strides = array<i32>} : memref<128xi32, #tpu.memory_space<vmem>>, vector<16xi32>,
    %gather3A_160 = tpu.vector_load_idx %arg6[%iota3A, %get3A_159] : memref<16x1000xf32, #tpu.memory_space<vmem>>[vector<16xi32>, vector<16xi32>], vector<16xf32>,
    tpu.vector_store_idx %arg6[%iota3A, %get3A_159], %broadcast_in_dim3A_5 : memref<16x1000xf32, #tpu.memory_space<vmem>>[vector<16xi32>, vector<16xi32>], vector<16xf32>,
    %scan3A_161 = arith.constant 0 : i32
    %scan3A_162 = arith.constant 16 : i32
    %scan3A_163 = arith.addi %scan3A_161, %scan3A_162 : i32
    %scan3A_164 = arith.constant 1 : i32
    %scan3A_165 = scf.for %scan3A_218 = %scan3A_161 to %scan3A_163 step %scan3A_164 iter_args(%scan3A_219 = %broadcast_in_dim3A_5) -> (vector<16xf32>)  : i32 {
      %get3A_220 = arith.index_cast %scan3A_218 : i32 to index
      %get3A_221 = arith.constant 0 : index
      %get3A_222 = tpu.vector_load %arg6[%get3A_220, %get3A_221] {strides = array<i32>} : memref<16x1000xf32, #tpu.memory_space<vmem>>, vector<16xf32>,
      %get3A_223 = arith.index_cast %scan3A_218 : i32 to index
      %get3A_224 = arith.constant 16 : index
      %get3A_225 = tpu.vector_load %arg6[%get3A_223, %get3A_224] {strides = array<i32>} : memref<16x1000xf32, #tpu.memory_space<vmem>>, vector<16xf32>,
      %max3A_226 = arith.maximumf %get3A_222, %get3A_225 : vector<16xf32>
      %get3A_227 = arith.index_cast %scan3A_218 : i32 to index
      %get3A_228 = arith.constant 32 : index
      %get3A_229 = tpu.vector_load %arg6[%get3A_227, %get3A_228] {strides = array<i32>} : memref<16x1000xf32, #tpu.memory_space<vmem>>, vector<16xf32>,
      %max3A_230 = arith.maximumf %max3A_226, %get3A_229 : vector<16xf32>
      %get3A_231 = arith.index_cast %scan3A_218 : i32 to index
      %get3A_232 = arith.constant 48 : index
      %get3A_233 = tpu.vector_load %arg6[%get3A_231, %get3A_232] {strides = array<i32>} : memref<16x1000xf32, #tpu.memory_space<vmem>>, vector<16xf32>,
      %max3A_234 = arith.maximumf %max3A_230, %get3A_233 : vector<16xf32>
      %get3A_235 = arith.index_cast %scan3A_218 : i32 to index
      %get3A_236 = arith.constant 64 : index
      %get3A_237 = tpu.vector_load %arg6[%get3A_235, %get3A_236] {strides = array<i32>} : memref<16x1000xf32, #tpu.memory_space<vmem>>, vector<16xf32>,
      %max3A_238 = arith.maximumf %max3A_234, %get3A_237 : vector<16xf32>
      %get3A_239 = arith.index_cast %scan3A_218 : i32 to index
      %get3A_240 = arith.constant 80 : index
      %get3A_241 = tpu.vector_load %arg6[%get3A_239, %get3A_240] {strides = array<i32>} : memref<16x1000xf32, #tpu.memory_space<vmem>>, vector<16xf32>,
      %max3A_242 = arith.maximumf %max3A_238, %get3A_241 : vector<16xf32>
      %get3A_243 = arith.index_cast %scan3A_218 : i32 to index
      %get3A_244 = arith.constant 96 : index
      %get3A_245 = tpu.vector_load %arg6[%get3A_243, %get3A_244] {strides = array<i32>} : memref<16x1000xf32, #tpu.memory_space<vmem>>, vector<16xf32>,
      %max3A_246 = arith.maximumf %max3A_242, %get3A_245 : vector<16xf32>
      %get3A_247 = arith.index_cast %scan3A_218 : i32 to index
      %get3A_248 = arith.constant 112 : index
      %get3A_249 = tpu.vector_load %arg6[%get3A_247, %get3A_248] {strides = array<i32>} : memref<16x1000xf32, #tpu.memory_space<vmem>>, vector<16xf32>,
      %max3A_250 = arith.maximumf %max3A_246, %get3A_249 : vector<16xf32>
      %get3A_251 = arith.index_cast %scan3A_218 : i32 to index
      %get3A_252 = arith.constant 128 : index
      %get3A_253 = tpu.vector_load %arg6[%get3A_251, %get3A_252] {strides = array<i32>} : memref<16x1000xf32, #tpu.memory_space<vmem>>, vector<16xf32>,
      %max3A_254 = arith.maximumf %max3A_250, %get3A_253 : vector<16xf32>
      %get3A_255 = arith.index_cast %scan3A_218 : i32 to index
      %get3A_256 = arith.constant 144 : index
      %get3A_257 = tpu.vector_load %arg6[%get3A_255, %get3A_256] {strides = array<i32>} : memref<16x1000xf32, #tpu.memory_space<vmem>>, vector<16xf32>,
      %max3A_258 = arith.maximumf %max3A_254, %get3A_257 : vector<16xf32>
      %get3A_259 = arith.index_cast %scan3A_218 : i32 to index
      %get3A_260 = arith.constant 160 : index
      %get3A_261 = tpu.vector_load %arg6[%get3A_259, %get3A_260] {strides = array<i32>} : memref<16x1000xf32, #tpu.memory_space<vmem>>, vector<16xf32>,
      %max3A_262 = arith.maximumf %max3A_258, %get3A_261 : vector<16xf32>
      %get3A_263 = arith.index_cast %scan3A_218 : i32 to index
      %get3A_264 = arith.constant 176 : index
      %get3A_265 = tpu.vector_load %arg6[%get3A_263, %get3A_264] {strides = array<i32>} : memref<16x1000xf32, #tpu.memory_space<vmem>>, vector<16xf32>,
      %max3A_266 = arith.maximumf %max3A_262, %get3A_265 : vector<16xf32>
      %get3A_267 = arith.index_cast %scan3A_218 : i32 to index
      %get3A_268 = arith.constant 192 : index
      %get3A_269 = tpu.vector_load %arg6[%get3A_267, %get3A_268] {strides = array<i32>} : memref<16x1000xf32, #tpu.memory_space<vmem>>, vector<16xf32>,
      %max3A_270 = arith.maximumf %max3A_266, %get3A_269 : vector<16xf32>
      %get3A_271 = arith.index_cast %scan3A_218 : i32 to index
      %get3A_272 = arith.constant 208 : index
      %get3A_273 = tpu.vector_load %arg6[%get3A_271, %get3A_272] {strides = array<i32>} : memref<16x1000xf32, #tpu.memory_space<vmem>>, vector<16xf32>,
      %max3A_274 = arith.maximumf %max3A_270, %get3A_273 : vector<16xf32>
      %get3A_275 = arith.index_cast %scan3A_218 : i32 to index
      %get3A_276 = arith.constant 224 : index
      %get3A_277 = tpu.vector_load %arg6[%get3A_275, %get3A_276] {strides = array<i32>} : memref<16x1000xf32, #tpu.memory_space<vmem>>, vector<16xf32>,
      %max3A_278 = arith.maximumf %max3A_274, %get3A_277 : vector<16xf32>
      %get3A_279 = arith.index_cast %scan3A_218 : i32 to index
      %get3A_280 = arith.constant 240 : index
      %get3A_281 = tpu.vector_load %arg6[%get3A_279, %get3A_280] {strides = array<i32>} : memref<16x1000xf32, #tpu.memory_space<vmem>>, vector<16xf32>,
      %max3A_282 = arith.maximumf %max3A_278, %get3A_281 : vector<16xf32>
      %get3A_283 = arith.index_cast %scan3A_218 : i32 to index
      %get3A_284 = arith.constant 256 : index
      %get3A_285 = tpu.vector_load %arg6[%get3A_283, %get3A_284] {strides = array<i32>} : memref<16x1000xf32, #tpu.memory_space<vmem>>, vector<16xf32>,
      %max3A_286 = arith.maximumf %max3A_282, %get3A_285 : vector<16xf32>
      %get3A_287 = arith.index_cast %scan3A_218 : i32 to index
      %get3A_288 = arith.constant 272 : index
      %get3A_289 = tpu.vector_load %arg6[%get3A_287, %get3A_288] {strides = array<i32>} : memref<16x1000xf32, #tpu.memory_space<vmem>>, vector<16xf32>,
      %max3A_290 = arith.maximumf %max3A_286, %get3A_289 : vector<16xf32>
      %get3A_291 = arith.index_cast %scan3A_218 : i32 to index
      %get3A_292 = arith.constant 288 : index
      %get3A_293 = tpu.vector_load %arg6[%get3A_291, %get3A_292] {strides = array<i32>} : memref<16x1000xf32, #tpu.memory_space<vmem>>, vector<16xf32>,
      %max3A_294 = arith.maximumf %max3A_290, %get3A_293 : vector<16xf32>
      %get3A_295 = arith.index_cast %scan3A_218 : i32 to index
      %get3A_296 = arith.constant 304 : index
      %get3A_297 = tpu.vector_load %arg6[%get3A_295, %get3A_296] {strides = array<i32>} : memref<16x1000xf32, #tpu.memory_space<vmem>>, vector<16xf32>,
      %max3A_298 = arith.maximumf %max3A_294, %get3A_297 : vector<16xf32>
      %get3A_299 = arith.index_cast %scan3A_218 : i32 to index
      %get3A_300 = arith.constant 320 : index
      %get3A_301 = tpu.vector_load %arg6[%get3A_299, %get3A_300] {strides = array<i32>} : memref<16x1000xf32, #tpu.memory_space<vmem>>, vector<16xf32>,
      %max3A_302 = arith.maximumf %max3A_298, %get3A_301 : vector<16xf32>
      %get3A_303 = arith.index_cast %scan3A_218 : i32 to index
      %get3A_304 = arith.constant 336 : index
      %get3A_305 = tpu.vector_load %arg6[%get3A_303, %get3A_304] {strides = array<i32>} : memref<16x1000xf32, #tpu.memory_space<vmem>>, vector<16xf32>,
      %max3A_306 = arith.maximumf %max3A_302, %get3A_305 : vector<16xf32>
      %get3A_307 = arith.index_cast %scan3A_218 : i32 to index
      %get3A_308 = arith.constant 352 : index
      %get3A_309 = tpu.vector_load %arg6[%get3A_307, %get3A_308] {strides = array<i32>} : memref<16x1000xf32, #tpu.memory_space<vmem>>, vector<16xf32>,
      %max3A_310 = arith.maximumf %max3A_306, %get3A_309 : vector<16xf32>
      %get3A_311 = arith.index_cast %scan3A_218 : i32 to index
      %get3A_312 = arith.constant 368 : index
      %get3A_313 = tpu.vector_load %arg6[%get3A_311, %get3A_312] {strides = array<i32>} : memref<16x1000xf32, #tpu.memory_space<vmem>>, vector<16xf32>,
      %max3A_314 = arith.maximumf %max3A_310, %get3A_313 : vector<16xf32>
      %get3A_315 = arith.index_cast %scan3A_218 : i32 to index
      %get3A_316 = arith.constant 384 : index
      %get3A_317 = tpu.vector_load %arg6[%get3A_315, %get3A_316] {strides = array<i32>} : memref<16x1000xf32, #tpu.memory_space<vmem>>, vector<16xf32>,
      %max3A_318 = arith.maximumf %max3A_314, %get3A_317 : vector<16xf32>
      %get3A_319 = arith.index_cast %scan3A_218 : i32 to index
      %get3A_320 = arith.constant 400 : index
      %get3A_321 = tpu.vector_load %arg6[%get3A_319, %get3A_320] {strides = array<i32>} : memref<16x1000xf32, #tpu.memory_space<vmem>>, vector<16xf32>,
      %max3A_322 = arith.maximumf %max3A_318, %get3A_321 : vector<16xf32>
      %get3A_323 = arith.index_cast %scan3A_218 : i32 to index
      %get3A_324 = arith.constant 416 : index
      %get3A_325 = tpu.vector_load %arg6[%get3A_323, %get3A_324] {strides = array<i32>} : memref<16x1000xf32, #tpu.memory_space<vmem>>, vector<16xf32>,
      %max3A_326 = arith.maximumf %max3A_322, %get3A_325 : vector<16xf32>
      %get3A_327 = arith.index_cast %scan3A_218 : i32 to index
      %get3A_328 = arith.constant 432 : index
      %get3A_329 = tpu.vector_load %arg6[%get3A_327, %get3A_328] {strides = array<i32>} : memref<16x1000xf32, #tpu.memory_space<vmem>>, vector<16xf32>,
      %max3A_330 = arith.maximumf %max3A_326, %get3A_329 : vector<16xf32>
      %get3A_331 = arith.index_cast %scan3A_218 : i32 to index
      %get3A_332 = arith.constant 448 : index
      %get3A_333 = tpu.vector_load %arg6[%get3A_331, %get3A_332] {strides = array<i32>} : memref<16x1000xf32, #tpu.memory_space<vmem>>, vector<16xf32>,
      %max3A_334 = arith.maximumf %max3A_330, %get3A_333 : vector<16xf32>
      %get3A_335 = arith.index_cast %scan3A_218 : i32 to index
      %get3A_336 = arith.constant 464 : index
      %get3A_337 = tpu.vector_load %arg6[%get3A_335, %get3A_336] {strides = array<i32>} : memref<16x1000xf32, #tpu.memory_space<vmem>>, vector<16xf32>,
      %max3A_338 = arith.maximumf %max3A_334, %get3A_337 : vector<16xf32>
      %get3A_339 = arith.index_cast %scan3A_218 : i32 to index
      %get3A_340 = arith.constant 480 : index
      %get3A_341 = tpu.vector_load %arg6[%get3A_339, %get3A_340] {strides = array<i32>} : memref<16x1000xf32, #tpu.memory_space<vmem>>, vector<16xf32>,
      %max3A_342 = arith.maximumf %max3A_338, %get3A_341 : vector<16xf32>
      %get3A_343 = arith.index_cast %scan3A_218 : i32 to index
      %get3A_344 = arith.constant 496 : index
      %get3A_345 = tpu.vector_load %arg6[%get3A_343, %get3A_344] {strides = array<i32>} : memref<16x1000xf32, #tpu.memory_space<vmem>>, vector<16xf32>,
      %max3A_346 = arith.maximumf %max3A_342, %get3A_345 : vector<16xf32>
      %get3A_347 = arith.index_cast %scan3A_218 : i32 to index
      %get3A_348 = arith.constant 512 : index
      %get3A_349 = tpu.vector_load %arg6[%get3A_347, %get3A_348] {strides = array<i32>} : memref<16x1000xf32, #tpu.memory_space<vmem>>, vector<16xf32>,
      %max3A_350 = arith.maximumf %max3A_346, %get3A_349 : vector<16xf32>
      %get3A_351 = arith.index_cast %scan3A_218 : i32 to index
      %get3A_352 = arith.constant 528 : index
      %get3A_353 = tpu.vector_load %arg6[%get3A_351, %get3A_352] {strides = array<i32>} : memref<16x1000xf32, #tpu.memory_space<vmem>>, vector<16xf32>,
      %max3A_354 = arith.maximumf %max3A_350, %get3A_353 : vector<16xf32>
      %get3A_355 = arith.index_cast %scan3A_218 : i32 to index
      %get3A_356 = arith.constant 544 : index
      %get3A_357 = tpu.vector_load %arg6[%get3A_355, %get3A_356] {strides = array<i32>} : memref<16x1000xf32, #tpu.memory_space<vmem>>, vector<16xf32>,
      %max3A_358 = arith.maximumf %max3A_354, %get3A_357 : vector<16xf32>
      %get3A_359 = arith.index_cast %scan3A_218 : i32 to index
      %get3A_360 = arith.constant 560 : index
      %get3A_361 = tpu.vector_load %arg6[%get3A_359, %get3A_360] {strides = array<i32>} : memref<16x1000xf32, #tpu.memory_space<vmem>>, vector<16xf32>,
      %max3A_362 = arith.maximumf %max3A_358, %get3A_361 : vector<16xf32>
      %get3A_363 = arith.index_cast %scan3A_218 : i32 to index
      %get3A_364 = arith.constant 576 : index
      %get3A_365 = tpu.vector_load %arg6[%get3A_363, %get3A_364] {strides = array<i32>} : memref<16x1000xf32, #tpu.memory_space<vmem>>, vector<16xf32>,
      %max3A_366 = arith.maximumf %max3A_362, %get3A_365 : vector<16xf32>
      %get3A_367 = arith.index_cast %scan3A_218 : i32 to index
      %get3A_368 = arith.constant 592 : index
      %get3A_369 = tpu.vector_load %arg6[%get3A_367, %get3A_368] {strides = array<i32>} : memref<16x1000xf32, #tpu.memory_space<vmem>>, vector<16xf32>,
      %max3A_370 = arith.maximumf %max3A_366, %get3A_369 : vector<16xf32>
      %get3A_371 = arith.index_cast %scan3A_218 : i32 to index
      %get3A_372 = arith.constant 608 : index
      %get3A_373 = tpu.vector_load %arg6[%get3A_371, %get3A_372] {strides = array<i32>} : memref<16x1000xf32, #tpu.memory_space<vmem>>, vector<16xf32>,
      %max3A_374 = arith.maximumf %max3A_370, %get3A_373 : vector<16xf32>
      %get3A_375 = arith.index_cast %scan3A_218 : i32 to index
      %get3A_376 = arith.constant 624 : index
      %get3A_377 = tpu.vector_load %arg6[%get3A_375, %get3A_376] {strides = array<i32>} : memref<16x1000xf32, #tpu.memory_space<vmem>>, vector<16xf32>,
      %max3A_378 = arith.maximumf %max3A_374, %get3A_377 : vector<16xf32>
      %get3A_379 = arith.index_cast %scan3A_218 : i32 to index
      %get3A_380 = arith.constant 640 : index
      %get3A_381 = tpu.vector_load %arg6[%get3A_379, %get3A_380] {strides = array<i32>} : memref<16x1000xf32, #tpu.memory_space<vmem>>, vector<16xf32>,
      %max3A_382 = arith.maximumf %max3A_378, %get3A_381 : vector<16xf32>
      %get3A_383 = arith.index_cast %scan3A_218 : i32 to index
      %get3A_384 = arith.constant 656 : index
      %get3A_385 = tpu.vector_load %arg6[%get3A_383, %get3A_384] {strides = array<i32>} : memref<16x1000xf32, #tpu.memory_space<vmem>>, vector<16xf32>,
      %max3A_386 = arith.maximumf %max3A_382, %get3A_385 : vector<16xf32>
      %get3A_387 = arith.index_cast %scan3A_218 : i32 to index
      %get3A_388 = arith.constant 672 : index
      %get3A_389 = tpu.vector_load %arg6[%get3A_387, %get3A_388] {strides = array<i32>} : memref<16x1000xf32, #tpu.memory_space<vmem>>, vector<16xf32>,
      %max3A_390 = arith.maximumf %max3A_386, %get3A_389 : vector<16xf32>
      %get3A_391 = arith.index_cast %scan3A_218 : i32 to index
      %get3A_392 = arith.constant 688 : index
      %get3A_393 = tpu.vector_load %arg6[%get3A_391, %get3A_392] {strides = array<i32>} : memref<16x1000xf32, #tpu.memory_space<vmem>>, vector<16xf32>,
      %max3A_394 = arith.maximumf %max3A_390, %get3A_393 : vector<16xf32>
      %get3A_395 = arith.index_cast %scan3A_218 : i32 to index
      %get3A_396 = arith.constant 704 : index
      %get3A_397 = tpu.vector_load %arg6[%get3A_395, %get3A_396] {strides = array<i32>} : memref<16x1000xf32, #tpu.memory_space<vmem>>, vector<16xf32>,
      %max3A_398 = arith.maximumf %max3A_394, %get3A_397 : vector<16xf32>
      %get3A_399 = arith.index_cast %scan3A_218 : i32 to index
      %get3A_400 = arith.constant 720 : index
      %get3A_401 = tpu.vector_load %arg6[%get3A_399, %get3A_400] {strides = array<i32>} : memref<16x1000xf32, #tpu.memory_space<vmem>>, vector<16xf32>,
      %max3A_402 = arith.maximumf %max3A_398, %get3A_401 : vector<16xf32>
      %get3A_403 = arith.index_cast %scan3A_218 : i32 to index
      %get3A_404 = arith.constant 736 : index
      %get3A_405 = tpu.vector_load %arg6[%get3A_403, %get3A_404] {strides = array<i32>} : memref<16x1000xf32, #tpu.memory_space<vmem>>, vector<16xf32>,
      %max3A_406 = arith.maximumf %max3A_402, %get3A_405 : vector<16xf32>
      %get3A_407 = arith.index_cast %scan3A_218 : i32 to index
      %get3A_408 = arith.constant 752 : index
      %get3A_409 = tpu.vector_load %arg6[%get3A_407, %get3A_408] {strides = array<i32>} : memref<16x1000xf32, #tpu.memory_space<vmem>>, vector<16xf32>,
      %max3A_410 = arith.maximumf %max3A_406, %get3A_409 : vector<16xf32>
      %get3A_411 = arith.index_cast %scan3A_218 : i32 to index
      %get3A_412 = arith.constant 768 : index
      %get3A_413 = tpu.vector_load %arg6[%get3A_411, %get3A_412] {strides = array<i32>} : memref<16x1000xf32, #tpu.memory_space<vmem>>, vector<16xf32>,
      %max3A_414 = arith.maximumf %max3A_410, %get3A_413 : vector<16xf32>
      %get3A_415 = arith.index_cast %scan3A_218 : i32 to index
      %get3A_416 = arith.constant 784 : index
      %get3A_417 = tpu.vector_load %arg6[%get3A_415, %get3A_416] {strides = array<i32>} : memref<16x1000xf32, #tpu.memory_space<vmem>>, vector<16xf32>,
      %max3A_418 = arith.maximumf %max3A_414, %get3A_417 : vector<16xf32>
      %get3A_419 = arith.index_cast %scan3A_218 : i32 to index
      %get3A_420 = arith.constant 800 : index
      %get3A_421 = tpu.vector_load %arg6[%get3A_419, %get3A_420] {strides = array<i32>} : memref<16x1000xf32, #tpu.memory_space<vmem>>, vector<16xf32>,
      %max3A_422 = arith.maximumf %max3A_418, %get3A_421 : vector<16xf32>
      %get3A_423 = arith.index_cast %scan3A_218 : i32 to index
      %get3A_424 = arith.constant 816 : index
      %get3A_425 = tpu.vector_load %arg6[%get3A_423, %get3A_424] {strides = array<i32>} : memref<16x1000xf32, #tpu.memory_space<vmem>>, vector<16xf32>,
      %max3A_426 = arith.maximumf %max3A_422, %get3A_425 : vector<16xf32>
      %get3A_427 = arith.index_cast %scan3A_218 : i32 to index
      %get3A_428 = arith.constant 832 : index
      %get3A_429 = tpu.vector_load %arg6[%get3A_427, %get3A_428] {strides = array<i32>} : memref<16x1000xf32, #tpu.memory_space<vmem>>, vector<16xf32>,
      %max3A_430 = arith.maximumf %max3A_426, %get3A_429 : vector<16xf32>
      %get3A_431 = arith.index_cast %scan3A_218 : i32 to index
      %get3A_432 = arith.constant 848 : index
      %get3A_433 = tpu.vector_load %arg6[%get3A_431, %get3A_432] {strides = array<i32>} : memref<16x1000xf32, #tpu.memory_space<vmem>>, vector<16xf32>,
      %max3A_434 = arith.maximumf %max3A_430, %get3A_433 : vector<16xf32>
      %get3A_435 = arith.index_cast %scan3A_218 : i32 to index
      %get3A_436 = arith.constant 864 : index
      %get3A_437 = tpu.vector_load %arg6[%get3A_435, %get3A_436] {strides = array<i32>} : memref<16x1000xf32, #tpu.memory_space<vmem>>, vector<16xf32>,
      %max3A_438 = arith.maximumf %max3A_434, %get3A_437 : vector<16xf32>
      %get3A_439 = arith.index_cast %scan3A_218 : i32 to index
      %get3A_440 = arith.constant 880 : index
      %get3A_441 = tpu.vector_load %arg6[%get3A_439, %get3A_440] {strides = array<i32>} : memref<16x1000xf32, #tpu.memory_space<vmem>>, vector<16xf32>,
      %max3A_442 = arith.maximumf %max3A_438, %get3A_441 : vector<16xf32>
      %get3A_443 = arith.index_cast %scan3A_218 : i32 to index
      %get3A_444 = arith.constant 896 : index
      %get3A_445 = tpu.vector_load %arg6[%get3A_443, %get3A_444] {strides = array<i32>} : memref<16x1000xf32, #tpu.memory_space<vmem>>, vector<16xf32>,
      %max3A_446 = arith.maximumf %max3A_442, %get3A_445 : vector<16xf32>
      %get3A_447 = arith.index_cast %scan3A_218 : i32 to index
      %get3A_448 = arith.constant 912 : index
      %get3A_449 = tpu.vector_load %arg6[%get3A_447, %get3A_448] {strides = array<i32>} : memref<16x1000xf32, #tpu.memory_space<vmem>>, vector<16xf32>,
      %max3A_450 = arith.maximumf %max3A_446, %get3A_449 : vector<16xf32>
      %get3A_451 = arith.index_cast %scan3A_218 : i32 to index
      %get3A_452 = arith.constant 928 : index
      %get3A_453 = tpu.vector_load %arg6[%get3A_451, %get3A_452] {strides = array<i32>} : memref<16x1000xf32, #tpu.memory_space<vmem>>, vector<16xf32>,
      %max3A_454 = arith.maximumf %max3A_450, %get3A_453 : vector<16xf32>
      %get3A_455 = arith.index_cast %scan3A_218 : i32 to index
      %get3A_456 = arith.constant 944 : index
      %get3A_457 = tpu.vector_load %arg6[%get3A_455, %get3A_456] {strides = array<i32>} : memref<16x1000xf32, #tpu.memory_space<vmem>>, vector<16xf32>,
      %max3A_458 = arith.maximumf %max3A_454, %get3A_457 : vector<16xf32>
      %get3A_459 = arith.index_cast %scan3A_218 : i32 to index
      %get3A_460 = arith.constant 960 : index
      %get3A_461 = tpu.vector_load %arg6[%get3A_459, %get3A_460] {strides = array<i32>} : memref<16x1000xf32, #tpu.memory_space<vmem>>, vector<16xf32>,
      %max3A_462 = arith.maximumf %max3A_458, %get3A_461 : vector<16xf32>
      %get3A_463 = arith.index_cast %scan3A_218 : i32 to index
      %get3A_464 = arith.constant 976 : index
      %get3A_465 = tpu.vector_load %arg6[%get3A_463, %get3A_464] {strides = array<i32>} : memref<16x1000xf32, #tpu.memory_space<vmem>>, vector<16xf32>,
      %max3A_466 = arith.maximumf %max3A_462, %get3A_465 : vector<16xf32>
      %get3A_467 = arith.index_cast %scan3A_218 : i32 to index
      %get3A_468 = arith.constant 984 : index
      %get3A_469 = tpu.vector_load %arg6[%get3A_467, %get3A_468] {strides = array<i32>} : memref<16x1000xf32, #tpu.memory_space<vmem>>, vector<16xf32>,
      %max3A_470 = arith.maximumf %max3A_466, %get3A_469 : vector<16xf32>
      %reduce_max3A = arith.constant true
      %reduce_max3A_471 = vector.broadcast %reduce_max3A : i1 to vector<16xi1>
      %reduce_max3A_472 = tpu.scan <max>, %max3A_470 masked %reduce_max3A_471 : vector<16xf32>, vector<16xi1> -> vector<16xf32>
      %reduce_max3A_473 = vector.extract %reduce_max3A_472[15] : f32 from vector<16xf32>
      %eq3A = vector.broadcast %scan3A_218 : i32 to vector<16xi32>
      %eq3A_474 = arith.cmpi eq, %iota3A, %eq3A : vector<16xi32>
      %broadcast_in_dim3A_475 = vector.broadcast %reduce_max3A_473 : f32 to vector<16xf32>
      %select_n3A = arith.select %eq3A_474, %broadcast_in_dim3A_475, %scan3A_219 : vector<16xi1>, vector<16xf32>
      scf.yield %select_n3A : vector<16xf32>
    }
    %scan3A_166 = arith.constant 16 : i32
    %sub3A_167 = arith.constant 1.000000e+00 : f32
    %sub3A_168 = vector.broadcast %sub3A_167 : f32 to vector<16xf32>
    %sub3A_169 = arith.subf %sub3A_168, %gather3A_160 : vector<16xf32>
    %add3A_170 = arith.addf %sub3A_169, %scan3A_165 : vector<16xf32>
    %max3A_171 = arith.constant 0.000000e+00 : f32
    %max3A_172 = vector.broadcast %max3A_171 : f32 to vector<16xf32>
    %max3A_173 = arith.maximumf %max3A_172, %add3A_170 : vector<16xf32>
    %add3A_174 = arith.addf %add3A_153, %max3A_173 : vector<16xf32>
    %dma_wait3A_175 = arith.constant 0 : i32
    %dma_wait3A_176 = tpu.memref_slice %arg2[%add3A_105, %dma_wait3A_175] : memref<4096x1000xf32, #tpu.memory_space<hbm>> -> memref<16x1000xf32, #tpu.memory_space<hbm>>
    %dma_wait3A_177 = arith.constant 0 : i32
    %dma_wait3A_178 = tpu.memref_slice %arg2[%add3A_105, %dma_wait3A_177] : memref<4096x1000xf32, #tpu.memory_space<hbm>> -> memref<16x1000xf32, #tpu.memory_space<hbm>>
    tpu.wait_dma2 semaphore(%arg13 : memref<!tpu.dma_semaphore, #tpu.memory_space<semaphore_mem>>) src(%dma_wait3A_178 : memref<16x1000xf32, #tpu.memory_space<hbm>>) dst(%arg7 : memref<16x1000xf32, #tpu.memory_space<vmem>>)
    %get3A_179 = arith.constant 96 : index
    %get3A_180 = tpu.vector_load %arg9[%get3A_179] {strides = array<i32>} : memref<128xi32, #tpu.memory_space<vmem>>, vector<16xi32>,
    %gather3A_181 = tpu.vector_load_idx %arg7[%iota3A, %get3A_180] : memref<16x1000xf32, #tpu.memory_space<vmem>>[vector<16xi32>, vector<16xi32>], vector<16xf32>,
    tpu.vector_store_idx %arg7[%iota3A, %get3A_180], %broadcast_in_dim3A_5 : memref<16x1000xf32, #tpu.memory_space<vmem>>[vector<16xi32>, vector<16xi32>], vector<16xf32>,
    %scan3A_182 = arith.constant 0 : i32
    %scan3A_183 = arith.constant 16 : i32
    %scan3A_184 = arith.addi %scan3A_182, %scan3A_183 : i32
    %scan3A_185 = arith.constant 1 : i32
    %scan3A_186 = scf.for %scan3A_218 = %scan3A_182 to %scan3A_184 step %scan3A_185 iter_args(%scan3A_219 = %broadcast_in_dim3A_5) -> (vector<16xf32>)  : i32 {
      %get3A_220 = arith.index_cast %scan3A_218 : i32 to index
      %get3A_221 = arith.constant 0 : index
      %get3A_222 = tpu.vector_load %arg7[%get3A_220, %get3A_221] {strides = array<i32>} : memref<16x1000xf32, #tpu.memory_space<vmem>>, vector<16xf32>,
      %get3A_223 = arith.index_cast %scan3A_218 : i32 to index
      %get3A_224 = arith.constant 16 : index
      %get3A_225 = tpu.vector_load %arg7[%get3A_223, %get3A_224] {strides = array<i32>} : memref<16x1000xf32, #tpu.memory_space<vmem>>, vector<16xf32>,
      %max3A_226 = arith.maximumf %get3A_222, %get3A_225 : vector<16xf32>
      %get3A_227 = arith.index_cast %scan3A_218 : i32 to index
      %get3A_228 = arith.constant 32 : index
      %get3A_229 = tpu.vector_load %arg7[%get3A_227, %get3A_228] {strides = array<i32>} : memref<16x1000xf32, #tpu.memory_space<vmem>>, vector<16xf32>,
      %max3A_230 = arith.maximumf %max3A_226, %get3A_229 : vector<16xf32>
      %get3A_231 = arith.index_cast %scan3A_218 : i32 to index
      %get3A_232 = arith.constant 48 : index
      %get3A_233 = tpu.vector_load %arg7[%get3A_231, %get3A_232] {strides = array<i32>} : memref<16x1000xf32, #tpu.memory_space<vmem>>, vector<16xf32>,
      %max3A_234 = arith.maximumf %max3A_230, %get3A_233 : vector<16xf32>
      %get3A_235 = arith.index_cast %scan3A_218 : i32 to index
      %get3A_236 = arith.constant 64 : index
      %get3A_237 = tpu.vector_load %arg7[%get3A_235, %get3A_236] {strides = array<i32>} : memref<16x1000xf32, #tpu.memory_space<vmem>>, vector<16xf32>,
      %max3A_238 = arith.maximumf %max3A_234, %get3A_237 : vector<16xf32>
      %get3A_239 = arith.index_cast %scan3A_218 : i32 to index
      %get3A_240 = arith.constant 80 : index
      %get3A_241 = tpu.vector_load %arg7[%get3A_239, %get3A_240] {strides = array<i32>} : memref<16x1000xf32, #tpu.memory_space<vmem>>, vector<16xf32>,
      %max3A_242 = arith.maximumf %max3A_238, %get3A_241 : vector<16xf32>
      %get3A_243 = arith.index_cast %scan3A_218 : i32 to index
      %get3A_244 = arith.constant 96 : index
      %get3A_245 = tpu.vector_load %arg7[%get3A_243, %get3A_244] {strides = array<i32>} : memref<16x1000xf32, #tpu.memory_space<vmem>>, vector<16xf32>,
      %max3A_246 = arith.maximumf %max3A_242, %get3A_245 : vector<16xf32>
      %get3A_247 = arith.index_cast %scan3A_218 : i32 to index
      %get3A_248 = arith.constant 112 : index
      %get3A_249 = tpu.vector_load %arg7[%get3A_247, %get3A_248] {strides = array<i32>} : memref<16x1000xf32, #tpu.memory_space<vmem>>, vector<16xf32>,
      %max3A_250 = arith.maximumf %max3A_246, %get3A_249 : vector<16xf32>
      %get3A_251 = arith.index_cast %scan3A_218 : i32 to index
      %get3A_252 = arith.constant 128 : index
      %get3A_253 = tpu.vector_load %arg7[%get3A_251, %get3A_252] {strides = array<i32>} : memref<16x1000xf32, #tpu.memory_space<vmem>>, vector<16xf32>,
      %max3A_254 = arith.maximumf %max3A_250, %get3A_253 : vector<16xf32>
      %get3A_255 = arith.index_cast %scan3A_218 : i32 to index
      %get3A_256 = arith.constant 144 : index
      %get3A_257 = tpu.vector_load %arg7[%get3A_255, %get3A_256] {strides = array<i32>} : memref<16x1000xf32, #tpu.memory_space<vmem>>, vector<16xf32>,
      %max3A_258 = arith.maximumf %max3A_254, %get3A_257 : vector<16xf32>
      %get3A_259 = arith.index_cast %scan3A_218 : i32 to index
      %get3A_260 = arith.constant 160 : index
      %get3A_261 = tpu.vector_load %arg7[%get3A_259, %get3A_260] {strides = array<i32>} : memref<16x1000xf32, #tpu.memory_space<vmem>>, vector<16xf32>,
      %max3A_262 = arith.maximumf %max3A_258, %get3A_261 : vector<16xf32>
      %get3A_263 = arith.index_cast %scan3A_218 : i32 to index
      %get3A_264 = arith.constant 176 : index
      %get3A_265 = tpu.vector_load %arg7[%get3A_263, %get3A_264] {strides = array<i32>} : memref<16x1000xf32, #tpu.memory_space<vmem>>, vector<16xf32>,
      %max3A_266 = arith.maximumf %max3A_262, %get3A_265 : vector<16xf32>
      %get3A_267 = arith.index_cast %scan3A_218 : i32 to index
      %get3A_268 = arith.constant 192 : index
      %get3A_269 = tpu.vector_load %arg7[%get3A_267, %get3A_268] {strides = array<i32>} : memref<16x1000xf32, #tpu.memory_space<vmem>>, vector<16xf32>,
      %max3A_270 = arith.maximumf %max3A_266, %get3A_269 : vector<16xf32>
      %get3A_271 = arith.index_cast %scan3A_218 : i32 to index
      %get3A_272 = arith.constant 208 : index
      %get3A_273 = tpu.vector_load %arg7[%get3A_271, %get3A_272] {strides = array<i32>} : memref<16x1000xf32, #tpu.memory_space<vmem>>, vector<16xf32>,
      %max3A_274 = arith.maximumf %max3A_270, %get3A_273 : vector<16xf32>
      %get3A_275 = arith.index_cast %scan3A_218 : i32 to index
      %get3A_276 = arith.constant 224 : index
      %get3A_277 = tpu.vector_load %arg7[%get3A_275, %get3A_276] {strides = array<i32>} : memref<16x1000xf32, #tpu.memory_space<vmem>>, vector<16xf32>,
      %max3A_278 = arith.maximumf %max3A_274, %get3A_277 : vector<16xf32>
      %get3A_279 = arith.index_cast %scan3A_218 : i32 to index
      %get3A_280 = arith.constant 240 : index
      %get3A_281 = tpu.vector_load %arg7[%get3A_279, %get3A_280] {strides = array<i32>} : memref<16x1000xf32, #tpu.memory_space<vmem>>, vector<16xf32>,
      %max3A_282 = arith.maximumf %max3A_278, %get3A_281 : vector<16xf32>
      %get3A_283 = arith.index_cast %scan3A_218 : i32 to index
      %get3A_284 = arith.constant 256 : index
      %get3A_285 = tpu.vector_load %arg7[%get3A_283, %get3A_284] {strides = array<i32>} : memref<16x1000xf32, #tpu.memory_space<vmem>>, vector<16xf32>,
      %max3A_286 = arith.maximumf %max3A_282, %get3A_285 : vector<16xf32>
      %get3A_287 = arith.index_cast %scan3A_218 : i32 to index
      %get3A_288 = arith.constant 272 : index
      %get3A_289 = tpu.vector_load %arg7[%get3A_287, %get3A_288] {strides = array<i32>} : memref<16x1000xf32, #tpu.memory_space<vmem>>, vector<16xf32>,
      %max3A_290 = arith.maximumf %max3A_286, %get3A_289 : vector<16xf32>
      %get3A_291 = arith.index_cast %scan3A_218 : i32 to index
      %get3A_292 = arith.constant 288 : index
      %get3A_293 = tpu.vector_load %arg7[%get3A_291, %get3A_292] {strides = array<i32>} : memref<16x1000xf32, #tpu.memory_space<vmem>>, vector<16xf32>,
      %max3A_294 = arith.maximumf %max3A_290, %get3A_293 : vector<16xf32>
      %get3A_295 = arith.index_cast %scan3A_218 : i32 to index
      %get3A_296 = arith.constant 304 : index
      %get3A_297 = tpu.vector_load %arg7[%get3A_295, %get3A_296] {strides = array<i32>} : memref<16x1000xf32, #tpu.memory_space<vmem>>, vector<16xf32>,
      %max3A_298 = arith.maximumf %max3A_294, %get3A_297 : vector<16xf32>
      %get3A_299 = arith.index_cast %scan3A_218 : i32 to index
      %get3A_300 = arith.constant 320 : index
      %get3A_301 = tpu.vector_load %arg7[%get3A_299, %get3A_300] {strides = array<i32>} : memref<16x1000xf32, #tpu.memory_space<vmem>>, vector<16xf32>,
      %max3A_302 = arith.maximumf %max3A_298, %get3A_301 : vector<16xf32>
      %get3A_303 = arith.index_cast %scan3A_218 : i32 to index
      %get3A_304 = arith.constant 336 : index
      %get3A_305 = tpu.vector_load %arg7[%get3A_303, %get3A_304] {strides = array<i32>} : memref<16x1000xf32, #tpu.memory_space<vmem>>, vector<16xf32>,
      %max3A_306 = arith.maximumf %max3A_302, %get3A_305 : vector<16xf32>
      %get3A_307 = arith.index_cast %scan3A_218 : i32 to index
      %get3A_308 = arith.constant 352 : index
      %get3A_309 = tpu.vector_load %arg7[%get3A_307, %get3A_308] {strides = array<i32>} : memref<16x1000xf32, #tpu.memory_space<vmem>>, vector<16xf32>,
      %max3A_310 = arith.maximumf %max3A_306, %get3A_309 : vector<16xf32>
      %get3A_311 = arith.index_cast %scan3A_218 : i32 to index
      %get3A_312 = arith.constant 368 : index
      %get3A_313 = tpu.vector_load %arg7[%get3A_311, %get3A_312] {strides = array<i32>} : memref<16x1000xf32, #tpu.memory_space<vmem>>, vector<16xf32>,
      %max3A_314 = arith.maximumf %max3A_310, %get3A_313 : vector<16xf32>
      %get3A_315 = arith.index_cast %scan3A_218 : i32 to index
      %get3A_316 = arith.constant 384 : index
      %get3A_317 = tpu.vector_load %arg7[%get3A_315, %get3A_316] {strides = array<i32>} : memref<16x1000xf32, #tpu.memory_space<vmem>>, vector<16xf32>,
      %max3A_318 = arith.maximumf %max3A_314, %get3A_317 : vector<16xf32>
      %get3A_319 = arith.index_cast %scan3A_218 : i32 to index
      %get3A_320 = arith.constant 400 : index
      %get3A_321 = tpu.vector_load %arg7[%get3A_319, %get3A_320] {strides = array<i32>} : memref<16x1000xf32, #tpu.memory_space<vmem>>, vector<16xf32>,
      %max3A_322 = arith.maximumf %max3A_318, %get3A_321 : vector<16xf32>
      %get3A_323 = arith.index_cast %scan3A_218 : i32 to index
      %get3A_324 = arith.constant 416 : index
      %get3A_325 = tpu.vector_load %arg7[%get3A_323, %get3A_324] {strides = array<i32>} : memref<16x1000xf32, #tpu.memory_space<vmem>>, vector<16xf32>,
      %max3A_326 = arith.maximumf %max3A_322, %get3A_325 : vector<16xf32>
      %get3A_327 = arith.index_cast %scan3A_218 : i32 to index
      %get3A_328 = arith.constant 432 : index
      %get3A_329 = tpu.vector_load %arg7[%get3A_327, %get3A_328] {strides = array<i32>} : memref<16x1000xf32, #tpu.memory_space<vmem>>, vector<16xf32>,
      %max3A_330 = arith.maximumf %max3A_326, %get3A_329 : vector<16xf32>
      %get3A_331 = arith.index_cast %scan3A_218 : i32 to index
      %get3A_332 = arith.constant 448 : index
      %get3A_333 = tpu.vector_load %arg7[%get3A_331, %get3A_332] {strides = array<i32>} : memref<16x1000xf32, #tpu.memory_space<vmem>>, vector<16xf32>,
      %max3A_334 = arith.maximumf %max3A_330, %get3A_333 : vector<16xf32>
      %get3A_335 = arith.index_cast %scan3A_218 : i32 to index
      %get3A_336 = arith.constant 464 : index
      %get3A_337 = tpu.vector_load %arg7[%get3A_335, %get3A_336] {strides = array<i32>} : memref<16x1000xf32, #tpu.memory_space<vmem>>, vector<16xf32>,
      %max3A_338 = arith.maximumf %max3A_334, %get3A_337 : vector<16xf32>
      %get3A_339 = arith.index_cast %scan3A_218 : i32 to index
      %get3A_340 = arith.constant 480 : index
      %get3A_341 = tpu.vector_load %arg7[%get3A_339, %get3A_340] {strides = array<i32>} : memref<16x1000xf32, #tpu.memory_space<vmem>>, vector<16xf32>,
      %max3A_342 = arith.maximumf %max3A_338, %get3A_341 : vector<16xf32>
      %get3A_343 = arith.index_cast %scan3A_218 : i32 to index
      %get3A_344 = arith.constant 496 : index
      %get3A_345 = tpu.vector_load %arg7[%get3A_343, %get3A_344] {strides = array<i32>} : memref<16x1000xf32, #tpu.memory_space<vmem>>, vector<16xf32>,
      %max3A_346 = arith.maximumf %max3A_342, %get3A_345 : vector<16xf32>
      %get3A_347 = arith.index_cast %scan3A_218 : i32 to index
      %get3A_348 = arith.constant 512 : index
      %get3A_349 = tpu.vector_load %arg7[%get3A_347, %get3A_348] {strides = array<i32>} : memref<16x1000xf32, #tpu.memory_space<vmem>>, vector<16xf32>,
      %max3A_350 = arith.maximumf %max3A_346, %get3A_349 : vector<16xf32>
      %get3A_351 = arith.index_cast %scan3A_218 : i32 to index
      %get3A_352 = arith.constant 528 : index
      %get3A_353 = tpu.vector_load %arg7[%get3A_351, %get3A_352] {strides = array<i32>} : memref<16x1000xf32, #tpu.memory_space<vmem>>, vector<16xf32>,
      %max3A_354 = arith.maximumf %max3A_350, %get3A_353 : vector<16xf32>
      %get3A_355 = arith.index_cast %scan3A_218 : i32 to index
      %get3A_356 = arith.constant 544 : index
      %get3A_357 = tpu.vector_load %arg7[%get3A_355, %get3A_356] {strides = array<i32>} : memref<16x1000xf32, #tpu.memory_space<vmem>>, vector<16xf32>,
      %max3A_358 = arith.maximumf %max3A_354, %get3A_357 : vector<16xf32>
      %get3A_359 = arith.index_cast %scan3A_218 : i32 to index
      %get3A_360 = arith.constant 560 : index
      %get3A_361 = tpu.vector_load %arg7[%get3A_359, %get3A_360] {strides = array<i32>} : memref<16x1000xf32, #tpu.memory_space<vmem>>, vector<16xf32>,
      %max3A_362 = arith.maximumf %max3A_358, %get3A_361 : vector<16xf32>
      %get3A_363 = arith.index_cast %scan3A_218 : i32 to index
      %get3A_364 = arith.constant 576 : index
      %get3A_365 = tpu.vector_load %arg7[%get3A_363, %get3A_364] {strides = array<i32>} : memref<16x1000xf32, #tpu.memory_space<vmem>>, vector<16xf32>,
      %max3A_366 = arith.maximumf %max3A_362, %get3A_365 : vector<16xf32>
      %get3A_367 = arith.index_cast %scan3A_218 : i32 to index
      %get3A_368 = arith.constant 592 : index
      %get3A_369 = tpu.vector_load %arg7[%get3A_367, %get3A_368] {strides = array<i32>} : memref<16x1000xf32, #tpu.memory_space<vmem>>, vector<16xf32>,
      %max3A_370 = arith.maximumf %max3A_366, %get3A_369 : vector<16xf32>
      %get3A_371 = arith.index_cast %scan3A_218 : i32 to index
      %get3A_372 = arith.constant 608 : index
      %get3A_373 = tpu.vector_load %arg7[%get3A_371, %get3A_372] {strides = array<i32>} : memref<16x1000xf32, #tpu.memory_space<vmem>>, vector<16xf32>,
      %max3A_374 = arith.maximumf %max3A_370, %get3A_373 : vector<16xf32>
      %get3A_375 = arith.index_cast %scan3A_218 : i32 to index
      %get3A_376 = arith.constant 624 : index
      %get3A_377 = tpu.vector_load %arg7[%get3A_375, %get3A_376] {strides = array<i32>} : memref<16x1000xf32, #tpu.memory_space<vmem>>, vector<16xf32>,
      %max3A_378 = arith.maximumf %max3A_374, %get3A_377 : vector<16xf32>
      %get3A_379 = arith.index_cast %scan3A_218 : i32 to index
      %get3A_380 = arith.constant 640 : index
      %get3A_381 = tpu.vector_load %arg7[%get3A_379, %get3A_380] {strides = array<i32>} : memref<16x1000xf32, #tpu.memory_space<vmem>>, vector<16xf32>,
      %max3A_382 = arith.maximumf %max3A_378, %get3A_381 : vector<16xf32>
      %get3A_383 = arith.index_cast %scan3A_218 : i32 to index
      %get3A_384 = arith.constant 656 : index
      %get3A_385 = tpu.vector_load %arg7[%get3A_383, %get3A_384] {strides = array<i32>} : memref<16x1000xf32, #tpu.memory_space<vmem>>, vector<16xf32>,
      %max3A_386 = arith.maximumf %max3A_382, %get3A_385 : vector<16xf32>
      %get3A_387 = arith.index_cast %scan3A_218 : i32 to index
      %get3A_388 = arith.constant 672 : index
      %get3A_389 = tpu.vector_load %arg7[%get3A_387, %get3A_388] {strides = array<i32>} : memref<16x1000xf32, #tpu.memory_space<vmem>>, vector<16xf32>,
      %max3A_390 = arith.maximumf %max3A_386, %get3A_389 : vector<16xf32>
      %get3A_391 = arith.index_cast %scan3A_218 : i32 to index
      %get3A_392 = arith.constant 688 : index
      %get3A_393 = tpu.vector_load %arg7[%get3A_391, %get3A_392] {strides = array<i32>} : memref<16x1000xf32, #tpu.memory_space<vmem>>, vector<16xf32>,
      %max3A_394 = arith.maximumf %max3A_390, %get3A_393 : vector<16xf32>
      %get3A_395 = arith.index_cast %scan3A_218 : i32 to index
      %get3A_396 = arith.constant 704 : index
      %get3A_397 = tpu.vector_load %arg7[%get3A_395, %get3A_396] {strides = array<i32>} : memref<16x1000xf32, #tpu.memory_space<vmem>>, vector<16xf32>,
      %max3A_398 = arith.maximumf %max3A_394, %get3A_397 : vector<16xf32>
      %get3A_399 = arith.index_cast %scan3A_218 : i32 to index
      %get3A_400 = arith.constant 720 : index
      %get3A_401 = tpu.vector_load %arg7[%get3A_399, %get3A_400] {strides = array<i32>} : memref<16x1000xf32, #tpu.memory_space<vmem>>, vector<16xf32>,
      %max3A_402 = arith.maximumf %max3A_398, %get3A_401 : vector<16xf32>
      %get3A_403 = arith.index_cast %scan3A_218 : i32 to index
      %get3A_404 = arith.constant 736 : index
      %get3A_405 = tpu.vector_load %arg7[%get3A_403, %get3A_404] {strides = array<i32>} : memref<16x1000xf32, #tpu.memory_space<vmem>>, vector<16xf32>,
      %max3A_406 = arith.maximumf %max3A_402, %get3A_405 : vector<16xf32>
      %get3A_407 = arith.index_cast %scan3A_218 : i32 to index
      %get3A_408 = arith.constant 752 : index
      %get3A_409 = tpu.vector_load %arg7[%get3A_407, %get3A_408] {strides = array<i32>} : memref<16x1000xf32, #tpu.memory_space<vmem>>, vector<16xf32>,
      %max3A_410 = arith.maximumf %max3A_406, %get3A_409 : vector<16xf32>
      %get3A_411 = arith.index_cast %scan3A_218 : i32 to index
      %get3A_412 = arith.constant 768 : index
      %get3A_413 = tpu.vector_load %arg7[%get3A_411, %get3A_412] {strides = array<i32>} : memref<16x1000xf32, #tpu.memory_space<vmem>>, vector<16xf32>,
      %max3A_414 = arith.maximumf %max3A_410, %get3A_413 : vector<16xf32>
      %get3A_415 = arith.index_cast %scan3A_218 : i32 to index
      %get3A_416 = arith.constant 784 : index
      %get3A_417 = tpu.vector_load %arg7[%get3A_415, %get3A_416] {strides = array<i32>} : memref<16x1000xf32, #tpu.memory_space<vmem>>, vector<16xf32>,
      %max3A_418 = arith.maximumf %max3A_414, %get3A_417 : vector<16xf32>
      %get3A_419 = arith.index_cast %scan3A_218 : i32 to index
      %get3A_420 = arith.constant 800 : index
      %get3A_421 = tpu.vector_load %arg7[%get3A_419, %get3A_420] {strides = array<i32>} : memref<16x1000xf32, #tpu.memory_space<vmem>>, vector<16xf32>,
      %max3A_422 = arith.maximumf %max3A_418, %get3A_421 : vector<16xf32>
      %get3A_423 = arith.index_cast %scan3A_218 : i32 to index
      %get3A_424 = arith.constant 816 : index
      %get3A_425 = tpu.vector_load %arg7[%get3A_423, %get3A_424] {strides = array<i32>} : memref<16x1000xf32, #tpu.memory_space<vmem>>, vector<16xf32>,
      %max3A_426 = arith.maximumf %max3A_422, %get3A_425 : vector<16xf32>
      %get3A_427 = arith.index_cast %scan3A_218 : i32 to index
      %get3A_428 = arith.constant 832 : index
      %get3A_429 = tpu.vector_load %arg7[%get3A_427, %get3A_428] {strides = array<i32>} : memref<16x1000xf32, #tpu.memory_space<vmem>>, vector<16xf32>,
      %max3A_430 = arith.maximumf %max3A_426, %get3A_429 : vector<16xf32>
      %get3A_431 = arith.index_cast %scan3A_218 : i32 to index
      %get3A_432 = arith.constant 848 : index
      %get3A_433 = tpu.vector_load %arg7[%get3A_431, %get3A_432] {strides = array<i32>} : memref<16x1000xf32, #tpu.memory_space<vmem>>, vector<16xf32>,
      %max3A_434 = arith.maximumf %max3A_430, %get3A_433 : vector<16xf32>
      %get3A_435 = arith.index_cast %scan3A_218 : i32 to index
      %get3A_436 = arith.constant 864 : index
      %get3A_437 = tpu.vector_load %arg7[%get3A_435, %get3A_436] {strides = array<i32>} : memref<16x1000xf32, #tpu.memory_space<vmem>>, vector<16xf32>,
      %max3A_438 = arith.maximumf %max3A_434, %get3A_437 : vector<16xf32>
      %get3A_439 = arith.index_cast %scan3A_218 : i32 to index
      %get3A_440 = arith.constant 880 : index
      %get3A_441 = tpu.vector_load %arg7[%get3A_439, %get3A_440] {strides = array<i32>} : memref<16x1000xf32, #tpu.memory_space<vmem>>, vector<16xf32>,
      %max3A_442 = arith.maximumf %max3A_438, %get3A_441 : vector<16xf32>
      %get3A_443 = arith.index_cast %scan3A_218 : i32 to index
      %get3A_444 = arith.constant 896 : index
      %get3A_445 = tpu.vector_load %arg7[%get3A_443, %get3A_444] {strides = array<i32>} : memref<16x1000xf32, #tpu.memory_space<vmem>>, vector<16xf32>,
      %max3A_446 = arith.maximumf %max3A_442, %get3A_445 : vector<16xf32>
      %get3A_447 = arith.index_cast %scan3A_218 : i32 to index
      %get3A_448 = arith.constant 912 : index
      %get3A_449 = tpu.vector_load %arg7[%get3A_447, %get3A_448] {strides = array<i32>} : memref<16x1000xf32, #tpu.memory_space<vmem>>, vector<16xf32>,
      %max3A_450 = arith.maximumf %max3A_446, %get3A_449 : vector<16xf32>
      %get3A_451 = arith.index_cast %scan3A_218 : i32 to index
      %get3A_452 = arith.constant 928 : index
      %get3A_453 = tpu.vector_load %arg7[%get3A_451, %get3A_452] {strides = array<i32>} : memref<16x1000xf32, #tpu.memory_space<vmem>>, vector<16xf32>,
      %max3A_454 = arith.maximumf %max3A_450, %get3A_453 : vector<16xf32>
      %get3A_455 = arith.index_cast %scan3A_218 : i32 to index
      %get3A_456 = arith.constant 944 : index
      %get3A_457 = tpu.vector_load %arg7[%get3A_455, %get3A_456] {strides = array<i32>} : memref<16x1000xf32, #tpu.memory_space<vmem>>, vector<16xf32>,
      %max3A_458 = arith.maximumf %max3A_454, %get3A_457 : vector<16xf32>
      %get3A_459 = arith.index_cast %scan3A_218 : i32 to index
      %get3A_460 = arith.constant 960 : index
      %get3A_461 = tpu.vector_load %arg7[%get3A_459, %get3A_460] {strides = array<i32>} : memref<16x1000xf32, #tpu.memory_space<vmem>>, vector<16xf32>,
      %max3A_462 = arith.maximumf %max3A_458, %get3A_461 : vector<16xf32>
      %get3A_463 = arith.index_cast %scan3A_218 : i32 to index
      %get3A_464 = arith.constant 976 : index
      %get3A_465 = tpu.vector_load %arg7[%get3A_463, %get3A_464] {strides = array<i32>} : memref<16x1000xf32, #tpu.memory_space<vmem>>, vector<16xf32>,
      %max3A_466 = arith.maximumf %max3A_462, %get3A_465 : vector<16xf32>
      %get3A_467 = arith.index_cast %scan3A_218 : i32 to index
      %get3A_468 = arith.constant 984 : index
      %get3A_469 = tpu.vector_load %arg7[%get3A_467, %get3A_468] {strides = array<i32>} : memref<16x1000xf32, #tpu.memory_space<vmem>>, vector<16xf32>,
      %max3A_470 = arith.maximumf %max3A_466, %get3A_469 : vector<16xf32>
      %reduce_max3A = arith.constant true
      %reduce_max3A_471 = vector.broadcast %reduce_max3A : i1 to vector<16xi1>
      %reduce_max3A_472 = tpu.scan <max>, %max3A_470 masked %reduce_max3A_471 : vector<16xf32>, vector<16xi1> -> vector<16xf32>
      %reduce_max3A_473 = vector.extract %reduce_max3A_472[15] : f32 from vector<16xf32>
      %eq3A = vector.broadcast %scan3A_218 : i32 to vector<16xi32>
      %eq3A_474 = arith.cmpi eq, %iota3A, %eq3A : vector<16xi32>
      %broadcast_in_dim3A_475 = vector.broadcast %reduce_max3A_473 : f32 to vector<16xf32>
      %select_n3A = arith.select %eq3A_474, %broadcast_in_dim3A_475, %scan3A_219 : vector<16xi1>, vector<16xf32>
      scf.yield %select_n3A : vector<16xf32>
    }
    %scan3A_187 = arith.constant 16 : i32
    %sub3A_188 = arith.constant 1.000000e+00 : f32
    %sub3A_189 = vector.broadcast %sub3A_188 : f32 to vector<16xf32>
    %sub3A_190 = arith.subf %sub3A_189, %gather3A_181 : vector<16xf32>
    %add3A_191 = arith.addf %sub3A_190, %scan3A_186 : vector<16xf32>
    %max3A_192 = arith.constant 0.000000e+00 : f32
    %max3A_193 = vector.broadcast %max3A_192 : f32 to vector<16xf32>
    %max3A_194 = arith.maximumf %max3A_193, %add3A_191 : vector<16xf32>
    %add3A_195 = arith.addf %add3A_174, %max3A_194 : vector<16xf32>
    %dma_wait3A_196 = arith.constant 0 : i32
    %dma_wait3A_197 = tpu.memref_slice %arg2[%add3A_132, %dma_wait3A_196] : memref<4096x1000xf32, #tpu.memory_space<hbm>> -> memref<16x1000xf32, #tpu.memory_space<hbm>>
    %dma_wait3A_198 = arith.constant 0 : i32
    %dma_wait3A_199 = tpu.memref_slice %arg2[%add3A_132, %dma_wait3A_198] : memref<4096x1000xf32, #tpu.memory_space<hbm>> -> memref<16x1000xf32, #tpu.memory_space<hbm>>
    tpu.wait_dma2 semaphore(%arg14 : memref<!tpu.dma_semaphore, #tpu.memory_space<semaphore_mem>>) src(%dma_wait3A_199 : memref<16x1000xf32, #tpu.memory_space<hbm>>) dst(%arg8 : memref<16x1000xf32, #tpu.memory_space<vmem>>)
    %get3A_200 = arith.constant 112 : index
    %get3A_201 = tpu.vector_load %arg9[%get3A_200] {strides = array<i32>} : memref<128xi32, #tpu.memory_space<vmem>>, vector<16xi32>,
    %gather3A_202 = tpu.vector_load_idx %arg8[%iota3A, %get3A_201] : memref<16x1000xf32, #tpu.memory_space<vmem>>[vector<16xi32>, vector<16xi32>], vector<16xf32>,
    tpu.vector_store_idx %arg8[%iota3A, %get3A_201], %broadcast_in_dim3A_5 : memref<16x1000xf32, #tpu.memory_space<vmem>>[vector<16xi32>, vector<16xi32>], vector<16xf32>,
    %scan3A_203 = arith.constant 0 : i32
    %scan3A_204 = arith.constant 16 : i32
    %scan3A_205 = arith.addi %scan3A_203, %scan3A_204 : i32
    %scan3A_206 = arith.constant 1 : i32
    %scan3A_207 = scf.for %scan3A_218 = %scan3A_203 to %scan3A_205 step %scan3A_206 iter_args(%scan3A_219 = %broadcast_in_dim3A_5) -> (vector<16xf32>)  : i32 {
      %get3A_220 = arith.index_cast %scan3A_218 : i32 to index
      %get3A_221 = arith.constant 0 : index
      %get3A_222 = tpu.vector_load %arg8[%get3A_220, %get3A_221] {strides = array<i32>} : memref<16x1000xf32, #tpu.memory_space<vmem>>, vector<16xf32>,
      %get3A_223 = arith.index_cast %scan3A_218 : i32 to index
      %get3A_224 = arith.constant 16 : index
      %get3A_225 = tpu.vector_load %arg8[%get3A_223, %get3A_224] {strides = array<i32>} : memref<16x1000xf32, #tpu.memory_space<vmem>>, vector<16xf32>,
      %max3A_226 = arith.maximumf %get3A_222, %get3A_225 : vector<16xf32>
      %get3A_227 = arith.index_cast %scan3A_218 : i32 to index
      %get3A_228 = arith.constant 32 : index
      %get3A_229 = tpu.vector_load %arg8[%get3A_227, %get3A_228] {strides = array<i32>} : memref<16x1000xf32, #tpu.memory_space<vmem>>, vector<16xf32>,
      %max3A_230 = arith.maximumf %max3A_226, %get3A_229 : vector<16xf32>
      %get3A_231 = arith.index_cast %scan3A_218 : i32 to index
      %get3A_232 = arith.constant 48 : index
      %get3A_233 = tpu.vector_load %arg8[%get3A_231, %get3A_232] {strides = array<i32>} : memref<16x1000xf32, #tpu.memory_space<vmem>>, vector<16xf32>,
      %max3A_234 = arith.maximumf %max3A_230, %get3A_233 : vector<16xf32>
      %get3A_235 = arith.index_cast %scan3A_218 : i32 to index
      %get3A_236 = arith.constant 64 : index
      %get3A_237 = tpu.vector_load %arg8[%get3A_235, %get3A_236] {strides = array<i32>} : memref<16x1000xf32, #tpu.memory_space<vmem>>, vector<16xf32>,
      %max3A_238 = arith.maximumf %max3A_234, %get3A_237 : vector<16xf32>
      %get3A_239 = arith.index_cast %scan3A_218 : i32 to index
      %get3A_240 = arith.constant 80 : index
      %get3A_241 = tpu.vector_load %arg8[%get3A_239, %get3A_240] {strides = array<i32>} : memref<16x1000xf32, #tpu.memory_space<vmem>>, vector<16xf32>,
      %max3A_242 = arith.maximumf %max3A_238, %get3A_241 : vector<16xf32>
      %get3A_243 = arith.index_cast %scan3A_218 : i32 to index
      %get3A_244 = arith.constant 96 : index
      %get3A_245 = tpu.vector_load %arg8[%get3A_243, %get3A_244] {strides = array<i32>} : memref<16x1000xf32, #tpu.memory_space<vmem>>, vector<16xf32>,
      %max3A_246 = arith.maximumf %max3A_242, %get3A_245 : vector<16xf32>
      %get3A_247 = arith.index_cast %scan3A_218 : i32 to index
      %get3A_248 = arith.constant 112 : index
      %get3A_249 = tpu.vector_load %arg8[%get3A_247, %get3A_248] {strides = array<i32>} : memref<16x1000xf32, #tpu.memory_space<vmem>>, vector<16xf32>,
      %max3A_250 = arith.maximumf %max3A_246, %get3A_249 : vector<16xf32>
      %get3A_251 = arith.index_cast %scan3A_218 : i32 to index
      %get3A_252 = arith.constant 128 : index
      %get3A_253 = tpu.vector_load %arg8[%get3A_251, %get3A_252] {strides = array<i32>} : memref<16x1000xf32, #tpu.memory_space<vmem>>, vector<16xf32>,
      %max3A_254 = arith.maximumf %max3A_250, %get3A_253 : vector<16xf32>
      %get3A_255 = arith.index_cast %scan3A_218 : i32 to index
      %get3A_256 = arith.constant 144 : index
      %get3A_257 = tpu.vector_load %arg8[%get3A_255, %get3A_256] {strides = array<i32>} : memref<16x1000xf32, #tpu.memory_space<vmem>>, vector<16xf32>,
      %max3A_258 = arith.maximumf %max3A_254, %get3A_257 : vector<16xf32>
      %get3A_259 = arith.index_cast %scan3A_218 : i32 to index
      %get3A_260 = arith.constant 160 : index
      %get3A_261 = tpu.vector_load %arg8[%get3A_259, %get3A_260] {strides = array<i32>} : memref<16x1000xf32, #tpu.memory_space<vmem>>, vector<16xf32>,
      %max3A_262 = arith.maximumf %max3A_258, %get3A_261 : vector<16xf32>
      %get3A_263 = arith.index_cast %scan3A_218 : i32 to index
      %get3A_264 = arith.constant 176 : index
      %get3A_265 = tpu.vector_load %arg8[%get3A_263, %get3A_264] {strides = array<i32>} : memref<16x1000xf32, #tpu.memory_space<vmem>>, vector<16xf32>,
      %max3A_266 = arith.maximumf %max3A_262, %get3A_265 : vector<16xf32>
      %get3A_267 = arith.index_cast %scan3A_218 : i32 to index
      %get3A_268 = arith.constant 192 : index
      %get3A_269 = tpu.vector_load %arg8[%get3A_267, %get3A_268] {strides = array<i32>} : memref<16x1000xf32, #tpu.memory_space<vmem>>, vector<16xf32>,
      %max3A_270 = arith.maximumf %max3A_266, %get3A_269 : vector<16xf32>
      %get3A_271 = arith.index_cast %scan3A_218 : i32 to index
      %get3A_272 = arith.constant 208 : index
      %get3A_273 = tpu.vector_load %arg8[%get3A_271, %get3A_272] {strides = array<i32>} : memref<16x1000xf32, #tpu.memory_space<vmem>>, vector<16xf32>,
      %max3A_274 = arith.maximumf %max3A_270, %get3A_273 : vector<16xf32>
      %get3A_275 = arith.index_cast %scan3A_218 : i32 to index
      %get3A_276 = arith.constant 224 : index
      %get3A_277 = tpu.vector_load %arg8[%get3A_275, %get3A_276] {strides = array<i32>} : memref<16x1000xf32, #tpu.memory_space<vmem>>, vector<16xf32>,
      %max3A_278 = arith.maximumf %max3A_274, %get3A_277 : vector<16xf32>
      %get3A_279 = arith.index_cast %scan3A_218 : i32 to index
      %get3A_280 = arith.constant 240 : index
      %get3A_281 = tpu.vector_load %arg8[%get3A_279, %get3A_280] {strides = array<i32>} : memref<16x1000xf32, #tpu.memory_space<vmem>>, vector<16xf32>,
      %max3A_282 = arith.maximumf %max3A_278, %get3A_281 : vector<16xf32>
      %get3A_283 = arith.index_cast %scan3A_218 : i32 to index
      %get3A_284 = arith.constant 256 : index
      %get3A_285 = tpu.vector_load %arg8[%get3A_283, %get3A_284] {strides = array<i32>} : memref<16x1000xf32, #tpu.memory_space<vmem>>, vector<16xf32>,
      %max3A_286 = arith.maximumf %max3A_282, %get3A_285 : vector<16xf32>
      %get3A_287 = arith.index_cast %scan3A_218 : i32 to index
      %get3A_288 = arith.constant 272 : index
      %get3A_289 = tpu.vector_load %arg8[%get3A_287, %get3A_288] {strides = array<i32>} : memref<16x1000xf32, #tpu.memory_space<vmem>>, vector<16xf32>,
      %max3A_290 = arith.maximumf %max3A_286, %get3A_289 : vector<16xf32>
      %get3A_291 = arith.index_cast %scan3A_218 : i32 to index
      %get3A_292 = arith.constant 288 : index
      %get3A_293 = tpu.vector_load %arg8[%get3A_291, %get3A_292] {strides = array<i32>} : memref<16x1000xf32, #tpu.memory_space<vmem>>, vector<16xf32>,
      %max3A_294 = arith.maximumf %max3A_290, %get3A_293 : vector<16xf32>
      %get3A_295 = arith.index_cast %scan3A_218 : i32 to index
      %get3A_296 = arith.constant 304 : index
      %get3A_297 = tpu.vector_load %arg8[%get3A_295, %get3A_296] {strides = array<i32>} : memref<16x1000xf32, #tpu.memory_space<vmem>>, vector<16xf32>,
      %max3A_298 = arith.maximumf %max3A_294, %get3A_297 : vector<16xf32>
      %get3A_299 = arith.index_cast %scan3A_218 : i32 to index
      %get3A_300 = arith.constant 320 : index
      %get3A_301 = tpu.vector_load %arg8[%get3A_299, %get3A_300] {strides = array<i32>} : memref<16x1000xf32, #tpu.memory_space<vmem>>, vector<16xf32>,
      %max3A_302 = arith.maximumf %max3A_298, %get3A_301 : vector<16xf32>
      %get3A_303 = arith.index_cast %scan3A_218 : i32 to index
      %get3A_304 = arith.constant 336 : index
      %get3A_305 = tpu.vector_load %arg8[%get3A_303, %get3A_304] {strides = array<i32>} : memref<16x1000xf32, #tpu.memory_space<vmem>>, vector<16xf32>,
      %max3A_306 = arith.maximumf %max3A_302, %get3A_305 : vector<16xf32>
      %get3A_307 = arith.index_cast %scan3A_218 : i32 to index
      %get3A_308 = arith.constant 352 : index
      %get3A_309 = tpu.vector_load %arg8[%get3A_307, %get3A_308] {strides = array<i32>} : memref<16x1000xf32, #tpu.memory_space<vmem>>, vector<16xf32>,
      %max3A_310 = arith.maximumf %max3A_306, %get3A_309 : vector<16xf32>
      %get3A_311 = arith.index_cast %scan3A_218 : i32 to index
      %get3A_312 = arith.constant 368 : index
      %get3A_313 = tpu.vector_load %arg8[%get3A_311, %get3A_312] {strides = array<i32>} : memref<16x1000xf32, #tpu.memory_space<vmem>>, vector<16xf32>,
      %max3A_314 = arith.maximumf %max3A_310, %get3A_313 : vector<16xf32>
      %get3A_315 = arith.index_cast %scan3A_218 : i32 to index
      %get3A_316 = arith.constant 384 : index
      %get3A_317 = tpu.vector_load %arg8[%get3A_315, %get3A_316] {strides = array<i32>} : memref<16x1000xf32, #tpu.memory_space<vmem>>, vector<16xf32>,
      %max3A_318 = arith.maximumf %max3A_314, %get3A_317 : vector<16xf32>
      %get3A_319 = arith.index_cast %scan3A_218 : i32 to index
      %get3A_320 = arith.constant 400 : index
      %get3A_321 = tpu.vector_load %arg8[%get3A_319, %get3A_320] {strides = array<i32>} : memref<16x1000xf32, #tpu.memory_space<vmem>>, vector<16xf32>,
      %max3A_322 = arith.maximumf %max3A_318, %get3A_321 : vector<16xf32>
      %get3A_323 = arith.index_cast %scan3A_218 : i32 to index
      %get3A_324 = arith.constant 416 : index
      %get3A_325 = tpu.vector_load %arg8[%get3A_323, %get3A_324] {strides = array<i32>} : memref<16x1000xf32, #tpu.memory_space<vmem>>, vector<16xf32>,
      %max3A_326 = arith.maximumf %max3A_322, %get3A_325 : vector<16xf32>
      %get3A_327 = arith.index_cast %scan3A_218 : i32 to index
      %get3A_328 = arith.constant 432 : index
      %get3A_329 = tpu.vector_load %arg8[%get3A_327, %get3A_328] {strides = array<i32>} : memref<16x1000xf32, #tpu.memory_space<vmem>>, vector<16xf32>,
      %max3A_330 = arith.maximumf %max3A_326, %get3A_329 : vector<16xf32>
      %get3A_331 = arith.index_cast %scan3A_218 : i32 to index
      %get3A_332 = arith.constant 448 : index
      %get3A_333 = tpu.vector_load %arg8[%get3A_331, %get3A_332] {strides = array<i32>} : memref<16x1000xf32, #tpu.memory_space<vmem>>, vector<16xf32>,
      %max3A_334 = arith.maximumf %max3A_330, %get3A_333 : vector<16xf32>
      %get3A_335 = arith.index_cast %scan3A_218 : i32 to index
      %get3A_336 = arith.constant 464 : index
      %get3A_337 = tpu.vector_load %arg8[%get3A_335, %get3A_336] {strides = array<i32>} : memref<16x1000xf32, #tpu.memory_space<vmem>>, vector<16xf32>,
      %max3A_338 = arith.maximumf %max3A_334, %get3A_337 : vector<16xf32>
      %get3A_339 = arith.index_cast %scan3A_218 : i32 to index
      %get3A_340 = arith.constant 480 : index
      %get3A_341 = tpu.vector_load %arg8[%get3A_339, %get3A_340] {strides = array<i32>} : memref<16x1000xf32, #tpu.memory_space<vmem>>, vector<16xf32>,
      %max3A_342 = arith.maximumf %max3A_338, %get3A_341 : vector<16xf32>
      %get3A_343 = arith.index_cast %scan3A_218 : i32 to index
      %get3A_344 = arith.constant 496 : index
      %get3A_345 = tpu.vector_load %arg8[%get3A_343, %get3A_344] {strides = array<i32>} : memref<16x1000xf32, #tpu.memory_space<vmem>>, vector<16xf32>,
      %max3A_346 = arith.maximumf %max3A_342, %get3A_345 : vector<16xf32>
      %get3A_347 = arith.index_cast %scan3A_218 : i32 to index
      %get3A_348 = arith.constant 512 : index
      %get3A_349 = tpu.vector_load %arg8[%get3A_347, %get3A_348] {strides = array<i32>} : memref<16x1000xf32, #tpu.memory_space<vmem>>, vector<16xf32>,
      %max3A_350 = arith.maximumf %max3A_346, %get3A_349 : vector<16xf32>
      %get3A_351 = arith.index_cast %scan3A_218 : i32 to index
      %get3A_352 = arith.constant 528 : index
      %get3A_353 = tpu.vector_load %arg8[%get3A_351, %get3A_352] {strides = array<i32>} : memref<16x1000xf32, #tpu.memory_space<vmem>>, vector<16xf32>,
      %max3A_354 = arith.maximumf %max3A_350, %get3A_353 : vector<16xf32>
      %get3A_355 = arith.index_cast %scan3A_218 : i32 to index
      %get3A_356 = arith.constant 544 : index
      %get3A_357 = tpu.vector_load %arg8[%get3A_355, %get3A_356] {strides = array<i32>} : memref<16x1000xf32, #tpu.memory_space<vmem>>, vector<16xf32>,
      %max3A_358 = arith.maximumf %max3A_354, %get3A_357 : vector<16xf32>
      %get3A_359 = arith.index_cast %scan3A_218 : i32 to index
      %get3A_360 = arith.constant 560 : index
      %get3A_361 = tpu.vector_load %arg8[%get3A_359, %get3A_360] {strides = array<i32>} : memref<16x1000xf32, #tpu.memory_space<vmem>>, vector<16xf32>,
      %max3A_362 = arith.maximumf %max3A_358, %get3A_361 : vector<16xf32>
      %get3A_363 = arith.index_cast %scan3A_218 : i32 to index
      %get3A_364 = arith.constant 576 : index
      %get3A_365 = tpu.vector_load %arg8[%get3A_363, %get3A_364] {strides = array<i32>} : memref<16x1000xf32, #tpu.memory_space<vmem>>, vector<16xf32>,
      %max3A_366 = arith.maximumf %max3A_362, %get3A_365 : vector<16xf32>
      %get3A_367 = arith.index_cast %scan3A_218 : i32 to index
      %get3A_368 = arith.constant 592 : index
      %get3A_369 = tpu.vector_load %arg8[%get3A_367, %get3A_368] {strides = array<i32>} : memref<16x1000xf32, #tpu.memory_space<vmem>>, vector<16xf32>,
      %max3A_370 = arith.maximumf %max3A_366, %get3A_369 : vector<16xf32>
      %get3A_371 = arith.index_cast %scan3A_218 : i32 to index
      %get3A_372 = arith.constant 608 : index
      %get3A_373 = tpu.vector_load %arg8[%get3A_371, %get3A_372] {strides = array<i32>} : memref<16x1000xf32, #tpu.memory_space<vmem>>, vector<16xf32>,
      %max3A_374 = arith.maximumf %max3A_370, %get3A_373 : vector<16xf32>
      %get3A_375 = arith.index_cast %scan3A_218 : i32 to index
      %get3A_376 = arith.constant 624 : index
      %get3A_377 = tpu.vector_load %arg8[%get3A_375, %get3A_376] {strides = array<i32>} : memref<16x1000xf32, #tpu.memory_space<vmem>>, vector<16xf32>,
      %max3A_378 = arith.maximumf %max3A_374, %get3A_377 : vector<16xf32>
      %get3A_379 = arith.index_cast %scan3A_218 : i32 to index
      %get3A_380 = arith.constant 640 : index
      %get3A_381 = tpu.vector_load %arg8[%get3A_379, %get3A_380] {strides = array<i32>} : memref<16x1000xf32, #tpu.memory_space<vmem>>, vector<16xf32>,
      %max3A_382 = arith.maximumf %max3A_378, %get3A_381 : vector<16xf32>
      %get3A_383 = arith.index_cast %scan3A_218 : i32 to index
      %get3A_384 = arith.constant 656 : index
      %get3A_385 = tpu.vector_load %arg8[%get3A_383, %get3A_384] {strides = array<i32>} : memref<16x1000xf32, #tpu.memory_space<vmem>>, vector<16xf32>,
      %max3A_386 = arith.maximumf %max3A_382, %get3A_385 : vector<16xf32>
      %get3A_387 = arith.index_cast %scan3A_218 : i32 to index
      %get3A_388 = arith.constant 672 : index
      %get3A_389 = tpu.vector_load %arg8[%get3A_387, %get3A_388] {strides = array<i32>} : memref<16x1000xf32, #tpu.memory_space<vmem>>, vector<16xf32>,
      %max3A_390 = arith.maximumf %max3A_386, %get3A_389 : vector<16xf32>
      %get3A_391 = arith.index_cast %scan3A_218 : i32 to index
      %get3A_392 = arith.constant 688 : index
      %get3A_393 = tpu.vector_load %arg8[%get3A_391, %get3A_392] {strides = array<i32>} : memref<16x1000xf32, #tpu.memory_space<vmem>>, vector<16xf32>,
      %max3A_394 = arith.maximumf %max3A_390, %get3A_393 : vector<16xf32>
      %get3A_395 = arith.index_cast %scan3A_218 : i32 to index
      %get3A_396 = arith.constant 704 : index
      %get3A_397 = tpu.vector_load %arg8[%get3A_395, %get3A_396] {strides = array<i32>} : memref<16x1000xf32, #tpu.memory_space<vmem>>, vector<16xf32>,
      %max3A_398 = arith.maximumf %max3A_394, %get3A_397 : vector<16xf32>
      %get3A_399 = arith.index_cast %scan3A_218 : i32 to index
      %get3A_400 = arith.constant 720 : index
      %get3A_401 = tpu.vector_load %arg8[%get3A_399, %get3A_400] {strides = array<i32>} : memref<16x1000xf32, #tpu.memory_space<vmem>>, vector<16xf32>,
      %max3A_402 = arith.maximumf %max3A_398, %get3A_401 : vector<16xf32>
      %get3A_403 = arith.index_cast %scan3A_218 : i32 to index
      %get3A_404 = arith.constant 736 : index
      %get3A_405 = tpu.vector_load %arg8[%get3A_403, %get3A_404] {strides = array<i32>} : memref<16x1000xf32, #tpu.memory_space<vmem>>, vector<16xf32>,
      %max3A_406 = arith.maximumf %max3A_402, %get3A_405 : vector<16xf32>
      %get3A_407 = arith.index_cast %scan3A_218 : i32 to index
      %get3A_408 = arith.constant 752 : index
      %get3A_409 = tpu.vector_load %arg8[%get3A_407, %get3A_408] {strides = array<i32>} : memref<16x1000xf32, #tpu.memory_space<vmem>>, vector<16xf32>,
      %max3A_410 = arith.maximumf %max3A_406, %get3A_409 : vector<16xf32>
      %get3A_411 = arith.index_cast %scan3A_218 : i32 to index
      %get3A_412 = arith.constant 768 : index
      %get3A_413 = tpu.vector_load %arg8[%get3A_411, %get3A_412] {strides = array<i32>} : memref<16x1000xf32, #tpu.memory_space<vmem>>, vector<16xf32>,
      %max3A_414 = arith.maximumf %max3A_410, %get3A_413 : vector<16xf32>
      %get3A_415 = arith.index_cast %scan3A_218 : i32 to index
      %get3A_416 = arith.constant 784 : index
      %get3A_417 = tpu.vector_load %arg8[%get3A_415, %get3A_416] {strides = array<i32>} : memref<16x1000xf32, #tpu.memory_space<vmem>>, vector<16xf32>,
      %max3A_418 = arith.maximumf %max3A_414, %get3A_417 : vector<16xf32>
      %get3A_419 = arith.index_cast %scan3A_218 : i32 to index
      %get3A_420 = arith.constant 800 : index
      %get3A_421 = tpu.vector_load %arg8[%get3A_419, %get3A_420] {strides = array<i32>} : memref<16x1000xf32, #tpu.memory_space<vmem>>, vector<16xf32>,
      %max3A_422 = arith.maximumf %max3A_418, %get3A_421 : vector<16xf32>
      %get3A_423 = arith.index_cast %scan3A_218 : i32 to index
      %get3A_424 = arith.constant 816 : index
      %get3A_425 = tpu.vector_load %arg8[%get3A_423, %get3A_424] {strides = array<i32>} : memref<16x1000xf32, #tpu.memory_space<vmem>>, vector<16xf32>,
      %max3A_426 = arith.maximumf %max3A_422, %get3A_425 : vector<16xf32>
      %get3A_427 = arith.index_cast %scan3A_218 : i32 to index
      %get3A_428 = arith.constant 832 : index
      %get3A_429 = tpu.vector_load %arg8[%get3A_427, %get3A_428] {strides = array<i32>} : memref<16x1000xf32, #tpu.memory_space<vmem>>, vector<16xf32>,
      %max3A_430 = arith.maximumf %max3A_426, %get3A_429 : vector<16xf32>
      %get3A_431 = arith.index_cast %scan3A_218 : i32 to index
      %get3A_432 = arith.constant 848 : index
      %get3A_433 = tpu.vector_load %arg8[%get3A_431, %get3A_432] {strides = array<i32>} : memref<16x1000xf32, #tpu.memory_space<vmem>>, vector<16xf32>,
      %max3A_434 = arith.maximumf %max3A_430, %get3A_433 : vector<16xf32>
      %get3A_435 = arith.index_cast %scan3A_218 : i32 to index
      %get3A_436 = arith.constant 864 : index
      %get3A_437 = tpu.vector_load %arg8[%get3A_435, %get3A_436] {strides = array<i32>} : memref<16x1000xf32, #tpu.memory_space<vmem>>, vector<16xf32>,
      %max3A_438 = arith.maximumf %max3A_434, %get3A_437 : vector<16xf32>
      %get3A_439 = arith.index_cast %scan3A_218 : i32 to index
      %get3A_440 = arith.constant 880 : index
      %get3A_441 = tpu.vector_load %arg8[%get3A_439, %get3A_440] {strides = array<i32>} : memref<16x1000xf32, #tpu.memory_space<vmem>>, vector<16xf32>,
      %max3A_442 = arith.maximumf %max3A_438, %get3A_441 : vector<16xf32>
      %get3A_443 = arith.index_cast %scan3A_218 : i32 to index
      %get3A_444 = arith.constant 896 : index
      %get3A_445 = tpu.vector_load %arg8[%get3A_443, %get3A_444] {strides = array<i32>} : memref<16x1000xf32, #tpu.memory_space<vmem>>, vector<16xf32>,
      %max3A_446 = arith.maximumf %max3A_442, %get3A_445 : vector<16xf32>
      %get3A_447 = arith.index_cast %scan3A_218 : i32 to index
      %get3A_448 = arith.constant 912 : index
      %get3A_449 = tpu.vector_load %arg8[%get3A_447, %get3A_448] {strides = array<i32>} : memref<16x1000xf32, #tpu.memory_space<vmem>>, vector<16xf32>,
      %max3A_450 = arith.maximumf %max3A_446, %get3A_449 : vector<16xf32>
      %get3A_451 = arith.index_cast %scan3A_218 : i32 to index
      %get3A_452 = arith.constant 928 : index
      %get3A_453 = tpu.vector_load %arg8[%get3A_451, %get3A_452] {strides = array<i32>} : memref<16x1000xf32, #tpu.memory_space<vmem>>, vector<16xf32>,
      %max3A_454 = arith.maximumf %max3A_450, %get3A_453 : vector<16xf32>
      %get3A_455 = arith.index_cast %scan3A_218 : i32 to index
      %get3A_456 = arith.constant 944 : index
      %get3A_457 = tpu.vector_load %arg8[%get3A_455, %get3A_456] {strides = array<i32>} : memref<16x1000xf32, #tpu.memory_space<vmem>>, vector<16xf32>,
      %max3A_458 = arith.maximumf %max3A_454, %get3A_457 : vector<16xf32>
      %get3A_459 = arith.index_cast %scan3A_218 : i32 to index
      %get3A_460 = arith.constant 960 : index
      %get3A_461 = tpu.vector_load %arg8[%get3A_459, %get3A_460] {strides = array<i32>} : memref<16x1000xf32, #tpu.memory_space<vmem>>, vector<16xf32>,
      %max3A_462 = arith.maximumf %max3A_458, %get3A_461 : vector<16xf32>
      %get3A_463 = arith.index_cast %scan3A_218 : i32 to index
      %get3A_464 = arith.constant 976 : index
      %get3A_465 = tpu.vector_load %arg8[%get3A_463, %get3A_464] {strides = array<i32>} : memref<16x1000xf32, #tpu.memory_space<vmem>>, vector<16xf32>,
      %max3A_466 = arith.maximumf %max3A_462, %get3A_465 : vector<16xf32>
      %get3A_467 = arith.index_cast %scan3A_218 : i32 to index
      %get3A_468 = arith.constant 984 : index
      %get3A_469 = tpu.vector_load %arg8[%get3A_467, %get3A_468] {strides = array<i32>} : memref<16x1000xf32, #tpu.memory_space<vmem>>, vector<16xf32>,
      %max3A_470 = arith.maximumf %max3A_466, %get3A_469 : vector<16xf32>
      %reduce_max3A = arith.constant true
      %reduce_max3A_471 = vector.broadcast %reduce_max3A : i1 to vector<16xi1>
      %reduce_max3A_472 = tpu.scan <max>, %max3A_470 masked %reduce_max3A_471 : vector<16xf32>, vector<16xi1> -> vector<16xf32>
      %reduce_max3A_473 = vector.extract %reduce_max3A_472[15] : f32 from vector<16xf32>
      %eq3A = vector.broadcast %scan3A_218 : i32 to vector<16xi32>
      %eq3A_474 = arith.cmpi eq, %iota3A, %eq3A : vector<16xi32>
      %broadcast_in_dim3A_475 = vector.broadcast %reduce_max3A_473 : f32 to vector<16xf32>
      %select_n3A = arith.select %eq3A_474, %broadcast_in_dim3A_475, %scan3A_219 : vector<16xi1>, vector<16xf32>
      scf.yield %select_n3A : vector<16xf32>
    }
    %scan3A_208 = arith.constant 16 : i32
    %sub3A_209 = arith.constant 1.000000e+00 : f32
    %sub3A_210 = vector.broadcast %sub3A_209 : f32 to vector<16xf32>
    %sub3A_211 = arith.subf %sub3A_210, %gather3A_202 : vector<16xf32>
    %add3A_212 = arith.addf %sub3A_211, %scan3A_207 : vector<16xf32>
    %max3A_213 = arith.constant 0.000000e+00 : f32
    %max3A_214 = vector.broadcast %max3A_213 : f32 to vector<16xf32>
    %max3A_215 = arith.maximumf %max3A_214, %add3A_212 : vector<16xf32>
    %add3A_216 = arith.addf %add3A_195, %max3A_215 : vector<16xf32>
    %swap3A = arith.constant 0 : index
    %swap3A_217 = tpu.vector_load %arg10[%swap3A] {strides = array<i32>} : memref<16xf32, #tpu.memory_space<vmem>>, vector<16xf32>,
    tpu.vector_store %arg10[%swap3A], %add3A_216 {strides = array<i32>} : memref<16xf32, #tpu.memory_space<vmem>>, vector<16xf32>,
    "tpu.region"() ({
      %run_scoped3A = tpu.sem_alloc : memref<!tpu.dma_semaphore, #tpu.memory_space<semaphore_mem>>
      %dma_start3A_218 = arith.constant 0 : i32
      %dma_start3A_219 = tpu.memref_slice %arg4[%add3A, %dma_start3A_218] : memref<32x16xf32, #tpu.memory_space<hbm>> -> memref<1x16xf32, #tpu.memory_space<hbm>>
      %dma_start3A_220 = tpu.memref_squeeze %dma_start3A_219 : memref<1x16xf32, #tpu.memory_space<hbm>> -> memref<16xf32, #tpu.memory_space<hbm>>
      %dma_start3A_221 = arith.constant 0 : i32
      %dma_start3A_222 = tpu.memref_slice %arg4[%add3A, %dma_start3A_221] : memref<32x16xf32, #tpu.memory_space<hbm>> -> memref<1x16xf32, #tpu.memory_space<hbm>>
      %dma_start3A_223 = tpu.memref_squeeze %dma_start3A_222 : memref<1x16xf32, #tpu.memory_space<hbm>> -> memref<16xf32, #tpu.memory_space<hbm>>
      tpu.enqueue_dma source(%arg10 : memref<16xf32, #tpu.memory_space<vmem>>) target(%dma_start3A_223 : memref<16xf32, #tpu.memory_space<hbm>>) target_semaphore(%run_scoped3A : memref<!tpu.dma_semaphore, #tpu.memory_space<semaphore_mem>>)
      %dma_wait3A_224 = arith.constant 0 : i32
      %dma_wait3A_225 = tpu.memref_slice %arg4[%add3A, %dma_wait3A_224] : memref<32x16xf32, #tpu.memory_space<hbm>> -> memref<1x16xf32, #tpu.memory_space<hbm>>
      %dma_wait3A_226 = tpu.memref_squeeze %dma_wait3A_225 : memref<1x16xf32, #tpu.memory_space<hbm>> -> memref<16xf32, #tpu.memory_space<hbm>>
      %dma_wait3A_227 = arith.constant 0 : i32
      %dma_wait3A_228 = tpu.memref_slice %arg4[%add3A, %dma_wait3A_227] : memref<32x16xf32, #tpu.memory_space<hbm>> -> memref<1x16xf32, #tpu.memory_space<hbm>>
      %dma_wait3A_229 = tpu.memref_squeeze %dma_wait3A_228 : memref<1x16xf32, #tpu.memory_space<hbm>> -> memref<16xf32, #tpu.memory_space<hbm>>
      tpu.wait_dma2 semaphore(%run_scoped3A : memref<!tpu.dma_semaphore, #tpu.memory_space<semaphore_mem>>) src(%arg10 : memref<16xf32, #tpu.memory_space<vmem>>) dst(%dma_wait3A_229 : memref<16xf32, #tpu.memory_space<hbm>>)
      tpu.yield
    }) : () -> ()
    return
  }
}

module attributes {stable_mosaic.version = 14 : i64} {
  func.func @_reduce_tc_body(%arg0: memref<32x16xf32, #tpu.memory_space<vmem>>, %arg1: memref<1x1xf32, #tpu.memory_space<vmem>>) attributes {dimension_semantics = [], scalar_prefetch = 0 : i64, scratch_operands = 0 : i64, tpu.core_type = #tpu.core_type<tc>} {
    %get3A = arith.constant 0 : index
    %get3A_0 = arith.constant 0 : index
    %get3A_1 = vector.load %arg0[%get3A, %get3A_0] : memref<32x16xf32, #tpu.memory_space<vmem>>, vector<32x16xf32>
    %reduce_sum3A = vector.shape_cast %get3A_1 : vector<32x16xf32> to vector<1x32x16xf32>
    %reduce_sum3A_2 = arith.constant dense<0.000000e+00> : vector<1xf32>
    %reduce_sum3A_3 = vector.multi_reduction <add>, %reduce_sum3A, %reduce_sum3A_2 [1, 2] : vector<1x32x16xf32> to vector<1xf32>
    %reduce_sum3A_4 = vector.shape_cast %reduce_sum3A_3 : vector<1xf32> to vector<1x1x1xf32>
    %reduce_sum3A_5 = vector.extract %reduce_sum3A_4[0, 0, 0] : f32 from vector<1x1x1xf32>
    %mul3A = arith.constant 2.44140625E-4 : f32
    %mul3A_6 = arith.mulf %reduce_sum3A_5, %mul3A : f32
    %reshape3A = vector.broadcast %mul3A_6 : f32 to vector<1x1xf32>
    %swap3A = arith.constant 0 : index
    %swap3A_7 = arith.constant 0 : index
    %swap3A_8 = vector.load %arg1[%swap3A, %swap3A_7] : memref<1x1xf32, #tpu.memory_space<vmem>>, vector<1x1xf32>
    tpu.vector_store %arg1[%swap3A, %swap3A_7], %reshape3A {strides = array<i32>} : memref<1x1xf32, #tpu.memory_space<vmem>>, vector<1x1xf32>,
    return
  }
}

</mosaic_0001>

<sc_bundles>
// kernel: kernel.4.cloned.1.call-start
scs
__scs_entry_jumppad:
0x0: {  	(pc) =	sbr.rel $0x88, $3  }
0x1: {  	(tag) =	ssettag $0x0;
	lr =	simm.s32 $0x1  }
0x2: {  	[smem:$0x3F9F] =	sst lr;
	_ =	strace $0xD0000000  }
0x3: {  	_ = 	snop  }
0x4: {  	_ = 	snop  }
0x5: {  	_ = 	snop  }
0x6: {  	_ = 	snop  }
0x7: {  	_ = 	snop  }
__scs_overlays_trampoline_lowered:
0x8: {  	[smem:$0x3FAE] =	sst s0  }
0x9: {  	[smem:$0x3FAF] =	sst s1  }
0xa: {  	[smem:$0x3FB0] =	sst s2  }
0xb: {  	[smem:$0x3FB1] =	sst s3  }
0xc: {  	[smem:$0x3FB2] =	sst s4  }
0xd: {  	[smem:$0x3FB3] =	sst s5  }
0xe: {  	[smem:$0x3FB4] =	sst s6  }
0xf: {  	[smem:$0x3FB5] =	sst s7  }
0x10: {  	[smem:$0x3FB6] =	sst s8  }
0x11: {  	[smem:$0x3FB7] =	sst s9;
	s0 =	simm.s32 @!p0 $0x0  }
0x12: {  	s1 =	sld [smem:$0x3F9D];
	s0 =	simm.s32 @p0 $0x1  }
0x13: {  	[smem:$0x3FB8] =	sst s0;
	s0 =	simm.s32 @!p1 $0x0  }
0x14: {  	s2 =	sld [smem:$0x3F9C];
	s0 =	simm.s32 @p1 $0x1  }
0x15: {  	[smem:$0x3FB9] =	sst s0;
	s0 =	simm.s32 @!p2 $0x0  }
0x16: {  	s3 =	sld [smem:$0x3FDB];
	s0 =	simm.s32 @p2 $0x1  }
0x17: {  	s4 =	simm.s32 $0x1BF5;
	[smem:$0x3FBB] =	sst s0  }
0x18: {  	s0 =	sld [smem:$0x3F9E];
	_ =	swait.ge [sflag:s4], $0x0  }
0x19: {  	s7 =	sld [smem:$0x3F9F]  }
0x1a: {  	s8 =	sadd.s32 $0xFFFFE003, lr  }
0x1b: {  	s9 =	sadd.s32 $0xFFFFFEF7, lr;
	s5 =	simm.s32 $0xFFFFFFFF;
	p2 =	slt.u32 s8, $0xFFFFF086  }
0x1c: {  	p1 =	slt.u32 s9, $0xF7A;
	s5 =	simm.s32 @!p2 $0x0  }
0x1d: {  	s5 =	simm.s32 @p1 $0x1;
	p0 =	seq.s32 s7, s2  }
0x1e: {  	s7 =	smul.u32 @!p0 $0xF7A, s2;
	p2 =	seq.s32 @!p0 s5, $0x0  }
0x1f: {  	s9 =	smul.u32 $0xF7A, s1;
	s8 =	simm.s32 @!p0 $0x1BF5;
	p2 =	por !p2, p0  }
0x20: {  	[sflag:s8] =	ssyncset.s32 @!p0 $0xFFFFF086;
	s6 =	sadd.s32 @!p0 s3, s7;
	s7 =	simm.s32 @!p0 $0x108  }
0x21: {  	s3 =	sadd.s32 s3, s9;
	s6 =	sadd.s32 @!p0 $0x88, s6;
	s7 =	simm.s32 @p2 $0x1082  }
0x22: {  	[simem:s7], [sflag:s8] =	dma.local @!p0 [hbm:s6], $0xF7A  }
0x23: {  	s9 =	sor.u32 $0xD0000000, s2;
	s6 =	simm.s32 $0x108;
	_ =	swait.ge @!p0 [sflag:s8], $0x0  }
0x24: {  	s3 =	sadd.s32 $0x88, s3;
	s6 =	simm.s32 @!p1 $0x1082;
	[sflag:s4] =	ssyncset.s32 $0xFFFFF086  }
0x25: {  	[simem:s6], [sflag:s4] =	dma.local [hbm:s3], $0xF7A  }
0x26: {  	[smem:$0x3F9F] =	sst s1;
	(tag) =	ssettag s2;
	_ =	strace s9  }
0x27: {  	s1 =	sld [smem:$0x3FAF]  }
0x28: {  	s2 =	sld [smem:$0x3FB0]  }
0x29: {  	s4 =	sld [smem:$0x3FB2]  }
0x2a: {  	p0 =	seq.s32 s5, $0x0;
	s5 =	sld [smem:$0x3FB3]  }
0x2b: {  	s6 =	sld [smem:$0x3FB4]  }
0x2c: {  	s7 =	sld [smem:$0x3FB5]  }
0x2d: {  	s3 =	simm.s32 $0x108;
	s8 =	sld [smem:$0x3FB6]  }
0x2e: {  	s3 =	simm.s32 @!p0 $0x1082;
	s9 =	sld [smem:$0x3FB7]  }
0x2f: {  	lr =	sadd.s32 s0, s3;
	s0 =	sld [smem:$0x3FAE]  }
0x30: {  	s3 =	sld [smem:$0x3FB1]  }
0x31: {  	[smem:$0x3FBA] =	sst s10  }
0x32: {  	s10 =	sld [smem:$0x3FB8];
	_ =	sdelay $0x3  }
0x33: {  	p0 =	seq.s32 s10, $0x1;
	s10 =	sld [smem:$0x3FBA];
	_ =	sdelay $0x3  }
0x34: {  	[smem:$0x3FBA] =	sst s10  }
0x35: {  	s10 =	sld [smem:$0x3FB9];
	_ =	sdelay $0x3  }
0x36: {  	p1 =	seq.s32 s10, $0x1;
	s10 =	sld [smem:$0x3FBA];
	_ =	sdelay $0x3  }
0x37: {  	[smem:$0x3FBA] =	sst s10  }
0x38: {  	s10 =	sld [smem:$0x3FBB]  }
0x39: {  	_ = 	snop;
	(pc) =	sbr.ind lr, $3  }
0x3a: {  	_ = 	snop  }
0x3b: {  	_ = 	snop  }
0x3c: {  	p2 =	seq.s32 s10, $0x1;
	s10 =	sld [smem:$0x3FBA]  }
0x3d: {  	_ =	shalt  }
0x3e: {  	_ =	shalt  }
0x3f: {  	_ =	shalt  }
0x40: {  	_ =	shalt  }
0x41: {  	_ =	shalt  }
0x42: {  	_ =	shalt  }
0x43: {  	_ =	shalt  }
0x44: {  	_ =	shalt  }
0x45: {  	_ =	shalt  }
0x46: {  	_ =	shalt  }
0x47: {  	_ =	shalt  }
0x48: {  	_ =	shalt  }
0x49: {  	_ =	shalt  }
0x4a: {  	_ =	shalt  }
0x4b: {  	_ =	shalt  }
0x4c: {  	_ =	shalt  }
0x4d: {  	_ =	shalt  }
0x4e: {  	_ =	shalt  }
0x4f: {  	_ =	shalt  }
0x50: {  	_ =	shalt  }
0x51: {  	_ =	shalt  }
0x52: {  	_ =	shalt  }
0x53: {  	_ =	shalt  }
0x54: {  	_ =	shalt  }
0x55: {  	_ =	shalt  }
0x56: {  	_ =	shalt  }
0x57: {  	_ =	shalt  }
0x58: {  	_ =	shalt  }
0x59: {  	_ =	shalt  }
0x5a: {  	_ =	shalt  }
0x5b: {  	_ =	shalt  }
0x5c: {  	_ =	shalt  }
0x5d: {  	_ =	shalt  }
0x5e: {  	_ =	shalt  }
0x5f: {  	_ =	shalt  }
0x60: {  	_ =	shalt  }
0x61: {  	_ =	shalt  }
0x62: {  	_ =	shalt  }
0x63: {  	_ =	shalt  }
0x64: {  	_ =	shalt  }
0x65: {  	_ =	shalt  }
0x66: {  	_ =	shalt  }
0x67: {  	_ =	shalt  }
0x68: {  	_ =	shalt  }
0x69: {  	_ =	shalt  }
0x6a: {  	_ =	shalt  }
0x6b: {  	_ =	shalt  }
0x6c: {  	_ =	shalt  }
0x6d: {  	_ =	shalt  }
0x6e: {  	_ =	shalt  }
0x6f: {  	_ =	shalt  }
0x70: {  	_ =	shalt  }
0x71: {  	_ =	shalt  }
0x72: {  	_ =	shalt  }
0x73: {  	_ =	shalt  }
0x74: {  	_ =	shalt  }
0x75: {  	_ =	shalt  }
0x76: {  	_ =	shalt  }
0x77: {  	_ =	shalt  }
0x78: {  	_ =	shalt  }
0x79: {  	_ =	shalt  }
0x7a: {  	_ =	shalt  }
0x7b: {  	_ =	shalt  }
0x7c: {  	_ =	shalt  }
0x7d: {  	_ =	shalt  }
0x7e: {  	_ =	shalt  }
0x7f: {  	_ =	shalt  }
0x80: {  	_ =	shalt  }
0x81: {  	_ =	shalt  }
0x82: {  	_ =	shalt  }
0x83: {  	_ =	shalt  }
0x84: {  	_ =	shalt  }
0x85: {  	_ =	shalt  }
0x86: {  	_ =	shalt  }
0x87: {  	_ =	shalt  }
.Lfunc_end0:
.L_simem_size_0:
called_computation_lowered:
.L_overlay_start_0:
0x88: {  	s2 =	sld [smem:$0x3FD9]  }
0x89: {  	s3 =	sld [smem:$0x3FFE];
	_ =	sdelay $0x1  }
0x8a: {  	s1 =	srdreg.scid  }
0x8b: {  	s0 =	sand.u32 $0x1, s1  }
0x8c: {  	s17 =	sshll.u32 s0, $0xA;
	s2 =	sadd.s32 s3, s2  }
0x8d: {  	s2 =	sadd.s32 s2, s17  }
0x8e: {  	[smem:$0x3FC6] =	sst s2  }
0x8f: {  	_ = 	snop  }
0x90: {  	s2 =	sld [smem:$0x3FC8];
	(tm) =	ssettm $0x1  }
0x91: {  	s18 =	sld [smem:$0x3FFB];
	_ =	sdelay $0x3  }
0x92: {  	_ =	strace s18  }
0x93: {  	s3 =	sld [smem:$0x3FFC];
	_ =	sdelay $0x3  }
0x94: {  	_ =	strace s3  }
0x95: {  	s3 =	sld [smem:$0x3FFD];
	_ =	sdelay $0x3  }
0x96: {  	_ =	strace s3  }
0x97: {  	_ =	strace $0x8FFFFFFF  }
0x98: {  	s19 =	sld [smem:$0x3FDB];
	_ =	sdelay $0x1  }
0x99: {  	s4 =	simm.s32 $_scs_section_size  }
0x9a: {  	s5 =	simm.s32 $_size__tile_overlayer_lowered;
	s6 =	simm.s32 $_tile_overlayer_lowered  }
0x9b: {  	s22 =	simm.s32 $0x1BFF;
	s21 =	sshll.u32 s6, $0x1;
	s3 =	sadd.s32 s4, s19  }
0x9c: {  	s7 =	simm.s32 $0x0;
	s20 =	sshll.u32 s5, $0x1;
	s5 =	sadd.s32 s21, s3  }
0x9d: {  	[timem:s7], [sflag:s22] =	dma.local [hbm:s5], s20  }
0x9e: {  	_ =	swait.ge [sflag:s22], s20  }
0x9f: {  	s4 =	ssub.s32 $0x0, s20;
	[sflag:s22] =	ssyncset.done $0x0  }
0xa0: {  	[sflag:s22] =	ssyncadd.s32 s4;
	_ =	sdelay $0x1  }
0xa1: {  	s23 =	simm.s32 $0x1B8B  }
0xa2: {  	_ =	swait.ge [sflag:s23], $0x1  }
0xa3: {  	[sflag:s23] =	ssyncset.done $0x0  }
0xa4: {  	s25 =	simm.s32 $0x1B8E;
	s24 =	sld [smem:$0x3FFE];
	[sflag:s23] =	ssyncadd.s32 $0xFFFFFFFF  }
0xa5: {  	s26 =	simm.s32 $execute0_lowered;
	[smem:$0x3FD2] =	sst s25  }
0xa6: {  	s5 =	sshll.u32 s26, $0x1;
	_ =	strace $0x80000046;
	[dreg:$0x1] =	wrdreg $0xFFFFFFFF  }
0xa7: {  	s28 =	simm.s32 $_size_execute0_lowered;
	s3 =	sadd.s32 s3, s5;
	[dreg:$0x0] =	wrdreg $0x0  }
0xa8: {  	s5 =	sshll.u32 s28, $0x1;
	[dreg:$0x2] =	wrdreg s3  }
0xa9: {  	[dreg:$0x3] =	wrdreg s5  }
0xaa: {  	[dreg:$0x4] =	wrdreg $0xC0  }
0xab: {  	_ =	task [dreg:s7], $0x5FFFF  }
0xac: {  	[dreg:$0x1] =	wrdreg $0xFFFFFFFF  }
0xad: {  	[dreg:$0x0] =	wrdreg $0x60  }
0xae: {  	[dreg:$0x2] =	wrdreg s24  }
0xaf: {  	[dreg:$0x3] =	wrdreg s2  }
0xb0: {  	[dreg:$0x4] =	wrdreg $0x9  }
0xb1: {  	_ =	task.clear_ibuf [dreg:s7], $0x5FFFF;
	_ =	strace $0x90000046  }
0xb2: {  	s29 =	simm.s32 $0x9;
	_ =	strace $0x80000048  }
0xb3: {  	_ =	swait.ge [sflag:s29], $0x1  }
0xb4: {  	[sflag:s29] =	ssyncadd.s32 $0xFFFFFFFF  }
0xb5: {  	_ =	strace $0x90000048  }
0xb6: {  	_ =	sfence  }
0xb7: {  	s30 =	sld [smem:$0x0];
	_ =	sdelay $0x2  }
0xb8: {  	s31 =	sshll.u32 s1, $0xD;
	s1 =	sshrl.u32 s1, $0x2  }
0xb9: {  	s3 =	sand.u32 $0x4000, s31;
	s1 =	sadd.s32 s1, s30  }
0xba: {  	s0 =	sor.u32 s3, s0;
	s1 =	sshll.u32 s1, $0x11  }
0xbb: {  	s0 =	sor.u32 s1, s0  }
0xbc: {  	s0 =	sadd.s32 $0x8F2B, s0  }
0xbd: {  	[sflag:s0] =	ssyncadd.remote.s32 $0x1  }
0xbe: {  	_ =	sfence.sel $0xFFFF  }
0xbf: {  	[dreg:$0x0] =	wrdreg $0xFFFFFFFF;
	(pc) =	sbr.abs _section_cstart, $3  }
0xc0: {  	[dreg:$0x1] =	wrdreg $0xFFFFFFFF  }
0xc1: {  	_ =	task.clear_ibuf [dreg:s7], $0x2FFFF;
	_ =	strace $0x9FFFFFFF  }
0xc2: {  	(tm) =	ssettm $0x7FFFFFFF  }
0xc3: {  	_ =	shalt  }
tec
execute0_lowered:
.L_overlay_start_1:
0x0: {  	(tag) =	ssettag $0x1  }
0x1: {  	v0 =	vimm.s32 $0x2380;
	vm0 =	vcmask $0x300  }
0x2: {  	vm14 =	vcmask $0x704;
	v0 =	vsel vm0, $0x0, v0  }
0x3: {  	s0 =	rddreg [dreg:$0x0];
	vm15 =	vcmask $0xB08;
	v0 =	vsel vm14, $0x80, v0  }
0x4: {  	s3 =	rddreg [dreg:$0x1];
	vm4 =	vcmask $0xF0C;
	v0 =	vsel vm15, $0x100, v0  }
0x5: {  	s4 =	srdreg.scid;
	s1 =	stileid.u32;
	vm5 =	vcmask $0x1310;
	v0 =	vsel vm4, $0x180, v0  }
0x6: {  	s2 =	simm.s32 $0x0;
	vm6 =	vcmask $0x1714;
	s15 =	simm.s32 $0x5;
	s16 =	simm.s32 $0x4000;
	v0 =	vsel vm5, $0x200, v0  }
0x7: {  	vm7 =	vcmask $0x1B18;
	s17 =	simm.s32 $0x8000;
	s18 =	simm.s32 $0x1;
	s19 =	simm.s32 $0xC000;
	v0 =	vsel vm6, $0x280, v0  }
0x8: {  	vm8 =	vcmask $0x1F1C;
	s20 =	simm.s32 $0x2;
	s21 =	simm.s32 $0x3;
	s22 =	simm.s32 $0x4;
	v0 =	vsel vm7, $0x300, v0  }
0x9: {  	vm9 =	vcmask $0x2320;
	s4 =	sand.u32 $0x1, s4;
	s5 =	sshll.u32 s1, $0x1;
	[smem:$0x7FF] =	sst s2;
	v0 =	vsel vm8, $0x380, v0  }
0xa: {  	vm10 =	vcmask $0x2724;
	s24 =	simm.s32 $0x0;
	s5 =	sor.u32 s4, s5;
	_ =	strace $0x80000047;
	v0 =	vsel vm9, $0x2000, v0  }
0xb: {  	vm11 =	vcmask $0x2B28;
	s4 =	ssub.s32 $0x2, s4;
	s6 =	sshll.u32 s5, $0xE;
	s5 =	sshll.u32 s5, $0x4;
	v0 =	vsel vm10, $0x2080, v0  }
0xc: {  	vm12 =	vcmask $0x2F2C;
	s31 =	sshrl.u32 s4, $0x1;
	s11 =	sadd.s32 s6, s0;
	s0 =	sadd.s32 s5, s0;
	v0 =	vsel vm11, $0x2100, v0  }
0xd: {  	vm13 =	vcmask $0x3330;
	s13 =	ssub.s32 s4, s31;
	s3 =	sadd.s32 s3, s5;
	s4 =	sadd.s32 $0x600, s11;
	v0 =	vsel vm12, $0x2180, v0  }
0xe: {  	vm14 =	vcmask $0x3734;
	s5 =	sadd.s32 $0xE00, s11;
	s6 =	sadd.s32 $0x1600, s11;
	s7 =	sadd.s32 $0x1E00, s11;
	v0 =	vsel vm13, $0x2200, v0  }
0xf: {  	vm15 =	vcmask $0x3B38;
	s8 =	sadd.s32 $0x2600, s11;
	s9 =	sadd.s32 $0x2E00, s11;
	s10 =	sadd.s32 $0x3600, s11;
	v0 =	vsel vm14, $0x2280, v0  }
0x10: {  	v1 =	vlaneseq.u32;
	s11 =	sadd.s32 $0x3E00, s11;
	s12 =	sadd.s32 $0x80600, s0;
	s13 =	smax.u32 s13, $0x1;
	v0 =	vsel vm15, $0x2300, v0  }
.LBB2_1:
0x11: {  	s0 =	simm.s32 $0x10000  }
0x12: {  	[tilespmem:s0], [sflag:$0x5] =	stream.linear.gather [hbm4b:s3+s2], $0x80, $0x38;
	[tilespmem:$0x10100] =	vst v63  }
0x13: {  	_ =	swait.ge [sflag:s15], $0x80  }
0x14: {  	[sflag:s15] =	ssyncset.done $0x0  }
0x15: {  	[sflag:s15] =	ssyncadd.s32 $0xFFFFFF80  }
0x16: {  	[tilespmem:s2], [sflag:$0x1] =	stream.linear.gather [hbm4b:s4+s2], $0x4000, $0x38;
	[tilespmem:$0x10100] =	vst v63  }
0x17: {  	_ = 	snop  }
0x18: {  	[tilespmem:s16], [sflag:$0x2] =	stream.linear.gather [hbm4b:s5+s2], $0x4000, $0x38;
	[tilespmem:$0x10100] =	vst v63  }
0x19: {  	_ = 	snop  }
0x1a: {  	[tilespmem:s17], [sflag:$0x3] =	stream.linear.gather [hbm4b:s6+s2], $0x4000, $0x38;
	[tilespmem:$0x10100] =	vst v63  }
0x1b: {  	_ =	swait.ge [sflag:s18], $0x4000  }
0x1c: {  	[sflag:s18] =	ssyncset.done $0x0  }
0x1d: {  	[sflag:s18] =	ssyncadd.s32 $0xFFFFC000  }
0x1e: {  	[tilespmem:s19], [sflag:$0x4] =	stream.linear.gather [hbm4b:s7+s2], $0x4000, $0x38;
	[tilespmem:$0x10100] =	vst v63  }
0x1f: {  	v2 =	vld [tilespmem:$0x10000];
	_ =	sdelay $0x4  }
0x20: {  	v3 =	vshll.u32 v2, $0x3  }
0x21: {  	v2 =	vand.u32 $0x7F, v2;
	v3 =	vand.u32 $0xFFFFFC00, v3  }
0x22: {  	v2 =	vor.u32 v2, v3  }
0x23: {  	v3 =	vadd.s32 v0, v2;
	_ =	sdelay $0x3  }
0x24: {  	v4 =	vimm.f32 $-Inf;
	s1 =	sand.u32 $0x2000, s2;
	s25 =	sand.u32 $0x380, s2  }
0x25: {  	s0 =	sor.u32 s25, s1;
	v2 =	vld.idx.msk [tilespmem:v3+s2+$0x0], $0xffff;
	[tilespmem:v3+s2+$0x0] =	vst.idx.msk $0xffff, v4  }
0x26: {  	v3 =	vld [tilespmem:s0+$0x0]  }
0x27: {  	v5 =	vld [tilespmem:s0+$0x10]  }
0x28: {  	v6 =	vld [tilespmem:s0+$0x20]  }
0x29: {  	v7 =	vld [tilespmem:s0+$0x30]  }
0x2a: {  	v8 =	vld [tilespmem:s0+$0x40]  }
0x2b: {  	v9 =	vld [tilespmem:s0+$0x50]  }
0x2c: {  	v3 =	vmax.f32 v3, v5;
	v5 =	vld [tilespmem:s0+$0x60]  }
0x2d: {  	v3 =	vmax.f32 v3, v6;
	v6 =	vld [tilespmem:s0+$0x70]  }
0x2e: {  	v3 =	vmax.f32 v3, v7;
	v7 =	vld [tilespmem:s0+$0x400]  }
0x2f: {  	v3 =	vmax.f32 v3, v8;
	v8 =	vld [tilespmem:s0+$0x410]  }
0x30: {  	v3 =	vmax.f32 v3, v9;
	v9 =	vld [tilespmem:s0+$0x420]  }
0x31: {  	v3 =	vmax.f32 v3, v5;
	v5 =	vld [tilespmem:s0+$0x430]  }
0x32: {  	v3 =	vmax.f32 v3, v6;
	v6 =	vld [tilespmem:s0+$0x440]  }
0x33: {  	v3 =	vmax.f32 v3, v7;
	v7 =	vld [tilespmem:s0+$0x450]  }
0x34: {  	v3 =	vmax.f32 v3, v8;
	v8 =	vld [tilespmem:s0+$0x460]  }
0x35: {  	v3 =	vmax.f32 v3, v9;
	v9 =	vld [tilespmem:s0+$0x470]  }
0x36: {  	v3 =	vmax.f32 v3, v5;
	v5 =	vld [tilespmem:s0+$0x800]  }
0x37: {  	v3 =	vmax.f32 v3, v6;
	v6 =	vld [tilespmem:s0+$0x810]  }
0x38: {  	v3 =	vmax.f32 v3, v7;
	v7 =	vld [tilespmem:s0+$0x820]  }
0x39: {  	v3 =	vmax.f32 v3, v8;
	v8 =	vld [tilespmem:s0+$0x830]  }
0x3a: {  	v3 =	vmax.f32 v3, v9;
	v9 =	vld [tilespmem:s0+$0x840]  }
0x3b: {  	v3 =	vmax.f32 v3, v5;
	v5 =	vld [tilespmem:s0+$0x850]  }
0x3c: {  	v3 =	vmax.f32 v3, v6;
	v6 =	vld [tilespmem:s0+$0x860]  }
0x3d: {  	v3 =	vmax.f32 v3, v7;
	v7 =	vld [tilespmem:s0+$0x870]  }
0x3e: {  	v3 =	vmax.f32 v3, v8;
	v8 =	vld [tilespmem:s0+$0xC00]  }
0x3f: {  	v3 =	vmax.f32 v3, v9;
	v9 =	vld [tilespmem:s0+$0xC10]  }
0x40: {  	v3 =	vmax.f32 v3, v5;
	v5 =	vld [tilespmem:s0+$0xC20]  }
0x41: {  	v3 =	vmax.f32 v3, v6;
	v6 =	vld [tilespmem:s0+$0xC30]  }
0x42: {  	v3 =	vmax.f32 v3, v7;
	v7 =	vld [tilespmem:s0+$0xC40]  }
0x43: {  	v3 =	vmax.f32 v3, v8;
	v8 =	vld [tilespmem:s0+$0xC50]  }
0x44: {  	v3 =	vmax.f32 v3, v9;
	v9 =	vld [tilespmem:s0+$0xC60]  }
0x45: {  	v3 =	vmax.f32 v3, v5;
	v5 =	vld [tilespmem:s0+$0xC70]  }
0x46: {  	v3 =	vmax.f32 v3, v6;
	v6 =	vld [tilespmem:s0+$0x1000]  }
0x47: {  	v3 =	vmax.f32 v3, v7;
	v7 =	vld [tilespmem:s0+$0x1010]  }
0x48: {  	v3 =	vmax.f32 v3, v8;
	v8 =	vld [tilespmem:s0+$0x1020]  }
0x49: {  	v3 =	vmax.f32 v3, v9;
	v9 =	vld [tilespmem:s0+$0x1030]  }
0x4a: {  	v3 =	vmax.f32 v3, v5;
	v5 =	vld [tilespmem:s0+$0x1040]  }
0x4b: {  	v3 =	vmax.f32 v3, v6;
	v6 =	vld [tilespmem:s0+$0x1050]  }
0x4c: {  	v3 =	vmax.f32 v3, v7;
	v7 =	vld [tilespmem:s0+$0x1060]  }
0x4d: {  	v3 =	vmax.f32 v3, v8;
	v8 =	vld [tilespmem:s0+$0x1070]  }
0x4e: {  	v3 =	vmax.f32 v3, v9;
	v9 =	vld [tilespmem:s0+$0x1400]  }
0x4f: {  	v3 =	vmax.f32 v3, v5;
	v5 =	vld [tilespmem:s0+$0x1410]  }
0x50: {  	v3 =	vmax.f32 v3, v6;
	v6 =	vld [tilespmem:s0+$0x1420]  }
0x51: {  	v3 =	vmax.f32 v3, v7;
	v7 =	vld [tilespmem:s0+$0x1430]  }
0x52: {  	v3 =	vmax.f32 v3, v8;
	v8 =	vld [tilespmem:s0+$0x1440]  }
0x53: {  	v3 =	vmax.f32 v3, v9;
	v9 =	vld [tilespmem:s0+$0x1450]  }
0x54: {  	v3 =	vmax.f32 v3, v5;
	v5 =	vld [tilespmem:s0+$0x1460]  }
0x55: {  	v3 =	vmax.f32 v3, v6;
	v6 =	vld [tilespmem:s0+$0x1470]  }
0x56: {  	v3 =	vmax.f32 v3, v7;
	v7 =	vld [tilespmem:s0+$0x1800]  }
0x57: {  	v3 =	vmax.f32 v3, v8;
	v8 =	vld [tilespmem:s0+$0x1810]  }
0x58: {  	v3 =	vmax.f32 v3, v9;
	v9 =	vld [tilespmem:s0+$0x1820]  }
0x59: {  	v3 =	vmax.f32 v3, v5;
	v5 =	vld [tilespmem:s0+$0x1830]  }
0x5a: {  	s14 =	sand.u32 $0x7, s2;
	v3 =	vmax.f32 v3, v6;
	v6 =	vld [tilespmem:s0+$0x1840]  }
0x5b: {  	s25 =	sshll.u32 s14, $0x7;
	v3 =	vmax.f32 v3, v7;
	v7 =	vld [tilespmem:s0+$0x1850]  }
0x5c: {  	s28 =	sadd.s32 $0x0, s25;
	v3 =	vmax.f32 v3, v8;
	v8 =	vld [tilespmem:s0+$0x1860]  }
0x5d: {  	s23 =	sor.u32 $0x1C00, s28;
	v3 =	vmax.f32 v3, v9;
	v9 =	vld [tilespmem:s0+$0x1870]  }
0x5e: {  	s25 =	sor.u32 $0x1C10, s28;
	v10 =	vld [tilespmem:s23+$0x0];
	v3 =	vmax.f32 v3, v5  }
0x5f: {  	s26 =	sor.u32 $0x1C20, s28;
	v11 =	vld [tilespmem:s25+$0x0];
	v3 =	vmax.f32 v3, v6  }
0x60: {  	s1 =	sor.u32 $0x1C30, s28;
	v5 =	vmax.f32 v3, v7;
	v3 =	vld [tilespmem:s26+$0x0]  }
0x61: {  	s31 =	simm.s32 $0x80;
	s14 =	sor.u32 $0x1C40, s28;
	s25 =	simm.s32 $0x400;
	v6 =	vmax.f32 v5, v8;
	v5 =	vld [tilespmem:s1+$0x0]  }
0x62: {  	s30 =	sand.u32 $0x380, s31;
	s23 =	sor.u32 $0x1C50, s28;
	s29 =	sand.u32 $0x2000, s25;
	v7 =	vmax.f32 v6, v9;
	v6 =	vld [tilespmem:s14+$0x0]  }
0x63: {  	s28 =	sor.u32 $0x1C58, s28;
	s30 =	sor.u32 s30, s29;
	s29 =	simm.s32 $0x0;
	v8 =	vmax.f32 v7, v10;
	v7 =	vld [tilespmem:s23+$0x0]  }
0x64: {  	s0 =	simm.s32 $0x2;
	s26 =	simm.s32 $0x1;
	v9 =	vmax.f32 v8, v11;
	v8 =	vld [tilespmem:s28+$0x0];
	s28 =	simm.s32 $0x0  }
.LBB2_2:
0x65: {  	p0 =	sne.s32 s0, $0xF;
	v10 =	vld [tilespmem:s30+$0x0];
	v3 =	vmax.f32 v9, v3  }
0x66: {  	v9 =	vld [tilespmem:s30+$0x10];
	v3 =	vmax.f32 v3, v5  }
0x67: {  	v5 =	vld [tilespmem:s30+$0x20];
	v3 =	vmax.f32 v3, v6  }
0x68: {  	v6 =	vld [tilespmem:s30+$0x30];
	v3 =	vmax.f32 v3, v7  }
0x69: {  	v7 =	vld [tilespmem:s30+$0x40];
	v3 =	vmax.f32 v3, v8  }
0x6a: {  	v8 =	vld [tilespmem:s30+$0x50];
	(xrf0) =	vmax.scan.msk.f32 $0xffff, v3  }
0x6b: {  	v3 =	vmax.f32 v10, v9;
	v9 =	vld [tilespmem:s30+$0x60]  }
0x6c: {  	v3 =	vmax.f32 v3, v5;
	v5 =	vld [tilespmem:s30+$0x70]  }
0x6d: {  	v3 =	vmax.f32 v3, v6;
	v6 =	vld [tilespmem:s30+$0x400]  }
0x6e: {  	v3 =	vmax.f32 v3, v7;
	v7 =	vld [tilespmem:s30+$0x410]  }
0x6f: {  	v3 =	vmax.f32 v3, v8;
	v8 =	vld [tilespmem:s30+$0x420]  }
0x70: {  	v3 =	vmax.f32 v3, v9;
	v9 =	vld [tilespmem:s30+$0x430];
	v10, _, _ =	vpop (xrf0)  }
0x71: {  	v11 =	vmov s28;
	s28 =	smov.u32 s26;
	s26 =	smov.u32 s0;
	v3 =	vmax.f32 v3, v5;
	v5 =	vld [tilespmem:s30+$0x440];
	v10 =	vbroadcast v10, $0xF  }
0x72: {  	vm0 =	veq.s32 v11, v1;
	v3 =	vmax.f32 v3, v6;
	v6 =	vld [tilespmem:s30+$0x450]  }
0x73: {  	v3 =	vmax.f32 v3, v7;
	v7 =	vld [tilespmem:s30+$0x460];
	v4 =	vsel vm0, v10, v4  }
0x74: {  	v3 =	vmax.f32 v3, v8;
	v8 =	vld [tilespmem:s30+$0x470]  }
0x75: {  	v3 =	vmax.f32 v3, v9;
	v9 =	vld [tilespmem:s30+$0x800]  }
0x76: {  	v3 =	vmax.f32 v3, v5;
	v5 =	vld [tilespmem:s30+$0x810]  }
0x77: {  	v3 =	vmax.f32 v3, v6;
	v6 =	vld [tilespmem:s30+$0x820]  }
0x78: {  	v3 =	vmax.f32 v3, v7;
	v7 =	vld [tilespmem:s30+$0x830]  }
0x79: {  	v3 =	vmax.f32 v3, v8;
	v8 =	vld [tilespmem:s30+$0x840]  }
0x7a: {  	v3 =	vmax.f32 v3, v9;
	v9 =	vld [tilespmem:s30+$0x850]  }
0x7b: {  	v3 =	vmax.f32 v3, v5;
	v5 =	vld [tilespmem:s30+$0x860]  }
0x7c: {  	v3 =	vmax.f32 v3, v6;
	v6 =	vld [tilespmem:s30+$0x870]  }
0x7d: {  	v3 =	vmax.f32 v3, v7;
	v7 =	vld [tilespmem:s30+$0xC00]  }
0x7e: {  	v3 =	vmax.f32 v3, v8;
	v8 =	vld [tilespmem:s30+$0xC10]  }
0x7f: {  	v3 =	vmax.f32 v3, v9;
	v9 =	vld [tilespmem:s30+$0xC20]  }
0x80: {  	v3 =	vmax.f32 v3, v5;
	v5 =	vld [tilespmem:s30+$0xC30]  }
0x81: {  	v3 =	vmax.f32 v3, v6;
	v6 =	vld [tilespmem:s30+$0xC40]  }
0x82: {  	v3 =	vmax.f32 v3, v7;
	v7 =	vld [tilespmem:s30+$0xC50]  }
0x83: {  	v3 =	vmax.f32 v3, v8;
	v8 =	vld [tilespmem:s30+$0xC60]  }
0x84: {  	v3 =	vmax.f32 v3, v9;
	v9 =	vld [tilespmem:s30+$0xC70]  }
0x85: {  	v3 =	vmax.f32 v3, v5;
	v5 =	vld [tilespmem:s30+$0x1000]  }
0x86: {  	v3 =	vmax.f32 v3, v6;
	v6 =	vld [tilespmem:s30+$0x1010]  }
0x87: {  	v3 =	vmax.f32 v3, v7;
	v7 =	vld [tilespmem:s30+$0x1020]  }
0x88: {  	v3 =	vmax.f32 v3, v8;
	v8 =	vld [tilespmem:s30+$0x1030]  }
0x89: {  	v3 =	vmax.f32 v3, v9;
	v9 =	vld [tilespmem:s30+$0x1040]  }
0x8a: {  	v3 =	vmax.f32 v3, v5;
	v5 =	vld [tilespmem:s30+$0x1050]  }
0x8b: {  	v3 =	vmax.f32 v3, v6;
	v6 =	vld [tilespmem:s30+$0x1060]  }
0x8c: {  	v3 =	vmax.f32 v3, v7;
	v7 =	vld [tilespmem:s30+$0x1070]  }
0x8d: {  	v3 =	vmax.f32 v3, v8;
	v8 =	vld [tilespmem:s30+$0x1400]  }
0x8e: {  	v3 =	vmax.f32 v3, v9;
	v9 =	vld [tilespmem:s30+$0x1410]  }
0x8f: {  	v3 =	vmax.f32 v3, v5;
	v5 =	vld [tilespmem:s30+$0x1420]  }
0x90: {  	v3 =	vmax.f32 v3, v6;
	v6 =	vld [tilespmem:s30+$0x1430]  }
0x91: {  	v3 =	vmax.f32 v3, v7;
	v7 =	vld [tilespmem:s30+$0x1440]  }
0x92: {  	v3 =	vmax.f32 v3, v8;
	v8 =	vld [tilespmem:s30+$0x1450]  }
0x93: {  	v3 =	vmax.f32 v3, v9;
	v9 =	vld [tilespmem:s30+$0x1460]  }
0x94: {  	v3 =	vmax.f32 v3, v5;
	v5 =	vld [tilespmem:s30+$0x1470]  }
0x95: {  	v3 =	vmax.f32 v3, v6;
	v6 =	vld [tilespmem:s30+$0x1800]  }
0x96: {  	v3 =	vmax.f32 v3, v7;
	v7 =	vld [tilespmem:s30+$0x1810]  }
0x97: {  	v3 =	vmax.f32 v3, v8;
	v8 =	vld [tilespmem:s30+$0x1820]  }
0x98: {  	s29 =	sadd.s32 $0x1, s29;
	v3 =	vmax.f32 v3, v9;
	v9 =	vld [tilespmem:s30+$0x1830]  }
0x99: {  	s1 =	sand.u32 $0x7, s29;
	v3 =	vmax.f32 v3, v5;
	v5 =	vld [tilespmem:s30+$0x1840]  }
0x9a: {  	s1 =	sshll.u32 s1, $0x7;
	v3 =	vmax.f32 v3, v6;
	v6 =	vld [tilespmem:s30+$0x1850]  }
0x9b: {  	s1 =	sadd.s32 s1, s25;
	v3 =	vmax.f32 v3, v7;
	v7 =	vld [tilespmem:s30+$0x1860]  }
0x9c: {  	v3 =	vmax.f32 v3, v8;
	v8 =	vld [tilespmem:s30+$0x1870];
	s30 =	sor.u32 $0x1C00, s1  }
0x9d: {  	v3 =	vmax.f32 v3, v9;
	v9 =	vld [tilespmem:s30+$0x0];
	s30 =	sor.u32 $0x1C10, s1  }
0x9e: {  	v3 =	vmax.f32 v3, v5;
	v10 =	vld [tilespmem:s30+$0x0];
	s30 =	sor.u32 $0x1C20, s1  }
.Ltmp0:
0x9f: {  	v5 =	vmax.f32 v3, v6;
	v3 =	vld [tilespmem:s30+$0x0];
	s30 =	sor.u32 $0x1C30, s1;
	(pc) =	sbr.rel @p0 .LBB2_2-.Ltmp0, $4  }
0xa0: {  	v6 =	vmax.f32 v5, v7;
	v5 =	vld [tilespmem:s30+$0x0];
	s30 =	sor.u32 $0x1C40, s1  }
0xa1: {  	s31 =	sadd.s32 $0x80, s31;
	s25 =	sadd.s32 $0x400, s25;
	v7 =	vmax.f32 v6, v8;
	v6 =	vld [tilespmem:s30+$0x0];
	s30 =	sor.u32 $0x1C50, s1  }
0xa2: {  	s23 =	sand.u32 $0x380, s31;
	s14 =	sand.u32 $0x2000, s25;
	s1 =	sor.u32 $0x1C58, s1;
	v8 =	vmax.f32 v7, v9;
	v7 =	vld [tilespmem:s30+$0x0]  }
0xa3: {  	s0 =	sadd.s32 $0x1, s0;
	s30 =	sor.u32 s23, s14;
	v9 =	vmax.f32 v8, v10;
	v8 =	vld [tilespmem:s1+$0x0]  }
0xa4: {  	v10 =	vld [tilespmem:s30+$0x0]  }
0xa5: {  	v11 =	vld [tilespmem:s30+$0x10]  }
0xa6: {  	v12 =	vld [tilespmem:s30+$0x20]  }
0xa7: {  	v13 =	vld [tilespmem:s30+$0x30]  }
0xa8: {  	v14 =	vld [tilespmem:s30+$0x40]  }
0xa9: {  	v15 =	vld [tilespmem:s30+$0x50]  }
0xaa: {  	v10 =	vmax.f32 v10, v11;
	v11 =	vld [tilespmem:s30+$0x60]  }
0xab: {  	v40 =	vld [tilespmem:s30+$0x70];
	v10 =	vmax.f32 v10, v12  }
0xac: {  	v41 =	vld [tilespmem:s30+$0x400];
	v10 =	vmax.f32 v10, v13  }
0xad: {  	v42 =	vld [tilespmem:s30+$0x410];
	v10 =	vmax.f32 v10, v14  }
0xae: {  	v43 =	vld [tilespmem:s30+$0x420];
	v10 =	vmax.f32 v10, v15  }
0xaf: {  	v10 =	vmax.f32 v10, v11;
	v11 =	vld [tilespmem:s30+$0x430]  }
0xb0: {  	v44 =	vld [tilespmem:s30+$0x440];
	v10 =	vmax.f32 v10, v40  }
0xb1: {  	v45 =	vld [tilespmem:s30+$0x450];
	v10 =	vmax.f32 v10, v41  }
0xb2: {  	v46 =	vld [tilespmem:s30+$0x460];
	v10 =	vmax.f32 v10, v42  }
0xb3: {  	v47 =	vld [tilespmem:s30+$0x470];
	v10 =	vmax.f32 v10, v43  }
0xb4: {  	v10 =	vmax.f32 v10, v11;
	v11 =	vld [tilespmem:s30+$0x800]  }
0xb5: {  	v48 =	vld [tilespmem:s30+$0x810];
	v10 =	vmax.f32 v10, v44  }
0xb6: {  	v49 =	vld [tilespmem:s30+$0x820];
	v10 =	vmax.f32 v10, v45  }
0xb7: {  	v50 =	vld [tilespmem:s30+$0x830];
	v10 =	vmax.f32 v10, v46  }
0xb8: {  	v51 =	vld [tilespmem:s30+$0x840];
	v10 =	vmax.f32 v10, v47  }
0xb9: {  	v10 =	vmax.f32 v10, v11;
	v11 =	vld [tilespmem:s30+$0x850]  }
0xba: {  	v52 =	vld [tilespmem:s30+$0x860];
	v10 =	vmax.f32 v10, v48  }
0xbb: {  	v53 =	vld [tilespmem:s30+$0x870];
	v10 =	vmax.f32 v10, v49  }
0xbc: {  	v54 =	vld [tilespmem:s30+$0xC00];
	v10 =	vmax.f32 v10, v50  }
0xbd: {  	v55 =	vld [tilespmem:s30+$0xC10];
	v10 =	vmax.f32 v10, v51  }
0xbe: {  	v10 =	vmax.f32 v10, v11;
	v11 =	vld [tilespmem:s30+$0xC20]  }
0xbf: {  	v56 =	vld [tilespmem:s30+$0xC30];
	v10 =	vmax.f32 v10, v52  }
0xc0: {  	v57 =	vld [tilespmem:s30+$0xC40];
	v10 =	vmax.f32 v10, v53  }
0xc1: {  	v58 =	vld [tilespmem:s30+$0xC50];
	v10 =	vmax.f32 v10, v54  }
0xc2: {  	v59 =	vld [tilespmem:s30+$0xC60];
	v10 =	vmax.f32 v10, v55  }
0xc3: {  	v10 =	vmax.f32 v10, v11;
	v11 =	vld [tilespmem:s30+$0xC70]  }
0xc4: {  	v60 =	vld [tilespmem:s30+$0x1000];
	v10 =	vmax.f32 v10, v56  }
0xc5: {  	v61 =	vld [tilespmem:s30+$0x1010];
	v10 =	vmax.f32 v10, v57  }
0xc6: {  	v62 =	vld [tilespmem:s30+$0x1020];
	v10 =	vmax.f32 v10, v58  }
0xc7: {  	v63 =	vld [tilespmem:s30+$0x1030];
	v10 =	vmax.f32 v10, v59  }
0xc8: {  	v10 =	vmax.f32 v10, v11;
	v11 =	vld [tilespmem:s30+$0x1040]  }
0xc9: {  	v18 =	vld [tilespmem:s30+$0x1050];
	v10 =	vmax.f32 v10, v60  }
0xca: {  	v19 =	vld [tilespmem:s30+$0x1060];
	v10 =	vmax.f32 v10, v61  }
0xcb: {  	v20 =	vld [tilespmem:s30+$0x1070];
	v10 =	vmax.f32 v10, v62  }
0xcc: {  	v21 =	vld [tilespmem:s30+$0x1400];
	v10 =	vmax.f32 v10, v63  }
0xcd: {  	v10 =	vmax.f32 v10, v11;
	v11 =	vld [tilespmem:s30+$0x1410]  }
0xce: {  	v22 =	vld [tilespmem:s30+$0x1420];
	v10 =	vmax.f32 v10, v18  }
0xcf: {  	v23 =	vld [tilespmem:s30+$0x1430];
	v10 =	vmax.f32 v10, v19  }
0xd0: {  	v24 =	vld [tilespmem:s30+$0x1440];
	v10 =	vmax.f32 v10, v20  }
0xd1: {  	v25 =	vld [tilespmem:s30+$0x1450];
	v10 =	vmax.f32 v10, v21  }
0xd2: {  	v10 =	vmax.f32 v10, v11;
	v11 =	vld [tilespmem:s30+$0x1460]  }
0xd3: {  	v26 =	vld [tilespmem:s30+$0x1470];
	v10 =	vmax.f32 v10, v22  }
0xd4: {  	v27 =	vld [tilespmem:s30+$0x1800];
	v10 =	vmax.f32 v10, v23  }
0xd5: {  	v28 =	vld [tilespmem:s30+$0x1810];
	v10 =	vmax.f32 v10, v24  }
0xd6: {  	v29 =	vld [tilespmem:s30+$0x1820];
	v10 =	vmax.f32 v10, v25  }
0xd7: {  	s0 =	sadd.s32 $0x1, s29;
	v10 =	vmax.f32 v10, v11;
	v11 =	vld [tilespmem:s30+$0x1830]  }
0xd8: {  	v30 =	vld [tilespmem:s30+$0x1840];
	s0 =	sand.u32 $0x7, s0;
	v10 =	vmax.f32 v10, v26  }
0xd9: {  	v31 =	vld [tilespmem:s30+$0x1850];
	s0 =	sshll.u32 s0, $0x7;
	v10 =	vmax.f32 v10, v27  }
0xda: {  	v32 =	vld [tilespmem:s30+$0x1860];
	s0 =	sadd.s32 s0, s25;
	v10 =	vmax.f32 v10, v28  }
0xdb: {  	v33 =	vld [tilespmem:s30+$0x1870];
	s1 =	sor.u32 $0x1C00, s0;
	v10 =	vmax.f32 v10, v29  }
0xdc: {  	s23 =	sor.u32 $0x1C10, s0;
	v10 =	vmax.f32 v10, v11;
	v11 =	vld [tilespmem:s1+$0x0]  }
0xdd: {  	s25 =	sor.u32 $0x1C20, s0;
	v34 =	vld [tilespmem:s23+$0x0];
	v10 =	vmax.f32 v10, v30  }
0xde: {  	s14 =	sor.u32 $0x1C30, s0;
	v35 =	vld [tilespmem:s25+$0x0];
	v10 =	vmax.f32 v10, v31  }
0xdf: {  	v36 =	vld [tilespmem:s14+$0x0];
	s23 =	sor.u32 $0x1C40, s0;
	v10 =	vmax.f32 v10, v32  }
0xe0: {  	s25 =	sor.u32 $0x1C50, s0;
	v37 =	vld [tilespmem:s23+$0x0];
	v10 =	vmax.f32 v10, v33  }
0xe1: {  	s0 =	sor.u32 $0x1C58, s0;
	v10 =	vmax.f32 v10, v11;
	v11 =	vld [tilespmem:s25+$0x0]  }
0xe2: {  	v3 =	vmax.f32 v9, v3;
	v9 =	vmax.f32 v10, v34;
	v10 =	vld [tilespmem:s0+$0x0]  }
0xe3: {  	v3 =	vmax.f32 v3, v5;
	v5 =	vmax.f32 v9, v35  }
0xe4: {  	v3 =	vmax.f32 v3, v6;
	v5 =	vmax.f32 v5, v36  }
0xe5: {  	v3 =	vmax.f32 v3, v7;
	v5 =	vmax.f32 v5, v37  }
0xe6: {  	v3 =	vmax.f32 v3, v8;
	v5 =	vmax.f32 v5, v11  }
0xe7: {  	(xrf0) =	vmax.scan.msk.f32 $0xffff, v3;
	v3 =	vmax.f32 v5, v10  }
0xe8: {  	(xrf0) =	vmax.scan.msk.f32 $0xffff, v3;
	_ =	sdelay $0x4  }
0xe9: {  	v7, _, _ =	vpop (xrf0)  }
0xea: {  	v8, _, _ =	vpop (xrf0)  }
0xeb: {  	_ =	swait.ge [sflag:s20], $0x4000  }
0xec: {  	[sflag:s20] =	ssyncset.done $0x0  }
0xed: {  	s25 =	simm.s32 $0x0;
	[sflag:s20] =	ssyncadd.s32 $0xFFFFC000  }
0xee: {  	[tilespmem:s25], [sflag:$0x1] =	stream.linear.gather [hbm4b:s8+s25], $0x4000, $0x38;
	[tilespmem:$0x10100] =	vst v63  }
0xef: {  	v3 =	vld [tilespmem:$0x10010];
	_ =	sdelay $0x4  }
0xf0: {  	v5 =	vshll.u32 v3, $0x3  }
0xf1: {  	v3 =	vand.u32 $0x7F, v3;
	v5 =	vand.u32 $0xFFFFFC00, v5  }
0xf2: {  	v3 =	vor.u32 v3, v5  }
0xf3: {  	v5 =	vadd.s32 v0, v3;
	_ =	sdelay $0x3  }
0xf4: {  	v6 =	vimm.f32 $-Inf;
	s14 =	sand.u32 $0x2000, s25;
	s23 =	sand.u32 $0x380, s25  }
0xf5: {  	s0 =	sor.u32 s23, s14;
	v3 =	vld.idx.msk [tilespmem:v5+s16+$0x0], $0xffff;
	[tilespmem:v5+s16+$0x0] =	vst.idx.msk $0xffff, v6  }
0xf6: {  	v5 =	vld [tilespmem:s0+$0x4000]  }
0xf7: {  	v9 =	vld [tilespmem:s0+$0x4010]  }
0xf8: {  	v10 =	vld [tilespmem:s0+$0x4020]  }
0xf9: {  	v11 =	vld [tilespmem:s0+$0x4030]  }
0xfa: {  	v38 =	vld [tilespmem:s0+$0x4040]  }
0xfb: {  	v39 =	vld [tilespmem:s0+$0x4050]  }
0xfc: {  	v5 =	vmax.f32 v5, v9;
	v9 =	vld [tilespmem:s0+$0x4060]  }
0xfd: {  	v5 =	vmax.f32 v5, v10;
	v10 =	vld [tilespmem:s0+$0x4070]  }
0xfe: {  	v5 =	vmax.f32 v5, v11;
	v11 =	vld [tilespmem:s0+$0x4400]  }
0xff: {  	v40 =	vld [tilespmem:s0+$0x4410];
	v5 =	vmax.f32 v5, v38  }
0x100: {  	v41 =	vld [tilespmem:s0+$0x4420];
	v5 =	vmax.f32 v5, v39  }
0x101: {  	v5 =	vmax.f32 v5, v9;
	v9 =	vld [tilespmem:s0+$0x4430]  }
0x102: {  	v5 =	vmax.f32 v5, v10;
	v10 =	vld [tilespmem:s0+$0x4440]  }
0x103: {  	v5 =	vmax.f32 v5, v11;
	v11 =	vld [tilespmem:s0+$0x4450]  }
0x104: {  	v42 =	vld [tilespmem:s0+$0x4460];
	v5 =	vmax.f32 v5, v40  }
0x105: {  	v43 =	vld [tilespmem:s0+$0x4470];
	v5 =	vmax.f32 v5, v41  }
0x106: {  	v5 =	vmax.f32 v5, v9;
	v9 =	vld [tilespmem:s0+$0x4800]  }
0x107: {  	v5 =	vmax.f32 v5, v10;
	v10 =	vld [tilespmem:s0+$0x4810]  }
0x108: {  	v5 =	vmax.f32 v5, v11;
	v11 =	vld [tilespmem:s0+$0x4820]  }
0x109: {  	v44 =	vld [tilespmem:s0+$0x4830];
	v5 =	vmax.f32 v5, v42  }
0x10a: {  	v45 =	vld [tilespmem:s0+$0x4840];
	v5 =	vmax.f32 v5, v43  }
0x10b: {  	v5 =	vmax.f32 v5, v9;
	v9 =	vld [tilespmem:s0+$0x4850]  }
0x10c: {  	v5 =	vmax.f32 v5, v10;
	v10 =	vld [tilespmem:s0+$0x4860]  }
0x10d: {  	v5 =	vmax.f32 v5, v11;
	v11 =	vld [tilespmem:s0+$0x4870]  }
0x10e: {  	v46 =	vld [tilespmem:s0+$0x4C00];
	v5 =	vmax.f32 v5, v44  }
0x10f: {  	v47 =	vld [tilespmem:s0+$0x4C10];
	v5 =	vmax.f32 v5, v45  }
0x110: {  	v5 =	vmax.f32 v5, v9;
	v9 =	vld [tilespmem:s0+$0x4C20]  }
0x111: {  	v5 =	vmax.f32 v5, v10;
	v10 =	vld [tilespmem:s0+$0x4C30]  }
0x112: {  	v5 =	vmax.f32 v5, v11;
	v11 =	vld [tilespmem:s0+$0x4C40]  }
0x113: {  	v48 =	vld [tilespmem:s0+$0x4C50];
	v5 =	vmax.f32 v5, v46  }
0x114: {  	v49 =	vld [tilespmem:s0+$0x4C60];
	v5 =	vmax.f32 v5, v47  }
0x115: {  	v5 =	vmax.f32 v5, v9;
	v9 =	vld [tilespmem:s0+$0x4C70]  }
0x116: {  	v5 =	vmax.f32 v5, v10;
	v10 =	vld [tilespmem:s0+$0x5000]  }
0x117: {  	v5 =	vmax.f32 v5, v11;
	v11 =	vld [tilespmem:s0+$0x5010]  }
0x118: {  	v50 =	vld [tilespmem:s0+$0x5020];
	v5 =	vmax.f32 v5, v48  }
0x119: {  	v51 =	vld [tilespmem:s0+$0x5030];
	v5 =	vmax.f32 v5, v49  }
0x11a: {  	v5 =	vmax.f32 v5, v9;
	v9 =	vld [tilespmem:s0+$0x5040]  }
0x11b: {  	v5 =	vmax.f32 v5, v10;
	v10 =	vld [tilespmem:s0+$0x5050]  }
0x11c: {  	v5 =	vmax.f32 v5, v11;
	v11 =	vld [tilespmem:s0+$0x5060]  }
0x11d: {  	v52 =	vld [tilespmem:s0+$0x5070];
	v5 =	vmax.f32 v5, v50  }
0x11e: {  	v53 =	vld [tilespmem:s0+$0x5400];
	v5 =	vmax.f32 v5, v51  }
0x11f: {  	v5 =	vmax.f32 v5, v9;
	v9 =	vld [tilespmem:s0+$0x5410]  }
0x120: {  	v5 =	vmax.f32 v5, v10;
	v10 =	vld [tilespmem:s0+$0x5420]  }
0x121: {  	v5 =	vmax.f32 v5, v11;
	v11 =	vld [tilespmem:s0+$0x5430]  }
0x122: {  	v54 =	vld [tilespmem:s0+$0x5440];
	v5 =	vmax.f32 v5, v52  }
0x123: {  	v55 =	vld [tilespmem:s0+$0x5450];
	v5 =	vmax.f32 v5, v53  }
0x124: {  	v5 =	vmax.f32 v5, v9;
	v9 =	vld [tilespmem:s0+$0x5460]  }
0x125: {  	v5 =	vmax.f32 v5, v10;
	v10 =	vld [tilespmem:s0+$0x5470]  }
0x126: {  	v5 =	vmax.f32 v5, v11;
	v11 =	vld [tilespmem:s0+$0x5800]  }
0x127: {  	v56 =	vld [tilespmem:s0+$0x5810];
	v5 =	vmax.f32 v5, v54  }
0x128: {  	v57 =	vld [tilespmem:s0+$0x5820];
	v5 =	vmax.f32 v5, v55  }
0x129: {  	v5 =	vmax.f32 v5, v9;
	v9 =	vld [tilespmem:s0+$0x5830]  }
0x12a: {  	s14 =	sand.u32 $0x7, s25;
	v5 =	vmax.f32 v5, v10;
	v10 =	vld [tilespmem:s0+$0x5840]  }
0x12b: {  	s1 =	sshll.u32 s14, $0x7;
	v5 =	vmax.f32 v5, v11;
	v11 =	vld [tilespmem:s0+$0x5850]  }
0x12c: {  	s1 =	sadd.s32 $0x0, s1;
	v58 =	vld [tilespmem:s0+$0x5860];
	v5 =	vmax.f32 v5, v56  }
0x12d: {  	s23 =	sor.u32 $0x1C00, s1;
	v59 =	vld [tilespmem:s0+$0x5870];
	v5 =	vmax.f32 v5, v57  }
0x12e: {  	s14 =	sor.u32 $0x1C10, s1;
	v5 =	vmax.f32 v5, v9;
	v9 =	vld [tilespmem:s23+$0x4000]  }
0x12f: {  	s23 =	sor.u32 $0x1C20, s1;
	v5 =	vmax.f32 v5, v10;
	v10 =	vld [tilespmem:s14+$0x4000]  }
0x130: {  	v60 =	vmov s28;
	s14 =	sor.u32 $0x1C30, s1;
	v11 =	vmax.f32 v5, v11;
	v5 =	vld [tilespmem:s23+$0x4000]  }
0x131: {  	s31 =	simm.s32 $0x80;
	v61 =	vbroadcast v7, $0xF;
	vm0 =	veq.s32 v60, v1;
	v7 =	vld [tilespmem:s14+$0x4000];
	s23 =	sor.u32 $0x1C40, s1;
	v11 =	vmax.f32 v11, v58  }
0x132: {  	s29 =	simm.s32 $0x0;
	v62 =	vmov s26;
	s26 =	simm.s32 $0x400;
	v63 =	vbroadcast v8, $0xF;
	s0 =	sor.u32 $0x1C50, s1;
	v8 =	vld [tilespmem:s23+$0x4000];
	v11 =	vmax.f32 v11, v59  }
0x133: {  	v4 =	vsel vm0, v61, v4;
	vm15 =	veq.s32 v62, v1;
	s14 =	sand.u32 $0x2000, s26;
	s1 =	sor.u32 $0x1C58, s1;
	s23 =	sand.u32 $0x380, s31;
	v11 =	vmax.f32 v11, v9;
	v9 =	vld [tilespmem:s0+$0x4000]  }
0x134: {  	s28 =	simm.s32 $0x1;
	v4 =	vsel vm15, v63, v4;
	s30 =	sor.u32 s23, s14;
	s0 =	simm.s32 $0x2;
	v11 =	vmax.f32 v11, v10;
	v10 =	vld [tilespmem:s1+$0x4000]  }
.LBB2_4:
0x135: {  	p0 =	sne.s32 s0, $0xF;
	v12 =	vld [tilespmem:s30+$0x4000];
	v5 =	vmax.f32 v11, v5  }
0x136: {  	v11 =	vld [tilespmem:s30+$0x4010];
	v5 =	vmax.f32 v5, v7  }
0x137: {  	v7 =	vld [tilespmem:s30+$0x4020];
	v5 =	vmax.f32 v5, v8  }
0x138: {  	v8 =	vld [tilespmem:s30+$0x4030];
	v5 =	vmax.f32 v5, v9  }
0x139: {  	v9 =	vld [tilespmem:s30+$0x4040];
	v5 =	vmax.f32 v5, v10  }
0x13a: {  	v10 =	vld [tilespmem:s30+$0x4050];
	(xrf0) =	vmax.scan.msk.f32 $0xffff, v5  }
0x13b: {  	v5 =	vmax.f32 v12, v11;
	v11 =	vld [tilespmem:s30+$0x4060]  }
0x13c: {  	v5 =	vmax.f32 v5, v7;
	v7 =	vld [tilespmem:s30+$0x4070]  }
0x13d: {  	v5 =	vmax.f32 v5, v8;
	v8 =	vld [tilespmem:s30+$0x4400]  }
0x13e: {  	v5 =	vmax.f32 v5, v9;
	v9 =	vld [tilespmem:s30+$0x4410]  }
0x13f: {  	v5 =	vmax.f32 v5, v10;
	v10 =	vld [tilespmem:s30+$0x4420]  }
0x140: {  	v5 =	vmax.f32 v5, v11;
	v11 =	vld [tilespmem:s30+$0x4430];
	v12, _, _ =	vpop (xrf0)  }
0x141: {  	v13 =	vmov s25;
	s25 =	smov.u32 s28;
	s28 =	smov.u32 s0;
	v5 =	vmax.f32 v5, v7;
	v7 =	vld [tilespmem:s30+$0x4440];
	v12 =	vbroadcast v12, $0xF  }
0x142: {  	vm0 =	veq.s32 v13, v1;
	v5 =	vmax.f32 v5, v8;
	v8 =	vld [tilespmem:s30+$0x4450]  }
0x143: {  	v5 =	vmax.f32 v5, v9;
	v9 =	vld [tilespmem:s30+$0x4460];
	v6 =	vsel vm0, v12, v6  }
0x144: {  	v5 =	vmax.f32 v5, v10;
	v10 =	vld [tilespmem:s30+$0x4470]  }
0x145: {  	v5 =	vmax.f32 v5, v11;
	v11 =	vld [tilespmem:s30+$0x4800]  }
0x146: {  	v5 =	vmax.f32 v5, v7;
	v7 =	vld [tilespmem:s30+$0x4810]  }
0x147: {  	v5 =	vmax.f32 v5, v8;
	v8 =	vld [tilespmem:s30+$0x4820]  }
0x148: {  	v5 =	vmax.f32 v5, v9;
	v9 =	vld [tilespmem:s30+$0x4830]  }
0x149: {  	v5 =	vmax.f32 v5, v10;
	v10 =	vld [tilespmem:s30+$0x4840]  }
0x14a: {  	v5 =	vmax.f32 v5, v11;
	v11 =	vld [tilespmem:s30+$0x4850]  }
0x14b: {  	v5 =	vmax.f32 v5, v7;
	v7 =	vld [tilespmem:s30+$0x4860]  }
0x14c: {  	v5 =	vmax.f32 v5, v8;
	v8 =	vld [tilespmem:s30+$0x4870]  }
0x14d: {  	v5 =	vmax.f32 v5, v9;
	v9 =	vld [tilespmem:s30+$0x4C00]  }
0x14e: {  	v5 =	vmax.f32 v5, v10;
	v10 =	vld [tilespmem:s30+$0x4C10]  }
0x14f: {  	v5 =	vmax.f32 v5, v11;
	v11 =	vld [tilespmem:s30+$0x4C20]  }
0x150: {  	v5 =	vmax.f32 v5, v7;
	v7 =	vld [tilespmem:s30+$0x4C30]  }
0x151: {  	v5 =	vmax.f32 v5, v8;
	v8 =	vld [tilespmem:s30+$0x4C40]  }
0x152: {  	v5 =	vmax.f32 v5, v9;
	v9 =	vld [tilespmem:s30+$0x4C50]  }
0x153: {  	v5 =	vmax.f32 v5, v10;
	v10 =	vld [tilespmem:s30+$0x4C60]  }
0x154: {  	v5 =	vmax.f32 v5, v11;
	v11 =	vld [tilespmem:s30+$0x4C70]  }
0x155: {  	v5 =	vmax.f32 v5, v7;
	v7 =	vld [tilespmem:s30+$0x5000]  }
0x156: {  	v5 =	vmax.f32 v5, v8;
	v8 =	vld [tilespmem:s30+$0x5010]  }
0x157: {  	v5 =	vmax.f32 v5, v9;
	v9 =	vld [tilespmem:s30+$0x5020]  }
0x158: {  	v5 =	vmax.f32 v5, v10;
	v10 =	vld [tilespmem:s30+$0x5030]  }
0x159: {  	v5 =	vmax.f32 v5, v11;
	v11 =	vld [tilespmem:s30+$0x5040]  }
0x15a: {  	v5 =	vmax.f32 v5, v7;
	v7 =	vld [tilespmem:s30+$0x5050]  }
0x15b: {  	v5 =	vmax.f32 v5, v8;
	v8 =	vld [tilespmem:s30+$0x5060]  }
0x15c: {  	v5 =	vmax.f32 v5, v9;
	v9 =	vld [tilespmem:s30+$0x5070]  }
0x15d: {  	v5 =	vmax.f32 v5, v10;
	v10 =	vld [tilespmem:s30+$0x5400]  }
0x15e: {  	v5 =	vmax.f32 v5, v11;
	v11 =	vld [tilespmem:s30+$0x5410]  }
0x15f: {  	v5 =	vmax.f32 v5, v7;
	v7 =	vld [tilespmem:s30+$0x5420]  }
0x160: {  	v5 =	vmax.f32 v5, v8;
	v8 =	vld [tilespmem:s30+$0x5430]  }
0x161: {  	v5 =	vmax.f32 v5, v9;
	v9 =	vld [tilespmem:s30+$0x5440]  }
0x162: {  	v5 =	vmax.f32 v5, v10;
	v10 =	vld [tilespmem:s30+$0x5450]  }
0x163: {  	v5 =	vmax.f32 v5, v11;
	v11 =	vld [tilespmem:s30+$0x5460]  }
0x164: {  	v5 =	vmax.f32 v5, v7;
	v7 =	vld [tilespmem:s30+$0x5470]  }
0x165: {  	v5 =	vmax.f32 v5, v8;
	v8 =	vld [tilespmem:s30+$0x5800]  }
0x166: {  	v5 =	vmax.f32 v5, v9;
	v9 =	vld [tilespmem:s30+$0x5810]  }
0x167: {  	v5 =	vmax.f32 v5, v10;
	v10 =	vld [tilespmem:s30+$0x5820]  }
0x168: {  	s29 =	sadd.s32 $0x1, s29;
	v5 =	vmax.f32 v5, v11;
	v11 =	vld [tilespmem:s30+$0x5830]  }
0x169: {  	s1 =	sand.u32 $0x7, s29;
	v5 =	vmax.f32 v5, v7;
	v7 =	vld [tilespmem:s30+$0x5840]  }
0x16a: {  	s1 =	sshll.u32 s1, $0x7;
	v5 =	vmax.f32 v5, v8;
	v8 =	vld [tilespmem:s30+$0x5850]  }
0x16b: {  	s1 =	sadd.s32 s1, s26;
	v5 =	vmax.f32 v5, v9;
	v9 =	vld [tilespmem:s30+$0x5860]  }
0x16c: {  	s14 =	sor.u32 $0x1C00, s1;
	v5 =	vmax.f32 v5, v10;
	v10 =	vld [tilespmem:s30+$0x5870]  }
0x16d: {  	v5 =	vmax.f32 v5, v11;
	v11 =	vld [tilespmem:s14+$0x4000];
	s14 =	sor.u32 $0x1C10, s1  }
0x16e: {  	v5 =	vmax.f32 v5, v7;
	v12 =	vld [tilespmem:s14+$0x4000];
	s14 =	sor.u32 $0x1C20, s1  }
.Ltmp1:
0x16f: {  	v7 =	vmax.f32 v5, v8;
	v5 =	vld [tilespmem:s14+$0x4000];
	s14 =	sor.u32 $0x1C30, s1;
	(pc) =	sbr.rel @p0 .LBB2_4-.Ltmp1, $4  }
0x170: {  	v8 =	vmax.f32 v7, v9;
	v7 =	vld [tilespmem:s14+$0x4000];
	s14 =	sor.u32 $0x1C40, s1  }
0x171: {  	s31 =	sadd.s32 $0x80, s31;
	s26 =	sadd.s32 $0x400, s26;
	v9 =	vmax.f32 v8, v10;
	v8 =	vld [tilespmem:s14+$0x4000];
	s14 =	sor.u32 $0x1C50, s1  }
0x172: {  	s23 =	sand.u32 $0x2000, s26;
	s30 =	sand.u32 $0x380, s31;
	s1 =	sor.u32 $0x1C58, s1;
	v10 =	vmax.f32 v9, v11;
	v9 =	vld [tilespmem:s14+$0x4000]  }
0x173: {  	s0 =	sadd.s32 $0x1, s0;
	s30 =	sor.u32 s30, s23;
	v11 =	vmax.f32 v10, v12;
	v10 =	vld [tilespmem:s1+$0x4000]  }
0x174: {  	v12 =	vld [tilespmem:s30+$0x4000]  }
0x175: {  	v13 =	vld [tilespmem:s30+$0x4010]  }
0x176: {  	v14 =	vld [tilespmem:s30+$0x4020]  }
0x177: {  	v15 =	vld [tilespmem:s30+$0x4030]  }
0x178: {  	v16 =	vld [tilespmem:s30+$0x4040]  }
0x179: {  	v17 =	vld [tilespmem:s30+$0x4050]  }
0x17a: {  	v12 =	vmax.f32 v12, v13;
	v13 =	vld [tilespmem:s30+$0x4060]  }
0x17b: {  	v12 =	vmax.f32 v12, v14;
	v14 =	vld [tilespmem:s30+$0x4070]  }
0x17c: {  	v12 =	vmax.f32 v12, v15;
	v15 =	vld [tilespmem:s30+$0x4400]  }
0x17d: {  	v39 =	vld [tilespmem:s30+$0x4410];
	v12 =	vmax.f32 v12, v16  }
0x17e: {  	v40 =	vld [tilespmem:s30+$0x4420];
	v12 =	vmax.f32 v12, v17  }
0x17f: {  	v12 =	vmax.f32 v12, v13;
	v13 =	vld [tilespmem:s30+$0x4430]  }
0x180: {  	v12 =	vmax.f32 v12, v14;
	v14 =	vld [tilespmem:s30+$0x4440]  }
0x181: {  	v12 =	vmax.f32 v12, v15;
	v15 =	vld [tilespmem:s30+$0x4450]  }
0x182: {  	v41 =	vld [tilespmem:s30+$0x4460];
	v12 =	vmax.f32 v12, v39  }
0x183: {  	v42 =	vld [tilespmem:s30+$0x4470];
	v12 =	vmax.f32 v12, v40  }
0x184: {  	v12 =	vmax.f32 v12, v13;
	v13 =	vld [tilespmem:s30+$0x4800]  }
0x185: {  	v12 =	vmax.f32 v12, v14;
	v14 =	vld [tilespmem:s30+$0x4810]  }
0x186: {  	v12 =	vmax.f32 v12, v15;
	v15 =	vld [tilespmem:s30+$0x4820]  }
0x187: {  	v43 =	vld [tilespmem:s30+$0x4830];
	v12 =	vmax.f32 v12, v41  }
0x188: {  	v44 =	vld [tilespmem:s30+$0x4840];
	v12 =	vmax.f32 v12, v42  }
0x189: {  	v12 =	vmax.f32 v12, v13;
	v13 =	vld [tilespmem:s30+$0x4850]  }
0x18a: {  	v12 =	vmax.f32 v12, v14;
	v14 =	vld [tilespmem:s30+$0x4860]  }
0x18b: {  	v12 =	vmax.f32 v12, v15;
	v15 =	vld [tilespmem:s30+$0x4870]  }
0x18c: {  	v45 =	vld [tilespmem:s30+$0x4C00];
	v12 =	vmax.f32 v12, v43  }
0x18d: {  	v46 =	vld [tilespmem:s30+$0x4C10];
	v12 =	vmax.f32 v12, v44  }
0x18e: {  	v12 =	vmax.f32 v12, v13;
	v13 =	vld [tilespmem:s30+$0x4C20]  }
0x18f: {  	v12 =	vmax.f32 v12, v14;
	v14 =	vld [tilespmem:s30+$0x4C30]  }
0x190: {  	v12 =	vmax.f32 v12, v15;
	v15 =	vld [tilespmem:s30+$0x4C40]  }
0x191: {  	v47 =	vld [tilespmem:s30+$0x4C50];
	v12 =	vmax.f32 v12, v45  }
0x192: {  	v48 =	vld [tilespmem:s30+$0x4C60];
	v12 =	vmax.f32 v12, v46  }
0x193: {  	v12 =	vmax.f32 v12, v13;
	v13 =	vld [tilespmem:s30+$0x4C70]  }
0x194: {  	v12 =	vmax.f32 v12, v14;
	v14 =	vld [tilespmem:s30+$0x5000]  }
0x195: {  	v12 =	vmax.f32 v12, v15;
	v15 =	vld [tilespmem:s30+$0x5010]  }
0x196: {  	v49 =	vld [tilespmem:s30+$0x5020];
	v12 =	vmax.f32 v12, v47  }
0x197: {  	v50 =	vld [tilespmem:s30+$0x5030];
	v12 =	vmax.f32 v12, v48  }
0x198: {  	v12 =	vmax.f32 v12, v13;
	v13 =	vld [tilespmem:s30+$0x5040]  }
0x199: {  	v12 =	vmax.f32 v12, v14;
	v14 =	vld [tilespmem:s30+$0x5050]  }
0x19a: {  	v12 =	vmax.f32 v12, v15;
	v15 =	vld [tilespmem:s30+$0x5060]  }
0x19b: {  	v51 =	vld [tilespmem:s30+$0x5070];
	v12 =	vmax.f32 v12, v49  }
0x19c: {  	v52 =	vld [tilespmem:s30+$0x5400];
	v12 =	vmax.f32 v12, v50  }
0x19d: {  	v12 =	vmax.f32 v12, v13;
	v13 =	vld [tilespmem:s30+$0x5410]  }
0x19e: {  	v12 =	vmax.f32 v12, v14;
	v14 =	vld [tilespmem:s30+$0x5420]  }
0x19f: {  	v12 =	vmax.f32 v12, v15;
	v15 =	vld [tilespmem:s30+$0x5430]  }
0x1a0: {  	v53 =	vld [tilespmem:s30+$0x5440];
	v12 =	vmax.f32 v12, v51  }
0x1a1: {  	v54 =	vld [tilespmem:s30+$0x5450];
	v12 =	vmax.f32 v12, v52  }
0x1a2: {  	v12 =	vmax.f32 v12, v13;
	v13 =	vld [tilespmem:s30+$0x5460]  }
0x1a3: {  	v12 =	vmax.f32 v12, v14;
	v14 =	vld [tilespmem:s30+$0x5470]  }
0x1a4: {  	v12 =	vmax.f32 v12, v15;
	v15 =	vld [tilespmem:s30+$0x5800]  }
0x1a5: {  	v55 =	vld [tilespmem:s30+$0x5810];
	v12 =	vmax.f32 v12, v53  }
0x1a6: {  	v56 =	vld [tilespmem:s30+$0x5820];
	v12 =	vmax.f32 v12, v54  }
0x1a7: {  	s0 =	sadd.s32 $0x1, s29;
	v12 =	vmax.f32 v12, v13;
	v13 =	vld [tilespmem:s30+$0x5830]  }
0x1a8: {  	s0 =	sand.u32 $0x7, s0;
	v12 =	vmax.f32 v12, v14;
	v14 =	vld [tilespmem:s30+$0x5840]  }
0x1a9: {  	s0 =	sshll.u32 s0, $0x7;
	v12 =	vmax.f32 v12, v15;
	v15 =	vld [tilespmem:s30+$0x5850]  }
0x1aa: {  	v57 =	vld [tilespmem:s30+$0x5860];
	s0 =	sadd.s32 s0, s26;
	v12 =	vmax.f32 v12, v55  }
0x1ab: {  	v58 =	vld [tilespmem:s30+$0x5870];
	s1 =	sor.u32 $0x1C00, s0;
	v12 =	vmax.f32 v12, v56  }
0x1ac: {  	s23 =	sor.u32 $0x1C10, s0;
	v12 =	vmax.f32 v12, v13;
	v13 =	vld [tilespmem:s1+$0x4000]  }
0x1ad: {  	s26 =	sor.u32 $0x1C20, s0;
	v12 =	vmax.f32 v12, v14;
	v14 =	vld [tilespmem:s23+$0x4000]  }
0x1ae: {  	s14 =	sor.u32 $0x1C30, s0;
	v12 =	vmax.f32 v12, v15;
	v15 =	vld [tilespmem:s26+$0x4000]  }
0x1af: {  	v59 =	vld [tilespmem:s14+$0x4000];
	s23 =	sor.u32 $0x1C40, s0;
	v12 =	vmax.f32 v12, v57  }
0x1b0: {  	v60 =	vld [tilespmem:s23+$0x4000];
	s26 =	sor.u32 $0x1C50, s0;
	v12 =	vmax.f32 v12, v58  }
0x1b1: {  	s0 =	sor.u32 $0x1C58, s0;
	v12 =	vmax.f32 v12, v13;
	v13 =	vld [tilespmem:s26+$0x4000]  }
0x1b2: {  	v5 =	vmax.f32 v11, v5;
	v11 =	vmax.f32 v12, v14;
	v12 =	vld [tilespmem:s0+$0x4000]  }
0x1b3: {  	v5 =	vmax.f32 v5, v7;
	v7 =	vmax.f32 v11, v15  }
0x1b4: {  	v5 =	vmax.f32 v5, v8;
	v7 =	vmax.f32 v7, v59  }
0x1b5: {  	v5 =	vmax.f32 v5, v9;
	v7 =	vmax.f32 v7, v60  }
0x1b6: {  	v5 =	vmax.f32 v5, v10;
	v7 =	vmax.f32 v7, v13  }
0x1b7: {  	(xrf0) =	vmax.scan.msk.f32 $0xffff, v5;
	v5 =	vmax.f32 v7, v12  }
0x1b8: {  	(xrf0) =	vmax.scan.msk.f32 $0xffff, v5;
	_ =	sdelay $0x4  }
0x1b9: {  	v9, _, _ =	vpop (xrf0)  }
0x1ba: {  	v10, _, _ =	vpop (xrf0)  }
0x1bb: {  	_ =	swait.ge [sflag:s21], $0x4000  }
0x1bc: {  	[sflag:s21] =	ssyncset.done $0x0  }
0x1bd: {  	s26 =	simm.s32 $0x0;
	[sflag:s21] =	ssyncadd.s32 $0xFFFFC000  }
0x1be: {  	[tilespmem:s16], [sflag:$0x2] =	stream.linear.gather [hbm4b:s9+s26], $0x4000, $0x38;
	[tilespmem:$0x10100] =	vst v63  }
0x1bf: {  	v5 =	vld [tilespmem:$0x10020];
	_ =	sdelay $0x4  }
0x1c0: {  	v7 =	vshll.u32 v5, $0x3  }
0x1c1: {  	v5 =	vand.u32 $0x7F, v5;
	v7 =	vand.u32 $0xFFFFFC00, v7  }
0x1c2: {  	v5 =	vor.u32 v5, v7  }
0x1c3: {  	v7 =	vadd.s32 v0, v5;
	_ =	sdelay $0x3  }
0x1c4: {  	v8 =	vimm.f32 $-Inf;
	s1 =	sand.u32 $0x2000, s26;
	s14 =	sand.u32 $0x380, s26  }
0x1c5: {  	s0 =	sor.u32 s14, s1;
	v5 =	vld.idx.msk [tilespmem:v7+s17+$0x0], $0xffff;
	[tilespmem:v7+s17+$0x0] =	vst.idx.msk $0xffff, v8  }
0x1c6: {  	v7 =	vld [tilespmem:s0+$0x8000]  }
0x1c7: {  	v11 =	vld [tilespmem:s0+$0x8010]  }
0x1c8: {  	v12 =	vld [tilespmem:s0+$0x8020]  }
0x1c9: {  	v13 =	vld [tilespmem:s0+$0x8030]  }
0x1ca: {  	v14 =	vld [tilespmem:s0+$0x8040]  }
0x1cb: {  	v15 =	vld [tilespmem:s0+$0x8050]  }
0x1cc: {  	v7 =	vmax.f32 v7, v11;
	v11 =	vld [tilespmem:s0+$0x8060]  }
0x1cd: {  	v7 =	vmax.f32 v7, v12;
	v12 =	vld [tilespmem:s0+$0x8070]  }
0x1ce: {  	v7 =	vmax.f32 v7, v13;
	v13 =	vld [tilespmem:s0+$0x8400]  }
0x1cf: {  	v7 =	vmax.f32 v7, v14;
	v14 =	vld [tilespmem:s0+$0x8410]  }
0x1d0: {  	v7 =	vmax.f32 v7, v15;
	v15 =	vld [tilespmem:s0+$0x8420]  }
0x1d1: {  	v7 =	vmax.f32 v7, v11;
	v11 =	vld [tilespmem:s0+$0x8430]  }
0x1d2: {  	v7 =	vmax.f32 v7, v12;
	v12 =	vld [tilespmem:s0+$0x8440]  }
0x1d3: {  	v7 =	vmax.f32 v7, v13;
	v13 =	vld [tilespmem:s0+$0x8450]  }
0x1d4: {  	v7 =	vmax.f32 v7, v14;
	v14 =	vld [tilespmem:s0+$0x8460]  }
0x1d5: {  	v7 =	vmax.f32 v7, v15;
	v15 =	vld [tilespmem:s0+$0x8470]  }
0x1d6: {  	v7 =	vmax.f32 v7, v11;
	v11 =	vld [tilespmem:s0+$0x8800]  }
0x1d7: {  	v7 =	vmax.f32 v7, v12;
	v12 =	vld [tilespmem:s0+$0x8810]  }
0x1d8: {  	v7 =	vmax.f32 v7, v13;
	v13 =	vld [tilespmem:s0+$0x8820]  }
0x1d9: {  	v7 =	vmax.f32 v7, v14;
	v14 =	vld [tilespmem:s0+$0x8830]  }
0x1da: {  	v7 =	vmax.f32 v7, v15;
	v15 =	vld [tilespmem:s0+$0x8840]  }
0x1db: {  	v7 =	vmax.f32 v7, v11;
	v11 =	vld [tilespmem:s0+$0x8850]  }
0x1dc: {  	v7 =	vmax.f32 v7, v12;
	v12 =	vld [tilespmem:s0+$0x8860]  }
0x1dd: {  	v7 =	vmax.f32 v7, v13;
	v13 =	vld [tilespmem:s0+$0x8870]  }
0x1de: {  	v7 =	vmax.f32 v7, v14;
	v14 =	vld [tilespmem:s0+$0x8C00]  }
0x1df: {  	v7 =	vmax.f32 v7, v15;
	v15 =	vld [tilespmem:s0+$0x8C10]  }
0x1e0: {  	v7 =	vmax.f32 v7, v11;
	v11 =	vld [tilespmem:s0+$0x8C20]  }
0x1e1: {  	v7 =	vmax.f32 v7, v12;
	v12 =	vld [tilespmem:s0+$0x8C30]  }
0x1e2: {  	v7 =	vmax.f32 v7, v13;
	v13 =	vld [tilespmem:s0+$0x8C40]  }
0x1e3: {  	v7 =	vmax.f32 v7, v14;
	v14 =	vld [tilespmem:s0+$0x8C50]  }
0x1e4: {  	v7 =	vmax.f32 v7, v15;
	v15 =	vld [tilespmem:s0+$0x8C60]  }
0x1e5: {  	v7 =	vmax.f32 v7, v11;
	v11 =	vld [tilespmem:s0+$0x8C70]  }
0x1e6: {  	v7 =	vmax.f32 v7, v12;
	v12 =	vld [tilespmem:s0+$0x9000]  }
0x1e7: {  	v7 =	vmax.f32 v7, v13;
	v13 =	vld [tilespmem:s0+$0x9010]  }
0x1e8: {  	v7 =	vmax.f32 v7, v14;
	v14 =	vld [tilespmem:s0+$0x9020]  }
0x1e9: {  	v7 =	vmax.f32 v7, v15;
	v15 =	vld [tilespmem:s0+$0x9030]  }
0x1ea: {  	v7 =	vmax.f32 v7, v11;
	v11 =	vld [tilespmem:s0+$0x9040]  }
0x1eb: {  	v7 =	vmax.f32 v7, v12;
	v12 =	vld [tilespmem:s0+$0x9050]  }
0x1ec: {  	v7 =	vmax.f32 v7, v13;
	v13 =	vld [tilespmem:s0+$0x9060]  }
0x1ed: {  	v7 =	vmax.f32 v7, v14;
	v14 =	vld [tilespmem:s0+$0x9070]  }
0x1ee: {  	v7 =	vmax.f32 v7, v15;
	v15 =	vld [tilespmem:s0+$0x9400]  }
0x1ef: {  	v7 =	vmax.f32 v7, v11;
	v11 =	vld [tilespmem:s0+$0x9410]  }
0x1f0: {  	v7 =	vmax.f32 v7, v12;
	v12 =	vld [tilespmem:s0+$0x9420]  }
0x1f1: {  	v7 =	vmax.f32 v7, v13;
	v13 =	vld [tilespmem:s0+$0x9430]  }
0x1f2: {  	v7 =	vmax.f32 v7, v14;
	v14 =	vld [tilespmem:s0+$0x9440]  }
0x1f3: {  	v7 =	vmax.f32 v7, v15;
	v15 =	vld [tilespmem:s0+$0x9450]  }
0x1f4: {  	v7 =	vmax.f32 v7, v11;
	v11 =	vld [tilespmem:s0+$0x9460]  }
0x1f5: {  	v7 =	vmax.f32 v7, v12;
	v12 =	vld [tilespmem:s0+$0x9470]  }
0x1f6: {  	v7 =	vmax.f32 v7, v13;
	v13 =	vld [tilespmem:s0+$0x9800]  }
0x1f7: {  	v7 =	vmax.f32 v7, v14;
	v14 =	vld [tilespmem:s0+$0x9810]  }
0x1f8: {  	v7 =	vmax.f32 v7, v15;
	v15 =	vld [tilespmem:s0+$0x9820]  }
0x1f9: {  	v7 =	vmax.f32 v7, v11;
	v11 =	vld [tilespmem:s0+$0x9830]  }
0x1fa: {  	s23 =	sand.u32 $0x7, s26;
	v7 =	vmax.f32 v7, v12;
	v12 =	vld [tilespmem:s0+$0x9840]  }
0x1fb: {  	s1 =	sshll.u32 s23, $0x7;
	v7 =	vmax.f32 v7, v13;
	v13 =	vld [tilespmem:s0+$0x9850]  }
0x1fc: {  	s1 =	sadd.s32 $0x0, s1;
	v7 =	vmax.f32 v7, v14;
	v14 =	vld [tilespmem:s0+$0x9860]  }
0x1fd: {  	s14 =	sor.u32 $0x1C00, s1;
	v7 =	vmax.f32 v7, v15;
	v15 =	vld [tilespmem:s0+$0x9870]  }
0x1fe: {  	s23 =	sor.u32 $0x1C10, s1;
	v7 =	vmax.f32 v7, v11;
	v11 =	vld [tilespmem:s14+$0x8000]  }
0x1ff: {  	s14 =	sor.u32 $0x1C20, s1;
	v7 =	vmax.f32 v7, v12;
	v12 =	vld [tilespmem:s23+$0x8000]  }
0x200: {  	v61 =	vmov s25;
	s23 =	sor.u32 $0x1C30, s1;
	v13 =	vmax.f32 v7, v13;
	v7 =	vld [tilespmem:s14+$0x8000]  }
0x201: {  	s29 =	simm.s32 $0x1;
	vm0 =	veq.s32 v61, v1;
	v62 =	vbroadcast v9, $0xF;
	s25 =	sor.u32 $0x1C40, s1;
	v9 =	vld [tilespmem:s23+$0x8000];
	v13 =	vmax.f32 v13, v14  }
0x202: {  	s31 =	simm.s32 $0x80;
	v63 =	vbroadcast v10, $0xF;
	v10 =	vld [tilespmem:s25+$0x8000];
	s25 =	simm.s32 $0x400;
	s0 =	sor.u32 $0x1C50, s1;
	v14 =	vmov s28;
	v13 =	vmax.f32 v13, v15  }
0x203: {  	v6 =	vsel vm0, v62, v6;
	s1 =	sor.u32 $0x1C58, s1;
	s14 =	sand.u32 $0x2000, s25;
	s23 =	sand.u32 $0x380, s31;
	vm15 =	veq.s32 v14, v1;
	v13 =	vmax.f32 v13, v11;
	v11 =	vld [tilespmem:s0+$0x8000]  }
0x204: {  	s30 =	sor.u32 s23, s14;
	s28 =	simm.s32 $0x0;
	v6 =	vsel vm15, v63, v6;
	s0 =	simm.s32 $0x2;
	v13 =	vmax.f32 v13, v12;
	v12 =	vld [tilespmem:s1+$0x8000]  }
.LBB2_6:
0x205: {  	p0 =	sne.s32 s0, $0xF;
	v14 =	vld [tilespmem:s30+$0x8000];
	v7 =	vmax.f32 v13, v7  }
0x206: {  	v13 =	vld [tilespmem:s30+$0x8010];
	v7 =	vmax.f32 v7, v9  }
0x207: {  	v9 =	vld [tilespmem:s30+$0x8020];
	v7 =	vmax.f32 v7, v10  }
0x208: {  	v10 =	vld [tilespmem:s30+$0x8030];
	v7 =	vmax.f32 v7, v11  }
0x209: {  	v11 =	vld [tilespmem:s30+$0x8040];
	v7 =	vmax.f32 v7, v12  }
0x20a: {  	v12 =	vld [tilespmem:s30+$0x8050];
	(xrf0) =	vmax.scan.msk.f32 $0xffff, v7  }
0x20b: {  	v7 =	vmax.f32 v14, v13;
	v13 =	vld [tilespmem:s30+$0x8060]  }
0x20c: {  	v7 =	vmax.f32 v7, v9;
	v9 =	vld [tilespmem:s30+$0x8070]  }
0x20d: {  	v7 =	vmax.f32 v7, v10;
	v10 =	vld [tilespmem:s30+$0x8400]  }
0x20e: {  	v7 =	vmax.f32 v7, v11;
	v11 =	vld [tilespmem:s30+$0x8410]  }
0x20f: {  	v7 =	vmax.f32 v7, v12;
	v12 =	vld [tilespmem:s30+$0x8420]  }
0x210: {  	v7 =	vmax.f32 v7, v13;
	v13 =	vld [tilespmem:s30+$0x8430];
	v14, _, _ =	vpop (xrf0)  }
0x211: {  	v15 =	vmov s26;
	s26 =	smov.u32 s29;
	s29 =	smov.u32 s0;
	v7 =	vmax.f32 v7, v9;
	v9 =	vld [tilespmem:s30+$0x8440];
	v14 =	vbroadcast v14, $0xF  }
0x212: {  	vm0 =	veq.s32 v15, v1;
	v7 =	vmax.f32 v7, v10;
	v10 =	vld [tilespmem:s30+$0x8450]  }
0x213: {  	v7 =	vmax.f32 v7, v11;
	v11 =	vld [tilespmem:s30+$0x8460];
	v8 =	vsel vm0, v14, v8  }
0x214: {  	v7 =	vmax.f32 v7, v12;
	v12 =	vld [tilespmem:s30+$0x8470]  }
0x215: {  	v7 =	vmax.f32 v7, v13;
	v13 =	vld [tilespmem:s30+$0x8800]  }
0x216: {  	v7 =	vmax.f32 v7, v9;
	v9 =	vld [tilespmem:s30+$0x8810]  }
0x217: {  	v7 =	vmax.f32 v7, v10;
	v10 =	vld [tilespmem:s30+$0x8820]  }
0x218: {  	v7 =	vmax.f32 v7, v11;
	v11 =	vld [tilespmem:s30+$0x8830]  }
0x219: {  	v7 =	vmax.f32 v7, v12;
	v12 =	vld [tilespmem:s30+$0x8840]  }
0x21a: {  	v7 =	vmax.f32 v7, v13;
	v13 =	vld [tilespmem:s30+$0x8850]  }
0x21b: {  	v7 =	vmax.f32 v7, v9;
	v9 =	vld [tilespmem:s30+$0x8860]  }
0x21c: {  	v7 =	vmax.f32 v7, v10;
	v10 =	vld [tilespmem:s30+$0x8870]  }
0x21d: {  	v7 =	vmax.f32 v7, v11;
	v11 =	vld [tilespmem:s30+$0x8C00]  }
0x21e: {  	v7 =	vmax.f32 v7, v12;
	v12 =	vld [tilespmem:s30+$0x8C10]  }
0x21f: {  	v7 =	vmax.f32 v7, v13;
	v13 =	vld [tilespmem:s30+$0x8C20]  }
0x220: {  	v7 =	vmax.f32 v7, v9;
	v9 =	vld [tilespmem:s30+$0x8C30]  }
0x221: {  	v7 =	vmax.f32 v7, v10;
	v10 =	vld [tilespmem:s30+$0x8C40]  }
0x222: {  	v7 =	vmax.f32 v7, v11;
	v11 =	vld [tilespmem:s30+$0x8C50]  }
0x223: {  	v7 =	vmax.f32 v7, v12;
	v12 =	vld [tilespmem:s30+$0x8C60]  }
0x224: {  	v7 =	vmax.f32 v7, v13;
	v13 =	vld [tilespmem:s30+$0x8C70]  }
0x225: {  	v7 =	vmax.f32 v7, v9;
	v9 =	vld [tilespmem:s30+$0x9000]  }
0x226: {  	v7 =	vmax.f32 v7, v10;
	v10 =	vld [tilespmem:s30+$0x9010]  }
0x227: {  	v7 =	vmax.f32 v7, v11;
	v11 =	vld [tilespmem:s30+$0x9020]  }
0x228: {  	v7 =	vmax.f32 v7, v12;
	v12 =	vld [tilespmem:s30+$0x9030]  }
0x229: {  	v7 =	vmax.f32 v7, v13;
	v13 =	vld [tilespmem:s30+$0x9040]  }
0x22a: {  	v7 =	vmax.f32 v7, v9;
	v9 =	vld [tilespmem:s30+$0x9050]  }
0x22b: {  	v7 =	vmax.f32 v7, v10;
	v10 =	vld [tilespmem:s30+$0x9060]  }
0x22c: {  	v7 =	vmax.f32 v7, v11;
	v11 =	vld [tilespmem:s30+$0x9070]  }
0x22d: {  	v7 =	vmax.f32 v7, v12;
	v12 =	vld [tilespmem:s30+$0x9400]  }
0x22e: {  	v7 =	vmax.f32 v7, v13;
	v13 =	vld [tilespmem:s30+$0x9410]  }
0x22f: {  	v7 =	vmax.f32 v7, v9;
	v9 =	vld [tilespmem:s30+$0x9420]  }
0x230: {  	v7 =	vmax.f32 v7, v10;
	v10 =	vld [tilespmem:s30+$0x9430]  }
0x231: {  	v7 =	vmax.f32 v7, v11;
	v11 =	vld [tilespmem:s30+$0x9440]  }
0x232: {  	v7 =	vmax.f32 v7, v12;
	v12 =	vld [tilespmem:s30+$0x9450]  }
0x233: {  	v7 =	vmax.f32 v7, v13;
	v13 =	vld [tilespmem:s30+$0x9460]  }
0x234: {  	v7 =	vmax.f32 v7, v9;
	v9 =	vld [tilespmem:s30+$0x9470]  }
0x235: {  	v7 =	vmax.f32 v7, v10;
	v10 =	vld [tilespmem:s30+$0x9800]  }
0x236: {  	v7 =	vmax.f32 v7, v11;
	v11 =	vld [tilespmem:s30+$0x9810]  }
0x237: {  	v7 =	vmax.f32 v7, v12;
	v12 =	vld [tilespmem:s30+$0x9820]  }
0x238: {  	s28 =	sadd.s32 $0x1, s28;
	v7 =	vmax.f32 v7, v13;
	v13 =	vld [tilespmem:s30+$0x9830]  }
0x239: {  	s1 =	sand.u32 $0x7, s28;
	v7 =	vmax.f32 v7, v9;
	v9 =	vld [tilespmem:s30+$0x9840]  }
0x23a: {  	s1 =	sshll.u32 s1, $0x7;
	v7 =	vmax.f32 v7, v10;
	v10 =	vld [tilespmem:s30+$0x9850]  }
0x23b: {  	s1 =	sadd.s32 s1, s25;
	v7 =	vmax.f32 v7, v11;
	v11 =	vld [tilespmem:s30+$0x9860]  }
0x23c: {  	s14 =	sor.u32 $0x1C00, s1;
	v7 =	vmax.f32 v7, v12;
	v12 =	vld [tilespmem:s30+$0x9870]  }
0x23d: {  	v7 =	vmax.f32 v7, v13;
	v13 =	vld [tilespmem:s14+$0x8000];
	s14 =	sor.u32 $0x1C10, s1  }
0x23e: {  	v7 =	vmax.f32 v7, v9;
	v14 =	vld [tilespmem:s14+$0x8000];
	s14 =	sor.u32 $0x1C20, s1  }
.Ltmp2:
0x23f: {  	v9 =	vmax.f32 v7, v10;
	v7 =	vld [tilespmem:s14+$0x8000];
	s14 =	sor.u32 $0x1C30, s1;
	(pc) =	sbr.rel @p0 .LBB2_6-.Ltmp2, $4  }
0x240: {  	v10 =	vmax.f32 v9, v11;
	v9 =	vld [tilespmem:s14+$0x8000];
	s14 =	sor.u32 $0x1C40, s1  }
0x241: {  	s31 =	sadd.s32 $0x80, s31;
	s25 =	sadd.s32 $0x400, s25;
	v11 =	vmax.f32 v10, v12;
	v10 =	vld [tilespmem:s14+$0x8000];
	s14 =	sor.u32 $0x1C50, s1  }
0x242: {  	s23 =	sand.u32 $0x2000, s25;
	s30 =	sand.u32 $0x380, s31;
	s1 =	sor.u32 $0x1C58, s1;
	v12 =	vmax.f32 v11, v13;
	v11 =	vld [tilespmem:s14+$0x8000]  }
0x243: {  	s0 =	sadd.s32 $0x1, s0;
	s30 =	sor.u32 s30, s23;
	v13 =	vmax.f32 v12, v14;
	v12 =	vld [tilespmem:s1+$0x8000]  }
0x244: {  	v14 =	vld [tilespmem:s30+$0x8000]  }
0x245: {  	v15 =	vld [tilespmem:s30+$0x8010]  }
0x246: {  	v16 =	vld [tilespmem:s30+$0x8020]  }
0x247: {  	v17 =	vld [tilespmem:s30+$0x8030]  }
0x248: {  	v18 =	vld [tilespmem:s30+$0x8040]  }
0x249: {  	v19 =	vld [tilespmem:s30+$0x8050]  }
0x24a: {  	v14 =	vmax.f32 v14, v15;
	v15 =	vld [tilespmem:s30+$0x8060]  }
0x24b: {  	v14 =	vmax.f32 v14, v16;
	v16 =	vld [tilespmem:s30+$0x8070]  }
0x24c: {  	v14 =	vmax.f32 v14, v17;
	v17 =	vld [tilespmem:s30+$0x8400]  }
0x24d: {  	v39 =	vld [tilespmem:s30+$0x8410];
	v14 =	vmax.f32 v14, v18  }
0x24e: {  	v40 =	vld [tilespmem:s30+$0x8420];
	v14 =	vmax.f32 v14, v19  }
0x24f: {  	v14 =	vmax.f32 v14, v15;
	v15 =	vld [tilespmem:s30+$0x8430]  }
0x250: {  	v14 =	vmax.f32 v14, v16;
	v16 =	vld [tilespmem:s30+$0x8440]  }
0x251: {  	v14 =	vmax.f32 v14, v17;
	v17 =	vld [tilespmem:s30+$0x8450]  }
0x252: {  	v41 =	vld [tilespmem:s30+$0x8460];
	v14 =	vmax.f32 v14, v39  }
0x253: {  	v42 =	vld [tilespmem:s30+$0x8470];
	v14 =	vmax.f32 v14, v40  }
0x254: {  	v14 =	vmax.f32 v14, v15;
	v15 =	vld [tilespmem:s30+$0x8800]  }
0x255: {  	v14 =	vmax.f32 v14, v16;
	v16 =	vld [tilespmem:s30+$0x8810]  }
0x256: {  	v14 =	vmax.f32 v14, v17;
	v17 =	vld [tilespmem:s30+$0x8820]  }
0x257: {  	v43 =	vld [tilespmem:s30+$0x8830];
	v14 =	vmax.f32 v14, v41  }
0x258: {  	v44 =	vld [tilespmem:s30+$0x8840];
	v14 =	vmax.f32 v14, v42  }
0x259: {  	v14 =	vmax.f32 v14, v15;
	v15 =	vld [tilespmem:s30+$0x8850]  }
0x25a: {  	v14 =	vmax.f32 v14, v16;
	v16 =	vld [tilespmem:s30+$0x8860]  }
0x25b: {  	v14 =	vmax.f32 v14, v17;
	v17 =	vld [tilespmem:s30+$0x8870]  }
0x25c: {  	v45 =	vld [tilespmem:s30+$0x8C00];
	v14 =	vmax.f32 v14, v43  }
0x25d: {  	v46 =	vld [tilespmem:s30+$0x8C10];
	v14 =	vmax.f32 v14, v44  }
0x25e: {  	v14 =	vmax.f32 v14, v15;
	v15 =	vld [tilespmem:s30+$0x8C20]  }
0x25f: {  	v14 =	vmax.f32 v14, v16;
	v16 =	vld [tilespmem:s30+$0x8C30]  }
0x260: {  	v14 =	vmax.f32 v14, v17;
	v17 =	vld [tilespmem:s30+$0x8C40]  }
0x261: {  	v47 =	vld [tilespmem:s30+$0x8C50];
	v14 =	vmax.f32 v14, v45  }
0x262: {  	v48 =	vld [tilespmem:s30+$0x8C60];
	v14 =	vmax.f32 v14, v46  }
0x263: {  	v14 =	vmax.f32 v14, v15;
	v15 =	vld [tilespmem:s30+$0x8C70]  }
0x264: {  	v14 =	vmax.f32 v14, v16;
	v16 =	vld [tilespmem:s30+$0x9000]  }
0x265: {  	v14 =	vmax.f32 v14, v17;
	v17 =	vld [tilespmem:s30+$0x9010]  }
0x266: {  	v49 =	vld [tilespmem:s30+$0x9020];
	v14 =	vmax.f32 v14, v47  }
0x267: {  	v50 =	vld [tilespmem:s30+$0x9030];
	v14 =	vmax.f32 v14, v48  }
0x268: {  	v14 =	vmax.f32 v14, v15;
	v15 =	vld [tilespmem:s30+$0x9040]  }
0x269: {  	v14 =	vmax.f32 v14, v16;
	v16 =	vld [tilespmem:s30+$0x9050]  }
0x26a: {  	v14 =	vmax.f32 v14, v17;
	v17 =	vld [tilespmem:s30+$0x9060]  }
0x26b: {  	v51 =	vld [tilespmem:s30+$0x9070];
	v14 =	vmax.f32 v14, v49  }
0x26c: {  	v52 =	vld [tilespmem:s30+$0x9400];
	v14 =	vmax.f32 v14, v50  }
0x26d: {  	v14 =	vmax.f32 v14, v15;
	v15 =	vld [tilespmem:s30+$0x9410]  }
0x26e: {  	v14 =	vmax.f32 v14, v16;
	v16 =	vld [tilespmem:s30+$0x9420]  }
0x26f: {  	v14 =	vmax.f32 v14, v17;
	v17 =	vld [tilespmem:s30+$0x9430]  }
0x270: {  	v53 =	vld [tilespmem:s30+$0x9440];
	v14 =	vmax.f32 v14, v51  }
0x271: {  	v54 =	vld [tilespmem:s30+$0x9450];
	v14 =	vmax.f32 v14, v52  }
0x272: {  	v14 =	vmax.f32 v14, v15;
	v15 =	vld [tilespmem:s30+$0x9460]  }
0x273: {  	v14 =	vmax.f32 v14, v16;
	v16 =	vld [tilespmem:s30+$0x9470]  }
0x274: {  	v14 =	vmax.f32 v14, v17;
	v17 =	vld [tilespmem:s30+$0x9800]  }
0x275: {  	v55 =	vld [tilespmem:s30+$0x9810];
	v14 =	vmax.f32 v14, v53  }
0x276: {  	v56 =	vld [tilespmem:s30+$0x9820];
	v14 =	vmax.f32 v14, v54  }
0x277: {  	s0 =	sadd.s32 $0x1, s28;
	v14 =	vmax.f32 v14, v15;
	v15 =	vld [tilespmem:s30+$0x9830]  }
0x278: {  	s0 =	sand.u32 $0x7, s0;
	v14 =	vmax.f32 v14, v16;
	v16 =	vld [tilespmem:s30+$0x9840]  }
0x279: {  	s0 =	sshll.u32 s0, $0x7;
	v14 =	vmax.f32 v14, v17;
	v17 =	vld [tilespmem:s30+$0x9850]  }
0x27a: {  	v57 =	vld [tilespmem:s30+$0x9860];
	s0 =	sadd.s32 s0, s25;
	v14 =	vmax.f32 v14, v55  }
0x27b: {  	v58 =	vld [tilespmem:s30+$0x9870];
	s1 =	sor.u32 $0x1C00, s0;
	v14 =	vmax.f32 v14, v56  }
0x27c: {  	s23 =	sor.u32 $0x1C10, s0;
	v14 =	vmax.f32 v14, v15;
	v15 =	vld [tilespmem:s1+$0x8000]  }
0x27d: {  	s25 =	sor.u32 $0x1C20, s0;
	v14 =	vmax.f32 v14, v16;
	v16 =	vld [tilespmem:s23+$0x8000]  }
0x27e: {  	s14 =	sor.u32 $0x1C30, s0;
	v14 =	vmax.f32 v14, v17;
	v17 =	vld [tilespmem:s25+$0x8000]  }
0x27f: {  	v59 =	vld [tilespmem:s14+$0x8000];
	s23 =	sor.u32 $0x1C40, s0;
	v14 =	vmax.f32 v14, v57  }
0x280: {  	v60 =	vld [tilespmem:s23+$0x8000];
	s25 =	sor.u32 $0x1C50, s0;
	v14 =	vmax.f32 v14, v58  }
0x281: {  	s0 =	sor.u32 $0x1C58, s0;
	v14 =	vmax.f32 v14, v15;
	v15 =	vld [tilespmem:s25+$0x8000]  }
0x282: {  	v7 =	vmax.f32 v13, v7;
	v13 =	vmax.f32 v14, v16;
	v14 =	vld [tilespmem:s0+$0x8000]  }
0x283: {  	v7 =	vmax.f32 v7, v9;
	v9 =	vmax.f32 v13, v17  }
0x284: {  	v7 =	vmax.f32 v7, v10;
	v9 =	vmax.f32 v9, v59  }
0x285: {  	v7 =	vmax.f32 v7, v11;
	v9 =	vmax.f32 v9, v60  }
0x286: {  	v7 =	vmax.f32 v7, v12;
	v9 =	vmax.f32 v9, v15  }
0x287: {  	(xrf0) =	vmax.scan.msk.f32 $0xffff, v7;
	v7 =	vmax.f32 v9, v14  }
0x288: {  	(xrf0) =	vmax.scan.msk.f32 $0xffff, v7;
	_ =	sdelay $0x4  }
0x289: {  	v11, _, _ =	vpop (xrf0)  }
0x28a: {  	v12, _, _ =	vpop (xrf0)  }
0x28b: {  	_ =	swait.ge [sflag:s22], $0x4000  }
0x28c: {  	[sflag:s22] =	ssyncset.done $0x0  }
0x28d: {  	s25 =	simm.s32 $0x0;
	[sflag:s22] =	ssyncadd.s32 $0xFFFFC000  }
0x28e: {  	[tilespmem:s17], [sflag:$0x3] =	stream.linear.gather [hbm4b:s10+s25], $0x4000, $0x38;
	[tilespmem:$0x10100] =	vst v63  }
0x28f: {  	v7 =	vld [tilespmem:$0x10030];
	_ =	sdelay $0x4  }
0x290: {  	v9 =	vshll.u32 v7, $0x3  }
0x291: {  	v7 =	vand.u32 $0x7F, v7;
	v9 =	vand.u32 $0xFFFFFC00, v9  }
0x292: {  	v7 =	vor.u32 v7, v9  }
0x293: {  	v9 =	vadd.s32 v0, v7;
	_ =	sdelay $0x3  }
0x294: {  	v10 =	vimm.f32 $-Inf;
	s1 =	sand.u32 $0x2000, s25;
	s14 =	sand.u32 $0x380, s25  }
0x295: {  	s0 =	sor.u32 s14, s1;
	v7 =	vld.idx.msk [tilespmem:v9+s19+$0x0], $0xffff;
	[tilespmem:v9+s19+$0x0] =	vst.idx.msk $0xffff, v10  }
0x296: {  	v9 =	vld [tilespmem:s0+$0xC000]  }
0x297: {  	v13 =	vld [tilespmem:s0+$0xC010]  }
0x298: {  	v14 =	vld [tilespmem:s0+$0xC020]  }
0x299: {  	v15 =	vld [tilespmem:s0+$0xC030]  }
0x29a: {  	v16 =	vld [tilespmem:s0+$0xC040]  }
0x29b: {  	v17 =	vld [tilespmem:s0+$0xC050]  }
0x29c: {  	v9 =	vmax.f32 v9, v13;
	v13 =	vld [tilespmem:s0+$0xC060]  }
0x29d: {  	v9 =	vmax.f32 v9, v14;
	v14 =	vld [tilespmem:s0+$0xC070]  }
0x29e: {  	v9 =	vmax.f32 v9, v15;
	v15 =	vld [tilespmem:s0+$0xC400]  }
0x29f: {  	v9 =	vmax.f32 v9, v16;
	v16 =	vld [tilespmem:s0+$0xC410]  }
0x2a0: {  	v9 =	vmax.f32 v9, v17;
	v17 =	vld [tilespmem:s0+$0xC420]  }
0x2a1: {  	v9 =	vmax.f32 v9, v13;
	v13 =	vld [tilespmem:s0+$0xC430]  }
0x2a2: {  	v9 =	vmax.f32 v9, v14;
	v14 =	vld [tilespmem:s0+$0xC440]  }
0x2a3: {  	v9 =	vmax.f32 v9, v15;
	v15 =	vld [tilespmem:s0+$0xC450]  }
0x2a4: {  	v9 =	vmax.f32 v9, v16;
	v16 =	vld [tilespmem:s0+$0xC460]  }
0x2a5: {  	v9 =	vmax.f32 v9, v17;
	v17 =	vld [tilespmem:s0+$0xC470]  }
0x2a6: {  	v9 =	vmax.f32 v9, v13;
	v13 =	vld [tilespmem:s0+$0xC800]  }
0x2a7: {  	v9 =	vmax.f32 v9, v14;
	v14 =	vld [tilespmem:s0+$0xC810]  }
0x2a8: {  	v9 =	vmax.f32 v9, v15;
	v15 =	vld [tilespmem:s0+$0xC820]  }
0x2a9: {  	v9 =	vmax.f32 v9, v16;
	v16 =	vld [tilespmem:s0+$0xC830]  }
0x2aa: {  	v9 =	vmax.f32 v9, v17;
	v17 =	vld [tilespmem:s0+$0xC840]  }
0x2ab: {  	v9 =	vmax.f32 v9, v13;
	v13 =	vld [tilespmem:s0+$0xC850]  }
0x2ac: {  	v9 =	vmax.f32 v9, v14;
	v14 =	vld [tilespmem:s0+$0xC860]  }
0x2ad: {  	v9 =	vmax.f32 v9, v15;
	v15 =	vld [tilespmem:s0+$0xC870]  }
0x2ae: {  	v9 =	vmax.f32 v9, v16;
	v16 =	vld [tilespmem:s0+$0xCC00]  }
0x2af: {  	v9 =	vmax.f32 v9, v17;
	v17 =	vld [tilespmem:s0+$0xCC10]  }
0x2b0: {  	v9 =	vmax.f32 v9, v13;
	v13 =	vld [tilespmem:s0+$0xCC20]  }
0x2b1: {  	v9 =	vmax.f32 v9, v14;
	v14 =	vld [tilespmem:s0+$0xCC30]  }
0x2b2: {  	v9 =	vmax.f32 v9, v15;
	v15 =	vld [tilespmem:s0+$0xCC40]  }
0x2b3: {  	v9 =	vmax.f32 v9, v16;
	v16 =	vld [tilespmem:s0+$0xCC50]  }
0x2b4: {  	v9 =	vmax.f32 v9, v17;
	v17 =	vld [tilespmem:s0+$0xCC60]  }
0x2b5: {  	v9 =	vmax.f32 v9, v13;
	v13 =	vld [tilespmem:s0+$0xCC70]  }
0x2b6: {  	v9 =	vmax.f32 v9, v14;
	v14 =	vld [tilespmem:s0+$0xD000]  }
0x2b7: {  	v9 =	vmax.f32 v9, v15;
	v15 =	vld [tilespmem:s0+$0xD010]  }
0x2b8: {  	v9 =	vmax.f32 v9, v16;
	v16 =	vld [tilespmem:s0+$0xD020]  }
0x2b9: {  	v9 =	vmax.f32 v9, v17;
	v17 =	vld [tilespmem:s0+$0xD030]  }
0x2ba: {  	v9 =	vmax.f32 v9, v13;
	v13 =	vld [tilespmem:s0+$0xD040]  }
0x2bb: {  	v9 =	vmax.f32 v9, v14;
	v14 =	vld [tilespmem:s0+$0xD050]  }
0x2bc: {  	v9 =	vmax.f32 v9, v15;
	v15 =	vld [tilespmem:s0+$0xD060]  }
0x2bd: {  	v9 =	vmax.f32 v9, v16;
	v16 =	vld [tilespmem:s0+$0xD070]  }
0x2be: {  	v9 =	vmax.f32 v9, v17;
	v17 =	vld [tilespmem:s0+$0xD400]  }
0x2bf: {  	v9 =	vmax.f32 v9, v13;
	v13 =	vld [tilespmem:s0+$0xD410]  }
0x2c0: {  	v9 =	vmax.f32 v9, v14;
	v14 =	vld [tilespmem:s0+$0xD420]  }
0x2c1: {  	v9 =	vmax.f32 v9, v15;
	v15 =	vld [tilespmem:s0+$0xD430]  }
0x2c2: {  	v9 =	vmax.f32 v9, v16;
	v16 =	vld [tilespmem:s0+$0xD440]  }
0x2c3: {  	v9 =	vmax.f32 v9, v17;
	v17 =	vld [tilespmem:s0+$0xD450]  }
0x2c4: {  	v9 =	vmax.f32 v9, v13;
	v13 =	vld [tilespmem:s0+$0xD460]  }
0x2c5: {  	v9 =	vmax.f32 v9, v14;
	v14 =	vld [tilespmem:s0+$0xD470]  }
0x2c6: {  	v9 =	vmax.f32 v9, v15;
	v15 =	vld [tilespmem:s0+$0xD800]  }
0x2c7: {  	v9 =	vmax.f32 v9, v16;
	v16 =	vld [tilespmem:s0+$0xD810]  }
0x2c8: {  	v9 =	vmax.f32 v9, v17;
	v17 =	vld [tilespmem:s0+$0xD820]  }
0x2c9: {  	v9 =	vmax.f32 v9, v13;
	v13 =	vld [tilespmem:s0+$0xD830]  }
0x2ca: {  	s23 =	sand.u32 $0x7, s25;
	v9 =	vmax.f32 v9, v14;
	v14 =	vld [tilespmem:s0+$0xD840]  }
0x2cb: {  	s1 =	sshll.u32 s23, $0x7;
	v9 =	vmax.f32 v9, v15;
	v15 =	vld [tilespmem:s0+$0xD850]  }
0x2cc: {  	s1 =	sadd.s32 $0x0, s1;
	v9 =	vmax.f32 v9, v16;
	v16 =	vld [tilespmem:s0+$0xD860]  }
0x2cd: {  	s14 =	sor.u32 $0x1C00, s1;
	v9 =	vmax.f32 v9, v17;
	v17 =	vld [tilespmem:s0+$0xD870]  }
0x2ce: {  	s23 =	sor.u32 $0x1C10, s1;
	v9 =	vmax.f32 v9, v13;
	v13 =	vld [tilespmem:s14+$0xC000]  }
0x2cf: {  	s14 =	sor.u32 $0x1C20, s1;
	v9 =	vmax.f32 v9, v14;
	v14 =	vld [tilespmem:s23+$0xC000]  }
0x2d0: {  	v61 =	vmov s26;
	s23 =	sor.u32 $0x1C30, s1;
	v15 =	vmax.f32 v9, v15;
	v9 =	vld [tilespmem:s14+$0xC000]  }
0x2d1: {  	s28 =	simm.s32 $0x1;
	vm0 =	veq.s32 v61, v1;
	v62 =	vbroadcast v11, $0xF;
	s26 =	sor.u32 $0x1C40, s1;
	v11 =	vld [tilespmem:s23+$0xC000];
	v15 =	vmax.f32 v15, v16  }
0x2d2: {  	s31 =	simm.s32 $0x80;
	v63 =	vbroadcast v12, $0xF;
	v12 =	vld [tilespmem:s26+$0xC000];
	s26 =	simm.s32 $0x400;
	s0 =	sor.u32 $0x1C50, s1;
	v16 =	vmov s29;
	v15 =	vmax.f32 v15, v17  }
0x2d3: {  	v8 =	vsel vm0, v62, v8;
	s1 =	sor.u32 $0x1C58, s1;
	s14 =	sand.u32 $0x2000, s26;
	s23 =	sand.u32 $0x380, s31;
	vm15 =	veq.s32 v16, v1;
	v15 =	vmax.f32 v15, v13;
	v13 =	vld [tilespmem:s0+$0xC000]  }
0x2d4: {  	s30 =	sor.u32 s23, s14;
	s29 =	simm.s32 $0x0;
	v8 =	vsel vm15, v63, v8;
	s0 =	simm.s32 $0x2;
	v15 =	vmax.f32 v15, v14;
	v14 =	vld [tilespmem:s1+$0xC000]  }
.LBB2_8:
0x2d5: {  	p0 =	sne.s32 s0, $0xF;
	v16 =	vld [tilespmem:s30+$0xC000];
	v9 =	vmax.f32 v15, v9  }
0x2d6: {  	v15 =	vld [tilespmem:s30+$0xC010];
	v9 =	vmax.f32 v9, v11  }
0x2d7: {  	v11 =	vld [tilespmem:s30+$0xC020];
	v9 =	vmax.f32 v9, v12  }
0x2d8: {  	v12 =	vld [tilespmem:s30+$0xC030];
	v9 =	vmax.f32 v9, v13  }
0x2d9: {  	v13 =	vld [tilespmem:s30+$0xC040];
	v9 =	vmax.f32 v9, v14  }
0x2da: {  	v14 =	vld [tilespmem:s30+$0xC050];
	(xrf0) =	vmax.scan.msk.f32 $0xffff, v9  }
0x2db: {  	v9 =	vmax.f32 v16, v15;
	v15 =	vld [tilespmem:s30+$0xC060]  }
0x2dc: {  	v9 =	vmax.f32 v9, v11;
	v11 =	vld [tilespmem:s30+$0xC070]  }
0x2dd: {  	v9 =	vmax.f32 v9, v12;
	v12 =	vld [tilespmem:s30+$0xC400]  }
0x2de: {  	v9 =	vmax.f32 v9, v13;
	v13 =	vld [tilespmem:s30+$0xC410]  }
0x2df: {  	v9 =	vmax.f32 v9, v14;
	v14 =	vld [tilespmem:s30+$0xC420]  }
0x2e0: {  	v9 =	vmax.f32 v9, v15;
	v15 =	vld [tilespmem:s30+$0xC430];
	v16, _, _ =	vpop (xrf0)  }
0x2e1: {  	v17 =	vmov s25;
	s25 =	smov.u32 s28;
	s28 =	smov.u32 s0;
	v9 =	vmax.f32 v9, v11;
	v11 =	vld [tilespmem:s30+$0xC440];
	v16 =	vbroadcast v16, $0xF  }
0x2e2: {  	vm0 =	veq.s32 v17, v1;
	v9 =	vmax.f32 v9, v12;
	v12 =	vld [tilespmem:s30+$0xC450]  }
0x2e3: {  	v9 =	vmax.f32 v9, v13;
	v13 =	vld [tilespmem:s30+$0xC460];
	v10 =	vsel vm0, v16, v10  }
0x2e4: {  	v9 =	vmax.f32 v9, v14;
	v14 =	vld [tilespmem:s30+$0xC470]  }
0x2e5: {  	v9 =	vmax.f32 v9, v15;
	v15 =	vld [tilespmem:s30+$0xC800]  }
0x2e6: {  	v9 =	vmax.f32 v9, v11;
	v11 =	vld [tilespmem:s30+$0xC810]  }
0x2e7: {  	v9 =	vmax.f32 v9, v12;
	v12 =	vld [tilespmem:s30+$0xC820]  }
0x2e8: {  	v9 =	vmax.f32 v9, v13;
	v13 =	vld [tilespmem:s30+$0xC830]  }
0x2e9: {  	v9 =	vmax.f32 v9, v14;
	v14 =	vld [tilespmem:s30+$0xC840]  }
0x2ea: {  	v9 =	vmax.f32 v9, v15;
	v15 =	vld [tilespmem:s30+$0xC850]  }
0x2eb: {  	v9 =	vmax.f32 v9, v11;
	v11 =	vld [tilespmem:s30+$0xC860]  }
0x2ec: {  	v9 =	vmax.f32 v9, v12;
	v12 =	vld [tilespmem:s30+$0xC870]  }
0x2ed: {  	v9 =	vmax.f32 v9, v13;
	v13 =	vld [tilespmem:s30+$0xCC00]  }
0x2ee: {  	v9 =	vmax.f32 v9, v14;
	v14 =	vld [tilespmem:s30+$0xCC10]  }
0x2ef: {  	v9 =	vmax.f32 v9, v15;
	v15 =	vld [tilespmem:s30+$0xCC20]  }
0x2f0: {  	v9 =	vmax.f32 v9, v11;
	v11 =	vld [tilespmem:s30+$0xCC30]  }
0x2f1: {  	v9 =	vmax.f32 v9, v12;
	v12 =	vld [tilespmem:s30+$0xCC40]  }
0x2f2: {  	v9 =	vmax.f32 v9, v13;
	v13 =	vld [tilespmem:s30+$0xCC50]  }
0x2f3: {  	v9 =	vmax.f32 v9, v14;
	v14 =	vld [tilespmem:s30+$0xCC60]  }
0x2f4: {  	v9 =	vmax.f32 v9, v15;
	v15 =	vld [tilespmem:s30+$0xCC70]  }
0x2f5: {  	v9 =	vmax.f32 v9, v11;
	v11 =	vld [tilespmem:s30+$0xD000]  }
0x2f6: {  	v9 =	vmax.f32 v9, v12;
	v12 =	vld [tilespmem:s30+$0xD010]  }
0x2f7: {  	v9 =	vmax.f32 v9, v13;
	v13 =	vld [tilespmem:s30+$0xD020]  }
0x2f8: {  	v9 =	vmax.f32 v9, v14;
	v14 =	vld [tilespmem:s30+$0xD030]  }
0x2f9: {  	v9 =	vmax.f32 v9, v15;
	v15 =	vld [tilespmem:s30+$0xD040]  }
0x2fa: {  	v9 =	vmax.f32 v9, v11;
	v11 =	vld [tilespmem:s30+$0xD050]  }
0x2fb: {  	v9 =	vmax.f32 v9, v12;
	v12 =	vld [tilespmem:s30+$0xD060]  }
0x2fc: {  	v9 =	vmax.f32 v9, v13;
	v13 =	vld [tilespmem:s30+$0xD070]  }
0x2fd: {  	v9 =	vmax.f32 v9, v14;
	v14 =	vld [tilespmem:s30+$0xD400]  }
0x2fe: {  	v9 =	vmax.f32 v9, v15;
	v15 =	vld [tilespmem:s30+$0xD410]  }
0x2ff: {  	v9 =	vmax.f32 v9, v11;
	v11 =	vld [tilespmem:s30+$0xD420]  }
0x300: {  	v9 =	vmax.f32 v9, v12;
	v12 =	vld [tilespmem:s30+$0xD430]  }
0x301: {  	v9 =	vmax.f32 v9, v13;
	v13 =	vld [tilespmem:s30+$0xD440]  }
0x302: {  	v9 =	vmax.f32 v9, v14;
	v14 =	vld [tilespmem:s30+$0xD450]  }
0x303: {  	v9 =	vmax.f32 v9, v15;
	v15 =	vld [tilespmem:s30+$0xD460]  }
0x304: {  	v9 =	vmax.f32 v9, v11;
	v11 =	vld [tilespmem:s30+$0xD470]  }
0x305: {  	v9 =	vmax.f32 v9, v12;
	v12 =	vld [tilespmem:s30+$0xD800]  }
0x306: {  	v9 =	vmax.f32 v9, v13;
	v13 =	vld [tilespmem:s30+$0xD810]  }
0x307: {  	v9 =	vmax.f32 v9, v14;
	v14 =	vld [tilespmem:s30+$0xD820]  }
0x308: {  	s29 =	sadd.s32 $0x1, s29;
	v9 =	vmax.f32 v9, v15;
	v15 =	vld [tilespmem:s30+$0xD830]  }
0x309: {  	s1 =	sand.u32 $0x7, s29;
	v9 =	vmax.f32 v9, v11;
	v11 =	vld [tilespmem:s30+$0xD840]  }
0x30a: {  	s1 =	sshll.u32 s1, $0x7;
	v9 =	vmax.f32 v9, v12;
	v12 =	vld [tilespmem:s30+$0xD850]  }
0x30b: {  	s1 =	sadd.s32 s1, s26;
	v9 =	vmax.f32 v9, v13;
	v13 =	vld [tilespmem:s30+$0xD860]  }
0x30c: {  	s14 =	sor.u32 $0x1C00, s1;
	v9 =	vmax.f32 v9, v14;
	v14 =	vld [tilespmem:s30+$0xD870]  }
0x30d: {  	v9 =	vmax.f32 v9, v15;
	v15 =	vld [tilespmem:s14+$0xC000];
	s14 =	sor.u32 $0x1C10, s1  }
0x30e: {  	v9 =	vmax.f32 v9, v11;
	v16 =	vld [tilespmem:s14+$0xC000];
	s14 =	sor.u32 $0x1C20, s1  }
.Ltmp3:
0x30f: {  	v11 =	vmax.f32 v9, v12;
	v9 =	vld [tilespmem:s14+$0xC000];
	s14 =	sor.u32 $0x1C30, s1;
	(pc) =	sbr.rel @p0 .LBB2_8-.Ltmp3, $4  }
0x310: {  	v12 =	vmax.f32 v11, v13;
	v11 =	vld [tilespmem:s14+$0xC000];
	s14 =	sor.u32 $0x1C40, s1  }
0x311: {  	s31 =	sadd.s32 $0x80, s31;
	s26 =	sadd.s32 $0x400, s26;
	v13 =	vmax.f32 v12, v14;
	v12 =	vld [tilespmem:s14+$0xC000];
	s14 =	sor.u32 $0x1C50, s1  }
0x312: {  	s23 =	sand.u32 $0x2000, s26;
	s30 =	sand.u32 $0x380, s31;
	s1 =	sor.u32 $0x1C58, s1;
	v14 =	vmax.f32 v13, v15;
	v13 =	vld [tilespmem:s14+$0xC000]  }
0x313: {  	s0 =	sadd.s32 $0x1, s0;
	s30 =	sor.u32 s30, s23;
	v15 =	vmax.f32 v14, v16;
	v14 =	vld [tilespmem:s1+$0xC000]  }
0x314: {  	v16 =	vld [tilespmem:s30+$0xC000]  }
0x315: {  	v17 =	vld [tilespmem:s30+$0xC010]  }
0x316: {  	v18 =	vld [tilespmem:s30+$0xC020]  }
0x317: {  	v19 =	vld [tilespmem:s30+$0xC030]  }
0x318: {  	v20 =	vld [tilespmem:s30+$0xC040]  }
0x319: {  	v21 =	vld [tilespmem:s30+$0xC050]  }
0x31a: {  	v16 =	vmax.f32 v16, v17;
	v17 =	vld [tilespmem:s30+$0xC060]  }
0x31b: {  	v16 =	vmax.f32 v16, v18;
	v18 =	vld [tilespmem:s30+$0xC070]  }
0x31c: {  	v16 =	vmax.f32 v16, v19;
	v19 =	vld [tilespmem:s30+$0xC400]  }
0x31d: {  	v39 =	vld [tilespmem:s30+$0xC410];
	v16 =	vmax.f32 v16, v20  }
0x31e: {  	v40 =	vld [tilespmem:s30+$0xC420];
	v16 =	vmax.f32 v16, v21  }
0x31f: {  	v16 =	vmax.f32 v16, v17;
	v17 =	vld [tilespmem:s30+$0xC430]  }
0x320: {  	v16 =	vmax.f32 v16, v18;
	v18 =	vld [tilespmem:s30+$0xC440]  }
0x321: {  	v16 =	vmax.f32 v16, v19;
	v19 =	vld [tilespmem:s30+$0xC450]  }
0x322: {  	v41 =	vld [tilespmem:s30+$0xC460];
	v16 =	vmax.f32 v16, v39  }
0x323: {  	v42 =	vld [tilespmem:s30+$0xC470];
	v16 =	vmax.f32 v16, v40  }
0x324: {  	v16 =	vmax.f32 v16, v17;
	v17 =	vld [tilespmem:s30+$0xC800]  }
0x325: {  	v16 =	vmax.f32 v16, v18;
	v18 =	vld [tilespmem:s30+$0xC810]  }
0x326: {  	v16 =	vmax.f32 v16, v19;
	v19 =	vld [tilespmem:s30+$0xC820]  }
0x327: {  	v43 =	vld [tilespmem:s30+$0xC830];
	v16 =	vmax.f32 v16, v41  }
0x328: {  	v44 =	vld [tilespmem:s30+$0xC840];
	v16 =	vmax.f32 v16, v42  }
0x329: {  	v16 =	vmax.f32 v16, v17;
	v17 =	vld [tilespmem:s30+$0xC850]  }
0x32a: {  	v16 =	vmax.f32 v16, v18;
	v18 =	vld [tilespmem:s30+$0xC860]  }
0x32b: {  	v16 =	vmax.f32 v16, v19;
	v19 =	vld [tilespmem:s30+$0xC870]  }
0x32c: {  	v45 =	vld [tilespmem:s30+$0xCC00];
	v16 =	vmax.f32 v16, v43  }
0x32d: {  	v46 =	vld [tilespmem:s30+$0xCC10];
	v16 =	vmax.f32 v16, v44  }
0x32e: {  	v16 =	vmax.f32 v16, v17;
	v17 =	vld [tilespmem:s30+$0xCC20]  }
0x32f: {  	v16 =	vmax.f32 v16, v18;
	v18 =	vld [tilespmem:s30+$0xCC30]  }
0x330: {  	v16 =	vmax.f32 v16, v19;
	v19 =	vld [tilespmem:s30+$0xCC40]  }
0x331: {  	v47 =	vld [tilespmem:s30+$0xCC50];
	v16 =	vmax.f32 v16, v45  }
0x332: {  	v48 =	vld [tilespmem:s30+$0xCC60];
	v16 =	vmax.f32 v16, v46  }
0x333: {  	v16 =	vmax.f32 v16, v17;
	v17 =	vld [tilespmem:s30+$0xCC70]  }
0x334: {  	v16 =	vmax.f32 v16, v18;
	v18 =	vld [tilespmem:s30+$0xD000]  }
0x335: {  	v16 =	vmax.f32 v16, v19;
	v19 =	vld [tilespmem:s30+$0xD010]  }
0x336: {  	v49 =	vld [tilespmem:s30+$0xD020];
	v16 =	vmax.f32 v16, v47  }
0x337: {  	v50 =	vld [tilespmem:s30+$0xD030];
	v16 =	vmax.f32 v16, v48  }
0x338: {  	v16 =	vmax.f32 v16, v17;
	v17 =	vld [tilespmem:s30+$0xD040]  }
0x339: {  	v16 =	vmax.f32 v16, v18;
	v18 =	vld [tilespmem:s30+$0xD050]  }
0x33a: {  	v16 =	vmax.f32 v16, v19;
	v19 =	vld [tilespmem:s30+$0xD060]  }
0x33b: {  	v51 =	vld [tilespmem:s30+$0xD070];
	v16 =	vmax.f32 v16, v49  }
0x33c: {  	v52 =	vld [tilespmem:s30+$0xD400];
	v16 =	vmax.f32 v16, v50  }
0x33d: {  	v16 =	vmax.f32 v16, v17;
	v17 =	vld [tilespmem:s30+$0xD410]  }
0x33e: {  	v16 =	vmax.f32 v16, v18;
	v18 =	vld [tilespmem:s30+$0xD420]  }
0x33f: {  	v16 =	vmax.f32 v16, v19;
	v19 =	vld [tilespmem:s30+$0xD430]  }
0x340: {  	v53 =	vld [tilespmem:s30+$0xD440];
	v16 =	vmax.f32 v16, v51  }
0x341: {  	v54 =	vld [tilespmem:s30+$0xD450];
	v16 =	vmax.f32 v16, v52  }
0x342: {  	v16 =	vmax.f32 v16, v17;
	v17 =	vld [tilespmem:s30+$0xD460]  }
0x343: {  	v16 =	vmax.f32 v16, v18;
	v18 =	vld [tilespmem:s30+$0xD470]  }
0x344: {  	v16 =	vmax.f32 v16, v19;
	v19 =	vld [tilespmem:s30+$0xD800]  }
0x345: {  	v55 =	vld [tilespmem:s30+$0xD810];
	v16 =	vmax.f32 v16, v53  }
0x346: {  	v56 =	vld [tilespmem:s30+$0xD820];
	v16 =	vmax.f32 v16, v54  }
0x347: {  	s0 =	sadd.s32 $0x1, s29;
	v16 =	vmax.f32 v16, v17;
	v17 =	vld [tilespmem:s30+$0xD830]  }
0x348: {  	s0 =	sand.u32 $0x7, s0;
	v16 =	vmax.f32 v16, v18;
	v18 =	vld [tilespmem:s30+$0xD840]  }
0x349: {  	s0 =	sshll.u32 s0, $0x7;
	v16 =	vmax.f32 v16, v19;
	v19 =	vld [tilespmem:s30+$0xD850]  }
0x34a: {  	v57 =	vld [tilespmem:s30+$0xD860];
	s0 =	sadd.s32 s0, s26;
	v16 =	vmax.f32 v16, v55  }
0x34b: {  	v58 =	vld [tilespmem:s30+$0xD870];
	s1 =	sor.u32 $0x1C00, s0;
	v16 =	vmax.f32 v16, v56  }
0x34c: {  	s23 =	sor.u32 $0x1C10, s0;
	v16 =	vmax.f32 v16, v17;
	v17 =	vld [tilespmem:s1+$0xC000]  }
0x34d: {  	s26 =	sor.u32 $0x1C20, s0;
	v16 =	vmax.f32 v16, v18;
	v18 =	vld [tilespmem:s23+$0xC000]  }
0x34e: {  	s14 =	sor.u32 $0x1C30, s0;
	v16 =	vmax.f32 v16, v19;
	v19 =	vld [tilespmem:s26+$0xC000]  }
0x34f: {  	v59 =	vld [tilespmem:s14+$0xC000];
	s23 =	sor.u32 $0x1C40, s0;
	v16 =	vmax.f32 v16, v57  }
0x350: {  	v60 =	vld [tilespmem:s23+$0xC000];
	s26 =	sor.u32 $0x1C50, s0;
	v16 =	vmax.f32 v16, v58  }
0x351: {  	s0 =	sor.u32 $0x1C58, s0;
	v16 =	vmax.f32 v16, v17;
	v17 =	vld [tilespmem:s26+$0xC000]  }
0x352: {  	v9 =	vmax.f32 v15, v9;
	v15 =	vmax.f32 v16, v18;
	v16 =	vld [tilespmem:s0+$0xC000]  }
0x353: {  	v9 =	vmax.f32 v9, v11;
	v11 =	vmax.f32 v15, v19  }
0x354: {  	v9 =	vmax.f32 v9, v12;
	v11 =	vmax.f32 v11, v59  }
0x355: {  	v9 =	vmax.f32 v9, v13;
	v11 =	vmax.f32 v11, v60  }
0x356: {  	v9 =	vmax.f32 v9, v14;
	v11 =	vmax.f32 v11, v17  }
0x357: {  	(xrf0) =	vmax.scan.msk.f32 $0xffff, v9;
	v9 =	vmax.f32 v11, v16  }
0x358: {  	(xrf0) =	vmax.scan.msk.f32 $0xffff, v9;
	_ =	sdelay $0x4  }
0x359: {  	v13, _, _ =	vpop (xrf0)  }
0x35a: {  	v14, _, _ =	vpop (xrf0)  }
0x35b: {  	_ =	swait.ge [sflag:s18], $0x4000  }
0x35c: {  	[sflag:s18] =	ssyncset.done $0x0  }
0x35d: {  	s26 =	simm.s32 $0x0;
	[sflag:s18] =	ssyncadd.s32 $0xFFFFC000  }
0x35e: {  	[tilespmem:s19], [sflag:$0x4] =	stream.linear.gather [hbm4b:s11+s26], $0x4000, $0x38;
	[tilespmem:$0x10100] =	vst v63  }
0x35f: {  	v9 =	vld [tilespmem:$0x10040];
	_ =	sdelay $0x4  }
0x360: {  	v11 =	vshll.u32 v9, $0x3  }
0x361: {  	v9 =	vand.u32 $0x7F, v9;
	v11 =	vand.u32 $0xFFFFFC00, v11  }
0x362: {  	v9 =	vor.u32 v9, v11  }
0x363: {  	v11 =	vadd.s32 v0, v9;
	_ =	sdelay $0x3  }
0x364: {  	v12 =	vimm.f32 $-Inf;
	s1 =	sand.u32 $0x2000, s26;
	s14 =	sand.u32 $0x380, s26  }
0x365: {  	s0 =	sor.u32 s14, s1;
	v9 =	vld.idx.msk [tilespmem:v11+s26+$0x0], $0xffff;
	[tilespmem:v11+s26+$0x0] =	vst.idx.msk $0xffff, v12  }
0x366: {  	v11 =	vld [tilespmem:s0+$0x0]  }
0x367: {  	v15 =	vld [tilespmem:s0+$0x10]  }
0x368: {  	v16 =	vld [tilespmem:s0+$0x20]  }
0x369: {  	v17 =	vld [tilespmem:s0+$0x30]  }
0x36a: {  	v18 =	vld [tilespmem:s0+$0x40]  }
0x36b: {  	v19 =	vld [tilespmem:s0+$0x50]  }
0x36c: {  	v11 =	vmax.f32 v11, v15;
	v15 =	vld [tilespmem:s0+$0x60]  }
0x36d: {  	v11 =	vmax.f32 v11, v16;
	v16 =	vld [tilespmem:s0+$0x70]  }
0x36e: {  	v11 =	vmax.f32 v11, v17;
	v17 =	vld [tilespmem:s0+$0x400]  }
0x36f: {  	v11 =	vmax.f32 v11, v18;
	v18 =	vld [tilespmem:s0+$0x410]  }
0x370: {  	v11 =	vmax.f32 v11, v19;
	v19 =	vld [tilespmem:s0+$0x420]  }
0x371: {  	v11 =	vmax.f32 v11, v15;
	v15 =	vld [tilespmem:s0+$0x430]  }
0x372: {  	v11 =	vmax.f32 v11, v16;
	v16 =	vld [tilespmem:s0+$0x440]  }
0x373: {  	v11 =	vmax.f32 v11, v17;
	v17 =	vld [tilespmem:s0+$0x450]  }
0x374: {  	v11 =	vmax.f32 v11, v18;
	v18 =	vld [tilespmem:s0+$0x460]  }
0x375: {  	v11 =	vmax.f32 v11, v19;
	v19 =	vld [tilespmem:s0+$0x470]  }
0x376: {  	v11 =	vmax.f32 v11, v15;
	v15 =	vld [tilespmem:s0+$0x800]  }
0x377: {  	v11 =	vmax.f32 v11, v16;
	v16 =	vld [tilespmem:s0+$0x810]  }
0x378: {  	v11 =	vmax.f32 v11, v17;
	v17 =	vld [tilespmem:s0+$0x820]  }
0x379: {  	v11 =	vmax.f32 v11, v18;
	v18 =	vld [tilespmem:s0+$0x830]  }
0x37a: {  	v11 =	vmax.f32 v11, v19;
	v19 =	vld [tilespmem:s0+$0x840]  }
0x37b: {  	v11 =	vmax.f32 v11, v15;
	v15 =	vld [tilespmem:s0+$0x850]  }
0x37c: {  	v11 =	vmax.f32 v11, v16;
	v16 =	vld [tilespmem:s0+$0x860]  }
0x37d: {  	v11 =	vmax.f32 v11, v17;
	v17 =	vld [tilespmem:s0+$0x870]  }
0x37e: {  	v11 =	vmax.f32 v11, v18;
	v18 =	vld [tilespmem:s0+$0xC00]  }
0x37f: {  	v11 =	vmax.f32 v11, v19;
	v19 =	vld [tilespmem:s0+$0xC10]  }
0x380: {  	v11 =	vmax.f32 v11, v15;
	v15 =	vld [tilespmem:s0+$0xC20]  }
0x381: {  	v11 =	vmax.f32 v11, v16;
	v16 =	vld [tilespmem:s0+$0xC30]  }
0x382: {  	v11 =	vmax.f32 v11, v17;
	v17 =	vld [tilespmem:s0+$0xC40]  }
0x383: {  	v11 =	vmax.f32 v11, v18;
	v18 =	vld [tilespmem:s0+$0xC50]  }
0x384: {  	v11 =	vmax.f32 v11, v19;
	v19 =	vld [tilespmem:s0+$0xC60]  }
0x385: {  	v11 =	vmax.f32 v11, v15;
	v15 =	vld [tilespmem:s0+$0xC70]  }
0x386: {  	v11 =	vmax.f32 v11, v16;
	v16 =	vld [tilespmem:s0+$0x1000]  }
0x387: {  	v11 =	vmax.f32 v11, v17;
	v17 =	vld [tilespmem:s0+$0x1010]  }
0x388: {  	v11 =	vmax.f32 v11, v18;
	v18 =	vld [tilespmem:s0+$0x1020]  }
0x389: {  	v11 =	vmax.f32 v11, v19;
	v19 =	vld [tilespmem:s0+$0x1030]  }
0x38a: {  	v11 =	vmax.f32 v11, v15;
	v15 =	vld [tilespmem:s0+$0x1040]  }
0x38b: {  	v11 =	vmax.f32 v11, v16;
	v16 =	vld [tilespmem:s0+$0x1050]  }
0x38c: {  	v11 =	vmax.f32 v11, v17;
	v17 =	vld [tilespmem:s0+$0x1060]  }
0x38d: {  	v11 =	vmax.f32 v11, v18;
	v18 =	vld [tilespmem:s0+$0x1070]  }
0x38e: {  	v11 =	vmax.f32 v11, v19;
	v19 =	vld [tilespmem:s0+$0x1400]  }
0x38f: {  	v11 =	vmax.f32 v11, v15;
	v15 =	vld [tilespmem:s0+$0x1410]  }
0x390: {  	v11 =	vmax.f32 v11, v16;
	v16 =	vld [tilespmem:s0+$0x1420]  }
0x391: {  	v11 =	vmax.f32 v11, v17;
	v17 =	vld [tilespmem:s0+$0x1430]  }
0x392: {  	v11 =	vmax.f32 v11, v18;
	v18 =	vld [tilespmem:s0+$0x1440]  }
0x393: {  	v11 =	vmax.f32 v11, v19;
	v19 =	vld [tilespmem:s0+$0x1450]  }
0x394: {  	v11 =	vmax.f32 v11, v15;
	v15 =	vld [tilespmem:s0+$0x1460]  }
0x395: {  	v11 =	vmax.f32 v11, v16;
	v16 =	vld [tilespmem:s0+$0x1470]  }
0x396: {  	v11 =	vmax.f32 v11, v17;
	v17 =	vld [tilespmem:s0+$0x1800]  }
0x397: {  	v11 =	vmax.f32 v11, v18;
	v18 =	vld [tilespmem:s0+$0x1810]  }
0x398: {  	v11 =	vmax.f32 v11, v19;
	v19 =	vld [tilespmem:s0+$0x1820]  }
0x399: {  	v11 =	vmax.f32 v11, v15;
	v15 =	vld [tilespmem:s0+$0x1830]  }
0x39a: {  	s23 =	sand.u32 $0x7, s26;
	v11 =	vmax.f32 v11, v16;
	v16 =	vld [tilespmem:s0+$0x1840]  }
0x39b: {  	s1 =	sshll.u32 s23, $0x7;
	v11 =	vmax.f32 v11, v17;
	v17 =	vld [tilespmem:s0+$0x1850]  }
0x39c: {  	s1 =	sadd.s32 $0x0, s1;
	v11 =	vmax.f32 v11, v18;
	v18 =	vld [tilespmem:s0+$0x1860]  }
0x39d: {  	s14 =	sor.u32 $0x1C00, s1;
	v11 =	vmax.f32 v11, v19;
	v19 =	vld [tilespmem:s0+$0x1870]  }
0x39e: {  	s23 =	sor.u32 $0x1C10, s1;
	v11 =	vmax.f32 v11, v15;
	v15 =	vld [tilespmem:s14+$0x0]  }
0x39f: {  	s14 =	sor.u32 $0x1C20, s1;
	v11 =	vmax.f32 v11, v16;
	v16 =	vld [tilespmem:s23+$0x0]  }
0x3a0: {  	v61 =	vmov s25;
	s23 =	sor.u32 $0x1C30, s1;
	v17 =	vmax.f32 v11, v17;
	v11 =	vld [tilespmem:s14+$0x0]  }
0x3a1: {  	s29 =	simm.s32 $0x1;
	vm0 =	veq.s32 v61, v1;
	v62 =	vbroadcast v13, $0xF;
	s25 =	sor.u32 $0x1C40, s1;
	v13 =	vld [tilespmem:s23+$0x0];
	v17 =	vmax.f32 v17, v18  }
0x3a2: {  	s31 =	simm.s32 $0x80;
	v63 =	vbroadcast v14, $0xF;
	v14 =	vld [tilespmem:s25+$0x0];
	s25 =	simm.s32 $0x400;
	s0 =	sor.u32 $0x1C50, s1;
	v18 =	vmov s28;
	v17 =	vmax.f32 v17, v19  }
0x3a3: {  	v10 =	vsel vm0, v62, v10;
	s1 =	sor.u32 $0x1C58, s1;
	s14 =	sand.u32 $0x2000, s25;
	s23 =	sand.u32 $0x380, s31;
	vm15 =	veq.s32 v18, v1;
	v17 =	vmax.f32 v17, v15;
	v15 =	vld [tilespmem:s0+$0x0]  }
0x3a4: {  	s30 =	sor.u32 s23, s14;
	s28 =	simm.s32 $0x0;
	v10 =	vsel vm15, v63, v10;
	s0 =	simm.s32 $0x2;
	v17 =	vmax.f32 v17, v16;
	v16 =	vld [tilespmem:s1+$0x0]  }
.LBB2_10:
0x3a5: {  	p0 =	sne.s32 s0, $0xF;
	v18 =	vld [tilespmem:s30+$0x0];
	v11 =	vmax.f32 v17, v11  }
0x3a6: {  	v17 =	vld [tilespmem:s30+$0x10];
	v11 =	vmax.f32 v11, v13  }
0x3a7: {  	v13 =	vld [tilespmem:s30+$0x20];
	v11 =	vmax.f32 v11, v14  }
0x3a8: {  	v14 =	vld [tilespmem:s30+$0x30];
	v11 =	vmax.f32 v11, v15  }
0x3a9: {  	v15 =	vld [tilespmem:s30+$0x40];
	v11 =	vmax.f32 v11, v16  }
0x3aa: {  	v16 =	vld [tilespmem:s30+$0x50];
	(xrf0) =	vmax.scan.msk.f32 $0xffff, v11  }
0x3ab: {  	v11 =	vmax.f32 v18, v17;
	v17 =	vld [tilespmem:s30+$0x60]  }
0x3ac: {  	v11 =	vmax.f32 v11, v13;
	v13 =	vld [tilespmem:s30+$0x70]  }
0x3ad: {  	v11 =	vmax.f32 v11, v14;
	v14 =	vld [tilespmem:s30+$0x400]  }
0x3ae: {  	v11 =	vmax.f32 v11, v15;
	v15 =	vld [tilespmem:s30+$0x410]  }
0x3af: {  	v11 =	vmax.f32 v11, v16;
	v16 =	vld [tilespmem:s30+$0x420]  }
0x3b0: {  	v11 =	vmax.f32 v11, v17;
	v17 =	vld [tilespmem:s30+$0x430];
	v18, _, _ =	vpop (xrf0)  }
0x3b1: {  	v19 =	vmov s26;
	s26 =	smov.u32 s29;
	s29 =	smov.u32 s0;
	v11 =	vmax.f32 v11, v13;
	v13 =	vld [tilespmem:s30+$0x440];
	v18 =	vbroadcast v18, $0xF  }
0x3b2: {  	vm0 =	veq.s32 v19, v1;
	v11 =	vmax.f32 v11, v14;
	v14 =	vld [tilespmem:s30+$0x450]  }
0x3b3: {  	v11 =	vmax.f32 v11, v15;
	v15 =	vld [tilespmem:s30+$0x460];
	v12 =	vsel vm0, v18, v12  }
0x3b4: {  	v11 =	vmax.f32 v11, v16;
	v16 =	vld [tilespmem:s30+$0x470]  }
0x3b5: {  	v11 =	vmax.f32 v11, v17;
	v17 =	vld [tilespmem:s30+$0x800]  }
0x3b6: {  	v11 =	vmax.f32 v11, v13;
	v13 =	vld [tilespmem:s30+$0x810]  }
0x3b7: {  	v11 =	vmax.f32 v11, v14;
	v14 =	vld [tilespmem:s30+$0x820]  }
0x3b8: {  	v11 =	vmax.f32 v11, v15;
	v15 =	vld [tilespmem:s30+$0x830]  }
0x3b9: {  	v11 =	vmax.f32 v11, v16;
	v16 =	vld [tilespmem:s30+$0x840]  }
0x3ba: {  	v11 =	vmax.f32 v11, v17;
	v17 =	vld [tilespmem:s30+$0x850]  }
0x3bb: {  	v11 =	vmax.f32 v11, v13;
	v13 =	vld [tilespmem:s30+$0x860]  }
0x3bc: {  	v11 =	vmax.f32 v11, v14;
	v14 =	vld [tilespmem:s30+$0x870]  }
0x3bd: {  	v11 =	vmax.f32 v11, v15;
	v15 =	vld [tilespmem:s30+$0xC00]  }
0x3be: {  	v11 =	vmax.f32 v11, v16;
	v16 =	vld [tilespmem:s30+$0xC10]  }
0x3bf: {  	v11 =	vmax.f32 v11, v17;
	v17 =	vld [tilespmem:s30+$0xC20]  }
0x3c0: {  	v11 =	vmax.f32 v11, v13;
	v13 =	vld [tilespmem:s30+$0xC30]  }
0x3c1: {  	v11 =	vmax.f32 v11, v14;
	v14 =	vld [tilespmem:s30+$0xC40]  }
0x3c2: {  	v11 =	vmax.f32 v11, v15;
	v15 =	vld [tilespmem:s30+$0xC50]  }
0x3c3: {  	v11 =	vmax.f32 v11, v16;
	v16 =	vld [tilespmem:s30+$0xC60]  }
0x3c4: {  	v11 =	vmax.f32 v11, v17;
	v17 =	vld [tilespmem:s30+$0xC70]  }
0x3c5: {  	v11 =	vmax.f32 v11, v13;
	v13 =	vld [tilespmem:s30+$0x1000]  }
0x3c6: {  	v11 =	vmax.f32 v11, v14;
	v14 =	vld [tilespmem:s30+$0x1010]  }
0x3c7: {  	v11 =	vmax.f32 v11, v15;
	v15 =	vld [tilespmem:s30+$0x1020]  }
0x3c8: {  	v11 =	vmax.f32 v11, v16;
	v16 =	vld [tilespmem:s30+$0x1030]  }
0x3c9: {  	v11 =	vmax.f32 v11, v17;
	v17 =	vld [tilespmem:s30+$0x1040]  }
0x3ca: {  	v11 =	vmax.f32 v11, v13;
	v13 =	vld [tilespmem:s30+$0x1050]  }
0x3cb: {  	v11 =	vmax.f32 v11, v14;
	v14 =	vld [tilespmem:s30+$0x1060]  }
0x3cc: {  	v11 =	vmax.f32 v11, v15;
	v15 =	vld [tilespmem:s30+$0x1070]  }
0x3cd: {  	v11 =	vmax.f32 v11, v16;
	v16 =	vld [tilespmem:s30+$0x1400]  }
0x3ce: {  	v11 =	vmax.f32 v11, v17;
	v17 =	vld [tilespmem:s30+$0x1410]  }
0x3cf: {  	v11 =	vmax.f32 v11, v13;
	v13 =	vld [tilespmem:s30+$0x1420]  }
0x3d0: {  	v11 =	vmax.f32 v11, v14;
	v14 =	vld [tilespmem:s30+$0x1430]  }
0x3d1: {  	v11 =	vmax.f32 v11, v15;
	v15 =	vld [tilespmem:s30+$0x1440]  }
0x3d2: {  	v11 =	vmax.f32 v11, v16;
	v16 =	vld [tilespmem:s30+$0x1450]  }
0x3d3: {  	v11 =	vmax.f32 v11, v17;
	v17 =	vld [tilespmem:s30+$0x1460]  }
0x3d4: {  	v11 =	vmax.f32 v11, v13;
	v13 =	vld [tilespmem:s30+$0x1470]  }
0x3d5: {  	v11 =	vmax.f32 v11, v14;
	v14 =	vld [tilespmem:s30+$0x1800]  }
0x3d6: {  	v11 =	vmax.f32 v11, v15;
	v15 =	vld [tilespmem:s30+$0x1810]  }
0x3d7: {  	v11 =	vmax.f32 v11, v16;
	v16 =	vld [tilespmem:s30+$0x1820]  }
0x3d8: {  	s28 =	sadd.s32 $0x1, s28;
	v11 =	vmax.f32 v11, v17;
	v17 =	vld [tilespmem:s30+$0x1830]  }
0x3d9: {  	s1 =	sand.u32 $0x7, s28;
	v11 =	vmax.f32 v11, v13;
	v13 =	vld [tilespmem:s30+$0x1840]  }
0x3da: {  	s1 =	sshll.u32 s1, $0x7;
	v11 =	vmax.f32 v11, v14;
	v14 =	vld [tilespmem:s30+$0x1850]  }
0x3db: {  	s1 =	sadd.s32 s1, s25;
	v11 =	vmax.f32 v11, v15;
	v15 =	vld [tilespmem:s30+$0x1860]  }
0x3dc: {  	s14 =	sor.u32 $0x1C00, s1;
	v11 =	vmax.f32 v11, v16;
	v16 =	vld [tilespmem:s30+$0x1870]  }
0x3dd: {  	v11 =	vmax.f32 v11, v17;
	v17 =	vld [tilespmem:s14+$0x0];
	s14 =	sor.u32 $0x1C10, s1  }
0x3de: {  	v11 =	vmax.f32 v11, v13;
	v18 =	vld [tilespmem:s14+$0x0];
	s14 =	sor.u32 $0x1C20, s1  }
.Ltmp4:
0x3df: {  	v13 =	vmax.f32 v11, v14;
	v11 =	vld [tilespmem:s14+$0x0];
	s14 =	sor.u32 $0x1C30, s1;
	(pc) =	sbr.rel @p0 .LBB2_10-.Ltmp4, $4  }
0x3e0: {  	v14 =	vmax.f32 v13, v15;
	v13 =	vld [tilespmem:s14+$0x0];
	s14 =	sor.u32 $0x1C40, s1  }
0x3e1: {  	s31 =	sadd.s32 $0x80, s31;
	s25 =	sadd.s32 $0x400, s25;
	v15 =	vmax.f32 v14, v16;
	v14 =	vld [tilespmem:s14+$0x0];
	s14 =	sor.u32 $0x1C50, s1  }
0x3e2: {  	s23 =	sand.u32 $0x2000, s25;
	s30 =	sand.u32 $0x380, s31;
	s1 =	sor.u32 $0x1C58, s1;
	v16 =	vmax.f32 v15, v17;
	v15 =	vld [tilespmem:s14+$0x0]  }
0x3e3: {  	s0 =	sadd.s32 $0x1, s0;
	s30 =	sor.u32 s30, s23;
	v17 =	vmax.f32 v16, v18;
	v16 =	vld [tilespmem:s1+$0x0]  }
0x3e4: {  	v18 =	vld [tilespmem:s30+$0x0]  }
0x3e5: {  	v19 =	vld [tilespmem:s30+$0x10]  }
0x3e6: {  	v20 =	vld [tilespmem:s30+$0x20]  }
0x3e7: {  	v21 =	vld [tilespmem:s30+$0x30]  }
0x3e8: {  	v22 =	vld [tilespmem:s30+$0x40]  }
0x3e9: {  	v23 =	vld [tilespmem:s30+$0x50]  }
0x3ea: {  	v18 =	vmax.f32 v18, v19;
	v19 =	vld [tilespmem:s30+$0x60]  }
0x3eb: {  	v18 =	vmax.f32 v18, v20;
	v20 =	vld [tilespmem:s30+$0x70]  }
0x3ec: {  	v57 =	vld [tilespmem:s30+$0x400];
	v18 =	vmax.f32 v18, v21  }
0x3ed: {  	v58 =	vld [tilespmem:s30+$0x410];
	v18 =	vmax.f32 v18, v22  }
0x3ee: {  	v59 =	vld [tilespmem:s30+$0x420];
	v18 =	vmax.f32 v18, v23  }
0x3ef: {  	v18 =	vmax.f32 v18, v19;
	v19 =	vld [tilespmem:s30+$0x430]  }
0x3f0: {  	v18 =	vmax.f32 v18, v20;
	v20 =	vld [tilespmem:s30+$0x440]  }
0x3f1: {  	v60 =	vld [tilespmem:s30+$0x450];
	v18 =	vmax.f32 v18, v57  }
0x3f2: {  	v61 =	vld [tilespmem:s30+$0x460];
	v18 =	vmax.f32 v18, v58  }
0x3f3: {  	v62 =	vld [tilespmem:s30+$0x470];
	v18 =	vmax.f32 v18, v59  }
0x3f4: {  	v18 =	vmax.f32 v18, v19;
	v19 =	vld [tilespmem:s30+$0x800]  }
0x3f5: {  	v18 =	vmax.f32 v18, v20;
	v20 =	vld [tilespmem:s30+$0x810]  }
0x3f6: {  	v63 =	vld [tilespmem:s30+$0x820];
	v18 =	vmax.f32 v18, v60  }
0x3f7: {  	v24 =	vld [tilespmem:s30+$0x830];
	v18 =	vmax.f32 v18, v61  }
0x3f8: {  	v25 =	vld [tilespmem:s30+$0x840];
	v18 =	vmax.f32 v18, v62  }
0x3f9: {  	v18 =	vmax.f32 v18, v19;
	v19 =	vld [tilespmem:s30+$0x850]  }
0x3fa: {  	v18 =	vmax.f32 v18, v20;
	v20 =	vld [tilespmem:s30+$0x860]  }
0x3fb: {  	v26 =	vld [tilespmem:s30+$0x870];
	v18 =	vmax.f32 v18, v63  }
0x3fc: {  	v27 =	vld [tilespmem:s30+$0xC00];
	v18 =	vmax.f32 v18, v24  }
0x3fd: {  	v28 =	vld [tilespmem:s30+$0xC10];
	v18 =	vmax.f32 v18, v25  }
0x3fe: {  	v18 =	vmax.f32 v18, v19;
	v19 =	vld [tilespmem:s30+$0xC20]  }
0x3ff: {  	v18 =	vmax.f32 v18, v20;
	v20 =	vld [tilespmem:s30+$0xC30]  }
0x400: {  	v29 =	vld [tilespmem:s30+$0xC40];
	v18 =	vmax.f32 v18, v26  }
0x401: {  	v30 =	vld [tilespmem:s30+$0xC50];
	v18 =	vmax.f32 v18, v27  }
0x402: {  	v31 =	vld [tilespmem:s30+$0xC60];
	v18 =	vmax.f32 v18, v28  }
0x403: {  	v18 =	vmax.f32 v18, v19;
	v19 =	vld [tilespmem:s30+$0xC70]  }
0x404: {  	v18 =	vmax.f32 v18, v20;
	v20 =	vld [tilespmem:s30+$0x1000]  }
0x405: {  	v32 =	vld [tilespmem:s30+$0x1010];
	v18 =	vmax.f32 v18, v29  }
0x406: {  	v33 =	vld [tilespmem:s30+$0x1020];
	v18 =	vmax.f32 v18, v30  }
0x407: {  	v34 =	vld [tilespmem:s30+$0x1030];
	v18 =	vmax.f32 v18, v31  }
0x408: {  	v18 =	vmax.f32 v18, v19;
	v19 =	vld [tilespmem:s30+$0x1040]  }
0x409: {  	v18 =	vmax.f32 v18, v20;
	v20 =	vld [tilespmem:s30+$0x1050]  }
0x40a: {  	v35 =	vld [tilespmem:s30+$0x1060];
	v18 =	vmax.f32 v18, v32  }
0x40b: {  	v36 =	vld [tilespmem:s30+$0x1070];
	v18 =	vmax.f32 v18, v33  }
0x40c: {  	v37 =	vld [tilespmem:s30+$0x1400];
	v18 =	vmax.f32 v18, v34  }
0x40d: {  	v18 =	vmax.f32 v18, v19;
	v19 =	vld [tilespmem:s30+$0x1410]  }
0x40e: {  	v18 =	vmax.f32 v18, v20;
	v20 =	vld [tilespmem:s30+$0x1420]  }
0x40f: {  	v38 =	vld [tilespmem:s30+$0x1430];
	v18 =	vmax.f32 v18, v35  }
0x410: {  	v39 =	vld [tilespmem:s30+$0x1440];
	v18 =	vmax.f32 v18, v36  }
0x411: {  	v40 =	vld [tilespmem:s30+$0x1450];
	v18 =	vmax.f32 v18, v37  }
0x412: {  	v18 =	vmax.f32 v18, v19;
	v19 =	vld [tilespmem:s30+$0x1460]  }
0x413: {  	v18 =	vmax.f32 v18, v20;
	v20 =	vld [tilespmem:s30+$0x1470]  }
0x414: {  	v41 =	vld [tilespmem:s30+$0x1800];
	v18 =	vmax.f32 v18, v38  }
0x415: {  	v42 =	vld [tilespmem:s30+$0x1810];
	v18 =	vmax.f32 v18, v39  }
0x416: {  	v43 =	vld [tilespmem:s30+$0x1820];
	v18 =	vmax.f32 v18, v40  }
0x417: {  	s0 =	sadd.s32 $0x1, s28;
	v18 =	vmax.f32 v18, v19;
	v19 =	vld [tilespmem:s30+$0x1830]  }
0x418: {  	s0 =	sand.u32 $0x7, s0;
	v18 =	vmax.f32 v18, v20;
	v20 =	vld [tilespmem:s30+$0x1840]  }
0x419: {  	v44 =	vld [tilespmem:s30+$0x1850];
	s0 =	sshll.u32 s0, $0x7;
	v18 =	vmax.f32 v18, v41  }
0x41a: {  	v45 =	vld [tilespmem:s30+$0x1860];
	s0 =	sadd.s32 s0, s25;
	v18 =	vmax.f32 v18, v42  }
0x41b: {  	v46 =	vld [tilespmem:s30+$0x1870];
	s1 =	sor.u32 $0x1C00, s0;
	v18 =	vmax.f32 v18, v43  }
0x41c: {  	s23 =	sor.u32 $0x1C10, s0;
	v18 =	vmax.f32 v18, v19;
	v19 =	vld [tilespmem:s1+$0x0]  }
0x41d: {  	s25 =	sor.u32 $0x1C20, s0;
	v18 =	vmax.f32 v18, v20;
	v20 =	vld [tilespmem:s23+$0x0]  }
0x41e: {  	s14 =	sor.u32 $0x1C30, s0;
	v47 =	vld [tilespmem:s25+$0x0];
	v18 =	vmax.f32 v18, v44  }
0x41f: {  	v48 =	vld [tilespmem:s14+$0x0];
	s23 =	sor.u32 $0x1C40, s0;
	v18 =	vmax.f32 v18, v45  }
0x420: {  	s25 =	sor.u32 $0x1C50, s0;
	v49 =	vld [tilespmem:s23+$0x0];
	v18 =	vmax.f32 v18, v46  }
0x421: {  	s0 =	sor.u32 $0x1C58, s0;
	v18 =	vmax.f32 v18, v19;
	v19 =	vld [tilespmem:s25+$0x0]  }
0x422: {  	v11 =	vmax.f32 v17, v11;
	v17 =	vmax.f32 v18, v20;
	v18 =	vld [tilespmem:s0+$0x0]  }
0x423: {  	v11 =	vmax.f32 v11, v13;
	v13 =	vmax.f32 v17, v47  }
0x424: {  	v11 =	vmax.f32 v11, v14;
	v13 =	vmax.f32 v13, v48  }
0x425: {  	v11 =	vmax.f32 v11, v15;
	v13 =	vmax.f32 v13, v49  }
0x426: {  	v11 =	vmax.f32 v11, v16;
	v13 =	vmax.f32 v13, v19  }
0x427: {  	(xrf0) =	vmax.scan.msk.f32 $0xffff, v11;
	v11 =	vmax.f32 v13, v18  }
0x428: {  	(xrf0) =	vmax.scan.msk.f32 $0xffff, v11;
	_ =	sdelay $0x4  }
0x429: {  	v15, _, _ =	vpop (xrf0)  }
0x42a: {  	v16, _, _ =	vpop (xrf0)  }
0x42b: {  	_ =	swait.ge [sflag:s20], $0x4000  }
0x42c: {  	[sflag:s20] =	ssyncset.done $0x0  }
0x42d: {  	[sflag:s20] =	ssyncadd.s32 $0xFFFFC000  }
0x42e: {  	v11 =	vld [tilespmem:$0x10050];
	_ =	sdelay $0x4  }
0x42f: {  	v13 =	vshll.u32 v11, $0x3  }
0x430: {  	v11 =	vand.u32 $0x7F, v11;
	v13 =	vand.u32 $0xFFFFFC00, v13  }
0x431: {  	v11 =	vor.u32 v11, v13  }
0x432: {  	v13 =	vadd.s32 v0, v11;
	_ =	sdelay $0x2  }
0x433: {  	s25 =	simm.s32 $0x0  }
0x434: {  	v14 =	vimm.f32 $-Inf;
	s1 =	sand.u32 $0x2000, s25;
	s14 =	sand.u32 $0x380, s25  }
0x435: {  	s0 =	sor.u32 s14, s1;
	v11 =	vld.idx.msk [tilespmem:v13+s16+$0x0], $0xffff;
	[tilespmem:v13+s16+$0x0] =	vst.idx.msk $0xffff, v14  }
0x436: {  	v13 =	vld [tilespmem:s0+$0x4000]  }
0x437: {  	v17 =	vld [tilespmem:s0+$0x4010]  }
0x438: {  	v18 =	vld [tilespmem:s0+$0x4020]  }
0x439: {  	v19 =	vld [tilespmem:s0+$0x4030]  }
0x43a: {  	v20 =	vld [tilespmem:s0+$0x4040]  }
0x43b: {  	v50 =	vld [tilespmem:s0+$0x4050]  }
0x43c: {  	v13 =	vmax.f32 v13, v17;
	v17 =	vld [tilespmem:s0+$0x4060]  }
0x43d: {  	v13 =	vmax.f32 v13, v18;
	v18 =	vld [tilespmem:s0+$0x4070]  }
0x43e: {  	v13 =	vmax.f32 v13, v19;
	v19 =	vld [tilespmem:s0+$0x4400]  }
0x43f: {  	v13 =	vmax.f32 v13, v20;
	v20 =	vld [tilespmem:s0+$0x4410]  }
0x440: {  	v51 =	vld [tilespmem:s0+$0x4420];
	v13 =	vmax.f32 v13, v50  }
0x441: {  	v13 =	vmax.f32 v13, v17;
	v17 =	vld [tilespmem:s0+$0x4430]  }
0x442: {  	v13 =	vmax.f32 v13, v18;
	v18 =	vld [tilespmem:s0+$0x4440]  }
0x443: {  	v13 =	vmax.f32 v13, v19;
	v19 =	vld [tilespmem:s0+$0x4450]  }
0x444: {  	v13 =	vmax.f32 v13, v20;
	v20 =	vld [tilespmem:s0+$0x4460]  }
0x445: {  	v52 =	vld [tilespmem:s0+$0x4470];
	v13 =	vmax.f32 v13, v51  }
0x446: {  	v13 =	vmax.f32 v13, v17;
	v17 =	vld [tilespmem:s0+$0x4800]  }
0x447: {  	v13 =	vmax.f32 v13, v18;
	v18 =	vld [tilespmem:s0+$0x4810]  }
0x448: {  	v13 =	vmax.f32 v13, v19;
	v19 =	vld [tilespmem:s0+$0x4820]  }
0x449: {  	v13 =	vmax.f32 v13, v20;
	v20 =	vld [tilespmem:s0+$0x4830]  }
0x44a: {  	v53 =	vld [tilespmem:s0+$0x4840];
	v13 =	vmax.f32 v13, v52  }
0x44b: {  	v13 =	vmax.f32 v13, v17;
	v17 =	vld [tilespmem:s0+$0x4850]  }
0x44c: {  	v13 =	vmax.f32 v13, v18;
	v18 =	vld [tilespmem:s0+$0x4860]  }
0x44d: {  	v13 =	vmax.f32 v13, v19;
	v19 =	vld [tilespmem:s0+$0x4870]  }
0x44e: {  	v13 =	vmax.f32 v13, v20;
	v20 =	vld [tilespmem:s0+$0x4C00]  }
0x44f: {  	v54 =	vld [tilespmem:s0+$0x4C10];
	v13 =	vmax.f32 v13, v53  }
0x450: {  	v13 =	vmax.f32 v13, v17;
	v17 =	vld [tilespmem:s0+$0x4C20]  }
0x451: {  	v13 =	vmax.f32 v13, v18;
	v18 =	vld [tilespmem:s0+$0x4C30]  }
0x452: {  	v13 =	vmax.f32 v13, v19;
	v19 =	vld [tilespmem:s0+$0x4C40]  }
0x453: {  	v13 =	vmax.f32 v13, v20;
	v20 =	vld [tilespmem:s0+$0x4C50]  }
0x454: {  	v55 =	vld [tilespmem:s0+$0x4C60];
	v13 =	vmax.f32 v13, v54  }
0x455: {  	v13 =	vmax.f32 v13, v17;
	v17 =	vld [tilespmem:s0+$0x4C70]  }
0x456: {  	v13 =	vmax.f32 v13, v18;
	v18 =	vld [tilespmem:s0+$0x5000]  }
0x457: {  	v13 =	vmax.f32 v13, v19;
	v19 =	vld [tilespmem:s0+$0x5010]  }
0x458: {  	v13 =	vmax.f32 v13, v20;
	v20 =	vld [tilespmem:s0+$0x5020]  }
0x459: {  	v56 =	vld [tilespmem:s0+$0x5030];
	v13 =	vmax.f32 v13, v55  }
0x45a: {  	v13 =	vmax.f32 v13, v17;
	v17 =	vld [tilespmem:s0+$0x5040]  }
0x45b: {  	v13 =	vmax.f32 v13, v18;
	v18 =	vld [tilespmem:s0+$0x5050]  }
0x45c: {  	v13 =	vmax.f32 v13, v19;
	v19 =	vld [tilespmem:s0+$0x5060]  }
0x45d: {  	v13 =	vmax.f32 v13, v20;
	v20 =	vld [tilespmem:s0+$0x5070]  }
0x45e: {  	v57 =	vld [tilespmem:s0+$0x5400];
	v13 =	vmax.f32 v13, v56  }
0x45f: {  	v13 =	vmax.f32 v13, v17;
	v17 =	vld [tilespmem:s0+$0x5410]  }
0x460: {  	v13 =	vmax.f32 v13, v18;
	v18 =	vld [tilespmem:s0+$0x5420]  }
0x461: {  	v13 =	vmax.f32 v13, v19;
	v19 =	vld [tilespmem:s0+$0x5430]  }
0x462: {  	v13 =	vmax.f32 v13, v20;
	v20 =	vld [tilespmem:s0+$0x5440]  }
0x463: {  	v58 =	vld [tilespmem:s0+$0x5450];
	v13 =	vmax.f32 v13, v57  }
0x464: {  	v13 =	vmax.f32 v13, v17;
	v17 =	vld [tilespmem:s0+$0x5460]  }
0x465: {  	v13 =	vmax.f32 v13, v18;
	v18 =	vld [tilespmem:s0+$0x5470]  }
0x466: {  	v13 =	vmax.f32 v13, v19;
	v19 =	vld [tilespmem:s0+$0x5800]  }
0x467: {  	v13 =	vmax.f32 v13, v20;
	v20 =	vld [tilespmem:s0+$0x5810]  }
0x468: {  	v59 =	vld [tilespmem:s0+$0x5820];
	v13 =	vmax.f32 v13, v58  }
0x469: {  	v13 =	vmax.f32 v13, v17;
	v17 =	vld [tilespmem:s0+$0x5830]  }
0x46a: {  	s23 =	sand.u32 $0x7, s25;
	v13 =	vmax.f32 v13, v18;
	v18 =	vld [tilespmem:s0+$0x5840]  }
0x46b: {  	s1 =	sshll.u32 s23, $0x7;
	v13 =	vmax.f32 v13, v19;
	v19 =	vld [tilespmem:s0+$0x5850]  }
0x46c: {  	s1 =	sadd.s32 $0x0, s1;
	v13 =	vmax.f32 v13, v20;
	v20 =	vld [tilespmem:s0+$0x5860]  }
0x46d: {  	s14 =	sor.u32 $0x1C00, s1;
	v60 =	vld [tilespmem:s0+$0x5870];
	v13 =	vmax.f32 v13, v59  }
0x46e: {  	s23 =	sor.u32 $0x1C10, s1;
	v13 =	vmax.f32 v13, v17;
	v17 =	vld [tilespmem:s14+$0x4000]  }
0x46f: {  	s14 =	sor.u32 $0x1C20, s1;
	v13 =	vmax.f32 v13, v18;
	v18 =	vld [tilespmem:s23+$0x4000]  }
0x470: {  	v61 =	vmov s26;
	s23 =	sor.u32 $0x1C30, s1;
	v19 =	vmax.f32 v13, v19;
	v13 =	vld [tilespmem:s14+$0x4000]  }
0x471: {  	s28 =	simm.s32 $0x1;
	v62 =	vbroadcast v15, $0xF;
	vm0 =	veq.s32 v61, v1;
	s26 =	sor.u32 $0x1C40, s1;
	v15 =	vld [tilespmem:s23+$0x4000];
	v19 =	vmax.f32 v19, v20  }
0x472: {  	s31 =	simm.s32 $0x80;
	v63 =	vbroadcast v16, $0xF;
	v16 =	vld [tilespmem:s26+$0x4000];
	s26 =	simm.s32 $0x400;
	s0 =	sor.u32 $0x1C50, s1;
	v20 =	vmov s29;
	v19 =	vmax.f32 v19, v60  }
0x473: {  	v12 =	vsel vm0, v62, v12;
	s1 =	sor.u32 $0x1C58, s1;
	s14 =	sand.u32 $0x2000, s26;
	s23 =	sand.u32 $0x380, s31;
	vm15 =	veq.s32 v20, v1;
	v19 =	vmax.f32 v19, v17;
	v17 =	vld [tilespmem:s0+$0x4000]  }
0x474: {  	s30 =	sor.u32 s23, s14;
	s29 =	simm.s32 $0x0;
	v12 =	vsel vm15, v63, v12;
	s0 =	simm.s32 $0x2;
	v19 =	vmax.f32 v19, v18;
	v18 =	vld [tilespmem:s1+$0x4000]  }
.LBB2_12:
0x475: {  	p0 =	sne.s32 s0, $0xF;
	v20 =	vld [tilespmem:s30+$0x4000];
	v13 =	vmax.f32 v19, v13  }
0x476: {  	v19 =	vld [tilespmem:s30+$0x4010];
	v13 =	vmax.f32 v13, v15  }
0x477: {  	v15 =	vld [tilespmem:s30+$0x4020];
	v13 =	vmax.f32 v13, v16  }
0x478: {  	v16 =	vld [tilespmem:s30+$0x4030];
	v13 =	vmax.f32 v13, v17  }
0x479: {  	v17 =	vld [tilespmem:s30+$0x4040];
	v13 =	vmax.f32 v13, v18  }
0x47a: {  	v18 =	vld [tilespmem:s30+$0x4050];
	(xrf0) =	vmax.scan.msk.f32 $0xffff, v13  }
0x47b: {  	v13 =	vmax.f32 v20, v19;
	v19 =	vld [tilespmem:s30+$0x4060]  }
0x47c: {  	v13 =	vmax.f32 v13, v15;
	v15 =	vld [tilespmem:s30+$0x4070]  }
0x47d: {  	v13 =	vmax.f32 v13, v16;
	v16 =	vld [tilespmem:s30+$0x4400]  }
0x47e: {  	v13 =	vmax.f32 v13, v17;
	v17 =	vld [tilespmem:s30+$0x4410]  }
0x47f: {  	v13 =	vmax.f32 v13, v18;
	v18 =	vld [tilespmem:s30+$0x4420]  }
0x480: {  	v13 =	vmax.f32 v13, v19;
	v19 =	vld [tilespmem:s30+$0x4430];
	v20, _, _ =	vpop (xrf0)  }
0x481: {  	v21 =	vmov s25;
	s25 =	smov.u32 s28;
	s28 =	smov.u32 s0;
	v13 =	vmax.f32 v13, v15;
	v15 =	vld [tilespmem:s30+$0x4440];
	v20 =	vbroadcast v20, $0xF  }
0x482: {  	vm0 =	veq.s32 v21, v1;
	v13 =	vmax.f32 v13, v16;
	v16 =	vld [tilespmem:s30+$0x4450]  }
0x483: {  	v13 =	vmax.f32 v13, v17;
	v17 =	vld [tilespmem:s30+$0x4460];
	v14 =	vsel vm0, v20, v14  }
0x484: {  	v13 =	vmax.f32 v13, v18;
	v18 =	vld [tilespmem:s30+$0x4470]  }
0x485: {  	v13 =	vmax.f32 v13, v19;
	v19 =	vld [tilespmem:s30+$0x4800]  }
0x486: {  	v13 =	vmax.f32 v13, v15;
	v15 =	vld [tilespmem:s30+$0x4810]  }
0x487: {  	v13 =	vmax.f32 v13, v16;
	v16 =	vld [tilespmem:s30+$0x4820]  }
0x488: {  	v13 =	vmax.f32 v13, v17;
	v17 =	vld [tilespmem:s30+$0x4830]  }
0x489: {  	v13 =	vmax.f32 v13, v18;
	v18 =	vld [tilespmem:s30+$0x4840]  }
0x48a: {  	v13 =	vmax.f32 v13, v19;
	v19 =	vld [tilespmem:s30+$0x4850]  }
0x48b: {  	v13 =	vmax.f32 v13, v15;
	v15 =	vld [tilespmem:s30+$0x4860]  }
0x48c: {  	v13 =	vmax.f32 v13, v16;
	v16 =	vld [tilespmem:s30+$0x4870]  }
0x48d: {  	v13 =	vmax.f32 v13, v17;
	v17 =	vld [tilespmem:s30+$0x4C00]  }
0x48e: {  	v13 =	vmax.f32 v13, v18;
	v18 =	vld [tilespmem:s30+$0x4C10]  }
0x48f: {  	v13 =	vmax.f32 v13, v19;
	v19 =	vld [tilespmem:s30+$0x4C20]  }
0x490: {  	v13 =	vmax.f32 v13, v15;
	v15 =	vld [tilespmem:s30+$0x4C30]  }
0x491: {  	v13 =	vmax.f32 v13, v16;
	v16 =	vld [tilespmem:s30+$0x4C40]  }
0x492: {  	v13 =	vmax.f32 v13, v17;
	v17 =	vld [tilespmem:s30+$0x4C50]  }
0x493: {  	v13 =	vmax.f32 v13, v18;
	v18 =	vld [tilespmem:s30+$0x4C60]  }
0x494: {  	v13 =	vmax.f32 v13, v19;
	v19 =	vld [tilespmem:s30+$0x4C70]  }
0x495: {  	v13 =	vmax.f32 v13, v15;
	v15 =	vld [tilespmem:s30+$0x5000]  }
0x496: {  	v13 =	vmax.f32 v13, v16;
	v16 =	vld [tilespmem:s30+$0x5010]  }
0x497: {  	v13 =	vmax.f32 v13, v17;
	v17 =	vld [tilespmem:s30+$0x5020]  }
0x498: {  	v13 =	vmax.f32 v13, v18;
	v18 =	vld [tilespmem:s30+$0x5030]  }
0x499: {  	v13 =	vmax.f32 v13, v19;
	v19 =	vld [tilespmem:s30+$0x5040]  }
0x49a: {  	v13 =	vmax.f32 v13, v15;
	v15 =	vld [tilespmem:s30+$0x5050]  }
0x49b: {  	v13 =	vmax.f32 v13, v16;
	v16 =	vld [tilespmem:s30+$0x5060]  }
0x49c: {  	v13 =	vmax.f32 v13, v17;
	v17 =	vld [tilespmem:s30+$0x5070]  }
0x49d: {  	v13 =	vmax.f32 v13, v18;
	v18 =	vld [tilespmem:s30+$0x5400]  }
0x49e: {  	v13 =	vmax.f32 v13, v19;
	v19 =	vld [tilespmem:s30+$0x5410]  }
0x49f: {  	v13 =	vmax.f32 v13, v15;
	v15 =	vld [tilespmem:s30+$0x5420]  }
0x4a0: {  	v13 =	vmax.f32 v13, v16;
	v16 =	vld [tilespmem:s30+$0x5430]  }
0x4a1: {  	v13 =	vmax.f32 v13, v17;
	v17 =	vld [tilespmem:s30+$0x5440]  }
0x4a2: {  	v13 =	vmax.f32 v13, v18;
	v18 =	vld [tilespmem:s30+$0x5450]  }
0x4a3: {  	v13 =	vmax.f32 v13, v19;
	v19 =	vld [tilespmem:s30+$0x5460]  }
0x4a4: {  	v13 =	vmax.f32 v13, v15;
	v15 =	vld [tilespmem:s30+$0x5470]  }
0x4a5: {  	v13 =	vmax.f32 v13, v16;
	v16 =	vld [tilespmem:s30+$0x5800]  }
0x4a6: {  	v13 =	vmax.f32 v13, v17;
	v17 =	vld [tilespmem:s30+$0x5810]  }
0x4a7: {  	v13 =	vmax.f32 v13, v18;
	v18 =	vld [tilespmem:s30+$0x5820]  }
0x4a8: {  	s29 =	sadd.s32 $0x1, s29;
	v13 =	vmax.f32 v13, v19;
	v19 =	vld [tilespmem:s30+$0x5830]  }
0x4a9: {  	s1 =	sand.u32 $0x7, s29;
	v13 =	vmax.f32 v13, v15;
	v15 =	vld [tilespmem:s30+$0x5840]  }
0x4aa: {  	s1 =	sshll.u32 s1, $0x7;
	v13 =	vmax.f32 v13, v16;
	v16 =	vld [tilespmem:s30+$0x5850]  }
0x4ab: {  	s1 =	sadd.s32 s1, s26;
	v13 =	vmax.f32 v13, v17;
	v17 =	vld [tilespmem:s30+$0x5860]  }
0x4ac: {  	s14 =	sor.u32 $0x1C00, s1;
	v13 =	vmax.f32 v13, v18;
	v18 =	vld [tilespmem:s30+$0x5870]  }
0x4ad: {  	v13 =	vmax.f32 v13, v19;
	v19 =	vld [tilespmem:s14+$0x4000];
	s14 =	sor.u32 $0x1C10, s1  }
0x4ae: {  	v13 =	vmax.f32 v13, v15;
	v20 =	vld [tilespmem:s14+$0x4000];
	s14 =	sor.u32 $0x1C20, s1  }
.Ltmp5:
0x4af: {  	v15 =	vmax.f32 v13, v16;
	v13 =	vld [tilespmem:s14+$0x4000];
	s14 =	sor.u32 $0x1C30, s1;
	(pc) =	sbr.rel @p0 .LBB2_12-.Ltmp5, $4  }
0x4b0: {  	v16 =	vmax.f32 v15, v17;
	v15 =	vld [tilespmem:s14+$0x4000];
	s14 =	sor.u32 $0x1C40, s1  }
0x4b1: {  	s31 =	sadd.s32 $0x80, s31;
	s26 =	sadd.s32 $0x400, s26;
	v17 =	vmax.f32 v16, v18;
	v16 =	vld [tilespmem:s14+$0x4000];
	s14 =	sor.u32 $0x1C50, s1  }
0x4b2: {  	s23 =	sand.u32 $0x2000, s26;
	s30 =	sand.u32 $0x380, s31;
	s1 =	sor.u32 $0x1C58, s1;
	v18 =	vmax.f32 v17, v19;
	v17 =	vld [tilespmem:s14+$0x4000]  }
0x4b3: {  	s0 =	sadd.s32 $0x1, s0;
	s30 =	sor.u32 s30, s23;
	v19 =	vmax.f32 v18, v20;
	v18 =	vld [tilespmem:s1+$0x4000]  }
0x4b4: {  	v20 =	vld [tilespmem:s30+$0x4000]  }
0x4b5: {  	v21 =	vld [tilespmem:s30+$0x4010]  }
0x4b6: {  	v22 =	vld [tilespmem:s30+$0x4020]  }
0x4b7: {  	v23 =	vld [tilespmem:s30+$0x4030]  }
0x4b8: {  	v24 =	vld [tilespmem:s30+$0x4040]  }
0x4b9: {  	v25 =	vld [tilespmem:s30+$0x4050]  }
0x4ba: {  	v20 =	vmax.f32 v20, v21;
	v21 =	vld [tilespmem:s30+$0x4060]  }
0x4bb: {  	v20 =	vmax.f32 v20, v22;
	v22 =	vld [tilespmem:s30+$0x4070]  }
0x4bc: {  	v20 =	vmax.f32 v20, v23;
	v23 =	vld [tilespmem:s30+$0x4400]  }
0x4bd: {  	v39 =	vld [tilespmem:s30+$0x4410];
	v20 =	vmax.f32 v20, v24  }
0x4be: {  	v40 =	vld [tilespmem:s30+$0x4420];
	v20 =	vmax.f32 v20, v25  }
0x4bf: {  	v20 =	vmax.f32 v20, v21;
	v21 =	vld [tilespmem:s30+$0x4430]  }
0x4c0: {  	v20 =	vmax.f32 v20, v22;
	v22 =	vld [tilespmem:s30+$0x4440]  }
0x4c1: {  	v20 =	vmax.f32 v20, v23;
	v23 =	vld [tilespmem:s30+$0x4450]  }
0x4c2: {  	v41 =	vld [tilespmem:s30+$0x4460];
	v20 =	vmax.f32 v20, v39  }
0x4c3: {  	v42 =	vld [tilespmem:s30+$0x4470];
	v20 =	vmax.f32 v20, v40  }
0x4c4: {  	v20 =	vmax.f32 v20, v21;
	v21 =	vld [tilespmem:s30+$0x4800]  }
0x4c5: {  	v20 =	vmax.f32 v20, v22;
	v22 =	vld [tilespmem:s30+$0x4810]  }
0x4c6: {  	v20 =	vmax.f32 v20, v23;
	v23 =	vld [tilespmem:s30+$0x4820]  }
0x4c7: {  	v43 =	vld [tilespmem:s30+$0x4830];
	v20 =	vmax.f32 v20, v41  }
0x4c8: {  	v44 =	vld [tilespmem:s30+$0x4840];
	v20 =	vmax.f32 v20, v42  }
0x4c9: {  	v20 =	vmax.f32 v20, v21;
	v21 =	vld [tilespmem:s30+$0x4850]  }
0x4ca: {  	v20 =	vmax.f32 v20, v22;
	v22 =	vld [tilespmem:s30+$0x4860]  }
0x4cb: {  	v20 =	vmax.f32 v20, v23;
	v23 =	vld [tilespmem:s30+$0x4870]  }
0x4cc: {  	v45 =	vld [tilespmem:s30+$0x4C00];
	v20 =	vmax.f32 v20, v43  }
0x4cd: {  	v46 =	vld [tilespmem:s30+$0x4C10];
	v20 =	vmax.f32 v20, v44  }
0x4ce: {  	v20 =	vmax.f32 v20, v21;
	v21 =	vld [tilespmem:s30+$0x4C20]  }
0x4cf: {  	v20 =	vmax.f32 v20, v22;
	v22 =	vld [tilespmem:s30+$0x4C30]  }
0x4d0: {  	v20 =	vmax.f32 v20, v23;
	v23 =	vld [tilespmem:s30+$0x4C40]  }
0x4d1: {  	v47 =	vld [tilespmem:s30+$0x4C50];
	v20 =	vmax.f32 v20, v45  }
0x4d2: {  	v48 =	vld [tilespmem:s30+$0x4C60];
	v20 =	vmax.f32 v20, v46  }
0x4d3: {  	v20 =	vmax.f32 v20, v21;
	v21 =	vld [tilespmem:s30+$0x4C70]  }
0x4d4: {  	v20 =	vmax.f32 v20, v22;
	v22 =	vld [tilespmem:s30+$0x5000]  }
0x4d5: {  	v20 =	vmax.f32 v20, v23;
	v23 =	vld [tilespmem:s30+$0x5010]  }
0x4d6: {  	v49 =	vld [tilespmem:s30+$0x5020];
	v20 =	vmax.f32 v20, v47  }
0x4d7: {  	v50 =	vld [tilespmem:s30+$0x5030];
	v20 =	vmax.f32 v20, v48  }
0x4d8: {  	v20 =	vmax.f32 v20, v21;
	v21 =	vld [tilespmem:s30+$0x5040]  }
0x4d9: {  	v20 =	vmax.f32 v20, v22;
	v22 =	vld [tilespmem:s30+$0x5050]  }
0x4da: {  	v20 =	vmax.f32 v20, v23;
	v23 =	vld [tilespmem:s30+$0x5060]  }
0x4db: {  	v51 =	vld [tilespmem:s30+$0x5070];
	v20 =	vmax.f32 v20, v49  }
0x4dc: {  	v52 =	vld [tilespmem:s30+$0x5400];
	v20 =	vmax.f32 v20, v50  }
0x4dd: {  	v20 =	vmax.f32 v20, v21;
	v21 =	vld [tilespmem:s30+$0x5410]  }
0x4de: {  	v20 =	vmax.f32 v20, v22;
	v22 =	vld [tilespmem:s30+$0x5420]  }
0x4df: {  	v20 =	vmax.f32 v20, v23;
	v23 =	vld [tilespmem:s30+$0x5430]  }
0x4e0: {  	v53 =	vld [tilespmem:s30+$0x5440];
	v20 =	vmax.f32 v20, v51  }
0x4e1: {  	v54 =	vld [tilespmem:s30+$0x5450];
	v20 =	vmax.f32 v20, v52  }
0x4e2: {  	v20 =	vmax.f32 v20, v21;
	v21 =	vld [tilespmem:s30+$0x5460]  }
0x4e3: {  	v20 =	vmax.f32 v20, v22;
	v22 =	vld [tilespmem:s30+$0x5470]  }
0x4e4: {  	v20 =	vmax.f32 v20, v23;
	v23 =	vld [tilespmem:s30+$0x5800]  }
0x4e5: {  	v55 =	vld [tilespmem:s30+$0x5810];
	v20 =	vmax.f32 v20, v53  }
0x4e6: {  	v56 =	vld [tilespmem:s30+$0x5820];
	v20 =	vmax.f32 v20, v54  }
0x4e7: {  	s0 =	sadd.s32 $0x1, s29;
	v20 =	vmax.f32 v20, v21;
	v21 =	vld [tilespmem:s30+$0x5830]  }
0x4e8: {  	s0 =	sand.u32 $0x7, s0;
	v20 =	vmax.f32 v20, v22;
	v22 =	vld [tilespmem:s30+$0x5840]  }
0x4e9: {  	s0 =	sshll.u32 s0, $0x7;
	v20 =	vmax.f32 v20, v23;
	v23 =	vld [tilespmem:s30+$0x5850]  }
0x4ea: {  	v57 =	vld [tilespmem:s30+$0x5860];
	s0 =	sadd.s32 s0, s26;
	v20 =	vmax.f32 v20, v55  }
0x4eb: {  	v58 =	vld [tilespmem:s30+$0x5870];
	s1 =	sor.u32 $0x1C00, s0;
	v20 =	vmax.f32 v20, v56  }
0x4ec: {  	s23 =	sor.u32 $0x1C10, s0;
	v20 =	vmax.f32 v20, v21;
	v21 =	vld [tilespmem:s1+$0x4000]  }
0x4ed: {  	s26 =	sor.u32 $0x1C20, s0;
	v20 =	vmax.f32 v20, v22;
	v22 =	vld [tilespmem:s23+$0x4000]  }
0x4ee: {  	s14 =	sor.u32 $0x1C30, s0;
	v20 =	vmax.f32 v20, v23;
	v23 =	vld [tilespmem:s26+$0x4000]  }
0x4ef: {  	v59 =	vld [tilespmem:s14+$0x4000];
	s23 =	sor.u32 $0x1C40, s0;
	v20 =	vmax.f32 v20, v57  }
0x4f0: {  	v60 =	vld [tilespmem:s23+$0x4000];
	s26 =	sor.u32 $0x1C50, s0;
	v20 =	vmax.f32 v20, v58  }
0x4f1: {  	s0 =	sor.u32 $0x1C58, s0;
	v20 =	vmax.f32 v20, v21;
	v21 =	vld [tilespmem:s26+$0x4000]  }
0x4f2: {  	v13 =	vmax.f32 v19, v13;
	v19 =	vmax.f32 v20, v22;
	v20 =	vld [tilespmem:s0+$0x4000]  }
0x4f3: {  	v13 =	vmax.f32 v13, v15;
	v15 =	vmax.f32 v19, v23  }
0x4f4: {  	v13 =	vmax.f32 v13, v16;
	v15 =	vmax.f32 v15, v59  }
0x4f5: {  	v13 =	vmax.f32 v13, v17;
	v15 =	vmax.f32 v15, v60  }
0x4f6: {  	v13 =	vmax.f32 v13, v18;
	v15 =	vmax.f32 v15, v21  }
0x4f7: {  	(xrf0) =	vmax.scan.msk.f32 $0xffff, v13;
	v13 =	vmax.f32 v15, v20  }
0x4f8: {  	(xrf0) =	vmax.scan.msk.f32 $0xffff, v13;
	_ =	sdelay $0x4  }
0x4f9: {  	v17, _, _ =	vpop (xrf0)  }
0x4fa: {  	v18, _, _ =	vpop (xrf0)  }
0x4fb: {  	_ =	swait.ge [sflag:s21], $0x4000  }
0x4fc: {  	[sflag:s21] =	ssyncset.done $0x0  }
0x4fd: {  	[sflag:s21] =	ssyncadd.s32 $0xFFFFC000  }
0x4fe: {  	v13 =	vld [tilespmem:$0x10060];
	_ =	sdelay $0x4  }
0x4ff: {  	v15 =	vshll.u32 v13, $0x3  }
0x500: {  	v13 =	vand.u32 $0x7F, v13;
	v15 =	vand.u32 $0xFFFFFC00, v15  }
0x501: {  	v13 =	vor.u32 v13, v15  }
0x502: {  	v16 =	vadd.s32 v0, v13;
	_ =	sdelay $0x2  }
0x503: {  	s26 =	simm.s32 $0x0  }
0x504: {  	s14 =	sand.u32 $0x2000, s26;
	s23 =	sand.u32 $0x380, s26;
	v15 =	vimm.f32 $-Inf  }
0x505: {  	s0 =	sor.u32 s23, s14;
	v13 =	vld.idx.msk [tilespmem:v16+s17+$0x0], $0xffff;
	[tilespmem:v16+s17+$0x0] =	vst.idx.msk $0xffff, v15  }
0x506: {  	v16 =	vld [tilespmem:s0+$0x8000]  }
0x507: {  	v19 =	vld [tilespmem:s0+$0x8010]  }
0x508: {  	v20 =	vld [tilespmem:s0+$0x8020]  }
0x509: {  	v21 =	vld [tilespmem:s0+$0x8030]  }
0x50a: {  	v22 =	vld [tilespmem:s0+$0x8040]  }
0x50b: {  	v23 =	vld [tilespmem:s0+$0x8050]  }
0x50c: {  	v16 =	vmax.f32 v16, v19;
	v19 =	vld [tilespmem:s0+$0x8060]  }
0x50d: {  	v16 =	vmax.f32 v16, v20;
	v20 =	vld [tilespmem:s0+$0x8070]  }
0x50e: {  	v16 =	vmax.f32 v16, v21;
	v21 =	vld [tilespmem:s0+$0x8400]  }
0x50f: {  	v16 =	vmax.f32 v16, v22;
	v22 =	vld [tilespmem:s0+$0x8410]  }
0x510: {  	v16 =	vmax.f32 v16, v23;
	v23 =	vld [tilespmem:s0+$0x8420]  }
0x511: {  	v16 =	vmax.f32 v16, v19;
	v19 =	vld [tilespmem:s0+$0x8430]  }
0x512: {  	v16 =	vmax.f32 v16, v20;
	v20 =	vld [tilespmem:s0+$0x8440]  }
0x513: {  	v16 =	vmax.f32 v16, v21;
	v21 =	vld [tilespmem:s0+$0x8450]  }
0x514: {  	v16 =	vmax.f32 v16, v22;
	v22 =	vld [tilespmem:s0+$0x8460]  }
0x515: {  	v16 =	vmax.f32 v16, v23;
	v23 =	vld [tilespmem:s0+$0x8470]  }
0x516: {  	v16 =	vmax.f32 v16, v19;
	v19 =	vld [tilespmem:s0+$0x8800]  }
0x517: {  	v16 =	vmax.f32 v16, v20;
	v20 =	vld [tilespmem:s0+$0x8810]  }
0x518: {  	v16 =	vmax.f32 v16, v21;
	v21 =	vld [tilespmem:s0+$0x8820]  }
0x519: {  	v16 =	vmax.f32 v16, v22;
	v22 =	vld [tilespmem:s0+$0x8830]  }
0x51a: {  	v16 =	vmax.f32 v16, v23;
	v23 =	vld [tilespmem:s0+$0x8840]  }
0x51b: {  	v16 =	vmax.f32 v16, v19;
	v19 =	vld [tilespmem:s0+$0x8850]  }
0x51c: {  	v16 =	vmax.f32 v16, v20;
	v20 =	vld [tilespmem:s0+$0x8860]  }
0x51d: {  	v16 =	vmax.f32 v16, v21;
	v21 =	vld [tilespmem:s0+$0x8870]  }
0x51e: {  	v16 =	vmax.f32 v16, v22;
	v22 =	vld [tilespmem:s0+$0x8C00]  }
0x51f: {  	v16 =	vmax.f32 v16, v23;
	v23 =	vld [tilespmem:s0+$0x8C10]  }
0x520: {  	v16 =	vmax.f32 v16, v19;
	v19 =	vld [tilespmem:s0+$0x8C20]  }
0x521: {  	v16 =	vmax.f32 v16, v20;
	v20 =	vld [tilespmem:s0+$0x8C30]  }
0x522: {  	v16 =	vmax.f32 v16, v21;
	v21 =	vld [tilespmem:s0+$0x8C40]  }
0x523: {  	v16 =	vmax.f32 v16, v22;
	v22 =	vld [tilespmem:s0+$0x8C50]  }
0x524: {  	v16 =	vmax.f32 v16, v23;
	v23 =	vld [tilespmem:s0+$0x8C60]  }
0x525: {  	v16 =	vmax.f32 v16, v19;
	v19 =	vld [tilespmem:s0+$0x8C70]  }
0x526: {  	v16 =	vmax.f32 v16, v20;
	v20 =	vld [tilespmem:s0+$0x9000]  }
0x527: {  	v16 =	vmax.f32 v16, v21;
	v21 =	vld [tilespmem:s0+$0x9010]  }
0x528: {  	v16 =	vmax.f32 v16, v22;
	v22 =	vld [tilespmem:s0+$0x9020]  }
0x529: {  	v16 =	vmax.f32 v16, v23;
	v23 =	vld [tilespmem:s0+$0x9030]  }
0x52a: {  	v16 =	vmax.f32 v16, v19;
	v19 =	vld [tilespmem:s0+$0x9040]  }
0x52b: {  	v16 =	vmax.f32 v16, v20;
	v20 =	vld [tilespmem:s0+$0x9050]  }
0x52c: {  	v16 =	vmax.f32 v16, v21;
	v21 =	vld [tilespmem:s0+$0x9060]  }
0x52d: {  	v16 =	vmax.f32 v16, v22;
	v22 =	vld [tilespmem:s0+$0x9070]  }
0x52e: {  	v16 =	vmax.f32 v16, v23;
	v23 =	vld [tilespmem:s0+$0x9400]  }
0x52f: {  	v16 =	vmax.f32 v16, v19;
	v19 =	vld [tilespmem:s0+$0x9410]  }
0x530: {  	v16 =	vmax.f32 v16, v20;
	v20 =	vld [tilespmem:s0+$0x9420]  }
0x531: {  	v16 =	vmax.f32 v16, v21;
	v21 =	vld [tilespmem:s0+$0x9430]  }
0x532: {  	v16 =	vmax.f32 v16, v22;
	v22 =	vld [tilespmem:s0+$0x9440]  }
0x533: {  	v16 =	vmax.f32 v16, v23;
	v23 =	vld [tilespmem:s0+$0x9450]  }
0x534: {  	v16 =	vmax.f32 v16, v19;
	v19 =	vld [tilespmem:s0+$0x9460]  }
0x535: {  	v16 =	vmax.f32 v16, v20;
	v20 =	vld [tilespmem:s0+$0x9470]  }
0x536: {  	v16 =	vmax.f32 v16, v21;
	v21 =	vld [tilespmem:s0+$0x9800]  }
0x537: {  	v16 =	vmax.f32 v16, v22;
	v22 =	vld [tilespmem:s0+$0x9810]  }
0x538: {  	v16 =	vmax.f32 v16, v23;
	v23 =	vld [tilespmem:s0+$0x9820]  }
0x539: {  	v16 =	vmax.f32 v16, v19;
	v19 =	vld [tilespmem:s0+$0x9830]  }
0x53a: {  	s14 =	sand.u32 $0x7, s26;
	v16 =	vmax.f32 v16, v20;
	v20 =	vld [tilespmem:s0+$0x9840]  }
0x53b: {  	s1 =	sshll.u32 s14, $0x7;
	v16 =	vmax.f32 v16, v21;
	v21 =	vld [tilespmem:s0+$0x9850]  }
0x53c: {  	s1 =	sadd.s32 $0x0, s1;
	v16 =	vmax.f32 v16, v22;
	v22 =	vld [tilespmem:s0+$0x9860]  }
0x53d: {  	s23 =	sor.u32 $0x1C00, s1;
	v16 =	vmax.f32 v16, v23;
	v23 =	vld [tilespmem:s0+$0x9870]  }
0x53e: {  	s14 =	sor.u32 $0x1C10, s1;
	v16 =	vmax.f32 v16, v19;
	v19 =	vld [tilespmem:s23+$0x8000]  }
0x53f: {  	s23 =	sor.u32 $0x1C20, s1;
	v16 =	vmax.f32 v16, v20;
	v20 =	vld [tilespmem:s14+$0x8000]  }
0x540: {  	v61 =	vmov s25;
	s14 =	sor.u32 $0x1C30, s1;
	v21 =	vmax.f32 v16, v21;
	v16 =	vld [tilespmem:s23+$0x8000]  }
0x541: {  	s25 =	simm.s32 $0x1;
	vm0 =	veq.s32 v61, v1;
	v62 =	vbroadcast v17, $0xF;
	v17 =	vld [tilespmem:s14+$0x8000];
	s23 =	sor.u32 $0x1C40, s1;
	v21 =	vmax.f32 v21, v22  }
0x542: {  	s31 =	simm.s32 $0x80;
	v63 =	vbroadcast v18, $0xF;
	s0 =	sor.u32 $0x1C50, s1;
	v22 =	vmov s28;
	v18 =	vld [tilespmem:s23+$0x8000];
	s28 =	simm.s32 $0x400;
	v21 =	vmax.f32 v21, v23  }
0x543: {  	v14 =	vsel vm0, v62, v14;
	s1 =	sor.u32 $0x1C58, s1;
	s23 =	sand.u32 $0x380, s31;
	vm15 =	veq.s32 v22, v1;
	s14 =	sand.u32 $0x2000, s28;
	v21 =	vmax.f32 v21, v19;
	v19 =	vld [tilespmem:s0+$0x8000]  }
0x544: {  	s29 =	simm.s32 $0x0;
	v14 =	vsel vm15, v63, v14;
	s30 =	sor.u32 s23, s14;
	s0 =	simm.s32 $0x2;
	v21 =	vmax.f32 v21, v20;
	v20 =	vld [tilespmem:s1+$0x8000]  }
.LBB2_14:
0x545: {  	p0 =	sne.s32 s0, $0xF;
	v22 =	vld [tilespmem:s30+$0x8000];
	v16 =	vmax.f32 v21, v16  }
0x546: {  	v21 =	vld [tilespmem:s30+$0x8010];
	v16 =	vmax.f32 v16, v17  }
0x547: {  	v17 =	vld [tilespmem:s30+$0x8020];
	v16 =	vmax.f32 v16, v18  }
0x548: {  	v18 =	vld [tilespmem:s30+$0x8030];
	v16 =	vmax.f32 v16, v19  }
0x549: {  	v19 =	vld [tilespmem:s30+$0x8040];
	v16 =	vmax.f32 v16, v20  }
0x54a: {  	v20 =	vld [tilespmem:s30+$0x8050];
	(xrf0) =	vmax.scan.msk.f32 $0xffff, v16  }
0x54b: {  	v16 =	vmax.f32 v22, v21;
	v21 =	vld [tilespmem:s30+$0x8060]  }
0x54c: {  	v16 =	vmax.f32 v16, v17;
	v17 =	vld [tilespmem:s30+$0x8070]  }
0x54d: {  	v16 =	vmax.f32 v16, v18;
	v18 =	vld [tilespmem:s30+$0x8400]  }
0x54e: {  	v16 =	vmax.f32 v16, v19;
	v19 =	vld [tilespmem:s30+$0x8410]  }
0x54f: {  	v16 =	vmax.f32 v16, v20;
	v20 =	vld [tilespmem:s30+$0x8420]  }
0x550: {  	v16 =	vmax.f32 v16, v21;
	v21 =	vld [tilespmem:s30+$0x8430];
	v22, _, _ =	vpop (xrf0)  }
0x551: {  	v23 =	vmov s26;
	s26 =	smov.u32 s25;
	s25 =	smov.u32 s0;
	v16 =	vmax.f32 v16, v17;
	v17 =	vld [tilespmem:s30+$0x8440];
	v22 =	vbroadcast v22, $0xF  }
0x552: {  	vm0 =	veq.s32 v23, v1;
	v16 =	vmax.f32 v16, v18;
	v18 =	vld [tilespmem:s30+$0x8450]  }
0x553: {  	v16 =	vmax.f32 v16, v19;
	v19 =	vld [tilespmem:s30+$0x8460];
	v15 =	vsel vm0, v22, v15  }
0x554: {  	v16 =	vmax.f32 v16, v20;
	v20 =	vld [tilespmem:s30+$0x8470]  }
0x555: {  	v16 =	vmax.f32 v16, v21;
	v21 =	vld [tilespmem:s30+$0x8800]  }
0x556: {  	v16 =	vmax.f32 v16, v17;
	v17 =	vld [tilespmem:s30+$0x8810]  }
0x557: {  	v16 =	vmax.f32 v16, v18;
	v18 =	vld [tilespmem:s30+$0x8820]  }
0x558: {  	v16 =	vmax.f32 v16, v19;
	v19 =	vld [tilespmem:s30+$0x8830]  }
0x559: {  	v16 =	vmax.f32 v16, v20;
	v20 =	vld [tilespmem:s30+$0x8840]  }
0x55a: {  	v16 =	vmax.f32 v16, v21;
	v21 =	vld [tilespmem:s30+$0x8850]  }
0x55b: {  	v16 =	vmax.f32 v16, v17;
	v17 =	vld [tilespmem:s30+$0x8860]  }
0x55c: {  	v16 =	vmax.f32 v16, v18;
	v18 =	vld [tilespmem:s30+$0x8870]  }
0x55d: {  	v16 =	vmax.f32 v16, v19;
	v19 =	vld [tilespmem:s30+$0x8C00]  }
0x55e: {  	v16 =	vmax.f32 v16, v20;
	v20 =	vld [tilespmem:s30+$0x8C10]  }
0x55f: {  	v16 =	vmax.f32 v16, v21;
	v21 =	vld [tilespmem:s30+$0x8C20]  }
0x560: {  	v16 =	vmax.f32 v16, v17;
	v17 =	vld [tilespmem:s30+$0x8C30]  }
0x561: {  	v16 =	vmax.f32 v16, v18;
	v18 =	vld [tilespmem:s30+$0x8C40]  }
0x562: {  	v16 =	vmax.f32 v16, v19;
	v19 =	vld [tilespmem:s30+$0x8C50]  }
0x563: {  	v16 =	vmax.f32 v16, v20;
	v20 =	vld [tilespmem:s30+$0x8C60]  }
0x564: {  	v16 =	vmax.f32 v16, v21;
	v21 =	vld [tilespmem:s30+$0x8C70]  }
0x565: {  	v16 =	vmax.f32 v16, v17;
	v17 =	vld [tilespmem:s30+$0x9000]  }
0x566: {  	v16 =	vmax.f32 v16, v18;
	v18 =	vld [tilespmem:s30+$0x9010]  }
0x567: {  	v16 =	vmax.f32 v16, v19;
	v19 =	vld [tilespmem:s30+$0x9020]  }
0x568: {  	v16 =	vmax.f32 v16, v20;
	v20 =	vld [tilespmem:s30+$0x9030]  }
0x569: {  	v16 =	vmax.f32 v16, v21;
	v21 =	vld [tilespmem:s30+$0x9040]  }
0x56a: {  	v16 =	vmax.f32 v16, v17;
	v17 =	vld [tilespmem:s30+$0x9050]  }
0x56b: {  	v16 =	vmax.f32 v16, v18;
	v18 =	vld [tilespmem:s30+$0x9060]  }
0x56c: {  	v16 =	vmax.f32 v16, v19;
	v19 =	vld [tilespmem:s30+$0x9070]  }
0x56d: {  	v16 =	vmax.f32 v16, v20;
	v20 =	vld [tilespmem:s30+$0x9400]  }
0x56e: {  	v16 =	vmax.f32 v16, v21;
	v21 =	vld [tilespmem:s30+$0x9410]  }
0x56f: {  	v16 =	vmax.f32 v16, v17;
	v17 =	vld [tilespmem:s30+$0x9420]  }
0x570: {  	v16 =	vmax.f32 v16, v18;
	v18 =	vld [tilespmem:s30+$0x9430]  }
0x571: {  	v16 =	vmax.f32 v16, v19;
	v19 =	vld [tilespmem:s30+$0x9440]  }
0x572: {  	v16 =	vmax.f32 v16, v20;
	v20 =	vld [tilespmem:s30+$0x9450]  }
0x573: {  	v16 =	vmax.f32 v16, v21;
	v21 =	vld [tilespmem:s30+$0x9460]  }
0x574: {  	v16 =	vmax.f32 v16, v17;
	v17 =	vld [tilespmem:s30+$0x9470]  }
0x575: {  	v16 =	vmax.f32 v16, v18;
	v18 =	vld [tilespmem:s30+$0x9800]  }
0x576: {  	v16 =	vmax.f32 v16, v19;
	v19 =	vld [tilespmem:s30+$0x9810]  }
0x577: {  	v16 =	vmax.f32 v16, v20;
	v20 =	vld [tilespmem:s30+$0x9820]  }
0x578: {  	s29 =	sadd.s32 $0x1, s29;
	v16 =	vmax.f32 v16, v21;
	v21 =	vld [tilespmem:s30+$0x9830]  }
0x579: {  	s1 =	sand.u32 $0x7, s29;
	v16 =	vmax.f32 v16, v17;
	v17 =	vld [tilespmem:s30+$0x9840]  }
0x57a: {  	s1 =	sshll.u32 s1, $0x7;
	v16 =	vmax.f32 v16, v18;
	v18 =	vld [tilespmem:s30+$0x9850]  }
0x57b: {  	s1 =	sadd.s32 s1, s28;
	v16 =	vmax.f32 v16, v19;
	v19 =	vld [tilespmem:s30+$0x9860]  }
0x57c: {  	s14 =	sor.u32 $0x1C00, s1;
	v16 =	vmax.f32 v16, v20;
	v20 =	vld [tilespmem:s30+$0x9870]  }
0x57d: {  	v16 =	vmax.f32 v16, v21;
	v21 =	vld [tilespmem:s14+$0x8000];
	s14 =	sor.u32 $0x1C10, s1  }
0x57e: {  	v16 =	vmax.f32 v16, v17;
	v22 =	vld [tilespmem:s14+$0x8000];
	s14 =	sor.u32 $0x1C20, s1  }
.Ltmp6:
0x57f: {  	v17 =	vmax.f32 v16, v18;
	v16 =	vld [tilespmem:s14+$0x8000];
	s14 =	sor.u32 $0x1C30, s1;
	(pc) =	sbr.rel @p0 .LBB2_14-.Ltmp6, $4  }
0x580: {  	v18 =	vmax.f32 v17, v19;
	v17 =	vld [tilespmem:s14+$0x8000];
	s14 =	sor.u32 $0x1C40, s1  }
0x581: {  	s31 =	sadd.s32 $0x80, s31;
	s28 =	sadd.s32 $0x400, s28;
	v19 =	vmax.f32 v18, v20;
	v18 =	vld [tilespmem:s14+$0x8000];
	s14 =	sor.u32 $0x1C50, s1  }
0x582: {  	s23 =	sand.u32 $0x2000, s28;
	s30 =	sand.u32 $0x380, s31;
	s1 =	sor.u32 $0x1C58, s1;
	v20 =	vmax.f32 v19, v21;
	v19 =	vld [tilespmem:s14+$0x8000]  }
0x583: {  	s0 =	sadd.s32 $0x1, s0;
	s30 =	sor.u32 s30, s23;
	v21 =	vmax.f32 v20, v22;
	v20 =	vld [tilespmem:s1+$0x8000]  }
0x584: {  	v22 =	vld [tilespmem:s30+$0x8000]  }
0x585: {  	v23 =	vld [tilespmem:s30+$0x8010]  }
0x586: {  	v24 =	vld [tilespmem:s30+$0x8020]  }
0x587: {  	v25 =	vld [tilespmem:s30+$0x8030]  }
0x588: {  	v26 =	vld [tilespmem:s30+$0x8040]  }
0x589: {  	v27 =	vld [tilespmem:s30+$0x8050]  }
0x58a: {  	v22 =	vmax.f32 v22, v23;
	v23 =	vld [tilespmem:s30+$0x8060]  }
0x58b: {  	v62 =	vld [tilespmem:s30+$0x8070];
	v22 =	vmax.f32 v22, v24  }
0x58c: {  	v63 =	vld [tilespmem:s30+$0x8400];
	v22 =	vmax.f32 v22, v25  }
0x58d: {  	v30 =	vld [tilespmem:s30+$0x8410];
	v22 =	vmax.f32 v22, v26  }
0x58e: {  	v31 =	vld [tilespmem:s30+$0x8420];
	v22 =	vmax.f32 v22, v27  }
0x58f: {  	v22 =	vmax.f32 v22, v23;
	v23 =	vld [tilespmem:s30+$0x8430]  }
0x590: {  	v32 =	vld [tilespmem:s30+$0x8440];
	v22 =	vmax.f32 v22, v62  }
0x591: {  	v33 =	vld [tilespmem:s30+$0x8450];
	v22 =	vmax.f32 v22, v63  }
0x592: {  	v34 =	vld [tilespmem:s30+$0x8460];
	v22 =	vmax.f32 v22, v30  }
0x593: {  	v35 =	vld [tilespmem:s30+$0x8470];
	v22 =	vmax.f32 v22, v31  }
0x594: {  	v22 =	vmax.f32 v22, v23;
	v23 =	vld [tilespmem:s30+$0x8800]  }
0x595: {  	v36 =	vld [tilespmem:s30+$0x8810];
	v22 =	vmax.f32 v22, v32  }
0x596: {  	v37 =	vld [tilespmem:s30+$0x8820];
	v22 =	vmax.f32 v22, v33  }
0x597: {  	v38 =	vld [tilespmem:s30+$0x8830];
	v22 =	vmax.f32 v22, v34  }
0x598: {  	v39 =	vld [tilespmem:s30+$0x8840];
	v22 =	vmax.f32 v22, v35  }
0x599: {  	v22 =	vmax.f32 v22, v23;
	v23 =	vld [tilespmem:s30+$0x8850]  }
0x59a: {  	v40 =	vld [tilespmem:s30+$0x8860];
	v22 =	vmax.f32 v22, v36  }
0x59b: {  	v41 =	vld [tilespmem:s30+$0x8870];
	v22 =	vmax.f32 v22, v37  }
0x59c: {  	v42 =	vld [tilespmem:s30+$0x8C00];
	v22 =	vmax.f32 v22, v38  }
0x59d: {  	v43 =	vld [tilespmem:s30+$0x8C10];
	v22 =	vmax.f32 v22, v39  }
0x59e: {  	v22 =	vmax.f32 v22, v23;
	v23 =	vld [tilespmem:s30+$0x8C20]  }
0x59f: {  	v44 =	vld [tilespmem:s30+$0x8C30];
	v22 =	vmax.f32 v22, v40  }
0x5a0: {  	v45 =	vld [tilespmem:s30+$0x8C40];
	v22 =	vmax.f32 v22, v41  }
0x5a1: {  	v46 =	vld [tilespmem:s30+$0x8C50];
	v22 =	vmax.f32 v22, v42  }
0x5a2: {  	v47 =	vld [tilespmem:s30+$0x8C60];
	v22 =	vmax.f32 v22, v43  }
0x5a3: {  	v22 =	vmax.f32 v22, v23;
	v23 =	vld [tilespmem:s30+$0x8C70]  }
0x5a4: {  	v48 =	vld [tilespmem:s30+$0x9000];
	v22 =	vmax.f32 v22, v44  }
0x5a5: {  	v49 =	vld [tilespmem:s30+$0x9010];
	v22 =	vmax.f32 v22, v45  }
0x5a6: {  	v50 =	vld [tilespmem:s30+$0x9020];
	v22 =	vmax.f32 v22, v46  }
0x5a7: {  	v51 =	vld [tilespmem:s30+$0x9030];
	v22 =	vmax.f32 v22, v47  }
0x5a8: {  	v22 =	vmax.f32 v22, v23;
	v23 =	vld [tilespmem:s30+$0x9040]  }
0x5a9: {  	v52 =	vld [tilespmem:s30+$0x9050];
	v22 =	vmax.f32 v22, v48  }
0x5aa: {  	v53 =	vld [tilespmem:s30+$0x9060];
	v22 =	vmax.f32 v22, v49  }
0x5ab: {  	v54 =	vld [tilespmem:s30+$0x9070];
	v22 =	vmax.f32 v22, v50  }
0x5ac: {  	v55 =	vld [tilespmem:s30+$0x9400];
	v22 =	vmax.f32 v22, v51  }
0x5ad: {  	v22 =	vmax.f32 v22, v23;
	v23 =	vld [tilespmem:s30+$0x9410]  }
0x5ae: {  	v56 =	vld [tilespmem:s30+$0x9420];
	v22 =	vmax.f32 v22, v52  }
0x5af: {  	v57 =	vld [tilespmem:s30+$0x9430];
	v22 =	vmax.f32 v22, v53  }
0x5b0: {  	v58 =	vld [tilespmem:s30+$0x9440];
	v22 =	vmax.f32 v22, v54  }
0x5b1: {  	v59 =	vld [tilespmem:s30+$0x9450];
	v22 =	vmax.f32 v22, v55  }
0x5b2: {  	v22 =	vmax.f32 v22, v23;
	v23 =	vld [tilespmem:s30+$0x9460]  }
0x5b3: {  	v60 =	vld [tilespmem:s30+$0x9470];
	v22 =	vmax.f32 v22, v56  }
0x5b4: {  	v61 =	vld [tilespmem:s30+$0x9800];
	v22 =	vmax.f32 v22, v57  }
0x5b5: {  	v62 =	vld [tilespmem:s30+$0x9810];
	v22 =	vmax.f32 v22, v58  }
0x5b6: {  	v63 =	vld [tilespmem:s30+$0x9820];
	v22 =	vmax.f32 v22, v59  }
0x5b7: {  	s0 =	sadd.s32 $0x1, s29;
	v22 =	vmax.f32 v22, v23;
	v23 =	vld [tilespmem:s30+$0x9830]  }
0x5b8: {  	s0 =	sand.u32 $0x7, s0;
	v30 =	vld [tilespmem:s30+$0x9840];
	v22 =	vmax.f32 v22, v60  }
0x5b9: {  	s0 =	sshll.u32 s0, $0x7;
	v31 =	vld [tilespmem:s30+$0x9850];
	v22 =	vmax.f32 v22, v61  }
0x5ba: {  	s0 =	sadd.s32 s0, s28;
	v32 =	vld [tilespmem:s30+$0x9860];
	v22 =	vmax.f32 v22, v62  }
0x5bb: {  	s1 =	sor.u32 $0x1C00, s0;
	v33 =	vld [tilespmem:s30+$0x9870];
	v22 =	vmax.f32 v22, v63  }
0x5bc: {  	s23 =	sor.u32 $0x1C10, s0;
	v22 =	vmax.f32 v22, v23;
	v23 =	vld [tilespmem:s1+$0x8000]  }
0x5bd: {  	s14 =	sor.u32 $0x1C20, s0;
	v34 =	vld [tilespmem:s23+$0x8000];
	v22 =	vmax.f32 v22, v30  }
0x5be: {  	s23 =	sor.u32 $0x1C30, s0;
	v35 =	vld [tilespmem:s14+$0x8000];
	v22 =	vmax.f32 v22, v31  }
0x5bf: {  	s14 =	sor.u32 $0x1C40, s0;
	v36 =	vld [tilespmem:s23+$0x8000];
	v22 =	vmax.f32 v22, v32  }
0x5c0: {  	s23 =	sor.u32 $0x1C50, s0;
	v37 =	vld [tilespmem:s14+$0x8000];
	v22 =	vmax.f32 v22, v33  }
0x5c1: {  	s0 =	sor.u32 $0x1C58, s0;
	v22 =	vmax.f32 v22, v23;
	v23 =	vld [tilespmem:s23+$0x8000]  }
0x5c2: {  	v16 =	vmax.f32 v21, v16;
	v21 =	vmax.f32 v22, v34;
	v22 =	vld [tilespmem:s0+$0x8000]  }
0x5c3: {  	v16 =	vmax.f32 v16, v17;
	v17 =	vmax.f32 v21, v35  }
0x5c4: {  	v16 =	vmax.f32 v16, v18;
	v17 =	vmax.f32 v17, v36  }
0x5c5: {  	v16 =	vmax.f32 v16, v19;
	v17 =	vmax.f32 v17, v37  }
0x5c6: {  	v16 =	vmax.f32 v16, v20;
	v17 =	vmax.f32 v17, v23  }
0x5c7: {  	(xrf0) =	vmax.scan.msk.f32 $0xffff, v16;
	v16 =	vmax.f32 v17, v22  }
0x5c8: {  	(xrf0) =	vmax.scan.msk.f32 $0xffff, v16;
	_ =	sdelay $0x4  }
0x5c9: {  	v19, _, _ =	vpop (xrf0)  }
0x5ca: {  	v20, _, _ =	vpop (xrf0)  }
0x5cb: {  	_ =	swait.ge [sflag:s22], $0x4000  }
0x5cc: {  	[sflag:s22] =	ssyncset.done $0x0  }
0x5cd: {  	[sflag:s22] =	ssyncadd.s32 $0xFFFFC000  }
0x5ce: {  	v16 =	vld [tilespmem:$0x10070];
	_ =	sdelay $0x4  }
0x5cf: {  	v17 =	vshll.u32 v16, $0x3  }
0x5d0: {  	v16 =	vand.u32 $0x7F, v16;
	v17 =	vand.u32 $0xFFFFFC00, v17  }
0x5d1: {  	v16 =	vor.u32 v16, v17  }
0x5d2: {  	v18 =	vadd.s32 v0, v16;
	_ =	sdelay $0x2  }
0x5d3: {  	s28 =	simm.s32 $0x0  }
0x5d4: {  	s14 =	sand.u32 $0x2000, s28;
	s23 =	sand.u32 $0x380, s28;
	v17 =	vimm.f32 $-Inf  }
0x5d5: {  	s0 =	sor.u32 s23, s14;
	v16 =	vld.idx.msk [tilespmem:v18+s19+$0x0], $0xffff;
	[tilespmem:v18+s19+$0x0] =	vst.idx.msk $0xffff, v17  }
0x5d6: {  	v18 =	vld [tilespmem:s0+$0xC000]  }
0x5d7: {  	v21 =	vld [tilespmem:s0+$0xC010]  }
0x5d8: {  	v22 =	vld [tilespmem:s0+$0xC020]  }
0x5d9: {  	v23 =	vld [tilespmem:s0+$0xC030]  }
0x5da: {  	v38 =	vld [tilespmem:s0+$0xC040]  }
0x5db: {  	v39 =	vld [tilespmem:s0+$0xC050]  }
0x5dc: {  	v18 =	vmax.f32 v18, v21;
	v21 =	vld [tilespmem:s0+$0xC060]  }
0x5dd: {  	v18 =	vmax.f32 v18, v22;
	v22 =	vld [tilespmem:s0+$0xC070]  }
0x5de: {  	v18 =	vmax.f32 v18, v23;
	v23 =	vld [tilespmem:s0+$0xC400]  }
0x5df: {  	v40 =	vld [tilespmem:s0+$0xC410];
	v18 =	vmax.f32 v18, v38  }
0x5e0: {  	v41 =	vld [tilespmem:s0+$0xC420];
	v18 =	vmax.f32 v18, v39  }
0x5e1: {  	v18 =	vmax.f32 v18, v21;
	v21 =	vld [tilespmem:s0+$0xC430]  }
0x5e2: {  	v18 =	vmax.f32 v18, v22;
	v22 =	vld [tilespmem:s0+$0xC440]  }
0x5e3: {  	v18 =	vmax.f32 v18, v23;
	v23 =	vld [tilespmem:s0+$0xC450]  }
0x5e4: {  	v42 =	vld [tilespmem:s0+$0xC460];
	v18 =	vmax.f32 v18, v40  }
0x5e5: {  	v43 =	vld [tilespmem:s0+$0xC470];
	v18 =	vmax.f32 v18, v41  }
0x5e6: {  	v18 =	vmax.f32 v18, v21;
	v21 =	vld [tilespmem:s0+$0xC800]  }
0x5e7: {  	v18 =	vmax.f32 v18, v22;
	v22 =	vld [tilespmem:s0+$0xC810]  }
0x5e8: {  	v18 =	vmax.f32 v18, v23;
	v23 =	vld [tilespmem:s0+$0xC820]  }
0x5e9: {  	v44 =	vld [tilespmem:s0+$0xC830];
	v18 =	vmax.f32 v18, v42  }
0x5ea: {  	v45 =	vld [tilespmem:s0+$0xC840];
	v18 =	vmax.f32 v18, v43  }
0x5eb: {  	v18 =	vmax.f32 v18, v21;
	v21 =	vld [tilespmem:s0+$0xC850]  }
0x5ec: {  	v18 =	vmax.f32 v18, v22;
	v22 =	vld [tilespmem:s0+$0xC860]  }
0x5ed: {  	v18 =	vmax.f32 v18, v23;
	v23 =	vld [tilespmem:s0+$0xC870]  }
0x5ee: {  	v46 =	vld [tilespmem:s0+$0xCC00];
	v18 =	vmax.f32 v18, v44  }
0x5ef: {  	v47 =	vld [tilespmem:s0+$0xCC10];
	v18 =	vmax.f32 v18, v45  }
0x5f0: {  	v18 =	vmax.f32 v18, v21;
	v21 =	vld [tilespmem:s0+$0xCC20]  }
0x5f1: {  	v18 =	vmax.f32 v18, v22;
	v22 =	vld [tilespmem:s0+$0xCC30]  }
0x5f2: {  	v18 =	vmax.f32 v18, v23;
	v23 =	vld [tilespmem:s0+$0xCC40]  }
0x5f3: {  	v48 =	vld [tilespmem:s0+$0xCC50];
	v18 =	vmax.f32 v18, v46  }
0x5f4: {  	v49 =	vld [tilespmem:s0+$0xCC60];
	v18 =	vmax.f32 v18, v47  }
0x5f5: {  	v18 =	vmax.f32 v18, v21;
	v21 =	vld [tilespmem:s0+$0xCC70]  }
0x5f6: {  	v18 =	vmax.f32 v18, v22;
	v22 =	vld [tilespmem:s0+$0xD000]  }
0x5f7: {  	v18 =	vmax.f32 v18, v23;
	v23 =	vld [tilespmem:s0+$0xD010]  }
0x5f8: {  	v50 =	vld [tilespmem:s0+$0xD020];
	v18 =	vmax.f32 v18, v48  }
0x5f9: {  	v51 =	vld [tilespmem:s0+$0xD030];
	v18 =	vmax.f32 v18, v49  }
0x5fa: {  	v18 =	vmax.f32 v18, v21;
	v21 =	vld [tilespmem:s0+$0xD040]  }
0x5fb: {  	v18 =	vmax.f32 v18, v22;
	v22 =	vld [tilespmem:s0+$0xD050]  }
0x5fc: {  	v18 =	vmax.f32 v18, v23;
	v23 =	vld [tilespmem:s0+$0xD060]  }
0x5fd: {  	v52 =	vld [tilespmem:s0+$0xD070];
	v18 =	vmax.f32 v18, v50  }
0x5fe: {  	v53 =	vld [tilespmem:s0+$0xD400];
	v18 =	vmax.f32 v18, v51  }
0x5ff: {  	v18 =	vmax.f32 v18, v21;
	v21 =	vld [tilespmem:s0+$0xD410]  }
0x600: {  	v18 =	vmax.f32 v18, v22;
	v22 =	vld [tilespmem:s0+$0xD420]  }
0x601: {  	v18 =	vmax.f32 v18, v23;
	v23 =	vld [tilespmem:s0+$0xD430]  }
0x602: {  	v54 =	vld [tilespmem:s0+$0xD440];
	v18 =	vmax.f32 v18, v52  }
0x603: {  	v55 =	vld [tilespmem:s0+$0xD450];
	v18 =	vmax.f32 v18, v53  }
0x604: {  	v18 =	vmax.f32 v18, v21;
	v21 =	vld [tilespmem:s0+$0xD460]  }
0x605: {  	v18 =	vmax.f32 v18, v22;
	v22 =	vld [tilespmem:s0+$0xD470]  }
0x606: {  	v18 =	vmax.f32 v18, v23;
	v23 =	vld [tilespmem:s0+$0xD800]  }
0x607: {  	v56 =	vld [tilespmem:s0+$0xD810];
	v18 =	vmax.f32 v18, v54  }
0x608: {  	v57 =	vld [tilespmem:s0+$0xD820];
	v18 =	vmax.f32 v18, v55  }
0x609: {  	v18 =	vmax.f32 v18, v21;
	v21 =	vld [tilespmem:s0+$0xD830]  }
0x60a: {  	s14 =	sand.u32 $0x7, s28;
	v18 =	vmax.f32 v18, v22;
	v22 =	vld [tilespmem:s0+$0xD840]  }
0x60b: {  	s1 =	sshll.u32 s14, $0x7;
	v18 =	vmax.f32 v18, v23;
	v23 =	vld [tilespmem:s0+$0xD850]  }
0x60c: {  	s1 =	sadd.s32 $0x0, s1;
	v58 =	vld [tilespmem:s0+$0xD860];
	v18 =	vmax.f32 v18, v56  }
0x60d: {  	s23 =	sor.u32 $0x1C00, s1;
	v59 =	vld [tilespmem:s0+$0xD870];
	v18 =	vmax.f32 v18, v57  }
0x60e: {  	s14 =	sor.u32 $0x1C10, s1;
	v18 =	vmax.f32 v18, v21;
	v21 =	vld [tilespmem:s23+$0xC000]  }
0x60f: {  	s23 =	sor.u32 $0x1C20, s1;
	v18 =	vmax.f32 v18, v22;
	v22 =	vld [tilespmem:s14+$0xC000]  }
0x610: {  	v60 =	vmov s26;
	s14 =	sor.u32 $0x1C30, s1;
	v23 =	vmax.f32 v18, v23;
	v18 =	vld [tilespmem:s23+$0xC000]  }
0x611: {  	s31 =	simm.s32 $0x80;
	v61 =	vbroadcast v19, $0xF;
	vm0 =	veq.s32 v60, v1;
	v19 =	vld [tilespmem:s14+$0xC000];
	s23 =	sor.u32 $0x1C40, s1;
	v23 =	vmax.f32 v23, v58  }
0x612: {  	s29 =	simm.s32 $0x0;
	v62 =	vmov s25;
	s25 =	simm.s32 $0x400;
	v63 =	vbroadcast v20, $0xF;
	s0 =	sor.u32 $0x1C50, s1;
	v20 =	vld [tilespmem:s23+$0xC000];
	v23 =	vmax.f32 v23, v59  }
0x613: {  	v15 =	vsel vm0, v61, v15;
	vm15 =	veq.s32 v62, v1;
	s14 =	sand.u32 $0x2000, s25;
	s1 =	sor.u32 $0x1C58, s1;
	s23 =	sand.u32 $0x380, s31;
	v23 =	vmax.f32 v23, v21;
	v21 =	vld [tilespmem:s0+$0xC000]  }
0x614: {  	s26 =	simm.s32 $0x1;
	v15 =	vsel vm15, v63, v15;
	s30 =	sor.u32 s23, s14;
	s0 =	simm.s32 $0x2;
	v23 =	vmax.f32 v23, v22;
	v22 =	vld [tilespmem:s1+$0xC000]  }
.LBB2_16:
0x615: {  	p0 =	sne.s32 s0, $0xF;
	v24 =	vld [tilespmem:s30+$0xC000];
	v18 =	vmax.f32 v23, v18  }
0x616: {  	v23 =	vld [tilespmem:s30+$0xC010];
	v18 =	vmax.f32 v18, v19  }
0x617: {  	v19 =	vld [tilespmem:s30+$0xC020];
	v18 =	vmax.f32 v18, v20  }
0x618: {  	v20 =	vld [tilespmem:s30+$0xC030];
	v18 =	vmax.f32 v18, v21  }
0x619: {  	v21 =	vld [tilespmem:s30+$0xC040];
	v18 =	vmax.f32 v18, v22  }
0x61a: {  	v22 =	vld [tilespmem:s30+$0xC050];
	(xrf0) =	vmax.scan.msk.f32 $0xffff, v18  }
0x61b: {  	v18 =	vmax.f32 v24, v23;
	v23 =	vld [tilespmem:s30+$0xC060]  }
0x61c: {  	v18 =	vmax.f32 v18, v19;
	v19 =	vld [tilespmem:s30+$0xC070]  }
0x61d: {  	v18 =	vmax.f32 v18, v20;
	v20 =	vld [tilespmem:s30+$0xC400]  }
0x61e: {  	v18 =	vmax.f32 v18, v21;
	v21 =	vld [tilespmem:s30+$0xC410]  }
0x61f: {  	v18 =	vmax.f32 v18, v22;
	v22 =	vld [tilespmem:s30+$0xC420]  }
0x620: {  	v18 =	vmax.f32 v18, v23;
	v23 =	vld [tilespmem:s30+$0xC430];
	v24, _, _ =	vpop (xrf0)  }
0x621: {  	v25 =	vmov s28;
	s28 =	smov.u32 s26;
	s26 =	smov.u32 s0;
	v18 =	vmax.f32 v18, v19;
	v19 =	vld [tilespmem:s30+$0xC440];
	v24 =	vbroadcast v24, $0xF  }
0x622: {  	vm0 =	veq.s32 v25, v1;
	v18 =	vmax.f32 v18, v20;
	v20 =	vld [tilespmem:s30+$0xC450]  }
0x623: {  	v18 =	vmax.f32 v18, v21;
	v21 =	vld [tilespmem:s30+$0xC460];
	v17 =	vsel vm0, v24, v17  }
0x624: {  	v18 =	vmax.f32 v18, v22;
	v22 =	vld [tilespmem:s30+$0xC470]  }
0x625: {  	v18 =	vmax.f32 v18, v23;
	v23 =	vld [tilespmem:s30+$0xC800]  }
0x626: {  	v18 =	vmax.f32 v18, v19;
	v19 =	vld [tilespmem:s30+$0xC810]  }
0x627: {  	v18 =	vmax.f32 v18, v20;
	v20 =	vld [tilespmem:s30+$0xC820]  }
0x628: {  	v18 =	vmax.f32 v18, v21;
	v21 =	vld [tilespmem:s30+$0xC830]  }
0x629: {  	v18 =	vmax.f32 v18, v22;
	v22 =	vld [tilespmem:s30+$0xC840]  }
0x62a: {  	v18 =	vmax.f32 v18, v23;
	v23 =	vld [tilespmem:s30+$0xC850]  }
0x62b: {  	v18 =	vmax.f32 v18, v19;
	v19 =	vld [tilespmem:s30+$0xC860]  }
0x62c: {  	v18 =	vmax.f32 v18, v20;
	v20 =	vld [tilespmem:s30+$0xC870]  }
0x62d: {  	v18 =	vmax.f32 v18, v21;
	v21 =	vld [tilespmem:s30+$0xCC00]  }
0x62e: {  	v18 =	vmax.f32 v18, v22;
	v22 =	vld [tilespmem:s30+$0xCC10]  }
0x62f: {  	v18 =	vmax.f32 v18, v23;
	v23 =	vld [tilespmem:s30+$0xCC20]  }
0x630: {  	v18 =	vmax.f32 v18, v19;
	v19 =	vld [tilespmem:s30+$0xCC30]  }
0x631: {  	v18 =	vmax.f32 v18, v20;
	v20 =	vld [tilespmem:s30+$0xCC40]  }
0x632: {  	v18 =	vmax.f32 v18, v21;
	v21 =	vld [tilespmem:s30+$0xCC50]  }
0x633: {  	v18 =	vmax.f32 v18, v22;
	v22 =	vld [tilespmem:s30+$0xCC60]  }
0x634: {  	v18 =	vmax.f32 v18, v23;
	v23 =	vld [tilespmem:s30+$0xCC70]  }
0x635: {  	v18 =	vmax.f32 v18, v19;
	v19 =	vld [tilespmem:s30+$0xD000]  }
0x636: {  	v18 =	vmax.f32 v18, v20;
	v20 =	vld [tilespmem:s30+$0xD010]  }
0x637: {  	v18 =	vmax.f32 v18, v21;
	v21 =	vld [tilespmem:s30+$0xD020]  }
0x638: {  	v18 =	vmax.f32 v18, v22;
	v22 =	vld [tilespmem:s30+$0xD030]  }
0x639: {  	v18 =	vmax.f32 v18, v23;
	v23 =	vld [tilespmem:s30+$0xD040]  }
0x63a: {  	v18 =	vmax.f32 v18, v19;
	v19 =	vld [tilespmem:s30+$0xD050]  }
0x63b: {  	v18 =	vmax.f32 v18, v20;
	v20 =	vld [tilespmem:s30+$0xD060]  }
0x63c: {  	v18 =	vmax.f32 v18, v21;
	v21 =	vld [tilespmem:s30+$0xD070]  }
0x63d: {  	v18 =	vmax.f32 v18, v22;
	v22 =	vld [tilespmem:s30+$0xD400]  }
0x63e: {  	v18 =	vmax.f32 v18, v23;
	v23 =	vld [tilespmem:s30+$0xD410]  }
0x63f: {  	v18 =	vmax.f32 v18, v19;
	v19 =	vld [tilespmem:s30+$0xD420]  }
0x640: {  	v18 =	vmax.f32 v18, v20;
	v20 =	vld [tilespmem:s30+$0xD430]  }
0x641: {  	v18 =	vmax.f32 v18, v21;
	v21 =	vld [tilespmem:s30+$0xD440]  }
0x642: {  	v18 =	vmax.f32 v18, v22;
	v22 =	vld [tilespmem:s30+$0xD450]  }
0x643: {  	v18 =	vmax.f32 v18, v23;
	v23 =	vld [tilespmem:s30+$0xD460]  }
0x644: {  	v18 =	vmax.f32 v18, v19;
	v19 =	vld [tilespmem:s30+$0xD470]  }
0x645: {  	v18 =	vmax.f32 v18, v20;
	v20 =	vld [tilespmem:s30+$0xD800]  }
0x646: {  	v18 =	vmax.f32 v18, v21;
	v21 =	vld [tilespmem:s30+$0xD810]  }
0x647: {  	v18 =	vmax.f32 v18, v22;
	v22 =	vld [tilespmem:s30+$0xD820]  }
0x648: {  	s29 =	sadd.s32 $0x1, s29;
	v18 =	vmax.f32 v18, v23;
	v23 =	vld [tilespmem:s30+$0xD830]  }
0x649: {  	s1 =	sand.u32 $0x7, s29;
	v18 =	vmax.f32 v18, v19;
	v19 =	vld [tilespmem:s30+$0xD840]  }
0x64a: {  	s1 =	sshll.u32 s1, $0x7;
	v18 =	vmax.f32 v18, v20;
	v20 =	vld [tilespmem:s30+$0xD850]  }
0x64b: {  	s1 =	sadd.s32 s1, s25;
	v18 =	vmax.f32 v18, v21;
	v21 =	vld [tilespmem:s30+$0xD860]  }
0x64c: {  	s14 =	sor.u32 $0x1C00, s1;
	v18 =	vmax.f32 v18, v22;
	v22 =	vld [tilespmem:s30+$0xD870]  }
0x64d: {  	v18 =	vmax.f32 v18, v23;
	v23 =	vld [tilespmem:s14+$0xC000];
	s14 =	sor.u32 $0x1C10, s1  }
0x64e: {  	v18 =	vmax.f32 v18, v19;
	v24 =	vld [tilespmem:s14+$0xC000];
	s14 =	sor.u32 $0x1C20, s1  }
.Ltmp7:
0x64f: {  	v19 =	vmax.f32 v18, v20;
	v18 =	vld [tilespmem:s14+$0xC000];
	s14 =	sor.u32 $0x1C30, s1;
	(pc) =	sbr.rel @p0 .LBB2_16-.Ltmp7, $4  }
0x650: {  	v20 =	vmax.f32 v19, v21;
	v19 =	vld [tilespmem:s14+$0xC000];
	s14 =	sor.u32 $0x1C40, s1  }
0x651: {  	s31 =	sadd.s32 $0x80, s31;
	s25 =	sadd.s32 $0x400, s25;
	v21 =	vmax.f32 v20, v22;
	v20 =	vld [tilespmem:s14+$0xC000];
	s14 =	sor.u32 $0x1C50, s1  }
0x652: {  	s23 =	sand.u32 $0x2000, s25;
	s30 =	sand.u32 $0x380, s31;
	s1 =	sor.u32 $0x1C58, s1;
	v22 =	vmax.f32 v21, v23;
	v21 =	vld [tilespmem:s14+$0xC000]  }
0x653: {  	s0 =	sadd.s32 $0x1, s0;
	s30 =	sor.u32 s30, s23;
	v23 =	vmax.f32 v22, v24;
	v22 =	vld [tilespmem:s1+$0xC000]  }
0x654: {  	v24 =	vld [tilespmem:s30+$0xC000]  }
0x655: {  	v25 =	vld [tilespmem:s30+$0xC010]  }
0x656: {  	v26 =	vld [tilespmem:s30+$0xC020]  }
0x657: {  	v27 =	vld [tilespmem:s30+$0xC030]  }
0x658: {  	v28 =	vld [tilespmem:s30+$0xC040]  }
0x659: {  	v29 =	vld [tilespmem:s30+$0xC050]  }
0x65a: {  	v53 =	vld [tilespmem:s30+$0xC060];
	v24 =	vmax.f32 v24, v25  }
0x65b: {  	v54 =	vld [tilespmem:s30+$0xC070];
	v24 =	vmax.f32 v24, v26  }
0x65c: {  	v55 =	vld [tilespmem:s30+$0xC400];
	v24 =	vmax.f32 v24, v27  }
0x65d: {  	v56 =	vld [tilespmem:s30+$0xC410];
	v24 =	vmax.f32 v24, v28  }
0x65e: {  	v57 =	vld [tilespmem:s30+$0xC420];
	v24 =	vmax.f32 v24, v29  }
0x65f: {  	v58 =	vld [tilespmem:s30+$0xC430];
	v24 =	vmax.f32 v24, v53  }
0x660: {  	v59 =	vld [tilespmem:s30+$0xC440];
	v24 =	vmax.f32 v24, v54  }
0x661: {  	v60 =	vld [tilespmem:s30+$0xC450];
	v24 =	vmax.f32 v24, v55  }
0x662: {  	v61 =	vld [tilespmem:s30+$0xC460];
	v24 =	vmax.f32 v24, v56  }
0x663: {  	v62 =	vld [tilespmem:s30+$0xC470];
	v24 =	vmax.f32 v24, v57  }
0x664: {  	v63 =	vld [tilespmem:s30+$0xC800];
	v24 =	vmax.f32 v24, v58  }
0x665: {  	v32 =	vld [tilespmem:s30+$0xC810];
	v24 =	vmax.f32 v24, v59  }
0x666: {  	v33 =	vld [tilespmem:s30+$0xC820];
	v24 =	vmax.f32 v24, v60  }
0x667: {  	v34 =	vld [tilespmem:s30+$0xC830];
	v24 =	vmax.f32 v24, v61  }
0x668: {  	v35 =	vld [tilespmem:s30+$0xC840];
	v24 =	vmax.f32 v24, v62  }
0x669: {  	v36 =	vld [tilespmem:s30+$0xC850];
	v24 =	vmax.f32 v24, v63  }
0x66a: {  	v37 =	vld [tilespmem:s30+$0xC860];
	v24 =	vmax.f32 v24, v32  }
0x66b: {  	v38 =	vld [tilespmem:s30+$0xC870];
	v24 =	vmax.f32 v24, v33  }
0x66c: {  	v39 =	vld [tilespmem:s30+$0xCC00];
	v24 =	vmax.f32 v24, v34  }
0x66d: {  	v40 =	vld [tilespmem:s30+$0xCC10];
	v24 =	vmax.f32 v24, v35  }
0x66e: {  	v41 =	vld [tilespmem:s30+$0xCC20];
	v24 =	vmax.f32 v24, v36  }
0x66f: {  	v42 =	vld [tilespmem:s30+$0xCC30];
	v24 =	vmax.f32 v24, v37  }
0x670: {  	v43 =	vld [tilespmem:s30+$0xCC40];
	v24 =	vmax.f32 v24, v38  }
0x671: {  	v44 =	vld [tilespmem:s30+$0xCC50];
	v24 =	vmax.f32 v24, v39  }
0x672: {  	v45 =	vld [tilespmem:s30+$0xCC60];
	v24 =	vmax.f32 v24, v40  }
0x673: {  	v46 =	vld [tilespmem:s30+$0xCC70];
	v24 =	vmax.f32 v24, v41  }
0x674: {  	v47 =	vld [tilespmem:s30+$0xD000];
	v24 =	vmax.f32 v24, v42  }
0x675: {  	v48 =	vld [tilespmem:s30+$0xD010];
	v24 =	vmax.f32 v24, v43  }
0x676: {  	v49 =	vld [tilespmem:s30+$0xD020];
	v24 =	vmax.f32 v24, v44  }
0x677: {  	v50 =	vld [tilespmem:s30+$0xD030];
	v24 =	vmax.f32 v24, v45  }
0x678: {  	v51 =	vld [tilespmem:s30+$0xD040];
	v24 =	vmax.f32 v24, v46  }
0x679: {  	v52 =	vld [tilespmem:s30+$0xD050];
	v24 =	vmax.f32 v24, v47  }
0x67a: {  	v53 =	vld [tilespmem:s30+$0xD060];
	v24 =	vmax.f32 v24, v48  }
0x67b: {  	v54 =	vld [tilespmem:s30+$0xD070];
	v24 =	vmax.f32 v24, v49  }
0x67c: {  	v55 =	vld [tilespmem:s30+$0xD400];
	v24 =	vmax.f32 v24, v50  }
0x67d: {  	v56 =	vld [tilespmem:s30+$0xD410];
	v24 =	vmax.f32 v24, v51  }
0x67e: {  	v57 =	vld [tilespmem:s30+$0xD420];
	v24 =	vmax.f32 v24, v52  }
0x67f: {  	v58 =	vld [tilespmem:s30+$0xD430];
	v24 =	vmax.f32 v24, v53  }
0x680: {  	v59 =	vld [tilespmem:s30+$0xD440];
	v24 =	vmax.f32 v24, v54  }
0x681: {  	v60 =	vld [tilespmem:s30+$0xD450];
	v24 =	vmax.f32 v24, v55  }
0x682: {  	v61 =	vld [tilespmem:s30+$0xD460];
	v24 =	vmax.f32 v24, v56  }
0x683: {  	v62 =	vld [tilespmem:s30+$0xD470];
	v24 =	vmax.f32 v24, v57  }
0x684: {  	v63 =	vld [tilespmem:s30+$0xD800];
	v24 =	vmax.f32 v24, v58  }
0x685: {  	v32 =	vld [tilespmem:s30+$0xD810];
	v24 =	vmax.f32 v24, v59  }
0x686: {  	v33 =	vld [tilespmem:s30+$0xD820];
	v24 =	vmax.f32 v24, v60  }
0x687: {  	s0 =	sadd.s32 $0x1, s29;
	v34 =	vld [tilespmem:s30+$0xD830];
	v24 =	vmax.f32 v24, v61  }
0x688: {  	s0 =	sand.u32 $0x7, s0;
	v35 =	vld [tilespmem:s30+$0xD840];
	v24 =	vmax.f32 v24, v62  }
0x689: {  	s0 =	sshll.u32 s0, $0x7;
	v36 =	vld [tilespmem:s30+$0xD850];
	v24 =	vmax.f32 v24, v63  }
0x68a: {  	s0 =	sadd.s32 s0, s25;
	v37 =	vld [tilespmem:s30+$0xD860];
	v24 =	vmax.f32 v24, v32  }
0x68b: {  	s1 =	sor.u32 $0x1C00, s0;
	v38 =	vld [tilespmem:s30+$0xD870];
	v24 =	vmax.f32 v24, v33  }
0x68c: {  	s14 =	sor.u32 $0x1C10, s0;
	v39 =	vld [tilespmem:s1+$0xC000];
	v24 =	vmax.f32 v24, v34  }
0x68d: {  	s23 =	sor.u32 $0x1C20, s0;
	v40 =	vld [tilespmem:s14+$0xC000];
	v24 =	vmax.f32 v24, v35  }
0x68e: {  	s25 =	sor.u32 $0x1C30, s0;
	v41 =	vld [tilespmem:s23+$0xC000];
	v24 =	vmax.f32 v24, v36  }
0x68f: {  	v18 =	vmax.f32 v23, v18;
	s29 =	sor.u32 $0x1C40, s0;
	v43 =	vld [tilespmem:s25+$0xC000];
	v42 =	vmax.f32 v24, v37  }
0x690: {  	v18 =	vmax.f32 v18, v19;
	s30 =	sor.u32 $0x1C50, s0;
	v45 =	vld [tilespmem:s29+$0xC000];
	v44 =	vmax.f32 v42, v38  }
0x691: {  	v18 =	vmax.f32 v18, v20;
	s0 =	sor.u32 $0x1C58, s0;
	v46 =	vld [tilespmem:s30+$0xC000];
	v19 =	vmax.f32 v44, v39  }
0x692: {  	v18 =	vmax.f32 v18, v21;
	v47 =	vld [tilespmem:s0+$0xC000];
	v19 =	vmax.f32 v19, v40  }
0x693: {  	v3 =	vsub.f32 $1.000000000e+00, v3;
	v18 =	vmax.f32 v18, v22;
	v19 =	vmax.f32 v19, v41  }
0x694: {  	v2 =	vsub.f32 $1.000000000e+00, v2;
	(xrf0) =	vmax.scan.msk.f32 $0xffff, v18;
	v48 =	vmax.f32 v19, v43  }
0x695: {  	v3 =	vadd.f32 v6, v3;
	v18 =	vmax.f32 v48, v45  }
0x696: {  	v5 =	vsub.f32 $1.000000000e+00, v5;
	v2 =	vadd.f32 v4, v2;
	v49 =	vmax.f32 v18, v46  }
0x697: {  	v3 =	vmax.f32 v3, $0.0e+00;
	v4 =	vmax.f32 v49, v47  }
0x698: {  	v2 =	vmax.f32 v2, $0.0e+00;
	v50 =	vadd.f32 v8, v5;
	v51 =	vsub.f32 $1.000000000e+00, v7;
	(xrf0) =	vmax.scan.msk.f32 $0xffff, v4  }
0x699: {  	v2 =	vadd.f32 v3, v2;
	v52 =	vmov s28  }
0x69a: {  	v3, _, _ =	vpop (xrf0);
	v5 =	vadd.f32 v10, v51;
	v53 =	vsub.f32 $1.000000000e+00, v9;
	v4 =	vmax.f32 v50, $0.0e+00  }
0x69b: {  	v3 =	vbroadcast v3, $0xF;
	vm0 =	veq.s32 v52, v1;
	v2 =	vadd.f32 v4, v2  }
0x69c: {  	v54 =	vmax.f32 v5, $0.0e+00;
	v55 =	vadd.f32 v12, v53;
	v56 =	vsub.f32 $1.000000000e+00, v11  }
0x69d: {  	v3 =	vsel vm0, v3, v17;
	v57 =	vmov s26;
	v2 =	vadd.f32 v54, v2  }
0x69e: {  	v5 =	vmax.f32 v55, $0.0e+00;
	v6 =	vadd.f32 v14, v56;
	v59 =	vsub.f32 $1.000000000e+00, v13;
	v58, _, _ =	vpop (xrf0)  }
0x69f: {  	vm15 =	veq.s32 v57, v1;
	v2 =	vadd.f32 v5, v2;
	v4 =	vbroadcast v58, $0xF  }
0x6a0: {  	v60 =	vmax.f32 v6, $0.0e+00;
	v61 =	vadd.f32 v15, v59;
	v62 =	vsub.f32 $1.000000000e+00, v16  }
0x6a1: {  	v2 =	vadd.f32 v60, v2;
	v3 =	vsel vm15, v4, v3  }
0x6a2: {  	v63 =	vmax.f32 v61, $0.0e+00;
	v3 =	vadd.f32 v3, v62  }
0x6a3: {  	v2 =	vadd.f32 v63, v2  }
0x6a4: {  	v3 =	vmax.f32 v3, $0.0e+00  }
0x6a5: {  	s24 =	sadd.s32 $0x1, s24;
	v2 =	vadd.f32 v3, v2  }
0x6a6: {  	p0 =	sne.s32 s24, s13  }
.Ltmp8:
0x6a7: {  	s31 =	simm.s32 $0x10080;
	[tilespmem:$0x10080] =	vst v2;
	(pc) =	sbr.rel @p0 .LBB2_1-.Ltmp8, $4  }
0x6a8: {  	[hbm4b:s12+s2] =	stream.linear.scatter [tilespmem:s31], [sflag:$0x5], $0x80, $0x38;
	[tilespmem:$0x10100] =	vst v63  }
0x6a9: {  	_ =	swait.ge [sflag:s15], $0x80  }
0x6aa: {  	[sflag:s15] =	ssyncset.done $0x0  }
0x6ab: {  	[sflag:s15] =	ssyncadd.s32 $0xFFFFFF80  }
0x6ac: {  	_ =	sfence.sel $0x180000  }
0x6ad: {  	[bflag:$0x0] =	sbarrier.arrive $0xFFFF  }
0x6ae: {  	_ =	strace $0x90000047  }
0x6af: {  	s0 =	stileid.u32;
	[bflag:$0x2] =	sbarrier.arrive $0xFFFF  }
0x6b0: {  	p0 =	sne.s32 s0, $0x0;
	s0 =	rddreg [dreg:$0x2]  }
0x6b1: {  	s0 =	sadd.s32 @!p0 $0x100000, s0  }
0x6b2: {  	[sflag:s0] =	ssyncadd.tile.s32 @!p0 $0x1;
	_ =	shalt  }
.Lfunc_end2:
_tile_overlayer_lowered:
.L_overlay_start_2:
0x6b3: {  	(tag) =	ssettag $0x2  }
0x6b4: {  	s0 =	rddreg [dreg:$0x0];
	s2 =	stileid.u32  }
0x6b5: {  	s1 =	rddreg [dreg:$0x1];
	p0 =	sne.s32 s2, $0x0  }
0x6b6: {  	s3 =	rddreg [dreg:$0x2];
	[bflag:$0x3] =	sbarrier.arrive $0xFFFF;
	s2 =	simm.s32 @!p0 $0x1C05  }
0x6b7: {  	[timem:s3], [sflag:s2] =	dma.local @!p0 [hbm:s0], s1  }
0x6b8: {  	s0 =	simm.s32 @!p0 $0x5  }
0x6b9: {  	_ =	swait.ge @!p0 [sflag:s0], s1  }
0x6ba: {  	s1 =	ssub.s32 @!p0 $0x0, s1;
	[sflag:s0] =	ssyncset.done @!p0 $0x0  }
0x6bb: {  	[sflag:s0] =	ssyncadd.s32 @!p0 s1  }
0x6bc: {  	[bflag:$0x3] =	sbarrier.arrive $0xFFFF  }
0x6bd: {  	_ =	shalt  }

</sc_bundles>
